<compile_context>
chip_gen: v7x
topology: tpu7x:2x2x1
jax: 0.10.2.dev20260603
libtpu: 0.0.44.dev20260713+nightly
codegen_flags: <defaults>
</compile_context>

<pallas_src>
import functools

import jax
import jax.numpy as jnp
from jax import lax
from jax.experimental import pallas as pl
from jax.experimental.pallas import tpu as pltpu
from jax.experimental.pallas import tpu_sc as plsc

N = 10000
E = 320000
R = 8
D = 128
L = 2
B = 1024

NC = 2
NS = 16
NW = NC * NS
CHUNK = 112
CPW = 2 * (-(-E // (NW * CHUNK * 2)))
E_PAD = CPW * NW * CHUNK
N_PAD = 10112
ZR = N_PAD // NS
ZFULL = ZR // CHUNK
ZREM = ZR % CHUNK
DUMMY_DST = N
CPW0 = 140
CPW1 = 2 * CPW - CPW0



def _gidx_body(src_ref, typ_ref, gidx_ref):
    gidx_ref[...] = typ_ref[...] * N + src_ref[...]


def _layer0_body(nfrp_ref, re_ref, wp_ref, bp_ref, rw_ref, ws_ref, bs_ref,
                 allw_ref, self_ref):
    nfrp = nfrp_ref[...]
    rel_sem = jnp.dot(nfrp[:, 4:12], re_ref[...],
                      preferred_element_type=jnp.float32)
    xb = jnp.dot(nfrp[:, 0:4], wp_ref[0:4, :],
                 preferred_element_type=jnp.float32)
    xb = xb + jnp.dot(rel_sem, wp_ref[4:132, :],
                      preferred_element_type=jnp.float32)
    xb = jax.nn.relu(xb + bp_ref[...])
    for r in range(R):
        allw_ref[r] = jnp.dot(xb, rw_ref[r], preferred_element_type=jnp.float32)
    self_ref[...] = jnp.dot(xb, ws_ref[...],
                            preferred_element_type=jnp.float32) + bs_ref[...]


def _layer1_body(self_ref, acc_ref, deg_ref, rw_ref, ws_ref, bs_ref,
                 allw_ref, self_out_ref):
    agg = acc_ref[0] + acc_ref[1]
    deg = deg_ref[0, :, 0:1] + deg_ref[1, :, 0:1]
    deg = jnp.maximum(deg, 1.0)
    xb = jax.nn.relu(self_ref[...] + agg / deg)
    for r in range(R):
        allw_ref[r] = jnp.dot(xb, rw_ref[r], preferred_element_type=jnp.float32)
    self_out_ref[...] = jnp.dot(xb, ws_ref[...],
                                preferred_element_type=jnp.float32) + bs_ref[...]


def _final_body(self_ref, acc_ref, deg_ref, x_ref, mean_ref):
    agg = acc_ref[0, :N, :] + acc_ref[1, :N, :]
    deg = deg_ref[0, :N, 0:1] + deg_ref[1, :N, 0:1]
    deg = jnp.maximum(deg, 1.0)
    x = jax.nn.relu(self_ref[...] + agg / deg)
    x_ref[...] = x
    mean_ref[...] = jnp.mean(x, axis=0, keepdims=True)


def _scorer_body(mean_ref, zh_ref, re_ref, zt_ref, w1_ref, b1_ref, w2_ref,
                 b2_ref, out_ref):
    b1e = b1_ref[...] + jnp.dot(mean_ref[...], w1_ref[3 * D:4 * D, :],
                                preferred_element_type=jnp.float32)
    h = jnp.dot(zh_ref[...], w1_ref[0:D, :],
                preferred_element_type=jnp.float32)
    h = h + jnp.dot(re_ref[...], w1_ref[D:2 * D, :],
                    preferred_element_type=jnp.float32)
    h = h + jnp.dot(zt_ref[...], w1_ref[2 * D:3 * D, :],
                    preferred_element_type=jnp.float32)
    h = jax.nn.relu(h + b1e)
    out_ref[...] = jnp.dot(h, w2_ref[...],
                           preferred_element_type=jnp.float32) + b2_ref[...]



def _memset_rows(ref, nrows, ncols, value):
    vec = jnp.full((16,), value, dtype=jnp.float32)

    def st(k, carry):
        i = k // (ncols // 16)
        j = k % (ncols // 16)
        ref[i, pl.ds(j * 16, 16)] = vec
        return carry
    lax.fori_loop(0, nrows * (ncols // 16), st, 0)


def _staged_copy(row0, src_fn, dst_fn):
    def piece(j, carry):
        r = pl.multiple_of(row0 + j * CHUNK, 8)
        src_fn(r, CHUNK)
        dst_fn(r, CHUNK)
        return carry
    lax.fori_loop(0, ZFULL, piece, 0)
    if ZREM:
        r = pl.multiple_of(row0 + ZFULL * CHUNK, 8)
        src_fn(r, ZREM)
        dst_fn(r, ZREM)


def _edge_body(allw, gidx, dstp, acc_out,
               idx0, idx1, dst0, dst1, rows0, rows1, acc_sh,
               sg0, sg1, si0, si1):
    c = lax.axis_index("c")
    s = lax.axis_index("s")
    row0 = pl.multiple_of(s * ZR, 8)
    _memset_rows(rows0, CHUNK, D, 0.0)

    def zsrc(r, n):
        pass

    def zdst(r, n):
        pltpu.sync_copy(rows0.at[pl.ds(0, n)], acc_sh.at[pl.ds(r, n)])
    _staged_copy(row0, zsrc, zdst)
    plsc.subcore_barrier()

    cpw_c = jnp.where(c == 0, CPW0, CPW1)
    base = (c * (NS * CPW0) + s * cpw_c) * CHUNK

    def coff(k):
        return pl.multiple_of(base + jnp.minimum(k, cpw_c - 1) * CHUNK, 8)

    bufs = ((idx0, dst0, rows0, sg0, si0), (idx1, dst1, rows1, sg1, si1))

    pltpu.sync_copy(gidx.at[pl.ds(coff(0), CHUNK)], idx0)
    pltpu.sync_copy(dstp.at[pl.ds(coff(0), CHUNK)], dst0)
    pltpu.async_copy(allw.at[idx0], rows0, sg0)
    pltpu.async_copy(gidx.at[pl.ds(coff(1), CHUNK)], idx1, si1)
    pltpu.async_copy(dstp.at[pl.ds(coff(1), CHUNK)], dst1, si1)

    def step(kk, carry):
        for b in (0, 1):
            k = 2 * kk + b
            idxb, dstb, rowsb, sgb, sib = bufs[b]
            idxo, dsto, rowso, sgo, sio = bufs[1 - b]
            pltpu.make_async_copy(gidx.at[pl.ds(0, CHUNK)], idxo, sio).wait()
            pltpu.make_async_copy(dstp.at[pl.ds(0, CHUNK)], dsto, sio).wait()
            pltpu.async_copy(allw.at[idxo], rowso, sgo)
            pltpu.make_async_copy(allw.at[idxb], rowsb, sgb).wait()
            pltpu.sync_copy(rowsb, acc_sh.at[dstb], add=True)
            pltpu.async_copy(gidx.at[pl.ds(coff(k + 2), CHUNK)], idxb, sib)
            pltpu.async_copy(dstp.at[pl.ds(coff(k + 2), CHUNK)], dstb, sib)
        return carry
    lax.fori_loop(0, cpw_c // 2, step, 0)

    pltpu.make_async_copy(allw.at[idx0], rows0, sg0).wait()
    pltpu.make_async_copy(gidx.at[pl.ds(0, CHUNK)], idx1, si1).wait()
    pltpu.make_async_copy(dstp.at[pl.ds(0, CHUNK)], dst1, si1).wait()
    plsc.subcore_barrier()

    def wsrc(r, n):
        pltpu.sync_copy(acc_sh.at[pl.ds(r, n)], rows0.at[pl.ds(0, n)])

    def wdst(r, n):
        o = pl.multiple_of(c * N_PAD + r, 8)
        pltpu.sync_copy(rows0.at[pl.ds(0, n)], acc_out.at[pl.ds(o, n)])
    _staged_copy(row0, wsrc, wdst)


def _deg_body(dstp, deg_out, dst_v, ones_v, z_v, deg_sh):
    c = lax.axis_index("c")
    s = lax.axis_index("s")
    wid = s * NC + c
    row0 = pl.multiple_of(s * ZR, 8)
    _memset_rows(ones_v, CHUNK, D, 1.0)
    _memset_rows(z_v, CHUNK, D, 0.0)

    def zsrc(r, n):
        pass

    def zdst(r, n):
        pltpu.sync_copy(z_v.at[pl.ds(0, n)], deg_sh.at[pl.ds(r, n)])
    _staged_copy(row0, zsrc, zdst)
    plsc.subcore_barrier()

    base = wid * (CPW * CHUNK)

    def chunk(k, carry):
        off = pl.multiple_of(base + k * CHUNK, 8)
        pltpu.sync_copy(dstp.at[pl.ds(off, CHUNK)], dst_v)
        pltpu.sync_copy(ones_v, deg_sh.at[dst_v], add=True)
        return carry
    lax.fori_loop(0, CPW, chunk, 0)
    plsc.subcore_barrier()

    def wsrc(r, n):
        pltpu.sync_copy(deg_sh.at[pl.ds(r, n)], z_v.at[pl.ds(0, n)])

    def wdst(r, n):
        o = pl.multiple_of(c * N_PAD + r, 8)
        pltpu.sync_copy(z_v.at[pl.ds(0, n)], deg_out.at[pl.ds(o, n)])
    _staged_copy(row0, wsrc, wdst)


GPW = B // NW


def _gather_body(x_hbm, re_hbm, heads, rels, tails, zh_out, re_out, zt_out,
                 idx_v, rows_v, sem):
    c = lax.axis_index("c")
    s = lax.axis_index("s")
    wid = s * NC + c
    base = pl.multiple_of(wid * GPW, 8)
    pltpu.sync_copy(heads.at[pl.ds(base, GPW)], idx_v)
    pltpu.async_copy(x_hbm.at[idx_v], rows_v, sem).wait()
    pltpu.sync_copy(rows_v, zh_out.at[pl.ds(base, GPW)])
    pltpu.sync_copy(tails.at[pl.ds(base, GPW)], idx_v)
    pltpu.async_copy(x_hbm.at[idx_v], rows_v, sem).wait()
    pltpu.sync_copy(rows_v, zt_out.at[pl.ds(base, GPW)])
    pltpu.sync_copy(rels.at[pl.ds(base, GPW)], idx_v)
    pltpu.async_copy(re_hbm.at[idx_v], rows_v, sem).wait()
    pltpu.sync_copy(rows_v, re_out.at[pl.ds(base, GPW)])


def _sc_mesh():
    return plsc.VectorSubcoreMesh(core_axis_name="c", subcore_axis_name="s")



BN = 2000


def kernel(node_feat, rel_profile, edge_index, edge_type, global2local,
           heads, rels, tails, relation_emb, Wp, bp, rel_weight, Wself,
           bself, W1, b1, W2, b2):
    f32 = jnp.float32
    i32 = jnp.int32

    nfrp = jnp.concatenate([node_feat, rel_profile], axis=1)
    src = edge_index[0].astype(i32)
    dst = edge_index[1].astype(i32)
    typ = edge_type.astype(i32)
    pad = E_PAD - E
    srcp = jnp.concatenate([src, jnp.zeros((pad,), i32)])
    typp = jnp.concatenate([typ, jnp.zeros((pad,), i32)])
    dummy_rows = DUMMY_DST + (jnp.arange(pad, dtype=i32) % (N_PAD - N))
    dstp = jnp.concatenate([dst, dummy_rows])

    gidx = pl.pallas_call(
        _gidx_body,
        out_shape=jax.ShapeDtypeStruct((E_PAD // 128, 128), i32),
    )(srcp.reshape(E_PAD // 128, 128), typp.reshape(E_PAD // 128, 128))
    gidx = gidx.reshape(E_PAD)

    edge_call = pl.kernel(
        _edge_body,
        out_type=jax.ShapeDtypeStruct((NC * N_PAD, D), f32),
        mesh=_sc_mesh(),
        scratch_types=[
            pltpu.VMEM((CHUNK,), i32),
            pltpu.VMEM((CHUNK,), i32),
            pltpu.VMEM((CHUNK,), i32),
            pltpu.VMEM((CHUNK,), i32),
            pltpu.VMEM((CHUNK, D), f32),
            pltpu.VMEM((CHUNK, D), f32),
            pltpu.VMEM_SHARED((N_PAD, D), f32),
            pltpu.SemaphoreType.DMA,
            pltpu.SemaphoreType.DMA,
            pltpu.SemaphoreType.DMA,
            pltpu.SemaphoreType.DMA,
        ],
    )
    deg_call = pl.kernel(
        _deg_body,
        out_type=jax.ShapeDtypeStruct((NC * N_PAD, D), f32),
        mesh=_sc_mesh(),
        scratch_types=[
            pltpu.VMEM((CHUNK,), i32),
            pltpu.VMEM((CHUNK, D), f32),
            pltpu.VMEM((CHUNK, D), f32),
            pltpu.VMEM_SHARED((N_PAD, D), f32),
        ],
    )
    gather_b = pl.kernel(
        _gather_body,
        out_type=(jax.ShapeDtypeStruct((B, D), f32),
                  jax.ShapeDtypeStruct((B, D), f32),
                  jax.ShapeDtypeStruct((B, D), f32)),
        mesh=_sc_mesh(),
        scratch_types=[
            pltpu.VMEM((GPW,), i32),
            pltpu.VMEM((GPW, D), f32),
            pltpu.SemaphoreType.DMA,
        ],
    )

    deg2 = deg_call(dstp)
    degs = deg2.reshape(NC, N_PAD, D)

    allw0, self0 = pl.pallas_call(
        _layer0_body,
        grid=(N // BN,),
        in_specs=[
            pl.BlockSpec((BN, 12), lambda i: (i, 0)),
            pl.BlockSpec((R, D), lambda i: (0, 0)),
            pl.BlockSpec((4 + D, D), lambda i: (0, 0)),
            pl.BlockSpec((1, D), lambda i: (0, 0)),
            pl.BlockSpec((R, D, D), lambda i: (0, 0, 0)),
            pl.BlockSpec((D, D), lambda i: (0, 0)),
            pl.BlockSpec((1, D), lambda i: (0, 0)),
        ],
        out_specs=[
            pl.BlockSpec((R, BN, D), lambda i: (0, i, 0)),
            pl.BlockSpec((BN, D), lambda i: (i, 0)),
        ],
        out_shape=[jax.ShapeDtypeStruct((R, N, D), f32),
                   jax.ShapeDtypeStruct((N, D), f32)],
    )(nfrp, relation_emb, Wp, bp.reshape(1, D), rel_weight[0], Wself[0],
      bself[0].reshape(1, D))

    acc0 = edge_call(allw0.reshape(R * N, D), gidx, dstp)
    accs0 = acc0.reshape(NC, N_PAD, D)[:, :N, :]

    allw1, self1 = pl.pallas_call(
        _layer1_body,
        grid=(N // BN,),
        in_specs=[
            pl.BlockSpec((BN, D), lambda i: (i, 0)),
            pl.BlockSpec((NC, BN, D), lambda i: (0, i, 0)),
            pl.BlockSpec((NC, BN, D), lambda i: (0, i, 0)),
            pl.BlockSpec((R, D, D), lambda i: (0, 0, 0)),
            pl.BlockSpec((D, D), lambda i: (0, 0)),
            pl.BlockSpec((1, D), lambda i: (0, 0)),
        ],
        out_specs=[
            pl.BlockSpec((R, BN, D), lambda i: (0, i, 0)),
            pl.BlockSpec((BN, D), lambda i: (i, 0)),
        ],
        out_shape=[jax.ShapeDtypeStruct((R, N, D), f32),
                   jax.ShapeDtypeStruct((N, D), f32)],
    )(self0, accs0, degs[:, :N, :], rel_weight[1], Wself[1],
      bself[1].reshape(1, D))

    acc1 = edge_call(allw1.reshape(R * N, D), gidx, dstp)

    x2, mean = pl.pallas_call(
        _final_body,
        out_shape=[jax.ShapeDtypeStruct((N, D), f32),
                   jax.ShapeDtypeStruct((1, D), f32)],
    )(self1, acc1.reshape(NC, N_PAD, D), degs)

    zh, re_g, zt = gather_b(x2, relation_emb, heads.astype(i32),
                            rels.astype(i32), tails.astype(i32))
    w2p = jnp.pad(W2, ((0, 0), (0, D - 1)))
    b2p = jnp.broadcast_to(b2.reshape(1, 1), (1, D))
    out2 = pl.pallas_call(
        _scorer_body,
        out_shape=jax.ShapeDtypeStruct((B, D), f32),
    )(mean, zh, re_g, zt, W1, b1.reshape(1, D), w2p, b2p)
    return out2[:, 0]

# --- scband reference (transcript-rebuilt; emitter-appended) ---
"""Pipeline reference for scband-sasilpmodel-75831942578726 (READ-ONLY COPY).

The authoritative reference and input builder live on the scoring server;
editing this copy changes nothing except your own understanding.
"""

import jax, jax.numpy as jnp
import numpy as np

N = 10000
E = 320000
R = 8
D = 128
L = 2
B = 1024


def setup_inputs(seed: int = 0) -> dict:
    key = jax.random.key(seed)
    ks = jax.random.split(key, 20)
    node_feat = jax.random.normal(ks[0], (N, 4), dtype=jnp.float32)
    rel_profile = jax.random.uniform(ks[1], (N, R), dtype=jnp.float32)
    edge_index = jax.random.randint(ks[2], (2, E), 0, N)
    edge_type = jax.random.randint(ks[3], (E,), 0, R)
    global2local = jnp.arange(N)
    heads = jax.random.randint(ks[4], (B,), 0, N)
    rels = jax.random.randint(ks[5], (B,), 0, R)
    tails = jax.random.randint(ks[6], (B,), 0, N)
    # learned parameters
    relation_emb = jax.random.normal(ks[7], (R, D), dtype=jnp.float32) * 0.05
    Wp = jax.random.normal(ks[8], (4 + D, D), dtype=jnp.float32) * 0.05
    bp = jnp.zeros((D,), dtype=jnp.float32)
    rel_weight = jax.random.normal(ks[9], (L, R, D, D), dtype=jnp.float32) * 0.05
    Wself = jax.random.normal(ks[10], (L, D, D), dtype=jnp.float32) * 0.05
    bself = jnp.zeros((L, D), dtype=jnp.float32)
    W1 = jax.random.normal(ks[11], (4 * D, D), dtype=jnp.float32) * 0.05
    b1 = jnp.zeros((D,), dtype=jnp.float32)
    W2 = jax.random.normal(ks[12], (D, 1), dtype=jnp.float32) * 0.05
    b2 = jnp.zeros((1,), dtype=jnp.float32)
    return {"node_feat": node_feat, "rel_profile": rel_profile, "edge_index": edge_index,
            "edge_type": edge_type, "global2local": global2local, "heads": heads,
            "rels": rels, "tails": tails, "relation_emb": relation_emb, "Wp": Wp, "bp": bp,
            "rel_weight": rel_weight, "Wself": Wself, "bself": bself,
            "W1": W1, "b1": b1, "W2": W2, "b2": b2}


def _conv(x, edge_index, edge_type, rw, ws, bs):
    src, dst = edge_index[0], edge_index[1]
    # out = self_loop(x)
    out = x @ ws + bs
    # per-relation transform: (x @ W_r) gathered by (relation, src) per edge
    allW = jnp.einsum('nd,rdo->rno', x, rw)  # (R, N, D)
    msg = allW[edge_type, src]               # (E, D)
    agg = jax.ops.segment_sum(msg, dst, num_segments=N)
    deg = jax.ops.segment_sum(jnp.ones((E,), dtype=x.dtype), dst, num_segments=N)
    deg = jnp.clip(deg, 1.0)[:, None]
    return jax.nn.relu(out + agg / deg)


def reference(node_feat, rel_profile, edge_index, edge_type, global2local,
              heads, rels, tails, relation_emb, Wp, bp, rel_weight, Wself, bself,
              W1, b1, W2, b2):
    rel_sem = rel_profile @ relation_emb
    x = jax.nn.relu(jnp.concatenate([node_feat, rel_sem], axis=-1) @ Wp + bp)
    for l in range(L):
        x = _conv(x, edge_index, edge_type, rel_weight[l], Wself[l], bself[l])
    subgraph_mean = jnp.mean(x, axis=0, keepdims=True)
    h_idx = global2local[heads]
    t_idx = global2local[tails]
    z_h = x[h_idx]
    z_t = x[t_idx]
    r_emb = relation_emb[rels]
    combined = jnp.concatenate([z_h, r_emb, z_t, jnp.broadcast_to(subgraph_mean, (B, D))], axis=-1)
    hidden = jax.nn.relu(combined @ W1 + b1)
    # dropout p=0.0 -> identity
    score = hidden @ W2 + b2
    return score[:, 0]

if __name__ == "__main__":
    import jax
    _d = setup_inputs()
    print(jax.jit(kernel)(*tuple(_d.values())))

</pallas_src>

<mosaic_0001>
#map = affine_map<(d0, d1) -> (0, 0)>
#map1 = affine_map<(d0, d1) -> (0)>
module attributes {stable_mosaic.version = 14 : i64} {
  func.func @_gather_body(%arg0: i32, %arg1: i32, %arg2: memref<10000x128xf32, #tpu.memory_space<hbm>>, %arg3: memref<8x128xf32, #tpu.memory_space<hbm>>, %arg4: memref<1024xi32, #tpu.memory_space<hbm>>, %arg5: memref<1024xi32, #tpu.memory_space<hbm>>, %arg6: memref<1024xi32, #tpu.memory_space<hbm>>, %arg7: memref<1024x128xf32, #tpu.memory_space<hbm>>, %arg8: memref<1024x128xf32, #tpu.memory_space<hbm>>, %arg9: memref<1024x128xf32, #tpu.memory_space<hbm>>, %arg10: memref<32xi32, #tpu.memory_space<vmem>>, %arg11: memref<32x128xf32, #tpu.memory_space<vmem>>, %arg12: memref<!tpu.dma_semaphore, #tpu.memory_space<semaphore_mem>>) attributes {dimension_semantics = [#tpu.dimension_semantics<core_parallel>, #tpu.dimension_semantics<subcore_parallel>], iteration_bounds = array<i64: 2, 16>, scalar_prefetch = 0 : i64, scratch_operands = 3 : i64, tpu.core_type = #tpu.core_type<sc_vector_subcore>, window_params = [{transform_indices = #map}, {transform_indices = #map}, {transform_indices = #map1}, {transform_indices = #map1}, {transform_indices = #map1}, {transform_indices = #map}, {transform_indices = #map}, {transform_indices = #map}]} {
    %mul3A = arith.constant 2 : i32
    %mul3A_0 = arith.muli %arg1, %mul3A : i32
    %add3A = arith.addi %mul3A_0, %arg0 : i32
    %mul3A_1 = arith.constant 32 : i32
    %mul3A_2 = arith.muli %add3A, %mul3A_1 : i32
    %multiple_of3A = tpu.assume_multiple %mul3A_2, 8 : i32
    "tpu.region"() ({
      %run_scoped3A = tpu.sem_alloc : memref<!tpu.dma_semaphore, #tpu.memory_space<semaphore_mem>>
      %dma_start3A_19 = tpu.memref_slice %arg4[%multiple_of3A] : memref<1024xi32, #tpu.memory_space<hbm>> -> memref<32xi32, #tpu.memory_space<hbm>>
      %dma_start3A_20 = tpu.memref_slice %arg4[%multiple_of3A] : memref<1024xi32, #tpu.memory_space<hbm>> -> memref<32xi32, #tpu.memory_space<hbm>>
      tpu.enqueue_dma source(%dma_start3A_20 : memref<32xi32, #tpu.memory_space<hbm>>) target(%arg10 : memref<32xi32, #tpu.memory_space<vmem>>) target_semaphore(%run_scoped3A : memref<!tpu.dma_semaphore, #tpu.memory_space<semaphore_mem>>)
      %dma_wait3A_21 = tpu.memref_slice %arg4[%multiple_of3A] : memref<1024xi32, #tpu.memory_space<hbm>> -> memref<32xi32, #tpu.memory_space<hbm>>
      %dma_wait3A_22 = tpu.memref_slice %arg4[%multiple_of3A] : memref<1024xi32, #tpu.memory_space<hbm>> -> memref<32xi32, #tpu.memory_space<hbm>>
      tpu.wait_dma2 semaphore(%run_scoped3A : memref<!tpu.dma_semaphore, #tpu.memory_space<semaphore_mem>>) src(%dma_wait3A_22 : memref<32xi32, #tpu.memory_space<hbm>>) dst(%arg10 : memref<32xi32, #tpu.memory_space<vmem>>)
      tpu.yield
    }) : () -> ()
    %dma_start3A = arith.constant 0 : i32
    %dma_start3A_3 = arith.constant 0 : i32
    %dma_start3A_4 = tpu.memref_slice %arg2[%dma_start3A, %dma_start3A_3] : memref<10000x128xf32, #tpu.memory_space<hbm>> -> memref<10000x128xf32, #tpu.memory_space<hbm>>
    tpu.enqueue_indirect_dma source(%dma_start3A_4 : memref<10000x128xf32, #tpu.memory_space<hbm>>) target(%arg11 : memref<32x128xf32, #tpu.memory_space<vmem>>) offsets(%arg10 : memref<32xi32, #tpu.memory_space<vmem>>) semaphore(%arg12 : memref<!tpu.dma_semaphore, #tpu.memory_space<semaphore_mem>>)
    %dma_wait3A = arith.constant 0 : i32
    %dma_wait3A_5 = arith.constant 0 : i32
    %dma_wait3A_6 = tpu.memref_slice %arg2[%dma_wait3A, %dma_wait3A_5] : memref<10000x128xf32, #tpu.memory_space<hbm>> -> memref<10000x128xf32, #tpu.memory_space<hbm>>
    tpu.wait_indirect_dma semaphore(%arg12 : memref<!tpu.dma_semaphore, #tpu.memory_space<semaphore_mem>>) src(%dma_wait3A_6 : memref<10000x128xf32, #tpu.memory_space<hbm>>) dst(%arg11 : memref<32x128xf32, #tpu.memory_space<vmem>>)
    "tpu.region"() ({
      %run_scoped3A = tpu.sem_alloc : memref<!tpu.dma_semaphore, #tpu.memory_space<semaphore_mem>>
      %dma_start3A_19 = arith.constant 0 : i32
      %dma_start3A_20 = tpu.memref_slice %arg7[%multiple_of3A, %dma_start3A_19] : memref<1024x128xf32, #tpu.memory_space<hbm>> -> memref<32x128xf32, #tpu.memory_space<hbm>>
      %dma_start3A_21 = arith.constant 0 : i32
      %dma_start3A_22 = tpu.memref_slice %arg7[%multiple_of3A, %dma_start3A_21] : memref<1024x128xf32, #tpu.memory_space<hbm>> -> memref<32x128xf32, #tpu.memory_space<hbm>>
      tpu.enqueue_dma source(%arg11 : memref<32x128xf32, #tpu.memory_space<vmem>>) target(%dma_start3A_22 : memref<32x128xf32, #tpu.memory_space<hbm>>) target_semaphore(%run_scoped3A : memref<!tpu.dma_semaphore, #tpu.memory_space<semaphore_mem>>)
      %dma_wait3A_23 = arith.constant 0 : i32
      %dma_wait3A_24 = tpu.memref_slice %arg7[%multiple_of3A, %dma_wait3A_23] : memref<1024x128xf32, #tpu.memory_space<hbm>> -> memref<32x128xf32, #tpu.memory_space<hbm>>
      %dma_wait3A_25 = arith.constant 0 : i32
      %dma_wait3A_26 = tpu.memref_slice %arg7[%multiple_of3A, %dma_wait3A_25] : memref<1024x128xf32, #tpu.memory_space<hbm>> -> memref<32x128xf32, #tpu.memory_space<hbm>>
      tpu.wait_dma2 semaphore(%run_scoped3A : memref<!tpu.dma_semaphore, #tpu.memory_space<semaphore_mem>>) src(%arg11 : memref<32x128xf32, #tpu.memory_space<vmem>>) dst(%dma_wait3A_26 : memref<32x128xf32, #tpu.memory_space<hbm>>)
      tpu.yield
    }) : () -> ()
    "tpu.region"() ({
      %run_scoped3A = tpu.sem_alloc : memref<!tpu.dma_semaphore, #tpu.memory_space<semaphore_mem>>
      %dma_start3A_19 = tpu.memref_slice %arg6[%multiple_of3A] : memref<1024xi32, #tpu.memory_space<hbm>> -> memref<32xi32, #tpu.memory_space<hbm>>
      %dma_start3A_20 = tpu.memref_slice %arg6[%multiple_of3A] : memref<1024xi32, #tpu.memory_space<hbm>> -> memref<32xi32, #tpu.memory_space<hbm>>
      tpu.enqueue_dma source(%dma_start3A_20 : memref<32xi32, #tpu.memory_space<hbm>>) target(%arg10 : memref<32xi32, #tpu.memory_space<vmem>>) target_semaphore(%run_scoped3A : memref<!tpu.dma_semaphore, #tpu.memory_space<semaphore_mem>>)
      %dma_wait3A_21 = tpu.memref_slice %arg6[%multiple_of3A] : memref<1024xi32, #tpu.memory_space<hbm>> -> memref<32xi32, #tpu.memory_space<hbm>>
      %dma_wait3A_22 = tpu.memref_slice %arg6[%multiple_of3A] : memref<1024xi32, #tpu.memory_space<hbm>> -> memref<32xi32, #tpu.memory_space<hbm>>
      tpu.wait_dma2 semaphore(%run_scoped3A : memref<!tpu.dma_semaphore, #tpu.memory_space<semaphore_mem>>) src(%dma_wait3A_22 : memref<32xi32, #tpu.memory_space<hbm>>) dst(%arg10 : memref<32xi32, #tpu.memory_space<vmem>>)
      tpu.yield
    }) : () -> ()
    %dma_start3A_7 = arith.constant 0 : i32
    %dma_start3A_8 = arith.constant 0 : i32
    %dma_start3A_9 = tpu.memref_slice %arg2[%dma_start3A_7, %dma_start3A_8] : memref<10000x128xf32, #tpu.memory_space<hbm>> -> memref<10000x128xf32, #tpu.memory_space<hbm>>
    tpu.enqueue_indirect_dma source(%dma_start3A_9 : memref<10000x128xf32, #tpu.memory_space<hbm>>) target(%arg11 : memref<32x128xf32, #tpu.memory_space<vmem>>) offsets(%arg10 : memref<32xi32, #tpu.memory_space<vmem>>) semaphore(%arg12 : memref<!tpu.dma_semaphore, #tpu.memory_space<semaphore_mem>>)
    %dma_wait3A_10 = arith.constant 0 : i32
    %dma_wait3A_11 = arith.constant 0 : i32
    %dma_wait3A_12 = tpu.memref_slice %arg2[%dma_wait3A_10, %dma_wait3A_11] : memref<10000x128xf32, #tpu.memory_space<hbm>> -> memref<10000x128xf32, #tpu.memory_space<hbm>>
    tpu.wait_indirect_dma semaphore(%arg12 : memref<!tpu.dma_semaphore, #tpu.memory_space<semaphore_mem>>) src(%dma_wait3A_12 : memref<10000x128xf32, #tpu.memory_space<hbm>>) dst(%arg11 : memref<32x128xf32, #tpu.memory_space<vmem>>)
    "tpu.region"() ({
      %run_scoped3A = tpu.sem_alloc : memref<!tpu.dma_semaphore, #tpu.memory_space<semaphore_mem>>
      %dma_start3A_19 = arith.constant 0 : i32
      %dma_start3A_20 = tpu.memref_slice %arg9[%multiple_of3A, %dma_start3A_19] : memref<1024x128xf32, #tpu.memory_space<hbm>> -> memref<32x128xf32, #tpu.memory_space<hbm>>
      %dma_start3A_21 = arith.constant 0 : i32
      %dma_start3A_22 = tpu.memref_slice %arg9[%multiple_of3A, %dma_start3A_21] : memref<1024x128xf32, #tpu.memory_space<hbm>> -> memref<32x128xf32, #tpu.memory_space<hbm>>
      tpu.enqueue_dma source(%arg11 : memref<32x128xf32, #tpu.memory_space<vmem>>) target(%dma_start3A_22 : memref<32x128xf32, #tpu.memory_space<hbm>>) target_semaphore(%run_scoped3A : memref<!tpu.dma_semaphore, #tpu.memory_space<semaphore_mem>>)
      %dma_wait3A_23 = arith.constant 0 : i32
      %dma_wait3A_24 = tpu.memref_slice %arg9[%multiple_of3A, %dma_wait3A_23] : memref<1024x128xf32, #tpu.memory_space<hbm>> -> memref<32x128xf32, #tpu.memory_space<hbm>>
      %dma_wait3A_25 = arith.constant 0 : i32
      %dma_wait3A_26 = tpu.memref_slice %arg9[%multiple_of3A, %dma_wait3A_25] : memref<1024x128xf32, #tpu.memory_space<hbm>> -> memref<32x128xf32, #tpu.memory_space<hbm>>
      tpu.wait_dma2 semaphore(%run_scoped3A : memref<!tpu.dma_semaphore, #tpu.memory_space<semaphore_mem>>) src(%arg11 : memref<32x128xf32, #tpu.memory_space<vmem>>) dst(%dma_wait3A_26 : memref<32x128xf32, #tpu.memory_space<hbm>>)
      tpu.yield
    }) : () -> ()
    "tpu.region"() ({
      %run_scoped3A = tpu.sem_alloc : memref<!tpu.dma_semaphore, #tpu.memory_space<semaphore_mem>>
      %dma_start3A_19 = tpu.memref_slice %arg5[%multiple_of3A] : memref<1024xi32, #tpu.memory_space<hbm>> -> memref<32xi32, #tpu.memory_space<hbm>>
      %dma_start3A_20 = tpu.memref_slice %arg5[%multiple_of3A] : memref<1024xi32, #tpu.memory_space<hbm>> -> memref<32xi32, #tpu.memory_space<hbm>>
      tpu.enqueue_dma source(%dma_start3A_20 : memref<32xi32, #tpu.memory_space<hbm>>) target(%arg10 : memref<32xi32, #tpu.memory_space<vmem>>) target_semaphore(%run_scoped3A : memref<!tpu.dma_semaphore, #tpu.memory_space<semaphore_mem>>)
      %dma_wait3A_21 = tpu.memref_slice %arg5[%multiple_of3A] : memref<1024xi32, #tpu.memory_space<hbm>> -> memref<32xi32, #tpu.memory_space<hbm>>
      %dma_wait3A_22 = tpu.memref_slice %arg5[%multiple_of3A] : memref<1024xi32, #tpu.memory_space<hbm>> -> memref<32xi32, #tpu.memory_space<hbm>>
      tpu.wait_dma2 semaphore(%run_scoped3A : memref<!tpu.dma_semaphore, #tpu.memory_space<semaphore_mem>>) src(%dma_wait3A_22 : memref<32xi32, #tpu.memory_space<hbm>>) dst(%arg10 : memref<32xi32, #tpu.memory_space<vmem>>)
      tpu.yield
    }) : () -> ()
    %dma_start3A_13 = arith.constant 0 : i32
    %dma_start3A_14 = arith.constant 0 : i32
    %dma_start3A_15 = tpu.memref_slice %arg3[%dma_start3A_13, %dma_start3A_14] : memref<8x128xf32, #tpu.memory_space<hbm>> -> memref<8x128xf32, #tpu.memory_space<hbm>>
    tpu.enqueue_indirect_dma source(%dma_start3A_15 : memref<8x128xf32, #tpu.memory_space<hbm>>) target(%arg11 : memref<32x128xf32, #tpu.memory_space<vmem>>) offsets(%arg10 : memref<32xi32, #tpu.memory_space<vmem>>) semaphore(%arg12 : memref<!tpu.dma_semaphore, #tpu.memory_space<semaphore_mem>>)
    %dma_wait3A_16 = arith.constant 0 : i32
    %dma_wait3A_17 = arith.constant 0 : i32
    %dma_wait3A_18 = tpu.memref_slice %arg3[%dma_wait3A_16, %dma_wait3A_17] : memref<8x128xf32, #tpu.memory_space<hbm>> -> memref<8x128xf32, #tpu.memory_space<hbm>>
    tpu.wait_indirect_dma semaphore(%arg12 : memref<!tpu.dma_semaphore, #tpu.memory_space<semaphore_mem>>) src(%dma_wait3A_18 : memref<8x128xf32, #tpu.memory_space<hbm>>) dst(%arg11 : memref<32x128xf32, #tpu.memory_space<vmem>>)
    "tpu.region"() ({
      %run_scoped3A = tpu.sem_alloc : memref<!tpu.dma_semaphore, #tpu.memory_space<semaphore_mem>>
      %dma_start3A_19 = arith.constant 0 : i32
      %dma_start3A_20 = tpu.memref_slice %arg8[%multiple_of3A, %dma_start3A_19] : memref<1024x128xf32, #tpu.memory_space<hbm>> -> memref<32x128xf32, #tpu.memory_space<hbm>>
      %dma_start3A_21 = arith.constant 0 : i32
      %dma_start3A_22 = tpu.memref_slice %arg8[%multiple_of3A, %dma_start3A_21] : memref<1024x128xf32, #tpu.memory_space<hbm>> -> memref<32x128xf32, #tpu.memory_space<hbm>>
      tpu.enqueue_dma source(%arg11 : memref<32x128xf32, #tpu.memory_space<vmem>>) target(%dma_start3A_22 : memref<32x128xf32, #tpu.memory_space<hbm>>) target_semaphore(%run_scoped3A : memref<!tpu.dma_semaphore, #tpu.memory_space<semaphore_mem>>)
      %dma_wait3A_23 = arith.constant 0 : i32
      %dma_wait3A_24 = tpu.memref_slice %arg8[%multiple_of3A, %dma_wait3A_23] : memref<1024x128xf32, #tpu.memory_space<hbm>> -> memref<32x128xf32, #tpu.memory_space<hbm>>
      %dma_wait3A_25 = arith.constant 0 : i32
      %dma_wait3A_26 = tpu.memref_slice %arg8[%multiple_of3A, %dma_wait3A_25] : memref<1024x128xf32, #tpu.memory_space<hbm>> -> memref<32x128xf32, #tpu.memory_space<hbm>>
      tpu.wait_dma2 semaphore(%run_scoped3A : memref<!tpu.dma_semaphore, #tpu.memory_space<semaphore_mem>>) src(%arg11 : memref<32x128xf32, #tpu.memory_space<vmem>>) dst(%dma_wait3A_26 : memref<32x128xf32, #tpu.memory_space<hbm>>)
      tpu.yield
    }) : () -> ()
    return
  }
}

#map = affine_map<(d0, d1) -> (0, 0)>
#map1 = affine_map<(d0, d1) -> (0)>
module attributes {stable_mosaic.version = 14 : i64} {
  func.func @_edge_body(%arg0: i32, %arg1: i32, %arg2: memref<80000x128xf32, #tpu.memory_space<hbm>>, %arg3: memref<322560xi32, #tpu.memory_space<hbm>>, %arg4: memref<322560xi32, #tpu.memory_space<hbm>>, %arg5: memref<20224x128xf32, #tpu.memory_space<hbm>>, %arg6: memref<112xi32, #tpu.memory_space<vmem>>, %arg7: memref<112xi32, #tpu.memory_space<vmem>>, %arg8: memref<112xi32, #tpu.memory_space<vmem>>, %arg9: memref<112xi32, #tpu.memory_space<vmem>>, %arg10: memref<112x128xf32, #tpu.memory_space<vmem>>, %arg11: memref<112x128xf32, #tpu.memory_space<vmem>>, %arg12: memref<10112x128xf32, #tpu.memory_space<vmem_shared>>, %arg13: memref<!tpu.dma_semaphore, #tpu.memory_space<semaphore_mem>>, %arg14: memref<!tpu.dma_semaphore, #tpu.memory_space<semaphore_mem>>, %arg15: memref<!tpu.dma_semaphore, #tpu.memory_space<semaphore_mem>>, %arg16: memref<!tpu.dma_semaphore, #tpu.memory_space<semaphore_mem>>) attributes {dimension_semantics = [#tpu.dimension_semantics<core_parallel>, #tpu.dimension_semantics<subcore_parallel>], iteration_bounds = array<i64: 2, 16>, scalar_prefetch = 0 : i64, scratch_operands = 11 : i64, tpu.core_type = #tpu.core_type<sc_vector_subcore>, window_params = [{transform_indices = #map}, {transform_indices = #map1}, {transform_indices = #map1}, {transform_indices = #map}]} {
    %mul3A = arith.constant 632 : i32
    %mul3A_0 = arith.muli %arg1, %mul3A : i32
    %multiple_of3A = tpu.assume_multiple %mul3A_0, 8 : i32
    %broadcast_in_dim3A = arith.constant 0.000000e+00 : f32
    %broadcast_in_dim3A_1 = vector.broadcast %broadcast_in_dim3A : f32 to vector<16xf32>
    %scan3A = arith.constant 0 : i32
    %scan3A_2 = arith.constant 0 : i32
    %scan3A_3 = arith.constant 896 : i32
    %scan3A_4 = arith.addi %scan3A_2, %scan3A_3 : i32
    %scan3A_5 = arith.constant 1 : i32
    scf.for %scan3A_111 = %scan3A_2 to %scan3A_4 step %scan3A_5  : i32 {
      %jit3A_112 = arith.constant 8 : i32
      %div3A_113 = arith.divsi %scan3A_111, %jit3A_112 : i32
      %sign3A_114 = arith.constant 0 : i32
      %sign3A_115 = arith.cmpi sgt, %scan3A_111, %sign3A_114 : i32
      %sign3A_116 = arith.extui %sign3A_115 : i1 to i32
      %sign3A_117 = arith.constant 0 : i32
      %sign3A_118 = arith.cmpi slt, %scan3A_111, %sign3A_117 : i32
      %sign3A_119 = arith.extui %sign3A_118 : i1 to i32
      %sign3A_120 = arith.subi %sign3A_116, %sign3A_119 : i32
      %sign3A_121 = arith.constant 0 : i32
      %sign3A_122 = arith.cmpi sgt, %jit3A_112, %sign3A_121 : i32
      %sign3A_123 = arith.extui %sign3A_122 : i1 to i32
      %sign3A_124 = arith.constant 0 : i32
      %sign3A_125 = arith.cmpi slt, %jit3A_112, %sign3A_124 : i32
      %sign3A_126 = arith.extui %sign3A_125 : i1 to i32
      %sign3A_127 = arith.subi %sign3A_123, %sign3A_126 : i32
      %ne3A_128 = arith.cmpi ne, %sign3A_120, %sign3A_127 : i32
      %rem3A_129 = arith.remsi %scan3A_111, %jit3A_112 : i32
      %ne3A_130 = arith.constant 0 : i32
      %ne3A_131 = arith.cmpi ne, %rem3A_129, %ne3A_130 : i32
      %and3A_132 = arith.andi %ne3A_128, %ne3A_131 : i1
      %sub3A_133 = arith.constant 1 : i32
      %sub3A_134 = arith.subi %div3A_113, %sub3A_133 : i32
      %select_n3A_135 = arith.select %and3A_132, %sub3A_134, %div3A_113 : i32
      %jit3A_136 = arith.constant 8 : i32
      %eq3A_137 = arith.constant 0 : i32
      %eq3A_138 = arith.cmpi eq, %jit3A_136, %eq3A_137 : i32
      %jit3A_139 = arith.constant 1 : i32
      %select_n3A_140 = arith.select %eq3A_138, %jit3A_139, %jit3A_136 : i32
      %rem3A_141 = arith.remsi %scan3A_111, %select_n3A_140 : i32
      %ne3A_142 = arith.constant 0 : i32
      %ne3A_143 = arith.cmpi ne, %rem3A_141, %ne3A_142 : i32
      %lt3A = arith.constant 0 : i32
      %lt3A_144 = arith.cmpi slt, %rem3A_141, %lt3A : i32
      %lt3A_145 = arith.constant 0 : i32
      %lt3A_146 = arith.cmpi slt, %select_n3A_140, %lt3A_145 : i32
      %ne3A_147 = arith.xori %lt3A_144, %lt3A_146 : i1
      %and3A_148 = arith.andi %ne3A_147, %ne3A_143 : i1
      %add3A_149 = arith.addi %rem3A_141, %select_n3A_140 : i32
      %select_n3A_150 = arith.select %and3A_148, %add3A_149, %rem3A_141 : i32
      %mul3A_151 = arith.constant 16 : i32
      %mul3A_152 = arith.muli %select_n3A_150, %mul3A_151 : i32
      %swap3A = arith.index_cast %select_n3A_135 : i32 to index
      %swap3A_153 = arith.index_cast %mul3A_152 : i32 to index
      %swap3A_154 = tpu.vector_load %arg10[%swap3A, %swap3A_153] {strides = array<i32>} : memref<112x128xf32, #tpu.memory_space<vmem>>, vector<1x16xf32>,
      %swap3A_155 = vector.shape_cast %swap3A_154 : vector<1x16xf32> to vector<16xf32>
      %swap3A_156 = vector.shape_cast %broadcast_in_dim3A_1 : vector<16xf32> to vector<1x16xf32>
      tpu.vector_store %arg10[%swap3A, %swap3A_153], %swap3A_156 {strides = array<i32>} : memref<112x128xf32, #tpu.memory_space<vmem>>, vector<1x16xf32>,
    }
    %scan3A_6 = arith.constant 896 : i32
    %scan3A_7 = arith.constant 0 : i32
    %scan3A_8 = arith.constant 0 : i32
    %scan3A_9 = arith.constant 5 : i32
    %scan3A_10 = arith.addi %scan3A_8, %scan3A_9 : i32
    %scan3A_11 = arith.constant 1 : i32
    scf.for %scan3A_111 = %scan3A_8 to %scan3A_10 step %scan3A_11  : i32 {
      %mul3A_112 = arith.constant 112 : i32
      %mul3A_113 = arith.muli %scan3A_111, %mul3A_112 : i32
      %add3A_114 = arith.addi %multiple_of3A, %mul3A_113 : i32
      %multiple_of3A_115 = tpu.assume_multiple %add3A_114, 8 : i32
      "tpu.region"() ({
        %run_scoped3A = tpu.sem_alloc : memref<!tpu.dma_semaphore, #tpu.memory_space<semaphore_mem>>
        %dma_start3A_116 = arith.constant 0 : i32
        %dma_start3A_117 = arith.constant 0 : i32
        %dma_start3A_118 = tpu.memref_slice %arg10[%dma_start3A_116, %dma_start3A_117] : memref<112x128xf32, #tpu.memory_space<vmem>> -> memref<112x128xf32, #tpu.memory_space<vmem>>
        %dma_start3A_119 = arith.constant 0 : i32
        %dma_start3A_120 = tpu.memref_slice %arg12[%multiple_of3A_115, %dma_start3A_119] : memref<10112x128xf32, #tpu.memory_space<vmem_shared>> -> memref<112x128xf32, #tpu.memory_space<vmem_shared>>
        %dma_start3A_121 = arith.constant 0 : i32
        %dma_start3A_122 = tpu.memref_slice %arg12[%multiple_of3A_115, %dma_start3A_121] : memref<10112x128xf32, #tpu.memory_space<vmem_shared>> -> memref<112x128xf32, #tpu.memory_space<vmem_shared>>
        %dma_start3A_123 = arith.constant 0 : i32
        %dma_start3A_124 = arith.constant 0 : i32
        %dma_start3A_125 = tpu.memref_slice %arg10[%dma_start3A_123, %dma_start3A_124] : memref<112x128xf32, #tpu.memory_space<vmem>> -> memref<112x128xf32, #tpu.memory_space<vmem>>
        tpu.enqueue_dma source(%dma_start3A_125 : memref<112x128xf32, #tpu.memory_space<vmem>>) target(%dma_start3A_122 : memref<112x128xf32, #tpu.memory_space<vmem_shared>>) target_semaphore(%run_scoped3A : memref<!tpu.dma_semaphore, #tpu.memory_space<semaphore_mem>>)
        %dma_wait3A_126 = arith.constant 0 : i32
        %dma_wait3A_127 = arith.constant 0 : i32
        %dma_wait3A_128 = tpu.memref_slice %arg10[%dma_wait3A_126, %dma_wait3A_127] : memref<112x128xf32, #tpu.memory_space<vmem>> -> memref<112x128xf32, #tpu.memory_space<vmem>>
        %dma_wait3A_129 = arith.constant 0 : i32
        %dma_wait3A_130 = tpu.memref_slice %arg12[%multiple_of3A_115, %dma_wait3A_129] : memref<10112x128xf32, #tpu.memory_space<vmem_shared>> -> memref<112x128xf32, #tpu.memory_space<vmem_shared>>
        %dma_wait3A_131 = arith.constant 0 : i32
        %dma_wait3A_132 = tpu.memref_slice %arg12[%multiple_of3A_115, %dma_wait3A_131] : memref<10112x128xf32, #tpu.memory_space<vmem_shared>> -> memref<112x128xf32, #tpu.memory_space<vmem_shared>>
        %dma_wait3A_133 = arith.constant 0 : i32
        %dma_wait3A_134 = arith.constant 0 : i32
        %dma_wait3A_135 = tpu.memref_slice %arg10[%dma_wait3A_133, %dma_wait3A_134] : memref<112x128xf32, #tpu.memory_space<vmem>> -> memref<112x128xf32, #tpu.memory_space<vmem>>
        tpu.wait_dma2 semaphore(%run_scoped3A : memref<!tpu.dma_semaphore, #tpu.memory_space<semaphore_mem>>) src(%dma_wait3A_135 : memref<112x128xf32, #tpu.memory_space<vmem>>) dst(%dma_wait3A_132 : memref<112x128xf32, #tpu.memory_space<vmem_shared>>)
        tpu.yield
      }) : () -> ()
    }
    %scan3A_12 = arith.constant 5 : i32
    %add3A = arith.constant 560 : i32
    %add3A_13 = arith.addi %multiple_of3A, %add3A : i32
    %multiple_of3A_14 = tpu.assume_multiple %add3A_13, 8 : i32
    "tpu.region"() ({
      %run_scoped3A = tpu.sem_alloc : memref<!tpu.dma_semaphore, #tpu.memory_space<semaphore_mem>>
      %dma_start3A_111 = arith.constant 0 : i32
      %dma_start3A_112 = arith.constant 0 : i32
      %dma_start3A_113 = tpu.memref_slice %arg10[%dma_start3A_111, %dma_start3A_112] : memref<112x128xf32, #tpu.memory_space<vmem>> -> memref<72x128xf32, #tpu.memory_space<vmem>>
      %dma_start3A_114 = arith.constant 0 : i32
      %dma_start3A_115 = tpu.memref_slice %arg12[%multiple_of3A_14, %dma_start3A_114] : memref<10112x128xf32, #tpu.memory_space<vmem_shared>> -> memref<72x128xf32, #tpu.memory_space<vmem_shared>>
      %dma_start3A_116 = arith.constant 0 : i32
      %dma_start3A_117 = tpu.memref_slice %arg12[%multiple_of3A_14, %dma_start3A_116] : memref<10112x128xf32, #tpu.memory_space<vmem_shared>> -> memref<72x128xf32, #tpu.memory_space<vmem_shared>>
      %dma_start3A_118 = arith.constant 0 : i32
      %dma_start3A_119 = arith.constant 0 : i32
      %dma_start3A_120 = tpu.memref_slice %arg10[%dma_start3A_118, %dma_start3A_119] : memref<112x128xf32, #tpu.memory_space<vmem>> -> memref<72x128xf32, #tpu.memory_space<vmem>>
      tpu.enqueue_dma source(%dma_start3A_120 : memref<72x128xf32, #tpu.memory_space<vmem>>) target(%dma_start3A_117 : memref<72x128xf32, #tpu.memory_space<vmem_shared>>) target_semaphore(%run_scoped3A : memref<!tpu.dma_semaphore, #tpu.memory_space<semaphore_mem>>)
      %dma_wait3A_121 = arith.constant 0 : i32
      %dma_wait3A_122 = arith.constant 0 : i32
      %dma_wait3A_123 = tpu.memref_slice %arg10[%dma_wait3A_121, %dma_wait3A_122] : memref<112x128xf32, #tpu.memory_space<vmem>> -> memref<72x128xf32, #tpu.memory_space<vmem>>
      %dma_wait3A_124 = arith.constant 0 : i32
      %dma_wait3A_125 = tpu.memref_slice %arg12[%multiple_of3A_14, %dma_wait3A_124] : memref<10112x128xf32, #tpu.memory_space<vmem_shared>> -> memref<72x128xf32, #tpu.memory_space<vmem_shared>>
      %dma_wait3A_126 = arith.constant 0 : i32
      %dma_wait3A_127 = tpu.memref_slice %arg12[%multiple_of3A_14, %dma_wait3A_126] : memref<10112x128xf32, #tpu.memory_space<vmem_shared>> -> memref<72x128xf32, #tpu.memory_space<vmem_shared>>
      %dma_wait3A_128 = arith.constant 0 : i32
      %dma_wait3A_129 = arith.constant 0 : i32
      %dma_wait3A_130 = tpu.memref_slice %arg10[%dma_wait3A_128, %dma_wait3A_129] : memref<112x128xf32, #tpu.memory_space<vmem>> -> memref<72x128xf32, #tpu.memory_space<vmem>>
      tpu.wait_dma2 semaphore(%run_scoped3A : memref<!tpu.dma_semaphore, #tpu.memory_space<semaphore_mem>>) src(%dma_wait3A_130 : memref<72x128xf32, #tpu.memory_space<vmem>>) dst(%dma_wait3A_127 : memref<72x128xf32, #tpu.memory_space<vmem_shared>>)
      tpu.yield
    }) : () -> ()
    %barrier3A = arith.constant 0 : index
    tpu.barrier barrier_id(%barrier3A)
    %eq3A = arith.constant 0 : i32
    %eq3A_15 = arith.cmpi eq, %arg0, %eq3A : i32
    %jit3A = arith.constant 140 : i32
    %jit3A_16 = arith.constant 40 : i32
    %select_n3A = arith.select %eq3A_15, %jit3A, %jit3A_16 : i32
    %mul3A_17 = arith.constant 2240 : i32
    %mul3A_18 = arith.muli %arg0, %mul3A_17 : i32
    %mul3A_19 = arith.muli %arg1, %select_n3A : i32
    %add3A_20 = arith.addi %mul3A_18, %mul3A_19 : i32
    %mul3A_21 = arith.constant 112 : i32
    %mul3A_22 = arith.muli %add3A_20, %mul3A_21 : i32
    %sub3A = arith.constant 1 : i32
    %sub3A_23 = arith.subi %select_n3A, %sub3A : i32
    %min3A = arith.constant 0 : i32
    %min3A_24 = arith.minsi %min3A, %sub3A_23 : i32
    %mul3A_25 = arith.constant 112 : i32
    %mul3A_26 = arith.muli %min3A_24, %mul3A_25 : i32
    %add3A_27 = arith.addi %mul3A_22, %mul3A_26 : i32
    %multiple_of3A_28 = tpu.assume_multiple %add3A_27, 8 : i32
    "tpu.region"() ({
      %run_scoped3A = tpu.sem_alloc : memref<!tpu.dma_semaphore, #tpu.memory_space<semaphore_mem>>
      %dma_start3A_111 = tpu.memref_slice %arg3[%multiple_of3A_28] : memref<322560xi32, #tpu.memory_space<hbm>> -> memref<112xi32, #tpu.memory_space<hbm>>
      %dma_start3A_112 = tpu.memref_slice %arg3[%multiple_of3A_28] : memref<322560xi32, #tpu.memory_space<hbm>> -> memref<112xi32, #tpu.memory_space<hbm>>
      tpu.enqueue_dma source(%dma_start3A_112 : memref<112xi32, #tpu.memory_space<hbm>>) target(%arg6 : memref<112xi32, #tpu.memory_space<vmem>>) target_semaphore(%run_scoped3A : memref<!tpu.dma_semaphore, #tpu.memory_space<semaphore_mem>>)
      %dma_wait3A_113 = tpu.memref_slice %arg3[%multiple_of3A_28] : memref<322560xi32, #tpu.memory_space<hbm>> -> memref<112xi32, #tpu.memory_space<hbm>>
      %dma_wait3A_114 = tpu.memref_slice %arg3[%multiple_of3A_28] : memref<322560xi32, #tpu.memory_space<hbm>> -> memref<112xi32, #tpu.memory_space<hbm>>
      tpu.wait_dma2 semaphore(%run_scoped3A : memref<!tpu.dma_semaphore, #tpu.memory_space<semaphore_mem>>) src(%dma_wait3A_114 : memref<112xi32, #tpu.memory_space<hbm>>) dst(%arg6 : memref<112xi32, #tpu.memory_space<vmem>>)
      tpu.yield
    }) : () -> ()
    %sub3A_29 = arith.constant 1 : i32
    %sub3A_30 = arith.subi %select_n3A, %sub3A_29 : i32
    %min3A_31 = arith.constant 0 : i32
    %min3A_32 = arith.minsi %min3A_31, %sub3A_30 : i32
    %mul3A_33 = arith.constant 112 : i32
    %mul3A_34 = arith.muli %min3A_32, %mul3A_33 : i32
    %add3A_35 = arith.addi %mul3A_22, %mul3A_34 : i32
    %multiple_of3A_36 = tpu.assume_multiple %add3A_35, 8 : i32
    "tpu.region"() ({
      %run_scoped3A = tpu.sem_alloc : memref<!tpu.dma_semaphore, #tpu.memory_space<semaphore_mem>>
      %dma_start3A_111 = tpu.memref_slice %arg4[%multiple_of3A_36] : memref<322560xi32, #tpu.memory_space<hbm>> -> memref<112xi32, #tpu.memory_space<hbm>>
      %dma_start3A_112 = tpu.memref_slice %arg4[%multiple_of3A_36] : memref<322560xi32, #tpu.memory_space<hbm>> -> memref<112xi32, #tpu.memory_space<hbm>>
      tpu.enqueue_dma source(%dma_start3A_112 : memref<112xi32, #tpu.memory_space<hbm>>) target(%arg8 : memref<112xi32, #tpu.memory_space<vmem>>) target_semaphore(%run_scoped3A : memref<!tpu.dma_semaphore, #tpu.memory_space<semaphore_mem>>)
      %dma_wait3A_113 = tpu.memref_slice %arg4[%multiple_of3A_36] : memref<322560xi32, #tpu.memory_space<hbm>> -> memref<112xi32, #tpu.memory_space<hbm>>
      %dma_wait3A_114 = tpu.memref_slice %arg4[%multiple_of3A_36] : memref<322560xi32, #tpu.memory_space<hbm>> -> memref<112xi32, #tpu.memory_space<hbm>>
      tpu.wait_dma2 semaphore(%run_scoped3A : memref<!tpu.dma_semaphore, #tpu.memory_space<semaphore_mem>>) src(%dma_wait3A_114 : memref<112xi32, #tpu.memory_space<hbm>>) dst(%arg8 : memref<112xi32, #tpu.memory_space<vmem>>)
      tpu.yield
    }) : () -> ()
    %dma_start3A = arith.constant 0 : i32
    %dma_start3A_37 = arith.constant 0 : i32
    %dma_start3A_38 = tpu.memref_slice %arg2[%dma_start3A, %dma_start3A_37] : memref<80000x128xf32, #tpu.memory_space<hbm>> -> memref<80000x128xf32, #tpu.memory_space<hbm>>
    tpu.enqueue_indirect_dma source(%dma_start3A_38 : memref<80000x128xf32, #tpu.memory_space<hbm>>) target(%arg10 : memref<112x128xf32, #tpu.memory_space<vmem>>) offsets(%arg6 : memref<112xi32, #tpu.memory_space<vmem>>) semaphore(%arg13 : memref<!tpu.dma_semaphore, #tpu.memory_space<semaphore_mem>>)
    %sub3A_39 = arith.constant 1 : i32
    %sub3A_40 = arith.subi %select_n3A, %sub3A_39 : i32
    %min3A_41 = arith.constant 1 : i32
    %min3A_42 = arith.minsi %min3A_41, %sub3A_40 : i32
    %mul3A_43 = arith.constant 112 : i32
    %mul3A_44 = arith.muli %min3A_42, %mul3A_43 : i32
    %add3A_45 = arith.addi %mul3A_22, %mul3A_44 : i32
    %multiple_of3A_46 = tpu.assume_multiple %add3A_45, 8 : i32
    %dma_start3A_47 = tpu.memref_slice %arg3[%multiple_of3A_46] : memref<322560xi32, #tpu.memory_space<hbm>> -> memref<112xi32, #tpu.memory_space<hbm>>
    %dma_start3A_48 = tpu.memref_slice %arg3[%multiple_of3A_46] : memref<322560xi32, #tpu.memory_space<hbm>> -> memref<112xi32, #tpu.memory_space<hbm>>
    tpu.enqueue_dma source(%dma_start3A_48 : memref<112xi32, #tpu.memory_space<hbm>>) target(%arg7 : memref<112xi32, #tpu.memory_space<vmem>>) target_semaphore(%arg16 : memref<!tpu.dma_semaphore, #tpu.memory_space<semaphore_mem>>)
    %sub3A_49 = arith.constant 1 : i32
    %sub3A_50 = arith.subi %select_n3A, %sub3A_49 : i32
    %min3A_51 = arith.constant 1 : i32
    %min3A_52 = arith.minsi %min3A_51, %sub3A_50 : i32
    %mul3A_53 = arith.constant 112 : i32
    %mul3A_54 = arith.muli %min3A_52, %mul3A_53 : i32
    %add3A_55 = arith.addi %mul3A_22, %mul3A_54 : i32
    %multiple_of3A_56 = tpu.assume_multiple %add3A_55, 8 : i32
    %dma_start3A_57 = tpu.memref_slice %arg4[%multiple_of3A_56] : memref<322560xi32, #tpu.memory_space<hbm>> -> memref<112xi32, #tpu.memory_space<hbm>>
    %dma_start3A_58 = tpu.memref_slice %arg4[%multiple_of3A_56] : memref<322560xi32, #tpu.memory_space<hbm>> -> memref<112xi32, #tpu.memory_space<hbm>>
    tpu.enqueue_dma source(%dma_start3A_58 : memref<112xi32, #tpu.memory_space<hbm>>) target(%arg9 : memref<112xi32, #tpu.memory_space<vmem>>) target_semaphore(%arg16 : memref<!tpu.dma_semaphore, #tpu.memory_space<semaphore_mem>>)
    %jit3A_59 = arith.constant 2 : i32
    %div3A = arith.divsi %select_n3A, %jit3A_59 : i32
    %sign3A = arith.constant 0 : i32
    %sign3A_60 = arith.cmpi sgt, %select_n3A, %sign3A : i32
    %sign3A_61 = arith.extui %sign3A_60 : i1 to i32
    %sign3A_62 = arith.constant 0 : i32
    %sign3A_63 = arith.cmpi slt, %select_n3A, %sign3A_62 : i32
    %sign3A_64 = arith.extui %sign3A_63 : i1 to i32
    %sign3A_65 = arith.subi %sign3A_61, %sign3A_64 : i32
    %sign3A_66 = arith.constant 0 : i32
    %sign3A_67 = arith.cmpi sgt, %jit3A_59, %sign3A_66 : i32
    %sign3A_68 = arith.extui %sign3A_67 : i1 to i32
    %sign3A_69 = arith.constant 0 : i32
    %sign3A_70 = arith.cmpi slt, %jit3A_59, %sign3A_69 : i32
    %sign3A_71 = arith.extui %sign3A_70 : i1 to i32
    %sign3A_72 = arith.subi %sign3A_68, %sign3A_71 : i32
    %ne3A = arith.cmpi ne, %sign3A_65, %sign3A_72 : i32
    %rem3A = arith.remsi %select_n3A, %jit3A_59 : i32
    %ne3A_73 = arith.constant 0 : i32
    %ne3A_74 = arith.cmpi ne, %rem3A, %ne3A_73 : i32
    %and3A = arith.andi %ne3A, %ne3A_74 : i1
    %sub3A_75 = arith.constant 1 : i32
    %sub3A_76 = arith.subi %div3A, %sub3A_75 : i32
    %select_n3A_77 = arith.select %and3A, %sub3A_76, %div3A : i32
    %while3A = arith.constant 0 : i32
    %while3A_78 = arith.constant 0 : i32
    %while3A_79 = arith.subi %select_n3A_77, %while3A_78 : i32
    %while3A_80 = arith.addi %while3A_78, %while3A_79 : i32
    %while3A_81 = arith.constant 1 : i32
    %while3A_82 = arith.divsi %while3A_79, %while3A_81 : i32
    %while3A_83 = arith.muli %while3A_82, %while3A_81 : i32
    %while3A_84 = arith.addi %while3A_78, %while3A_83 : i32
    %while3A_85 = arith.constant 1 : i32
    scf.for %while3A_111 = %while3A_78 to %while3A_84 step %while3A_85  : i32 {
      %mul3A_112 = arith.constant 2 : i32
      %mul3A_113 = arith.muli %mul3A_112, %while3A_111 : i32
      %add3A_114 = arith.constant 0 : i32
      %add3A_115 = arith.addi %mul3A_113, %add3A_114 : i32
      %dma_wait3A_116 = arith.constant 0 : i32
      %dma_wait3A_117 = tpu.memref_slice %arg3[%dma_wait3A_116] : memref<322560xi32, #tpu.memory_space<hbm>> -> memref<112xi32, #tpu.memory_space<hbm>>
      %dma_wait3A_118 = arith.constant 0 : i32
      %dma_wait3A_119 = tpu.memref_slice %arg3[%dma_wait3A_118] : memref<322560xi32, #tpu.memory_space<hbm>> -> memref<112xi32, #tpu.memory_space<hbm>>
      tpu.wait_dma2 semaphore(%arg16 : memref<!tpu.dma_semaphore, #tpu.memory_space<semaphore_mem>>) src(%dma_wait3A_119 : memref<112xi32, #tpu.memory_space<hbm>>) dst(%arg7 : memref<112xi32, #tpu.memory_space<vmem>>)
      %dma_wait3A_120 = arith.constant 0 : i32
      %dma_wait3A_121 = tpu.memref_slice %arg4[%dma_wait3A_120] : memref<322560xi32, #tpu.memory_space<hbm>> -> memref<112xi32, #tpu.memory_space<hbm>>
      %dma_wait3A_122 = arith.constant 0 : i32
      %dma_wait3A_123 = tpu.memref_slice %arg4[%dma_wait3A_122] : memref<322560xi32, #tpu.memory_space<hbm>> -> memref<112xi32, #tpu.memory_space<hbm>>
      tpu.wait_dma2 semaphore(%arg16 : memref<!tpu.dma_semaphore, #tpu.memory_space<semaphore_mem>>) src(%dma_wait3A_123 : memref<112xi32, #tpu.memory_space<hbm>>) dst(%arg9 : memref<112xi32, #tpu.memory_space<vmem>>)
      %dma_start3A_124 = arith.constant 0 : i32
      %dma_start3A_125 = arith.constant 0 : i32
      %dma_start3A_126 = tpu.memref_slice %arg2[%dma_start3A_124, %dma_start3A_125] : memref<80000x128xf32, #tpu.memory_space<hbm>> -> memref<80000x128xf32, #tpu.memory_space<hbm>>
      tpu.enqueue_indirect_dma source(%dma_start3A_126 : memref<80000x128xf32, #tpu.memory_space<hbm>>) target(%arg11 : memref<112x128xf32, #tpu.memory_space<vmem>>) offsets(%arg7 : memref<112xi32, #tpu.memory_space<vmem>>) semaphore(%arg14 : memref<!tpu.dma_semaphore, #tpu.memory_space<semaphore_mem>>)
      %dma_wait3A_127 = arith.constant 0 : i32
      %dma_wait3A_128 = arith.constant 0 : i32
      %dma_wait3A_129 = tpu.memref_slice %arg2[%dma_wait3A_127, %dma_wait3A_128] : memref<80000x128xf32, #tpu.memory_space<hbm>> -> memref<80000x128xf32, #tpu.memory_space<hbm>>
      tpu.wait_indirect_dma semaphore(%arg13 : memref<!tpu.dma_semaphore, #tpu.memory_space<semaphore_mem>>) src(%dma_wait3A_129 : memref<80000x128xf32, #tpu.memory_space<hbm>>) dst(%arg10 : memref<112x128xf32, #tpu.memory_space<vmem>>)
      "tpu.region"() ({
        %run_scoped3A = tpu.sem_alloc : memref<!tpu.dma_semaphore, #tpu.memory_space<semaphore_mem>>
        %dma_start3A_192 = arith.constant 0 : i32
        %dma_start3A_193 = arith.constant 0 : i32
        %dma_start3A_194 = tpu.memref_slice %arg12[%dma_start3A_192, %dma_start3A_193] : memref<10112x128xf32, #tpu.memory_space<vmem_shared>> -> memref<10112x128xf32, #tpu.memory_space<vmem_shared>>
        tpu.enqueue_indirect_dma source(%arg10 : memref<112x128xf32, #tpu.memory_space<vmem>>) target(%dma_start3A_194 : memref<10112x128xf32, #tpu.memory_space<vmem_shared>>) offsets(%arg8 : memref<112xi32, #tpu.memory_space<vmem>>) semaphore(%run_scoped3A : memref<!tpu.dma_semaphore, #tpu.memory_space<semaphore_mem>>) {add = true}
        %dma_wait3A_195 = arith.constant 0 : i32
        %dma_wait3A_196 = arith.constant 0 : i32
        %dma_wait3A_197 = tpu.memref_slice %arg12[%dma_wait3A_195, %dma_wait3A_196] : memref<10112x128xf32, #tpu.memory_space<vmem_shared>> -> memref<10112x128xf32, #tpu.memory_space<vmem_shared>>
        tpu.wait_indirect_dma semaphore(%run_scoped3A : memref<!tpu.dma_semaphore, #tpu.memory_space<semaphore_mem>>) src(%arg10 : memref<112x128xf32, #tpu.memory_space<vmem>>) dst(%dma_wait3A_197 : memref<10112x128xf32, #tpu.memory_space<vmem_shared>>)
        tpu.yield
      }) : () -> ()
      %add3A_130 = arith.constant 2 : i32
      %add3A_131 = arith.addi %add3A_115, %add3A_130 : i32
      %sub3A_132 = arith.constant 1 : i32
      %sub3A_133 = arith.subi %select_n3A, %sub3A_132 : i32
      %min3A_134 = arith.minsi %add3A_131, %sub3A_133 : i32
      %mul3A_135 = arith.constant 112 : i32
      %mul3A_136 = arith.muli %min3A_134, %mul3A_135 : i32
      %add3A_137 = arith.addi %mul3A_22, %mul3A_136 : i32
      %multiple_of3A_138 = tpu.assume_multiple %add3A_137, 8 : i32
      %dma_start3A_139 = tpu.memref_slice %arg3[%multiple_of3A_138] : memref<322560xi32, #tpu.memory_space<hbm>> -> memref<112xi32, #tpu.memory_space<hbm>>
      %dma_start3A_140 = tpu.memref_slice %arg3[%multiple_of3A_138] : memref<322560xi32, #tpu.memory_space<hbm>> -> memref<112xi32, #tpu.memory_space<hbm>>
      tpu.enqueue_dma source(%dma_start3A_140 : memref<112xi32, #tpu.memory_space<hbm>>) target(%arg6 : memref<112xi32, #tpu.memory_space<vmem>>) target_semaphore(%arg15 : memref<!tpu.dma_semaphore, #tpu.memory_space<semaphore_mem>>)
      %add3A_141 = arith.constant 2 : i32
      %add3A_142 = arith.addi %add3A_115, %add3A_141 : i32
      %sub3A_143 = arith.constant 1 : i32
      %sub3A_144 = arith.subi %select_n3A, %sub3A_143 : i32
      %min3A_145 = arith.minsi %add3A_142, %sub3A_144 : i32
      %mul3A_146 = arith.constant 112 : i32
      %mul3A_147 = arith.muli %min3A_145, %mul3A_146 : i32
      %add3A_148 = arith.addi %mul3A_22, %mul3A_147 : i32
      %multiple_of3A_149 = tpu.assume_multiple %add3A_148, 8 : i32
      %dma_start3A_150 = tpu.memref_slice %arg4[%multiple_of3A_149] : memref<322560xi32, #tpu.memory_space<hbm>> -> memref<112xi32, #tpu.memory_space<hbm>>
      %dma_start3A_151 = tpu.memref_slice %arg4[%multiple_of3A_149] : memref<322560xi32, #tpu.memory_space<hbm>> -> memref<112xi32, #tpu.memory_space<hbm>>
      tpu.enqueue_dma source(%dma_start3A_151 : memref<112xi32, #tpu.memory_space<hbm>>) target(%arg8 : memref<112xi32, #tpu.memory_space<vmem>>) target_semaphore(%arg15 : memref<!tpu.dma_semaphore, #tpu.memory_space<semaphore_mem>>)
      %mul3A_152 = arith.constant 2 : i32
      %mul3A_153 = arith.muli %mul3A_152, %while3A_111 : i32
      %add3A_154 = arith.constant 1 : i32
      %add3A_155 = arith.addi %mul3A_153, %add3A_154 : i32
      %dma_wait3A_156 = arith.constant 0 : i32
      %dma_wait3A_157 = tpu.memref_slice %arg3[%dma_wait3A_156] : memref<322560xi32, #tpu.memory_space<hbm>> -> memref<112xi32, #tpu.memory_space<hbm>>
      %dma_wait3A_158 = arith.constant 0 : i32
      %dma_wait3A_159 = tpu.memref_slice %arg3[%dma_wait3A_158] : memref<322560xi32, #tpu.memory_space<hbm>> -> memref<112xi32, #tpu.memory_space<hbm>>
      tpu.wait_dma2 semaphore(%arg15 : memref<!tpu.dma_semaphore, #tpu.memory_space<semaphore_mem>>) src(%dma_wait3A_159 : memref<112xi32, #tpu.memory_space<hbm>>) dst(%arg6 : memref<112xi32, #tpu.memory_space<vmem>>)
      %dma_wait3A_160 = arith.constant 0 : i32
      %dma_wait3A_161 = tpu.memref_slice %arg4[%dma_wait3A_160] : memref<322560xi32, #tpu.memory_space<hbm>> -> memref<112xi32, #tpu.memory_space<hbm>>
      %dma_wait3A_162 = arith.constant 0 : i32
      %dma_wait3A_163 = tpu.memref_slice %arg4[%dma_wait3A_162] : memref<322560xi32, #tpu.memory_space<hbm>> -> memref<112xi32, #tpu.memory_space<hbm>>
      tpu.wait_dma2 semaphore(%arg15 : memref<!tpu.dma_semaphore, #tpu.memory_space<semaphore_mem>>) src(%dma_wait3A_163 : memref<112xi32, #tpu.memory_space<hbm>>) dst(%arg8 : memref<112xi32, #tpu.memory_space<vmem>>)
      %dma_start3A_164 = arith.constant 0 : i32
      %dma_start3A_165 = arith.constant 0 : i32
      %dma_start3A_166 = tpu.memref_slice %arg2[%dma_start3A_164, %dma_start3A_165] : memref<80000x128xf32, #tpu.memory_space<hbm>> -> memref<80000x128xf32, #tpu.memory_space<hbm>>
      tpu.enqueue_indirect_dma source(%dma_start3A_166 : memref<80000x128xf32, #tpu.memory_space<hbm>>) target(%arg10 : memref<112x128xf32, #tpu.memory_space<vmem>>) offsets(%arg6 : memref<112xi32, #tpu.memory_space<vmem>>) semaphore(%arg13 : memref<!tpu.dma_semaphore, #tpu.memory_space<semaphore_mem>>)
      %dma_wait3A_167 = arith.constant 0 : i32
      %dma_wait3A_168 = arith.constant 0 : i32
      %dma_wait3A_169 = tpu.memref_slice %arg2[%dma_wait3A_167, %dma_wait3A_168] : memref<80000x128xf32, #tpu.memory_space<hbm>> -> memref<80000x128xf32, #tpu.memory_space<hbm>>
      tpu.wait_indirect_dma semaphore(%arg14 : memref<!tpu.dma_semaphore, #tpu.memory_space<semaphore_mem>>) src(%dma_wait3A_169 : memref<80000x128xf32, #tpu.memory_space<hbm>>) dst(%arg11 : memref<112x128xf32, #tpu.memory_space<vmem>>)
      "tpu.region"() ({
        %run_scoped3A = tpu.sem_alloc : memref<!tpu.dma_semaphore, #tpu.memory_space<semaphore_mem>>
        %dma_start3A_192 = arith.constant 0 : i32
        %dma_start3A_193 = arith.constant 0 : i32
        %dma_start3A_194 = tpu.memref_slice %arg12[%dma_start3A_192, %dma_start3A_193] : memref<10112x128xf32, #tpu.memory_space<vmem_shared>> -> memref<10112x128xf32, #tpu.memory_space<vmem_shared>>
        tpu.enqueue_indirect_dma source(%arg11 : memref<112x128xf32, #tpu.memory_space<vmem>>) target(%dma_start3A_194 : memref<10112x128xf32, #tpu.memory_space<vmem_shared>>) offsets(%arg9 : memref<112xi32, #tpu.memory_space<vmem>>) semaphore(%run_scoped3A : memref<!tpu.dma_semaphore, #tpu.memory_space<semaphore_mem>>) {add = true}
        %dma_wait3A_195 = arith.constant 0 : i32
        %dma_wait3A_196 = arith.constant 0 : i32
        %dma_wait3A_197 = tpu.memref_slice %arg12[%dma_wait3A_195, %dma_wait3A_196] : memref<10112x128xf32, #tpu.memory_space<vmem_shared>> -> memref<10112x128xf32, #tpu.memory_space<vmem_shared>>
        tpu.wait_indirect_dma semaphore(%run_scoped3A : memref<!tpu.dma_semaphore, #tpu.memory_space<semaphore_mem>>) src(%arg11 : memref<112x128xf32, #tpu.memory_space<vmem>>) dst(%dma_wait3A_197 : memref<10112x128xf32, #tpu.memory_space<vmem_shared>>)
        tpu.yield
      }) : () -> ()
      %add3A_170 = arith.constant 2 : i32
      %add3A_171 = arith.addi %add3A_155, %add3A_170 : i32
      %sub3A_172 = arith.constant 1 : i32
      %sub3A_173 = arith.subi %select_n3A, %sub3A_172 : i32
      %min3A_174 = arith.minsi %add3A_171, %sub3A_173 : i32
      %mul3A_175 = arith.constant 112 : i32
      %mul3A_176 = arith.muli %min3A_174, %mul3A_175 : i32
      %add3A_177 = arith.addi %mul3A_22, %mul3A_176 : i32
      %multiple_of3A_178 = tpu.assume_multiple %add3A_177, 8 : i32
      %dma_start3A_179 = tpu.memref_slice %arg3[%multiple_of3A_178] : memref<322560xi32, #tpu.memory_space<hbm>> -> memref<112xi32, #tpu.memory_space<hbm>>
      %dma_start3A_180 = tpu.memref_slice %arg3[%multiple_of3A_178] : memref<322560xi32, #tpu.memory_space<hbm>> -> memref<112xi32, #tpu.memory_space<hbm>>
      tpu.enqueue_dma source(%dma_start3A_180 : memref<112xi32, #tpu.memory_space<hbm>>) target(%arg7 : memref<112xi32, #tpu.memory_space<vmem>>) target_semaphore(%arg16 : memref<!tpu.dma_semaphore, #tpu.memory_space<semaphore_mem>>)
      %add3A_181 = arith.constant 2 : i32
      %add3A_182 = arith.addi %add3A_155, %add3A_181 : i32
      %sub3A_183 = arith.constant 1 : i32
      %sub3A_184 = arith.subi %select_n3A, %sub3A_183 : i32
      %min3A_185 = arith.minsi %add3A_182, %sub3A_184 : i32
      %mul3A_186 = arith.constant 112 : i32
      %mul3A_187 = arith.muli %min3A_185, %mul3A_186 : i32
      %add3A_188 = arith.addi %mul3A_22, %mul3A_187 : i32
      %multiple_of3A_189 = tpu.assume_multiple %add3A_188, 8 : i32
      %dma_start3A_190 = tpu.memref_slice %arg4[%multiple_of3A_189] : memref<322560xi32, #tpu.memory_space<hbm>> -> memref<112xi32, #tpu.memory_space<hbm>>
      %dma_start3A_191 = tpu.memref_slice %arg4[%multiple_of3A_189] : memref<322560xi32, #tpu.memory_space<hbm>> -> memref<112xi32, #tpu.memory_space<hbm>>
      tpu.enqueue_dma source(%dma_start3A_191 : memref<112xi32, #tpu.memory_space<hbm>>) target(%arg9 : memref<112xi32, #tpu.memory_space<vmem>>) target_semaphore(%arg16 : memref<!tpu.dma_semaphore, #tpu.memory_space<semaphore_mem>>)
    }
    %while3A_86 = arith.constant 1 : i32
    scf.for %while3A_111 = %while3A_84 to %while3A_80 step %while3A_86  : i32 {
      %mul3A_112 = arith.constant 2 : i32
      %mul3A_113 = arith.muli %mul3A_112, %while3A_111 : i32
      %add3A_114 = arith.constant 0 : i32
      %add3A_115 = arith.addi %mul3A_113, %add3A_114 : i32
      %dma_wait3A_116 = arith.constant 0 : i32
      %dma_wait3A_117 = tpu.memref_slice %arg3[%dma_wait3A_116] : memref<322560xi32, #tpu.memory_space<hbm>> -> memref<112xi32, #tpu.memory_space<hbm>>
      %dma_wait3A_118 = arith.constant 0 : i32
      %dma_wait3A_119 = tpu.memref_slice %arg3[%dma_wait3A_118] : memref<322560xi32, #tpu.memory_space<hbm>> -> memref<112xi32, #tpu.memory_space<hbm>>
      tpu.wait_dma2 semaphore(%arg16 : memref<!tpu.dma_semaphore, #tpu.memory_space<semaphore_mem>>) src(%dma_wait3A_119 : memref<112xi32, #tpu.memory_space<hbm>>) dst(%arg7 : memref<112xi32, #tpu.memory_space<vmem>>)
      %dma_wait3A_120 = arith.constant 0 : i32
      %dma_wait3A_121 = tpu.memref_slice %arg4[%dma_wait3A_120] : memref<322560xi32, #tpu.memory_space<hbm>> -> memref<112xi32, #tpu.memory_space<hbm>>
      %dma_wait3A_122 = arith.constant 0 : i32
      %dma_wait3A_123 = tpu.memref_slice %arg4[%dma_wait3A_122] : memref<322560xi32, #tpu.memory_space<hbm>> -> memref<112xi32, #tpu.memory_space<hbm>>
      tpu.wait_dma2 semaphore(%arg16 : memref<!tpu.dma_semaphore, #tpu.memory_space<semaphore_mem>>) src(%dma_wait3A_123 : memref<112xi32, #tpu.memory_space<hbm>>) dst(%arg9 : memref<112xi32, #tpu.memory_space<vmem>>)
      %dma_start3A_124 = arith.constant 0 : i32
      %dma_start3A_125 = arith.constant 0 : i32
      %dma_start3A_126 = tpu.memref_slice %arg2[%dma_start3A_124, %dma_start3A_125] : memref<80000x128xf32, #tpu.memory_space<hbm>> -> memref<80000x128xf32, #tpu.memory_space<hbm>>
      tpu.enqueue_indirect_dma source(%dma_start3A_126 : memref<80000x128xf32, #tpu.memory_space<hbm>>) target(%arg11 : memref<112x128xf32, #tpu.memory_space<vmem>>) offsets(%arg7 : memref<112xi32, #tpu.memory_space<vmem>>) semaphore(%arg14 : memref<!tpu.dma_semaphore, #tpu.memory_space<semaphore_mem>>)
      %dma_wait3A_127 = arith.constant 0 : i32
      %dma_wait3A_128 = arith.constant 0 : i32
      %dma_wait3A_129 = tpu.memref_slice %arg2[%dma_wait3A_127, %dma_wait3A_128] : memref<80000x128xf32, #tpu.memory_space<hbm>> -> memref<80000x128xf32, #tpu.memory_space<hbm>>
      tpu.wait_indirect_dma semaphore(%arg13 : memref<!tpu.dma_semaphore, #tpu.memory_space<semaphore_mem>>) src(%dma_wait3A_129 : memref<80000x128xf32, #tpu.memory_space<hbm>>) dst(%arg10 : memref<112x128xf32, #tpu.memory_space<vmem>>)
      "tpu.region"() ({
        %run_scoped3A = tpu.sem_alloc : memref<!tpu.dma_semaphore, #tpu.memory_space<semaphore_mem>>
        %dma_start3A_192 = arith.constant 0 : i32
        %dma_start3A_193 = arith.constant 0 : i32
        %dma_start3A_194 = tpu.memref_slice %arg12[%dma_start3A_192, %dma_start3A_193] : memref<10112x128xf32, #tpu.memory_space<vmem_shared>> -> memref<10112x128xf32, #tpu.memory_space<vmem_shared>>
        tpu.enqueue_indirect_dma source(%arg10 : memref<112x128xf32, #tpu.memory_space<vmem>>) target(%dma_start3A_194 : memref<10112x128xf32, #tpu.memory_space<vmem_shared>>) offsets(%arg8 : memref<112xi32, #tpu.memory_space<vmem>>) semaphore(%run_scoped3A : memref<!tpu.dma_semaphore, #tpu.memory_space<semaphore_mem>>) {add = true}
        %dma_wait3A_195 = arith.constant 0 : i32
        %dma_wait3A_196 = arith.constant 0 : i32
        %dma_wait3A_197 = tpu.memref_slice %arg12[%dma_wait3A_195, %dma_wait3A_196] : memref<10112x128xf32, #tpu.memory_space<vmem_shared>> -> memref<10112x128xf32, #tpu.memory_space<vmem_shared>>
        tpu.wait_indirect_dma semaphore(%run_scoped3A : memref<!tpu.dma_semaphore, #tpu.memory_space<semaphore_mem>>) src(%arg10 : memref<112x128xf32, #tpu.memory_space<vmem>>) dst(%dma_wait3A_197 : memref<10112x128xf32, #tpu.memory_space<vmem_shared>>)
        tpu.yield
      }) : () -> ()
      %add3A_130 = arith.constant 2 : i32
      %add3A_131 = arith.addi %add3A_115, %add3A_130 : i32
      %sub3A_132 = arith.constant 1 : i32
      %sub3A_133 = arith.subi %select_n3A, %sub3A_132 : i32
      %min3A_134 = arith.minsi %add3A_131, %sub3A_133 : i32
      %mul3A_135 = arith.constant 112 : i32
      %mul3A_136 = arith.muli %min3A_134, %mul3A_135 : i32
      %add3A_137 = arith.addi %mul3A_22, %mul3A_136 : i32
      %multiple_of3A_138 = tpu.assume_multiple %add3A_137, 8 : i32
      %dma_start3A_139 = tpu.memref_slice %arg3[%multiple_of3A_138] : memref<322560xi32, #tpu.memory_space<hbm>> -> memref<112xi32, #tpu.memory_space<hbm>>
      %dma_start3A_140 = tpu.memref_slice %arg3[%multiple_of3A_138] : memref<322560xi32, #tpu.memory_space<hbm>> -> memref<112xi32, #tpu.memory_space<hbm>>
      tpu.enqueue_dma source(%dma_start3A_140 : memref<112xi32, #tpu.memory_space<hbm>>) target(%arg6 : memref<112xi32, #tpu.memory_space<vmem>>) target_semaphore(%arg15 : memref<!tpu.dma_semaphore, #tpu.memory_space<semaphore_mem>>)
      %add3A_141 = arith.constant 2 : i32
      %add3A_142 = arith.addi %add3A_115, %add3A_141 : i32
      %sub3A_143 = arith.constant 1 : i32
      %sub3A_144 = arith.subi %select_n3A, %sub3A_143 : i32
      %min3A_145 = arith.minsi %add3A_142, %sub3A_144 : i32
      %mul3A_146 = arith.constant 112 : i32
      %mul3A_147 = arith.muli %min3A_145, %mul3A_146 : i32
      %add3A_148 = arith.addi %mul3A_22, %mul3A_147 : i32
      %multiple_of3A_149 = tpu.assume_multiple %add3A_148, 8 : i32
      %dma_start3A_150 = tpu.memref_slice %arg4[%multiple_of3A_149] : memref<322560xi32, #tpu.memory_space<hbm>> -> memref<112xi32, #tpu.memory_space<hbm>>
      %dma_start3A_151 = tpu.memref_slice %arg4[%multiple_of3A_149] : memref<322560xi32, #tpu.memory_space<hbm>> -> memref<112xi32, #tpu.memory_space<hbm>>
      tpu.enqueue_dma source(%dma_start3A_151 : memref<112xi32, #tpu.memory_space<hbm>>) target(%arg8 : memref<112xi32, #tpu.memory_space<vmem>>) target_semaphore(%arg15 : memref<!tpu.dma_semaphore, #tpu.memory_space<semaphore_mem>>)
      %mul3A_152 = arith.constant 2 : i32
      %mul3A_153 = arith.muli %mul3A_152, %while3A_111 : i32
      %add3A_154 = arith.constant 1 : i32
      %add3A_155 = arith.addi %mul3A_153, %add3A_154 : i32
      %dma_wait3A_156 = arith.constant 0 : i32
      %dma_wait3A_157 = tpu.memref_slice %arg3[%dma_wait3A_156] : memref<322560xi32, #tpu.memory_space<hbm>> -> memref<112xi32, #tpu.memory_space<hbm>>
      %dma_wait3A_158 = arith.constant 0 : i32
      %dma_wait3A_159 = tpu.memref_slice %arg3[%dma_wait3A_158] : memref<322560xi32, #tpu.memory_space<hbm>> -> memref<112xi32, #tpu.memory_space<hbm>>
      tpu.wait_dma2 semaphore(%arg15 : memref<!tpu.dma_semaphore, #tpu.memory_space<semaphore_mem>>) src(%dma_wait3A_159 : memref<112xi32, #tpu.memory_space<hbm>>) dst(%arg6 : memref<112xi32, #tpu.memory_space<vmem>>)
      %dma_wait3A_160 = arith.constant 0 : i32
      %dma_wait3A_161 = tpu.memref_slice %arg4[%dma_wait3A_160] : memref<322560xi32, #tpu.memory_space<hbm>> -> memref<112xi32, #tpu.memory_space<hbm>>
      %dma_wait3A_162 = arith.constant 0 : i32
      %dma_wait3A_163 = tpu.memref_slice %arg4[%dma_wait3A_162] : memref<322560xi32, #tpu.memory_space<hbm>> -> memref<112xi32, #tpu.memory_space<hbm>>
      tpu.wait_dma2 semaphore(%arg15 : memref<!tpu.dma_semaphore, #tpu.memory_space<semaphore_mem>>) src(%dma_wait3A_163 : memref<112xi32, #tpu.memory_space<hbm>>) dst(%arg8 : memref<112xi32, #tpu.memory_space<vmem>>)
      %dma_start3A_164 = arith.constant 0 : i32
      %dma_start3A_165 = arith.constant 0 : i32
      %dma_start3A_166 = tpu.memref_slice %arg2[%dma_start3A_164, %dma_start3A_165] : memref<80000x128xf32, #tpu.memory_space<hbm>> -> memref<80000x128xf32, #tpu.memory_space<hbm>>
      tpu.enqueue_indirect_dma source(%dma_start3A_166 : memref<80000x128xf32, #tpu.memory_space<hbm>>) target(%arg10 : memref<112x128xf32, #tpu.memory_space<vmem>>) offsets(%arg6 : memref<112xi32, #tpu.memory_space<vmem>>) semaphore(%arg13 : memref<!tpu.dma_semaphore, #tpu.memory_space<semaphore_mem>>)
      %dma_wait3A_167 = arith.constant 0 : i32
      %dma_wait3A_168 = arith.constant 0 : i32
      %dma_wait3A_169 = tpu.memref_slice %arg2[%dma_wait3A_167, %dma_wait3A_168] : memref<80000x128xf32, #tpu.memory_space<hbm>> -> memref<80000x128xf32, #tpu.memory_space<hbm>>
      tpu.wait_indirect_dma semaphore(%arg14 : memref<!tpu.dma_semaphore, #tpu.memory_space<semaphore_mem>>) src(%dma_wait3A_169 : memref<80000x128xf32, #tpu.memory_space<hbm>>) dst(%arg11 : memref<112x128xf32, #tpu.memory_space<vmem>>)
      "tpu.region"() ({
        %run_scoped3A = tpu.sem_alloc : memref<!tpu.dma_semaphore, #tpu.memory_space<semaphore_mem>>
        %dma_start3A_192 = arith.constant 0 : i32
        %dma_start3A_193 = arith.constant 0 : i32
        %dma_start3A_194 = tpu.memref_slice %arg12[%dma_start3A_192, %dma_start3A_193] : memref<10112x128xf32, #tpu.memory_space<vmem_shared>> -> memref<10112x128xf32, #tpu.memory_space<vmem_shared>>
        tpu.enqueue_indirect_dma source(%arg11 : memref<112x128xf32, #tpu.memory_space<vmem>>) target(%dma_start3A_194 : memref<10112x128xf32, #tpu.memory_space<vmem_shared>>) offsets(%arg9 : memref<112xi32, #tpu.memory_space<vmem>>) semaphore(%run_scoped3A : memref<!tpu.dma_semaphore, #tpu.memory_space<semaphore_mem>>) {add = true}
        %dma_wait3A_195 = arith.constant 0 : i32
        %dma_wait3A_196 = arith.constant 0 : i32
        %dma_wait3A_197 = tpu.memref_slice %arg12[%dma_wait3A_195, %dma_wait3A_196] : memref<10112x128xf32, #tpu.memory_space<vmem_shared>> -> memref<10112x128xf32, #tpu.memory_space<vmem_shared>>
        tpu.wait_indirect_dma semaphore(%run_scoped3A : memref<!tpu.dma_semaphore, #tpu.memory_space<semaphore_mem>>) src(%arg11 : memref<112x128xf32, #tpu.memory_space<vmem>>) dst(%dma_wait3A_197 : memref<10112x128xf32, #tpu.memory_space<vmem_shared>>)
        tpu.yield
      }) : () -> ()
      %add3A_170 = arith.constant 2 : i32
      %add3A_171 = arith.addi %add3A_155, %add3A_170 : i32
      %sub3A_172 = arith.constant 1 : i32
      %sub3A_173 = arith.subi %select_n3A, %sub3A_172 : i32
      %min3A_174 = arith.minsi %add3A_171, %sub3A_173 : i32
      %mul3A_175 = arith.constant 112 : i32
      %mul3A_176 = arith.muli %min3A_174, %mul3A_175 : i32
      %add3A_177 = arith.addi %mul3A_22, %mul3A_176 : i32
      %multiple_of3A_178 = tpu.assume_multiple %add3A_177, 8 : i32
      %dma_start3A_179 = tpu.memref_slice %arg3[%multiple_of3A_178] : memref<322560xi32, #tpu.memory_space<hbm>> -> memref<112xi32, #tpu.memory_space<hbm>>
      %dma_start3A_180 = tpu.memref_slice %arg3[%multiple_of3A_178] : memref<322560xi32, #tpu.memory_space<hbm>> -> memref<112xi32, #tpu.memory_space<hbm>>
      tpu.enqueue_dma source(%dma_start3A_180 : memref<112xi32, #tpu.memory_space<hbm>>) target(%arg7 : memref<112xi32, #tpu.memory_space<vmem>>) target_semaphore(%arg16 : memref<!tpu.dma_semaphore, #tpu.memory_space<semaphore_mem>>)
      %add3A_181 = arith.constant 2 : i32
      %add3A_182 = arith.addi %add3A_155, %add3A_181 : i32
      %sub3A_183 = arith.constant 1 : i32
      %sub3A_184 = arith.subi %select_n3A, %sub3A_183 : i32
      %min3A_185 = arith.minsi %add3A_182, %sub3A_184 : i32
      %mul3A_186 = arith.constant 112 : i32
      %mul3A_187 = arith.muli %min3A_185, %mul3A_186 : i32
      %add3A_188 = arith.addi %mul3A_22, %mul3A_187 : i32
      %multiple_of3A_189 = tpu.assume_multiple %add3A_188, 8 : i32
      %dma_start3A_190 = tpu.memref_slice %arg4[%multiple_of3A_189] : memref<322560xi32, #tpu.memory_space<hbm>> -> memref<112xi32, #tpu.memory_space<hbm>>
      %dma_start3A_191 = tpu.memref_slice %arg4[%multiple_of3A_189] : memref<322560xi32, #tpu.memory_space<hbm>> -> memref<112xi32, #tpu.memory_space<hbm>>
      tpu.enqueue_dma source(%dma_start3A_191 : memref<112xi32, #tpu.memory_space<hbm>>) target(%arg9 : memref<112xi32, #tpu.memory_space<vmem>>) target_semaphore(%arg16 : memref<!tpu.dma_semaphore, #tpu.memory_space<semaphore_mem>>)
    }
    %dma_wait3A = arith.constant 0 : i32
    %dma_wait3A_87 = arith.constant 0 : i32
    %dma_wait3A_88 = tpu.memref_slice %arg2[%dma_wait3A, %dma_wait3A_87] : memref<80000x128xf32, #tpu.memory_space<hbm>> -> memref<80000x128xf32, #tpu.memory_space<hbm>>
    tpu.wait_indirect_dma semaphore(%arg13 : memref<!tpu.dma_semaphore, #tpu.memory_space<semaphore_mem>>) src(%dma_wait3A_88 : memref<80000x128xf32, #tpu.memory_space<hbm>>) dst(%arg10 : memref<112x128xf32, #tpu.memory_space<vmem>>)
    %dma_wait3A_89 = arith.constant 0 : i32
    %dma_wait3A_90 = tpu.memref_slice %arg3[%dma_wait3A_89] : memref<322560xi32, #tpu.memory_space<hbm>> -> memref<112xi32, #tpu.memory_space<hbm>>
    %dma_wait3A_91 = arith.constant 0 : i32
    %dma_wait3A_92 = tpu.memref_slice %arg3[%dma_wait3A_91] : memref<322560xi32, #tpu.memory_space<hbm>> -> memref<112xi32, #tpu.memory_space<hbm>>
    tpu.wait_dma2 semaphore(%arg16 : memref<!tpu.dma_semaphore, #tpu.memory_space<semaphore_mem>>) src(%dma_wait3A_92 : memref<112xi32, #tpu.memory_space<hbm>>) dst(%arg7 : memref<112xi32, #tpu.memory_space<vmem>>)
    %dma_wait3A_93 = arith.constant 0 : i32
    %dma_wait3A_94 = tpu.memref_slice %arg4[%dma_wait3A_93] : memref<322560xi32, #tpu.memory_space<hbm>> -> memref<112xi32, #tpu.memory_space<hbm>>
    %dma_wait3A_95 = arith.constant 0 : i32
    %dma_wait3A_96 = tpu.memref_slice %arg4[%dma_wait3A_95] : memref<322560xi32, #tpu.memory_space<hbm>> -> memref<112xi32, #tpu.memory_space<hbm>>
    tpu.wait_dma2 semaphore(%arg16 : memref<!tpu.dma_semaphore, #tpu.memory_space<semaphore_mem>>) src(%dma_wait3A_96 : memref<112xi32, #tpu.memory_space<hbm>>) dst(%arg9 : memref<112xi32, #tpu.memory_space<vmem>>)
    %barrier3A_97 = arith.constant 0 : index
    tpu.barrier barrier_id(%barrier3A_97)
    %scan3A_98 = arith.constant 0 : i32
    %scan3A_99 = arith.constant 0 : i32
    %scan3A_100 = arith.constant 5 : i32
    %scan3A_101 = arith.addi %scan3A_99, %scan3A_100 : i32
    %scan3A_102 = arith.constant 1 : i32
    scf.for %scan3A_111 = %scan3A_99 to %scan3A_101 step %scan3A_102  : i32 {
      %mul3A_112 = arith.constant 112 : i32
      %mul3A_113 = arith.muli %scan3A_111, %mul3A_112 : i32
      %add3A_114 = arith.addi %multiple_of3A, %mul3A_113 : i32
      %multiple_of3A_115 = tpu.assume_multiple %add3A_114, 8 : i32
      "tpu.region"() ({
        %run_scoped3A = tpu.sem_alloc : memref<!tpu.dma_semaphore, #tpu.memory_space<semaphore_mem>>
        %dma_start3A_120 = arith.constant 0 : i32
        %dma_start3A_121 = arith.constant 0 : i32
        %dma_start3A_122 = tpu.memref_slice %arg10[%dma_start3A_120, %dma_start3A_121] : memref<112x128xf32, #tpu.memory_space<vmem>> -> memref<112x128xf32, #tpu.memory_space<vmem>>
        %dma_start3A_123 = arith.constant 0 : i32
        %dma_start3A_124 = tpu.memref_slice %arg12[%multiple_of3A_115, %dma_start3A_123] : memref<10112x128xf32, #tpu.memory_space<vmem_shared>> -> memref<112x128xf32, #tpu.memory_space<vmem_shared>>
        %dma_start3A_125 = arith.constant 0 : i32
        %dma_start3A_126 = arith.constant 0 : i32
        %dma_start3A_127 = tpu.memref_slice %arg10[%dma_start3A_125, %dma_start3A_126] : memref<112x128xf32, #tpu.memory_space<vmem>> -> memref<112x128xf32, #tpu.memory_space<vmem>>
        %dma_start3A_128 = arith.constant 0 : i32
        %dma_start3A_129 = tpu.memref_slice %arg12[%multiple_of3A_115, %dma_start3A_128] : memref<10112x128xf32, #tpu.memory_space<vmem_shared>> -> memref<112x128xf32, #tpu.memory_space<vmem_shared>>
        tpu.enqueue_dma source(%dma_start3A_129 : memref<112x128xf32, #tpu.memory_space<vmem_shared>>) target(%dma_start3A_127 : memref<112x128xf32, #tpu.memory_space<vmem>>) target_semaphore(%run_scoped3A : memref<!tpu.dma_semaphore, #tpu.memory_space<semaphore_mem>>)
        %dma_wait3A_130 = arith.constant 0 : i32
        %dma_wait3A_131 = arith.constant 0 : i32
        %dma_wait3A_132 = tpu.memref_slice %arg10[%dma_wait3A_130, %dma_wait3A_131] : memref<112x128xf32, #tpu.memory_space<vmem>> -> memref<112x128xf32, #tpu.memory_space<vmem>>
        %dma_wait3A_133 = arith.constant 0 : i32
        %dma_wait3A_134 = tpu.memref_slice %arg12[%multiple_of3A_115, %dma_wait3A_133] : memref<10112x128xf32, #tpu.memory_space<vmem_shared>> -> memref<112x128xf32, #tpu.memory_space<vmem_shared>>
        %dma_wait3A_135 = arith.constant 0 : i32
        %dma_wait3A_136 = arith.constant 0 : i32
        %dma_wait3A_137 = tpu.memref_slice %arg10[%dma_wait3A_135, %dma_wait3A_136] : memref<112x128xf32, #tpu.memory_space<vmem>> -> memref<112x128xf32, #tpu.memory_space<vmem>>
        %dma_wait3A_138 = arith.constant 0 : i32
        %dma_wait3A_139 = tpu.memref_slice %arg12[%multiple_of3A_115, %dma_wait3A_138] : memref<10112x128xf32, #tpu.memory_space<vmem_shared>> -> memref<112x128xf32, #tpu.memory_space<vmem_shared>>
        tpu.wait_dma2 semaphore(%run_scoped3A : memref<!tpu.dma_semaphore, #tpu.memory_space<semaphore_mem>>) src(%dma_wait3A_139 : memref<112x128xf32, #tpu.memory_space<vmem_shared>>) dst(%dma_wait3A_137 : memref<112x128xf32, #tpu.memory_space<vmem>>)
        tpu.yield
      }) : () -> ()
      %mul3A_116 = arith.constant 10112 : i32
      %mul3A_117 = arith.muli %arg0, %mul3A_116 : i32
      %add3A_118 = arith.addi %mul3A_117, %multiple_of3A_115 : i32
      %multiple_of3A_119 = tpu.assume_multiple %add3A_118, 8 : i32
      "tpu.region"() ({
        %run_scoped3A = tpu.sem_alloc : memref<!tpu.dma_semaphore, #tpu.memory_space<semaphore_mem>>
        %dma_start3A_120 = arith.constant 0 : i32
        %dma_start3A_121 = arith.constant 0 : i32
        %dma_start3A_122 = tpu.memref_slice %arg10[%dma_start3A_120, %dma_start3A_121] : memref<112x128xf32, #tpu.memory_space<vmem>> -> memref<112x128xf32, #tpu.memory_space<vmem>>
        %dma_start3A_123 = arith.constant 0 : i32
        %dma_start3A_124 = tpu.memref_slice %arg5[%multiple_of3A_119, %dma_start3A_123] : memref<20224x128xf32, #tpu.memory_space<hbm>> -> memref<112x128xf32, #tpu.memory_space<hbm>>
        %dma_start3A_125 = arith.constant 0 : i32
        %dma_start3A_126 = tpu.memref_slice %arg5[%multiple_of3A_119, %dma_start3A_125] : memref<20224x128xf32, #tpu.memory_space<hbm>> -> memref<112x128xf32, #tpu.memory_space<hbm>>
        %dma_start3A_127 = arith.constant 0 : i32
        %dma_start3A_128 = arith.constant 0 : i32
        %dma_start3A_129 = tpu.memref_slice %arg10[%dma_start3A_127, %dma_start3A_128] : memref<112x128xf32, #tpu.memory_space<vmem>> -> memref<112x128xf32, #tpu.memory_space<vmem>>
        tpu.enqueue_dma source(%dma_start3A_129 : memref<112x128xf32, #tpu.memory_space<vmem>>) target(%dma_start3A_126 : memref<112x128xf32, #tpu.memory_space<hbm>>) target_semaphore(%run_scoped3A : memref<!tpu.dma_semaphore, #tpu.memory_space<semaphore_mem>>)
        %dma_wait3A_130 = arith.constant 0 : i32
        %dma_wait3A_131 = arith.constant 0 : i32
        %dma_wait3A_132 = tpu.memref_slice %arg10[%dma_wait3A_130, %dma_wait3A_131] : memref<112x128xf32, #tpu.memory_space<vmem>> -> memref<112x128xf32, #tpu.memory_space<vmem>>
        %dma_wait3A_133 = arith.constant 0 : i32
        %dma_wait3A_134 = tpu.memref_slice %arg5[%multiple_of3A_119, %dma_wait3A_133] : memref<20224x128xf32, #tpu.memory_space<hbm>> -> memref<112x128xf32, #tpu.memory_space<hbm>>
        %dma_wait3A_135 = arith.constant 0 : i32
        %dma_wait3A_136 = tpu.memref_slice %arg5[%multiple_of3A_119, %dma_wait3A_135] : memref<20224x128xf32, #tpu.memory_space<hbm>> -> memref<112x128xf32, #tpu.memory_space<hbm>>
        %dma_wait3A_137 = arith.constant 0 : i32
        %dma_wait3A_138 = arith.constant 0 : i32
        %dma_wait3A_139 = tpu.memref_slice %arg10[%dma_wait3A_137, %dma_wait3A_138] : memref<112x128xf32, #tpu.memory_space<vmem>> -> memref<112x128xf32, #tpu.memory_space<vmem>>
        tpu.wait_dma2 semaphore(%run_scoped3A : memref<!tpu.dma_semaphore, #tpu.memory_space<semaphore_mem>>) src(%dma_wait3A_139 : memref<112x128xf32, #tpu.memory_space<vmem>>) dst(%dma_wait3A_136 : memref<112x128xf32, #tpu.memory_space<hbm>>)
        tpu.yield
      }) : () -> ()
    }
    %scan3A_103 = arith.constant 5 : i32
    %add3A_104 = arith.constant 560 : i32
    %add3A_105 = arith.addi %multiple_of3A, %add3A_104 : i32
    %multiple_of3A_106 = tpu.assume_multiple %add3A_105, 8 : i32
    "tpu.region"() ({
      %run_scoped3A = tpu.sem_alloc : memref<!tpu.dma_semaphore, #tpu.memory_space<semaphore_mem>>
      %dma_start3A_111 = arith.constant 0 : i32
      %dma_start3A_112 = arith.constant 0 : i32
      %dma_start3A_113 = tpu.memref_slice %arg10[%dma_start3A_111, %dma_start3A_112] : memref<112x128xf32, #tpu.memory_space<vmem>> -> memref<72x128xf32, #tpu.memory_space<vmem>>
      %dma_start3A_114 = arith.constant 0 : i32
      %dma_start3A_115 = tpu.memref_slice %arg12[%multiple_of3A_106, %dma_start3A_114] : memref<10112x128xf32, #tpu.memory_space<vmem_shared>> -> memref<72x128xf32, #tpu.memory_space<vmem_shared>>
      %dma_start3A_116 = arith.constant 0 : i32
      %dma_start3A_117 = arith.constant 0 : i32
      %dma_start3A_118 = tpu.memref_slice %arg10[%dma_start3A_116, %dma_start3A_117] : memref<112x128xf32, #tpu.memory_space<vmem>> -> memref<72x128xf32, #tpu.memory_space<vmem>>
      %dma_start3A_119 = arith.constant 0 : i32
      %dma_start3A_120 = tpu.memref_slice %arg12[%multiple_of3A_106, %dma_start3A_119] : memref<10112x128xf32, #tpu.memory_space<vmem_shared>> -> memref<72x128xf32, #tpu.memory_space<vmem_shared>>
      tpu.enqueue_dma source(%dma_start3A_120 : memref<72x128xf32, #tpu.memory_space<vmem_shared>>) target(%dma_start3A_118 : memref<72x128xf32, #tpu.memory_space<vmem>>) target_semaphore(%run_scoped3A : memref<!tpu.dma_semaphore, #tpu.memory_space<semaphore_mem>>)
      %dma_wait3A_121 = arith.constant 0 : i32
      %dma_wait3A_122 = arith.constant 0 : i32
      %dma_wait3A_123 = tpu.memref_slice %arg10[%dma_wait3A_121, %dma_wait3A_122] : memref<112x128xf32, #tpu.memory_space<vmem>> -> memref<72x128xf32, #tpu.memory_space<vmem>>
      %dma_wait3A_124 = arith.constant 0 : i32
      %dma_wait3A_125 = tpu.memref_slice %arg12[%multiple_of3A_106, %dma_wait3A_124] : memref<10112x128xf32, #tpu.memory_space<vmem_shared>> -> memref<72x128xf32, #tpu.memory_space<vmem_shared>>
      %dma_wait3A_126 = arith.constant 0 : i32
      %dma_wait3A_127 = arith.constant 0 : i32
      %dma_wait3A_128 = tpu.memref_slice %arg10[%dma_wait3A_126, %dma_wait3A_127] : memref<112x128xf32, #tpu.memory_space<vmem>> -> memref<72x128xf32, #tpu.memory_space<vmem>>
      %dma_wait3A_129 = arith.constant 0 : i32
      %dma_wait3A_130 = tpu.memref_slice %arg12[%multiple_of3A_106, %dma_wait3A_129] : memref<10112x128xf32, #tpu.memory_space<vmem_shared>> -> memref<72x128xf32, #tpu.memory_space<vmem_shared>>
      tpu.wait_dma2 semaphore(%run_scoped3A : memref<!tpu.dma_semaphore, #tpu.memory_space<semaphore_mem>>) src(%dma_wait3A_130 : memref<72x128xf32, #tpu.memory_space<vmem_shared>>) dst(%dma_wait3A_128 : memref<72x128xf32, #tpu.memory_space<vmem>>)
      tpu.yield
    }) : () -> ()
    %mul3A_107 = arith.constant 10112 : i32
    %mul3A_108 = arith.muli %arg0, %mul3A_107 : i32
    %add3A_109 = arith.addi %mul3A_108, %multiple_of3A_106 : i32
    %multiple_of3A_110 = tpu.assume_multiple %add3A_109, 8 : i32
    "tpu.region"() ({
      %run_scoped3A = tpu.sem_alloc : memref<!tpu.dma_semaphore, #tpu.memory_space<semaphore_mem>>
      %dma_start3A_111 = arith.constant 0 : i32
      %dma_start3A_112 = arith.constant 0 : i32
      %dma_start3A_113 = tpu.memref_slice %arg10[%dma_start3A_111, %dma_start3A_112] : memref<112x128xf32, #tpu.memory_space<vmem>> -> memref<72x128xf32, #tpu.memory_space<vmem>>
      %dma_start3A_114 = arith.constant 0 : i32
      %dma_start3A_115 = tpu.memref_slice %arg5[%multiple_of3A_110, %dma_start3A_114] : memref<20224x128xf32, #tpu.memory_space<hbm>> -> memref<72x128xf32, #tpu.memory_space<hbm>>
      %dma_start3A_116 = arith.constant 0 : i32
      %dma_start3A_117 = tpu.memref_slice %arg5[%multiple_of3A_110, %dma_start3A_116] : memref<20224x128xf32, #tpu.memory_space<hbm>> -> memref<72x128xf32, #tpu.memory_space<hbm>>
      %dma_start3A_118 = arith.constant 0 : i32
      %dma_start3A_119 = arith.constant 0 : i32
      %dma_start3A_120 = tpu.memref_slice %arg10[%dma_start3A_118, %dma_start3A_119] : memref<112x128xf32, #tpu.memory_space<vmem>> -> memref<72x128xf32, #tpu.memory_space<vmem>>
      tpu.enqueue_dma source(%dma_start3A_120 : memref<72x128xf32, #tpu.memory_space<vmem>>) target(%dma_start3A_117 : memref<72x128xf32, #tpu.memory_space<hbm>>) target_semaphore(%run_scoped3A : memref<!tpu.dma_semaphore, #tpu.memory_space<semaphore_mem>>)
      %dma_wait3A_121 = arith.constant 0 : i32
      %dma_wait3A_122 = arith.constant 0 : i32
      %dma_wait3A_123 = tpu.memref_slice %arg10[%dma_wait3A_121, %dma_wait3A_122] : memref<112x128xf32, #tpu.memory_space<vmem>> -> memref<72x128xf32, #tpu.memory_space<vmem>>
      %dma_wait3A_124 = arith.constant 0 : i32
      %dma_wait3A_125 = tpu.memref_slice %arg5[%multiple_of3A_110, %dma_wait3A_124] : memref<20224x128xf32, #tpu.memory_space<hbm>> -> memref<72x128xf32, #tpu.memory_space<hbm>>
      %dma_wait3A_126 = arith.constant 0 : i32
      %dma_wait3A_127 = tpu.memref_slice %arg5[%multiple_of3A_110, %dma_wait3A_126] : memref<20224x128xf32, #tpu.memory_space<hbm>> -> memref<72x128xf32, #tpu.memory_space<hbm>>
      %dma_wait3A_128 = arith.constant 0 : i32
      %dma_wait3A_129 = arith.constant 0 : i32
      %dma_wait3A_130 = tpu.memref_slice %arg10[%dma_wait3A_128, %dma_wait3A_129] : memref<112x128xf32, #tpu.memory_space<vmem>> -> memref<72x128xf32, #tpu.memory_space<vmem>>
      tpu.wait_dma2 semaphore(%run_scoped3A : memref<!tpu.dma_semaphore, #tpu.memory_space<semaphore_mem>>) src(%dma_wait3A_130 : memref<72x128xf32, #tpu.memory_space<vmem>>) dst(%dma_wait3A_127 : memref<72x128xf32, #tpu.memory_space<hbm>>)
      tpu.yield
    }) : () -> ()
    return
  }
}

#map = affine_map<(d0, d1) -> (0, 0)>
#map1 = affine_map<(d0, d1) -> (0)>
module attributes {stable_mosaic.version = 14 : i64} {
  func.func @_edge_body(%arg0: i32, %arg1: i32, %arg2: memref<80000x128xf32, #tpu.memory_space<hbm>>, %arg3: memref<322560xi32, #tpu.memory_space<hbm>>, %arg4: memref<322560xi32, #tpu.memory_space<hbm>>, %arg5: memref<20224x128xf32, #tpu.memory_space<hbm>>, %arg6: memref<112xi32, #tpu.memory_space<vmem>>, %arg7: memref<112xi32, #tpu.memory_space<vmem>>, %arg8: memref<112xi32, #tpu.memory_space<vmem>>, %arg9: memref<112xi32, #tpu.memory_space<vmem>>, %arg10: memref<112x128xf32, #tpu.memory_space<vmem>>, %arg11: memref<112x128xf32, #tpu.memory_space<vmem>>, %arg12: memref<10112x128xf32, #tpu.memory_space<vmem_shared>>, %arg13: memref<!tpu.dma_semaphore, #tpu.memory_space<semaphore_mem>>, %arg14: memref<!tpu.dma_semaphore, #tpu.memory_space<semaphore_mem>>, %arg15: memref<!tpu.dma_semaphore, #tpu.memory_space<semaphore_mem>>, %arg16: memref<!tpu.dma_semaphore, #tpu.memory_space<semaphore_mem>>) attributes {dimension_semantics = [#tpu.dimension_semantics<core_parallel>, #tpu.dimension_semantics<subcore_parallel>], iteration_bounds = array<i64: 2, 16>, scalar_prefetch = 0 : i64, scratch_operands = 11 : i64, tpu.core_type = #tpu.core_type<sc_vector_subcore>, window_params = [{transform_indices = #map}, {transform_indices = #map1}, {transform_indices = #map1}, {transform_indices = #map}]} {
    %mul3A = arith.constant 632 : i32
    %mul3A_0 = arith.muli %arg1, %mul3A : i32
    %multiple_of3A = tpu.assume_multiple %mul3A_0, 8 : i32
    %broadcast_in_dim3A = arith.constant 0.000000e+00 : f32
    %broadcast_in_dim3A_1 = vector.broadcast %broadcast_in_dim3A : f32 to vector<16xf32>
    %scan3A = arith.constant 0 : i32
    %scan3A_2 = arith.constant 0 : i32
    %scan3A_3 = arith.constant 896 : i32
    %scan3A_4 = arith.addi %scan3A_2, %scan3A_3 : i32
    %scan3A_5 = arith.constant 1 : i32
    scf.for %scan3A_111 = %scan3A_2 to %scan3A_4 step %scan3A_5  : i32 {
      %jit3A_112 = arith.constant 8 : i32
      %div3A_113 = arith.divsi %scan3A_111, %jit3A_112 : i32
      %sign3A_114 = arith.constant 0 : i32
      %sign3A_115 = arith.cmpi sgt, %scan3A_111, %sign3A_114 : i32
      %sign3A_116 = arith.extui %sign3A_115 : i1 to i32
      %sign3A_117 = arith.constant 0 : i32
      %sign3A_118 = arith.cmpi slt, %scan3A_111, %sign3A_117 : i32
      %sign3A_119 = arith.extui %sign3A_118 : i1 to i32
      %sign3A_120 = arith.subi %sign3A_116, %sign3A_119 : i32
      %sign3A_121 = arith.constant 0 : i32
      %sign3A_122 = arith.cmpi sgt, %jit3A_112, %sign3A_121 : i32
      %sign3A_123 = arith.extui %sign3A_122 : i1 to i32
      %sign3A_124 = arith.constant 0 : i32
      %sign3A_125 = arith.cmpi slt, %jit3A_112, %sign3A_124 : i32
      %sign3A_126 = arith.extui %sign3A_125 : i1 to i32
      %sign3A_127 = arith.subi %sign3A_123, %sign3A_126 : i32
      %ne3A_128 = arith.cmpi ne, %sign3A_120, %sign3A_127 : i32
      %rem3A_129 = arith.remsi %scan3A_111, %jit3A_112 : i32
      %ne3A_130 = arith.constant 0 : i32
      %ne3A_131 = arith.cmpi ne, %rem3A_129, %ne3A_130 : i32
      %and3A_132 = arith.andi %ne3A_128, %ne3A_131 : i1
      %sub3A_133 = arith.constant 1 : i32
      %sub3A_134 = arith.subi %div3A_113, %sub3A_133 : i32
      %select_n3A_135 = arith.select %and3A_132, %sub3A_134, %div3A_113 : i32
      %jit3A_136 = arith.constant 8 : i32
      %eq3A_137 = arith.constant 0 : i32
      %eq3A_138 = arith.cmpi eq, %jit3A_136, %eq3A_137 : i32
      %jit3A_139 = arith.constant 1 : i32
      %select_n3A_140 = arith.select %eq3A_138, %jit3A_139, %jit3A_136 : i32
      %rem3A_141 = arith.remsi %scan3A_111, %select_n3A_140 : i32
      %ne3A_142 = arith.constant 0 : i32
      %ne3A_143 = arith.cmpi ne, %rem3A_141, %ne3A_142 : i32
      %lt3A = arith.constant 0 : i32
      %lt3A_144 = arith.cmpi slt, %rem3A_141, %lt3A : i32
      %lt3A_145 = arith.constant 0 : i32
      %lt3A_146 = arith.cmpi slt, %select_n3A_140, %lt3A_145 : i32
      %ne3A_147 = arith.xori %lt3A_144, %lt3A_146 : i1
      %and3A_148 = arith.andi %ne3A_147, %ne3A_143 : i1
      %add3A_149 = arith.addi %rem3A_141, %select_n3A_140 : i32
      %select_n3A_150 = arith.select %and3A_148, %add3A_149, %rem3A_141 : i32
      %mul3A_151 = arith.constant 16 : i32
      %mul3A_152 = arith.muli %select_n3A_150, %mul3A_151 : i32
      %swap3A = arith.index_cast %select_n3A_135 : i32 to index
      %swap3A_153 = arith.index_cast %mul3A_152 : i32 to index
      %swap3A_154 = tpu.vector_load %arg10[%swap3A, %swap3A_153] {strides = array<i32>} : memref<112x128xf32, #tpu.memory_space<vmem>>, vector<1x16xf32>,
      %swap3A_155 = vector.shape_cast %swap3A_154 : vector<1x16xf32> to vector<16xf32>
      %swap3A_156 = vector.shape_cast %broadcast_in_dim3A_1 : vector<16xf32> to vector<1x16xf32>
      tpu.vector_store %arg10[%swap3A, %swap3A_153], %swap3A_156 {strides = array<i32>} : memref<112x128xf32, #tpu.memory_space<vmem>>, vector<1x16xf32>,
    }
    %scan3A_6 = arith.constant 896 : i32
    %scan3A_7 = arith.constant 0 : i32
    %scan3A_8 = arith.constant 0 : i32
    %scan3A_9 = arith.constant 5 : i32
    %scan3A_10 = arith.addi %scan3A_8, %scan3A_9 : i32
    %scan3A_11 = arith.constant 1 : i32
    scf.for %scan3A_111 = %scan3A_8 to %scan3A_10 step %scan3A_11  : i32 {
      %mul3A_112 = arith.constant 112 : i32
      %mul3A_113 = arith.muli %scan3A_111, %mul3A_112 : i32
      %add3A_114 = arith.addi %multiple_of3A, %mul3A_113 : i32
      %multiple_of3A_115 = tpu.assume_multiple %add3A_114, 8 : i32
      "tpu.region"() ({
        %run_scoped3A = tpu.sem_alloc : memref<!tpu.dma_semaphore, #tpu.memory_space<semaphore_mem>>
        %dma_start3A_116 = arith.constant 0 : i32
        %dma_start3A_117 = arith.constant 0 : i32
        %dma_start3A_118 = tpu.memref_slice %arg10[%dma_start3A_116, %dma_start3A_117] : memref<112x128xf32, #tpu.memory_space<vmem>> -> memref<112x128xf32, #tpu.memory_space<vmem>>
        %dma_start3A_119 = arith.constant 0 : i32
        %dma_start3A_120 = tpu.memref_slice %arg12[%multiple_of3A_115, %dma_start3A_119] : memref<10112x128xf32, #tpu.memory_space<vmem_shared>> -> memref<112x128xf32, #tpu.memory_space<vmem_shared>>
        %dma_start3A_121 = arith.constant 0 : i32
        %dma_start3A_122 = tpu.memref_slice %arg12[%multiple_of3A_115, %dma_start3A_121] : memref<10112x128xf32, #tpu.memory_space<vmem_shared>> -> memref<112x128xf32, #tpu.memory_space<vmem_shared>>
        %dma_start3A_123 = arith.constant 0 : i32
        %dma_start3A_124 = arith.constant 0 : i32
        %dma_start3A_125 = tpu.memref_slice %arg10[%dma_start3A_123, %dma_start3A_124] : memref<112x128xf32, #tpu.memory_space<vmem>> -> memref<112x128xf32, #tpu.memory_space<vmem>>
        tpu.enqueue_dma source(%dma_start3A_125 : memref<112x128xf32, #tpu.memory_space<vmem>>) target(%dma_start3A_122 : memref<112x128xf32, #tpu.memory_space<vmem_shared>>) target_semaphore(%run_scoped3A : memref<!tpu.dma_semaphore, #tpu.memory_space<semaphore_mem>>)
        %dma_wait3A_126 = arith.constant 0 : i32
        %dma_wait3A_127 = arith.constant 0 : i32
        %dma_wait3A_128 = tpu.memref_slice %arg10[%dma_wait3A_126, %dma_wait3A_127] : memref<112x128xf32, #tpu.memory_space<vmem>> -> memref<112x128xf32, #tpu.memory_space<vmem>>
        %dma_wait3A_129 = arith.constant 0 : i32
        %dma_wait3A_130 = tpu.memref_slice %arg12[%multiple_of3A_115, %dma_wait3A_129] : memref<10112x128xf32, #tpu.memory_space<vmem_shared>> -> memref<112x128xf32, #tpu.memory_space<vmem_shared>>
        %dma_wait3A_131 = arith.constant 0 : i32
        %dma_wait3A_132 = tpu.memref_slice %arg12[%multiple_of3A_115, %dma_wait3A_131] : memref<10112x128xf32, #tpu.memory_space<vmem_shared>> -> memref<112x128xf32, #tpu.memory_space<vmem_shared>>
        %dma_wait3A_133 = arith.constant 0 : i32
        %dma_wait3A_134 = arith.constant 0 : i32
        %dma_wait3A_135 = tpu.memref_slice %arg10[%dma_wait3A_133, %dma_wait3A_134] : memref<112x128xf32, #tpu.memory_space<vmem>> -> memref<112x128xf32, #tpu.memory_space<vmem>>
        tpu.wait_dma2 semaphore(%run_scoped3A : memref<!tpu.dma_semaphore, #tpu.memory_space<semaphore_mem>>) src(%dma_wait3A_135 : memref<112x128xf32, #tpu.memory_space<vmem>>) dst(%dma_wait3A_132 : memref<112x128xf32, #tpu.memory_space<vmem_shared>>)
        tpu.yield
      }) : () -> ()
    }
    %scan3A_12 = arith.constant 5 : i32
    %add3A = arith.constant 560 : i32
    %add3A_13 = arith.addi %multiple_of3A, %add3A : i32
    %multiple_of3A_14 = tpu.assume_multiple %add3A_13, 8 : i32
    "tpu.region"() ({
      %run_scoped3A = tpu.sem_alloc : memref<!tpu.dma_semaphore, #tpu.memory_space<semaphore_mem>>
      %dma_start3A_111 = arith.constant 0 : i32
      %dma_start3A_112 = arith.constant 0 : i32
      %dma_start3A_113 = tpu.memref_slice %arg10[%dma_start3A_111, %dma_start3A_112] : memref<112x128xf32, #tpu.memory_space<vmem>> -> memref<72x128xf32, #tpu.memory_space<vmem>>
      %dma_start3A_114 = arith.constant 0 : i32
      %dma_start3A_115 = tpu.memref_slice %arg12[%multiple_of3A_14, %dma_start3A_114] : memref<10112x128xf32, #tpu.memory_space<vmem_shared>> -> memref<72x128xf32, #tpu.memory_space<vmem_shared>>
      %dma_start3A_116 = arith.constant 0 : i32
      %dma_start3A_117 = tpu.memref_slice %arg12[%multiple_of3A_14, %dma_start3A_116] : memref<10112x128xf32, #tpu.memory_space<vmem_shared>> -> memref<72x128xf32, #tpu.memory_space<vmem_shared>>
      %dma_start3A_118 = arith.constant 0 : i32
      %dma_start3A_119 = arith.constant 0 : i32
      %dma_start3A_120 = tpu.memref_slice %arg10[%dma_start3A_118, %dma_start3A_119] : memref<112x128xf32, #tpu.memory_space<vmem>> -> memref<72x128xf32, #tpu.memory_space<vmem>>
      tpu.enqueue_dma source(%dma_start3A_120 : memref<72x128xf32, #tpu.memory_space<vmem>>) target(%dma_start3A_117 : memref<72x128xf32, #tpu.memory_space<vmem_shared>>) target_semaphore(%run_scoped3A : memref<!tpu.dma_semaphore, #tpu.memory_space<semaphore_mem>>)
      %dma_wait3A_121 = arith.constant 0 : i32
      %dma_wait3A_122 = arith.constant 0 : i32
      %dma_wait3A_123 = tpu.memref_slice %arg10[%dma_wait3A_121, %dma_wait3A_122] : memref<112x128xf32, #tpu.memory_space<vmem>> -> memref<72x128xf32, #tpu.memory_space<vmem>>
      %dma_wait3A_124 = arith.constant 0 : i32
      %dma_wait3A_125 = tpu.memref_slice %arg12[%multiple_of3A_14, %dma_wait3A_124] : memref<10112x128xf32, #tpu.memory_space<vmem_shared>> -> memref<72x128xf32, #tpu.memory_space<vmem_shared>>
      %dma_wait3A_126 = arith.constant 0 : i32
      %dma_wait3A_127 = tpu.memref_slice %arg12[%multiple_of3A_14, %dma_wait3A_126] : memref<10112x128xf32, #tpu.memory_space<vmem_shared>> -> memref<72x128xf32, #tpu.memory_space<vmem_shared>>
      %dma_wait3A_128 = arith.constant 0 : i32
      %dma_wait3A_129 = arith.constant 0 : i32
      %dma_wait3A_130 = tpu.memref_slice %arg10[%dma_wait3A_128, %dma_wait3A_129] : memref<112x128xf32, #tpu.memory_space<vmem>> -> memref<72x128xf32, #tpu.memory_space<vmem>>
      tpu.wait_dma2 semaphore(%run_scoped3A : memref<!tpu.dma_semaphore, #tpu.memory_space<semaphore_mem>>) src(%dma_wait3A_130 : memref<72x128xf32, #tpu.memory_space<vmem>>) dst(%dma_wait3A_127 : memref<72x128xf32, #tpu.memory_space<vmem_shared>>)
      tpu.yield
    }) : () -> ()
    %barrier3A = arith.constant 0 : index
    tpu.barrier barrier_id(%barrier3A)
    %eq3A = arith.constant 0 : i32
    %eq3A_15 = arith.cmpi eq, %arg0, %eq3A : i32
    %jit3A = arith.constant 140 : i32
    %jit3A_16 = arith.constant 40 : i32
    %select_n3A = arith.select %eq3A_15, %jit3A, %jit3A_16 : i32
    %mul3A_17 = arith.constant 2240 : i32
    %mul3A_18 = arith.muli %arg0, %mul3A_17 : i32
    %mul3A_19 = arith.muli %arg1, %select_n3A : i32
    %add3A_20 = arith.addi %mul3A_18, %mul3A_19 : i32
    %mul3A_21 = arith.constant 112 : i32
    %mul3A_22 = arith.muli %add3A_20, %mul3A_21 : i32
    %sub3A = arith.constant 1 : i32
    %sub3A_23 = arith.subi %select_n3A, %sub3A : i32
    %min3A = arith.constant 0 : i32
    %min3A_24 = arith.minsi %min3A, %sub3A_23 : i32
    %mul3A_25 = arith.constant 112 : i32
    %mul3A_26 = arith.muli %min3A_24, %mul3A_25 : i32
    %add3A_27 = arith.addi %mul3A_22, %mul3A_26 : i32
    %multiple_of3A_28 = tpu.assume_multiple %add3A_27, 8 : i32
    "tpu.region"() ({
      %run_scoped3A = tpu.sem_alloc : memref<!tpu.dma_semaphore, #tpu.memory_space<semaphore_mem>>
      %dma_start3A_111 = tpu.memref_slice %arg3[%multiple_of3A_28] : memref<322560xi32, #tpu.memory_space<hbm>> -> memref<112xi32, #tpu.memory_space<hbm>>
      %dma_start3A_112 = tpu.memref_slice %arg3[%multiple_of3A_28] : memref<322560xi32, #tpu.memory_space<hbm>> -> memref<112xi32, #tpu.memory_space<hbm>>
      tpu.enqueue_dma source(%dma_start3A_112 : memref<112xi32, #tpu.memory_space<hbm>>) target(%arg6 : memref<112xi32, #tpu.memory_space<vmem>>) target_semaphore(%run_scoped3A : memref<!tpu.dma_semaphore, #tpu.memory_space<semaphore_mem>>)
      %dma_wait3A_113 = tpu.memref_slice %arg3[%multiple_of3A_28] : memref<322560xi32, #tpu.memory_space<hbm>> -> memref<112xi32, #tpu.memory_space<hbm>>
      %dma_wait3A_114 = tpu.memref_slice %arg3[%multiple_of3A_28] : memref<322560xi32, #tpu.memory_space<hbm>> -> memref<112xi32, #tpu.memory_space<hbm>>
      tpu.wait_dma2 semaphore(%run_scoped3A : memref<!tpu.dma_semaphore, #tpu.memory_space<semaphore_mem>>) src(%dma_wait3A_114 : memref<112xi32, #tpu.memory_space<hbm>>) dst(%arg6 : memref<112xi32, #tpu.memory_space<vmem>>)
      tpu.yield
    }) : () -> ()
    %sub3A_29 = arith.constant 1 : i32
    %sub3A_30 = arith.subi %select_n3A, %sub3A_29 : i32
    %min3A_31 = arith.constant 0 : i32
    %min3A_32 = arith.minsi %min3A_31, %sub3A_30 : i32
    %mul3A_33 = arith.constant 112 : i32
    %mul3A_34 = arith.muli %min3A_32, %mul3A_33 : i32
    %add3A_35 = arith.addi %mul3A_22, %mul3A_34 : i32
    %multiple_of3A_36 = tpu.assume_multiple %add3A_35, 8 : i32
    "tpu.region"() ({
      %run_scoped3A = tpu.sem_alloc : memref<!tpu.dma_semaphore, #tpu.memory_space<semaphore_mem>>
      %dma_start3A_111 = tpu.memref_slice %arg4[%multiple_of3A_36] : memref<322560xi32, #tpu.memory_space<hbm>> -> memref<112xi32, #tpu.memory_space<hbm>>
      %dma_start3A_112 = tpu.memref_slice %arg4[%multiple_of3A_36] : memref<322560xi32, #tpu.memory_space<hbm>> -> memref<112xi32, #tpu.memory_space<hbm>>
      tpu.enqueue_dma source(%dma_start3A_112 : memref<112xi32, #tpu.memory_space<hbm>>) target(%arg8 : memref<112xi32, #tpu.memory_space<vmem>>) target_semaphore(%run_scoped3A : memref<!tpu.dma_semaphore, #tpu.memory_space<semaphore_mem>>)
      %dma_wait3A_113 = tpu.memref_slice %arg4[%multiple_of3A_36] : memref<322560xi32, #tpu.memory_space<hbm>> -> memref<112xi32, #tpu.memory_space<hbm>>
      %dma_wait3A_114 = tpu.memref_slice %arg4[%multiple_of3A_36] : memref<322560xi32, #tpu.memory_space<hbm>> -> memref<112xi32, #tpu.memory_space<hbm>>
      tpu.wait_dma2 semaphore(%run_scoped3A : memref<!tpu.dma_semaphore, #tpu.memory_space<semaphore_mem>>) src(%dma_wait3A_114 : memref<112xi32, #tpu.memory_space<hbm>>) dst(%arg8 : memref<112xi32, #tpu.memory_space<vmem>>)
      tpu.yield
    }) : () -> ()
    %dma_start3A = arith.constant 0 : i32
    %dma_start3A_37 = arith.constant 0 : i32
    %dma_start3A_38 = tpu.memref_slice %arg2[%dma_start3A, %dma_start3A_37] : memref<80000x128xf32, #tpu.memory_space<hbm>> -> memref<80000x128xf32, #tpu.memory_space<hbm>>
    tpu.enqueue_indirect_dma source(%dma_start3A_38 : memref<80000x128xf32, #tpu.memory_space<hbm>>) target(%arg10 : memref<112x128xf32, #tpu.memory_space<vmem>>) offsets(%arg6 : memref<112xi32, #tpu.memory_space<vmem>>) semaphore(%arg13 : memref<!tpu.dma_semaphore, #tpu.memory_space<semaphore_mem>>)
    %sub3A_39 = arith.constant 1 : i32
    %sub3A_40 = arith.subi %select_n3A, %sub3A_39 : i32
    %min3A_41 = arith.constant 1 : i32
    %min3A_42 = arith.minsi %min3A_41, %sub3A_40 : i32
    %mul3A_43 = arith.constant 112 : i32
    %mul3A_44 = arith.muli %min3A_42, %mul3A_43 : i32
    %add3A_45 = arith.addi %mul3A_22, %mul3A_44 : i32
    %multiple_of3A_46 = tpu.assume_multiple %add3A_45, 8 : i32
    %dma_start3A_47 = tpu.memref_slice %arg3[%multiple_of3A_46] : memref<322560xi32, #tpu.memory_space<hbm>> -> memref<112xi32, #tpu.memory_space<hbm>>
    %dma_start3A_48 = tpu.memref_slice %arg3[%multiple_of3A_46] : memref<322560xi32, #tpu.memory_space<hbm>> -> memref<112xi32, #tpu.memory_space<hbm>>
    tpu.enqueue_dma source(%dma_start3A_48 : memref<112xi32, #tpu.memory_space<hbm>>) target(%arg7 : memref<112xi32, #tpu.memory_space<vmem>>) target_semaphore(%arg16 : memref<!tpu.dma_semaphore, #tpu.memory_space<semaphore_mem>>)
    %sub3A_49 = arith.constant 1 : i32
    %sub3A_50 = arith.subi %select_n3A, %sub3A_49 : i32
    %min3A_51 = arith.constant 1 : i32
    %min3A_52 = arith.minsi %min3A_51, %sub3A_50 : i32
    %mul3A_53 = arith.constant 112 : i32
    %mul3A_54 = arith.muli %min3A_52, %mul3A_53 : i32
    %add3A_55 = arith.addi %mul3A_22, %mul3A_54 : i32
    %multiple_of3A_56 = tpu.assume_multiple %add3A_55, 8 : i32
    %dma_start3A_57 = tpu.memref_slice %arg4[%multiple_of3A_56] : memref<322560xi32, #tpu.memory_space<hbm>> -> memref<112xi32, #tpu.memory_space<hbm>>
    %dma_start3A_58 = tpu.memref_slice %arg4[%multiple_of3A_56] : memref<322560xi32, #tpu.memory_space<hbm>> -> memref<112xi32, #tpu.memory_space<hbm>>
    tpu.enqueue_dma source(%dma_start3A_58 : memref<112xi32, #tpu.memory_space<hbm>>) target(%arg9 : memref<112xi32, #tpu.memory_space<vmem>>) target_semaphore(%arg16 : memref<!tpu.dma_semaphore, #tpu.memory_space<semaphore_mem>>)
    %jit3A_59 = arith.constant 2 : i32
    %div3A = arith.divsi %select_n3A, %jit3A_59 : i32
    %sign3A = arith.constant 0 : i32
    %sign3A_60 = arith.cmpi sgt, %select_n3A, %sign3A : i32
    %sign3A_61 = arith.extui %sign3A_60 : i1 to i32
    %sign3A_62 = arith.constant 0 : i32
    %sign3A_63 = arith.cmpi slt, %select_n3A, %sign3A_62 : i32
    %sign3A_64 = arith.extui %sign3A_63 : i1 to i32
    %sign3A_65 = arith.subi %sign3A_61, %sign3A_64 : i32
    %sign3A_66 = arith.constant 0 : i32
    %sign3A_67 = arith.cmpi sgt, %jit3A_59, %sign3A_66 : i32
    %sign3A_68 = arith.extui %sign3A_67 : i1 to i32
    %sign3A_69 = arith.constant 0 : i32
    %sign3A_70 = arith.cmpi slt, %jit3A_59, %sign3A_69 : i32
    %sign3A_71 = arith.extui %sign3A_70 : i1 to i32
    %sign3A_72 = arith.subi %sign3A_68, %sign3A_71 : i32
    %ne3A = arith.cmpi ne, %sign3A_65, %sign3A_72 : i32
    %rem3A = arith.remsi %select_n3A, %jit3A_59 : i32
    %ne3A_73 = arith.constant 0 : i32
    %ne3A_74 = arith.cmpi ne, %rem3A, %ne3A_73 : i32
    %and3A = arith.andi %ne3A, %ne3A_74 : i1
    %sub3A_75 = arith.constant 1 : i32
    %sub3A_76 = arith.subi %div3A, %sub3A_75 : i32
    %select_n3A_77 = arith.select %and3A, %sub3A_76, %div3A : i32
    %while3A = arith.constant 0 : i32
    %while3A_78 = arith.constant 0 : i32
    %while3A_79 = arith.subi %select_n3A_77, %while3A_78 : i32
    %while3A_80 = arith.addi %while3A_78, %while3A_79 : i32
    %while3A_81 = arith.constant 1 : i32
    %while3A_82 = arith.divsi %while3A_79, %while3A_81 : i32
    %while3A_83 = arith.muli %while3A_82, %while3A_81 : i32
    %while3A_84 = arith.addi %while3A_78, %while3A_83 : i32
    %while3A_85 = arith.constant 1 : i32
    scf.for %while3A_111 = %while3A_78 to %while3A_84 step %while3A_85  : i32 {
      %mul3A_112 = arith.constant 2 : i32
      %mul3A_113 = arith.muli %mul3A_112, %while3A_111 : i32
      %add3A_114 = arith.constant 0 : i32
      %add3A_115 = arith.addi %mul3A_113, %add3A_114 : i32
      %dma_wait3A_116 = arith.constant 0 : i32
      %dma_wait3A_117 = tpu.memref_slice %arg3[%dma_wait3A_116] : memref<322560xi32, #tpu.memory_space<hbm>> -> memref<112xi32, #tpu.memory_space<hbm>>
      %dma_wait3A_118 = arith.constant 0 : i32
      %dma_wait3A_119 = tpu.memref_slice %arg3[%dma_wait3A_118] : memref<322560xi32, #tpu.memory_space<hbm>> -> memref<112xi32, #tpu.memory_space<hbm>>
      tpu.wait_dma2 semaphore(%arg16 : memref<!tpu.dma_semaphore, #tpu.memory_space<semaphore_mem>>) src(%dma_wait3A_119 : memref<112xi32, #tpu.memory_space<hbm>>) dst(%arg7 : memref<112xi32, #tpu.memory_space<vmem>>)
      %dma_wait3A_120 = arith.constant 0 : i32
      %dma_wait3A_121 = tpu.memref_slice %arg4[%dma_wait3A_120] : memref<322560xi32, #tpu.memory_space<hbm>> -> memref<112xi32, #tpu.memory_space<hbm>>
      %dma_wait3A_122 = arith.constant 0 : i32
      %dma_wait3A_123 = tpu.memref_slice %arg4[%dma_wait3A_122] : memref<322560xi32, #tpu.memory_space<hbm>> -> memref<112xi32, #tpu.memory_space<hbm>>
      tpu.wait_dma2 semaphore(%arg16 : memref<!tpu.dma_semaphore, #tpu.memory_space<semaphore_mem>>) src(%dma_wait3A_123 : memref<112xi32, #tpu.memory_space<hbm>>) dst(%arg9 : memref<112xi32, #tpu.memory_space<vmem>>)
      %dma_start3A_124 = arith.constant 0 : i32
      %dma_start3A_125 = arith.constant 0 : i32
      %dma_start3A_126 = tpu.memref_slice %arg2[%dma_start3A_124, %dma_start3A_125] : memref<80000x128xf32, #tpu.memory_space<hbm>> -> memref<80000x128xf32, #tpu.memory_space<hbm>>
      tpu.enqueue_indirect_dma source(%dma_start3A_126 : memref<80000x128xf32, #tpu.memory_space<hbm>>) target(%arg11 : memref<112x128xf32, #tpu.memory_space<vmem>>) offsets(%arg7 : memref<112xi32, #tpu.memory_space<vmem>>) semaphore(%arg14 : memref<!tpu.dma_semaphore, #tpu.memory_space<semaphore_mem>>)
      %dma_wait3A_127 = arith.constant 0 : i32
      %dma_wait3A_128 = arith.constant 0 : i32
      %dma_wait3A_129 = tpu.memref_slice %arg2[%dma_wait3A_127, %dma_wait3A_128] : memref<80000x128xf32, #tpu.memory_space<hbm>> -> memref<80000x128xf32, #tpu.memory_space<hbm>>
      tpu.wait_indirect_dma semaphore(%arg13 : memref<!tpu.dma_semaphore, #tpu.memory_space<semaphore_mem>>) src(%dma_wait3A_129 : memref<80000x128xf32, #tpu.memory_space<hbm>>) dst(%arg10 : memref<112x128xf32, #tpu.memory_space<vmem>>)
      "tpu.region"() ({
        %run_scoped3A = tpu.sem_alloc : memref<!tpu.dma_semaphore, #tpu.memory_space<semaphore_mem>>
        %dma_start3A_192 = arith.constant 0 : i32
        %dma_start3A_193 = arith.constant 0 : i32
        %dma_start3A_194 = tpu.memref_slice %arg12[%dma_start3A_192, %dma_start3A_193] : memref<10112x128xf32, #tpu.memory_space<vmem_shared>> -> memref<10112x128xf32, #tpu.memory_space<vmem_shared>>
        tpu.enqueue_indirect_dma source(%arg10 : memref<112x128xf32, #tpu.memory_space<vmem>>) target(%dma_start3A_194 : memref<10112x128xf32, #tpu.memory_space<vmem_shared>>) offsets(%arg8 : memref<112xi32, #tpu.memory_space<vmem>>) semaphore(%run_scoped3A : memref<!tpu.dma_semaphore, #tpu.memory_space<semaphore_mem>>) {add = true}
        %dma_wait3A_195 = arith.constant 0 : i32
        %dma_wait3A_196 = arith.constant 0 : i32
        %dma_wait3A_197 = tpu.memref_slice %arg12[%dma_wait3A_195, %dma_wait3A_196] : memref<10112x128xf32, #tpu.memory_space<vmem_shared>> -> memref<10112x128xf32, #tpu.memory_space<vmem_shared>>
        tpu.wait_indirect_dma semaphore(%run_scoped3A : memref<!tpu.dma_semaphore, #tpu.memory_space<semaphore_mem>>) src(%arg10 : memref<112x128xf32, #tpu.memory_space<vmem>>) dst(%dma_wait3A_197 : memref<10112x128xf32, #tpu.memory_space<vmem_shared>>)
        tpu.yield
      }) : () -> ()
      %add3A_130 = arith.constant 2 : i32
      %add3A_131 = arith.addi %add3A_115, %add3A_130 : i32
      %sub3A_132 = arith.constant 1 : i32
      %sub3A_133 = arith.subi %select_n3A, %sub3A_132 : i32
      %min3A_134 = arith.minsi %add3A_131, %sub3A_133 : i32
      %mul3A_135 = arith.constant 112 : i32
      %mul3A_136 = arith.muli %min3A_134, %mul3A_135 : i32
      %add3A_137 = arith.addi %mul3A_22, %mul3A_136 : i32
      %multiple_of3A_138 = tpu.assume_multiple %add3A_137, 8 : i32
      %dma_start3A_139 = tpu.memref_slice %arg3[%multiple_of3A_138] : memref<322560xi32, #tpu.memory_space<hbm>> -> memref<112xi32, #tpu.memory_space<hbm>>
      %dma_start3A_140 = tpu.memref_slice %arg3[%multiple_of3A_138] : memref<322560xi32, #tpu.memory_space<hbm>> -> memref<112xi32, #tpu.memory_space<hbm>>
      tpu.enqueue_dma source(%dma_start3A_140 : memref<112xi32, #tpu.memory_space<hbm>>) target(%arg6 : memref<112xi32, #tpu.memory_space<vmem>>) target_semaphore(%arg15 : memref<!tpu.dma_semaphore, #tpu.memory_space<semaphore_mem>>)
      %add3A_141 = arith.constant 2 : i32
      %add3A_142 = arith.addi %add3A_115, %add3A_141 : i32
      %sub3A_143 = arith.constant 1 : i32
      %sub3A_144 = arith.subi %select_n3A, %sub3A_143 : i32
      %min3A_145 = arith.minsi %add3A_142, %sub3A_144 : i32
      %mul3A_146 = arith.constant 112 : i32
      %mul3A_147 = arith.muli %min3A_145, %mul3A_146 : i32
      %add3A_148 = arith.addi %mul3A_22, %mul3A_147 : i32
      %multiple_of3A_149 = tpu.assume_multiple %add3A_148, 8 : i32
      %dma_start3A_150 = tpu.memref_slice %arg4[%multiple_of3A_149] : memref<322560xi32, #tpu.memory_space<hbm>> -> memref<112xi32, #tpu.memory_space<hbm>>
      %dma_start3A_151 = tpu.memref_slice %arg4[%multiple_of3A_149] : memref<322560xi32, #tpu.memory_space<hbm>> -> memref<112xi32, #tpu.memory_space<hbm>>
      tpu.enqueue_dma source(%dma_start3A_151 : memref<112xi32, #tpu.memory_space<hbm>>) target(%arg8 : memref<112xi32, #tpu.memory_space<vmem>>) target_semaphore(%arg15 : memref<!tpu.dma_semaphore, #tpu.memory_space<semaphore_mem>>)
      %mul3A_152 = arith.constant 2 : i32
      %mul3A_153 = arith.muli %mul3A_152, %while3A_111 : i32
      %add3A_154 = arith.constant 1 : i32
      %add3A_155 = arith.addi %mul3A_153, %add3A_154 : i32
      %dma_wait3A_156 = arith.constant 0 : i32
      %dma_wait3A_157 = tpu.memref_slice %arg3[%dma_wait3A_156] : memref<322560xi32, #tpu.memory_space<hbm>> -> memref<112xi32, #tpu.memory_space<hbm>>
      %dma_wait3A_158 = arith.constant 0 : i32
      %dma_wait3A_159 = tpu.memref_slice %arg3[%dma_wait3A_158] : memref<322560xi32, #tpu.memory_space<hbm>> -> memref<112xi32, #tpu.memory_space<hbm>>
      tpu.wait_dma2 semaphore(%arg15 : memref<!tpu.dma_semaphore, #tpu.memory_space<semaphore_mem>>) src(%dma_wait3A_159 : memref<112xi32, #tpu.memory_space<hbm>>) dst(%arg6 : memref<112xi32, #tpu.memory_space<vmem>>)
      %dma_wait3A_160 = arith.constant 0 : i32
      %dma_wait3A_161 = tpu.memref_slice %arg4[%dma_wait3A_160] : memref<322560xi32, #tpu.memory_space<hbm>> -> memref<112xi32, #tpu.memory_space<hbm>>
      %dma_wait3A_162 = arith.constant 0 : i32
      %dma_wait3A_163 = tpu.memref_slice %arg4[%dma_wait3A_162] : memref<322560xi32, #tpu.memory_space<hbm>> -> memref<112xi32, #tpu.memory_space<hbm>>
      tpu.wait_dma2 semaphore(%arg15 : memref<!tpu.dma_semaphore, #tpu.memory_space<semaphore_mem>>) src(%dma_wait3A_163 : memref<112xi32, #tpu.memory_space<hbm>>) dst(%arg8 : memref<112xi32, #tpu.memory_space<vmem>>)
      %dma_start3A_164 = arith.constant 0 : i32
      %dma_start3A_165 = arith.constant 0 : i32
      %dma_start3A_166 = tpu.memref_slice %arg2[%dma_start3A_164, %dma_start3A_165] : memref<80000x128xf32, #tpu.memory_space<hbm>> -> memref<80000x128xf32, #tpu.memory_space<hbm>>
      tpu.enqueue_indirect_dma source(%dma_start3A_166 : memref<80000x128xf32, #tpu.memory_space<hbm>>) target(%arg10 : memref<112x128xf32, #tpu.memory_space<vmem>>) offsets(%arg6 : memref<112xi32, #tpu.memory_space<vmem>>) semaphore(%arg13 : memref<!tpu.dma_semaphore, #tpu.memory_space<semaphore_mem>>)
      %dma_wait3A_167 = arith.constant 0 : i32
      %dma_wait3A_168 = arith.constant 0 : i32
      %dma_wait3A_169 = tpu.memref_slice %arg2[%dma_wait3A_167, %dma_wait3A_168] : memref<80000x128xf32, #tpu.memory_space<hbm>> -> memref<80000x128xf32, #tpu.memory_space<hbm>>
      tpu.wait_indirect_dma semaphore(%arg14 : memref<!tpu.dma_semaphore, #tpu.memory_space<semaphore_mem>>) src(%dma_wait3A_169 : memref<80000x128xf32, #tpu.memory_space<hbm>>) dst(%arg11 : memref<112x128xf32, #tpu.memory_space<vmem>>)
      "tpu.region"() ({
        %run_scoped3A = tpu.sem_alloc : memref<!tpu.dma_semaphore, #tpu.memory_space<semaphore_mem>>
        %dma_start3A_192 = arith.constant 0 : i32
        %dma_start3A_193 = arith.constant 0 : i32
        %dma_start3A_194 = tpu.memref_slice %arg12[%dma_start3A_192, %dma_start3A_193] : memref<10112x128xf32, #tpu.memory_space<vmem_shared>> -> memref<10112x128xf32, #tpu.memory_space<vmem_shared>>
        tpu.enqueue_indirect_dma source(%arg11 : memref<112x128xf32, #tpu.memory_space<vmem>>) target(%dma_start3A_194 : memref<10112x128xf32, #tpu.memory_space<vmem_shared>>) offsets(%arg9 : memref<112xi32, #tpu.memory_space<vmem>>) semaphore(%run_scoped3A : memref<!tpu.dma_semaphore, #tpu.memory_space<semaphore_mem>>) {add = true}
        %dma_wait3A_195 = arith.constant 0 : i32
        %dma_wait3A_196 = arith.constant 0 : i32
        %dma_wait3A_197 = tpu.memref_slice %arg12[%dma_wait3A_195, %dma_wait3A_196] : memref<10112x128xf32, #tpu.memory_space<vmem_shared>> -> memref<10112x128xf32, #tpu.memory_space<vmem_shared>>
        tpu.wait_indirect_dma semaphore(%run_scoped3A : memref<!tpu.dma_semaphore, #tpu.memory_space<semaphore_mem>>) src(%arg11 : memref<112x128xf32, #tpu.memory_space<vmem>>) dst(%dma_wait3A_197 : memref<10112x128xf32, #tpu.memory_space<vmem_shared>>)
        tpu.yield
      }) : () -> ()
      %add3A_170 = arith.constant 2 : i32
      %add3A_171 = arith.addi %add3A_155, %add3A_170 : i32
      %sub3A_172 = arith.constant 1 : i32
      %sub3A_173 = arith.subi %select_n3A, %sub3A_172 : i32
      %min3A_174 = arith.minsi %add3A_171, %sub3A_173 : i32
      %mul3A_175 = arith.constant 112 : i32
      %mul3A_176 = arith.muli %min3A_174, %mul3A_175 : i32
      %add3A_177 = arith.addi %mul3A_22, %mul3A_176 : i32
      %multiple_of3A_178 = tpu.assume_multiple %add3A_177, 8 : i32
      %dma_start3A_179 = tpu.memref_slice %arg3[%multiple_of3A_178] : memref<322560xi32, #tpu.memory_space<hbm>> -> memref<112xi32, #tpu.memory_space<hbm>>
      %dma_start3A_180 = tpu.memref_slice %arg3[%multiple_of3A_178] : memref<322560xi32, #tpu.memory_space<hbm>> -> memref<112xi32, #tpu.memory_space<hbm>>
      tpu.enqueue_dma source(%dma_start3A_180 : memref<112xi32, #tpu.memory_space<hbm>>) target(%arg7 : memref<112xi32, #tpu.memory_space<vmem>>) target_semaphore(%arg16 : memref<!tpu.dma_semaphore, #tpu.memory_space<semaphore_mem>>)
      %add3A_181 = arith.constant 2 : i32
      %add3A_182 = arith.addi %add3A_155, %add3A_181 : i32
      %sub3A_183 = arith.constant 1 : i32
      %sub3A_184 = arith.subi %select_n3A, %sub3A_183 : i32
      %min3A_185 = arith.minsi %add3A_182, %sub3A_184 : i32
      %mul3A_186 = arith.constant 112 : i32
      %mul3A_187 = arith.muli %min3A_185, %mul3A_186 : i32
      %add3A_188 = arith.addi %mul3A_22, %mul3A_187 : i32
      %multiple_of3A_189 = tpu.assume_multiple %add3A_188, 8 : i32
      %dma_start3A_190 = tpu.memref_slice %arg4[%multiple_of3A_189] : memref<322560xi32, #tpu.memory_space<hbm>> -> memref<112xi32, #tpu.memory_space<hbm>>
      %dma_start3A_191 = tpu.memref_slice %arg4[%multiple_of3A_189] : memref<322560xi32, #tpu.memory_space<hbm>> -> memref<112xi32, #tpu.memory_space<hbm>>
      tpu.enqueue_dma source(%dma_start3A_191 : memref<112xi32, #tpu.memory_space<hbm>>) target(%arg9 : memref<112xi32, #tpu.memory_space<vmem>>) target_semaphore(%arg16 : memref<!tpu.dma_semaphore, #tpu.memory_space<semaphore_mem>>)
    }
    %while3A_86 = arith.constant 1 : i32
    scf.for %while3A_111 = %while3A_84 to %while3A_80 step %while3A_86  : i32 {
      %mul3A_112 = arith.constant 2 : i32
      %mul3A_113 = arith.muli %mul3A_112, %while3A_111 : i32
      %add3A_114 = arith.constant 0 : i32
      %add3A_115 = arith.addi %mul3A_113, %add3A_114 : i32
      %dma_wait3A_116 = arith.constant 0 : i32
      %dma_wait3A_117 = tpu.memref_slice %arg3[%dma_wait3A_116] : memref<322560xi32, #tpu.memory_space<hbm>> -> memref<112xi32, #tpu.memory_space<hbm>>
      %dma_wait3A_118 = arith.constant 0 : i32
      %dma_wait3A_119 = tpu.memref_slice %arg3[%dma_wait3A_118] : memref<322560xi32, #tpu.memory_space<hbm>> -> memref<112xi32, #tpu.memory_space<hbm>>
      tpu.wait_dma2 semaphore(%arg16 : memref<!tpu.dma_semaphore, #tpu.memory_space<semaphore_mem>>) src(%dma_wait3A_119 : memref<112xi32, #tpu.memory_space<hbm>>) dst(%arg7 : memref<112xi32, #tpu.memory_space<vmem>>)
      %dma_wait3A_120 = arith.constant 0 : i32
      %dma_wait3A_121 = tpu.memref_slice %arg4[%dma_wait3A_120] : memref<322560xi32, #tpu.memory_space<hbm>> -> memref<112xi32, #tpu.memory_space<hbm>>
      %dma_wait3A_122 = arith.constant 0 : i32
      %dma_wait3A_123 = tpu.memref_slice %arg4[%dma_wait3A_122] : memref<322560xi32, #tpu.memory_space<hbm>> -> memref<112xi32, #tpu.memory_space<hbm>>
      tpu.wait_dma2 semaphore(%arg16 : memref<!tpu.dma_semaphore, #tpu.memory_space<semaphore_mem>>) src(%dma_wait3A_123 : memref<112xi32, #tpu.memory_space<hbm>>) dst(%arg9 : memref<112xi32, #tpu.memory_space<vmem>>)
      %dma_start3A_124 = arith.constant 0 : i32
      %dma_start3A_125 = arith.constant 0 : i32
      %dma_start3A_126 = tpu.memref_slice %arg2[%dma_start3A_124, %dma_start3A_125] : memref<80000x128xf32, #tpu.memory_space<hbm>> -> memref<80000x128xf32, #tpu.memory_space<hbm>>
      tpu.enqueue_indirect_dma source(%dma_start3A_126 : memref<80000x128xf32, #tpu.memory_space<hbm>>) target(%arg11 : memref<112x128xf32, #tpu.memory_space<vmem>>) offsets(%arg7 : memref<112xi32, #tpu.memory_space<vmem>>) semaphore(%arg14 : memref<!tpu.dma_semaphore, #tpu.memory_space<semaphore_mem>>)
      %dma_wait3A_127 = arith.constant 0 : i32
      %dma_wait3A_128 = arith.constant 0 : i32
      %dma_wait3A_129 = tpu.memref_slice %arg2[%dma_wait3A_127, %dma_wait3A_128] : memref<80000x128xf32, #tpu.memory_space<hbm>> -> memref<80000x128xf32, #tpu.memory_space<hbm>>
      tpu.wait_indirect_dma semaphore(%arg13 : memref<!tpu.dma_semaphore, #tpu.memory_space<semaphore_mem>>) src(%dma_wait3A_129 : memref<80000x128xf32, #tpu.memory_space<hbm>>) dst(%arg10 : memref<112x128xf32, #tpu.memory_space<vmem>>)
      "tpu.region"() ({
        %run_scoped3A = tpu.sem_alloc : memref<!tpu.dma_semaphore, #tpu.memory_space<semaphore_mem>>
        %dma_start3A_192 = arith.constant 0 : i32
        %dma_start3A_193 = arith.constant 0 : i32
        %dma_start3A_194 = tpu.memref_slice %arg12[%dma_start3A_192, %dma_start3A_193] : memref<10112x128xf32, #tpu.memory_space<vmem_shared>> -> memref<10112x128xf32, #tpu.memory_space<vmem_shared>>
        tpu.enqueue_indirect_dma source(%arg10 : memref<112x128xf32, #tpu.memory_space<vmem>>) target(%dma_start3A_194 : memref<10112x128xf32, #tpu.memory_space<vmem_shared>>) offsets(%arg8 : memref<112xi32, #tpu.memory_space<vmem>>) semaphore(%run_scoped3A : memref<!tpu.dma_semaphore, #tpu.memory_space<semaphore_mem>>) {add = true}
        %dma_wait3A_195 = arith.constant 0 : i32
        %dma_wait3A_196 = arith.constant 0 : i32
        %dma_wait3A_197 = tpu.memref_slice %arg12[%dma_wait3A_195, %dma_wait3A_196] : memref<10112x128xf32, #tpu.memory_space<vmem_shared>> -> memref<10112x128xf32, #tpu.memory_space<vmem_shared>>
        tpu.wait_indirect_dma semaphore(%run_scoped3A : memref<!tpu.dma_semaphore, #tpu.memory_space<semaphore_mem>>) src(%arg10 : memref<112x128xf32, #tpu.memory_space<vmem>>) dst(%dma_wait3A_197 : memref<10112x128xf32, #tpu.memory_space<vmem_shared>>)
        tpu.yield
      }) : () -> ()
      %add3A_130 = arith.constant 2 : i32
      %add3A_131 = arith.addi %add3A_115, %add3A_130 : i32
      %sub3A_132 = arith.constant 1 : i32
      %sub3A_133 = arith.subi %select_n3A, %sub3A_132 : i32
      %min3A_134 = arith.minsi %add3A_131, %sub3A_133 : i32
      %mul3A_135 = arith.constant 112 : i32
      %mul3A_136 = arith.muli %min3A_134, %mul3A_135 : i32
      %add3A_137 = arith.addi %mul3A_22, %mul3A_136 : i32
      %multiple_of3A_138 = tpu.assume_multiple %add3A_137, 8 : i32
      %dma_start3A_139 = tpu.memref_slice %arg3[%multiple_of3A_138] : memref<322560xi32, #tpu.memory_space<hbm>> -> memref<112xi32, #tpu.memory_space<hbm>>
      %dma_start3A_140 = tpu.memref_slice %arg3[%multiple_of3A_138] : memref<322560xi32, #tpu.memory_space<hbm>> -> memref<112xi32, #tpu.memory_space<hbm>>
      tpu.enqueue_dma source(%dma_start3A_140 : memref<112xi32, #tpu.memory_space<hbm>>) target(%arg6 : memref<112xi32, #tpu.memory_space<vmem>>) target_semaphore(%arg15 : memref<!tpu.dma_semaphore, #tpu.memory_space<semaphore_mem>>)
      %add3A_141 = arith.constant 2 : i32
      %add3A_142 = arith.addi %add3A_115, %add3A_141 : i32
      %sub3A_143 = arith.constant 1 : i32
      %sub3A_144 = arith.subi %select_n3A, %sub3A_143 : i32
      %min3A_145 = arith.minsi %add3A_142, %sub3A_144 : i32
      %mul3A_146 = arith.constant 112 : i32
      %mul3A_147 = arith.muli %min3A_145, %mul3A_146 : i32
      %add3A_148 = arith.addi %mul3A_22, %mul3A_147 : i32
      %multiple_of3A_149 = tpu.assume_multiple %add3A_148, 8 : i32
      %dma_start3A_150 = tpu.memref_slice %arg4[%multiple_of3A_149] : memref<322560xi32, #tpu.memory_space<hbm>> -> memref<112xi32, #tpu.memory_space<hbm>>
      %dma_start3A_151 = tpu.memref_slice %arg4[%multiple_of3A_149] : memref<322560xi32, #tpu.memory_space<hbm>> -> memref<112xi32, #tpu.memory_space<hbm>>
      tpu.enqueue_dma source(%dma_start3A_151 : memref<112xi32, #tpu.memory_space<hbm>>) target(%arg8 : memref<112xi32, #tpu.memory_space<vmem>>) target_semaphore(%arg15 : memref<!tpu.dma_semaphore, #tpu.memory_space<semaphore_mem>>)
      %mul3A_152 = arith.constant 2 : i32
      %mul3A_153 = arith.muli %mul3A_152, %while3A_111 : i32
      %add3A_154 = arith.constant 1 : i32
      %add3A_155 = arith.addi %mul3A_153, %add3A_154 : i32
      %dma_wait3A_156 = arith.constant 0 : i32
      %dma_wait3A_157 = tpu.memref_slice %arg3[%dma_wait3A_156] : memref<322560xi32, #tpu.memory_space<hbm>> -> memref<112xi32, #tpu.memory_space<hbm>>
      %dma_wait3A_158 = arith.constant 0 : i32
      %dma_wait3A_159 = tpu.memref_slice %arg3[%dma_wait3A_158] : memref<322560xi32, #tpu.memory_space<hbm>> -> memref<112xi32, #tpu.memory_space<hbm>>
      tpu.wait_dma2 semaphore(%arg15 : memref<!tpu.dma_semaphore, #tpu.memory_space<semaphore_mem>>) src(%dma_wait3A_159 : memref<112xi32, #tpu.memory_space<hbm>>) dst(%arg6 : memref<112xi32, #tpu.memory_space<vmem>>)
      %dma_wait3A_160 = arith.constant 0 : i32
      %dma_wait3A_161 = tpu.memref_slice %arg4[%dma_wait3A_160] : memref<322560xi32, #tpu.memory_space<hbm>> -> memref<112xi32, #tpu.memory_space<hbm>>
      %dma_wait3A_162 = arith.constant 0 : i32
      %dma_wait3A_163 = tpu.memref_slice %arg4[%dma_wait3A_162] : memref<322560xi32, #tpu.memory_space<hbm>> -> memref<112xi32, #tpu.memory_space<hbm>>
      tpu.wait_dma2 semaphore(%arg15 : memref<!tpu.dma_semaphore, #tpu.memory_space<semaphore_mem>>) src(%dma_wait3A_163 : memref<112xi32, #tpu.memory_space<hbm>>) dst(%arg8 : memref<112xi32, #tpu.memory_space<vmem>>)
      %dma_start3A_164 = arith.constant 0 : i32
      %dma_start3A_165 = arith.constant 0 : i32
      %dma_start3A_166 = tpu.memref_slice %arg2[%dma_start3A_164, %dma_start3A_165] : memref<80000x128xf32, #tpu.memory_space<hbm>> -> memref<80000x128xf32, #tpu.memory_space<hbm>>
      tpu.enqueue_indirect_dma source(%dma_start3A_166 : memref<80000x128xf32, #tpu.memory_space<hbm>>) target(%arg10 : memref<112x128xf32, #tpu.memory_space<vmem>>) offsets(%arg6 : memref<112xi32, #tpu.memory_space<vmem>>) semaphore(%arg13 : memref<!tpu.dma_semaphore, #tpu.memory_space<semaphore_mem>>)
      %dma_wait3A_167 = arith.constant 0 : i32
      %dma_wait3A_168 = arith.constant 0 : i32
      %dma_wait3A_169 = tpu.memref_slice %arg2[%dma_wait3A_167, %dma_wait3A_168] : memref<80000x128xf32, #tpu.memory_space<hbm>> -> memref<80000x128xf32, #tpu.memory_space<hbm>>
      tpu.wait_indirect_dma semaphore(%arg14 : memref<!tpu.dma_semaphore, #tpu.memory_space<semaphore_mem>>) src(%dma_wait3A_169 : memref<80000x128xf32, #tpu.memory_space<hbm>>) dst(%arg11 : memref<112x128xf32, #tpu.memory_space<vmem>>)
      "tpu.region"() ({
        %run_scoped3A = tpu.sem_alloc : memref<!tpu.dma_semaphore, #tpu.memory_space<semaphore_mem>>
        %dma_start3A_192 = arith.constant 0 : i32
        %dma_start3A_193 = arith.constant 0 : i32
        %dma_start3A_194 = tpu.memref_slice %arg12[%dma_start3A_192, %dma_start3A_193] : memref<10112x128xf32, #tpu.memory_space<vmem_shared>> -> memref<10112x128xf32, #tpu.memory_space<vmem_shared>>
        tpu.enqueue_indirect_dma source(%arg11 : memref<112x128xf32, #tpu.memory_space<vmem>>) target(%dma_start3A_194 : memref<10112x128xf32, #tpu.memory_space<vmem_shared>>) offsets(%arg9 : memref<112xi32, #tpu.memory_space<vmem>>) semaphore(%run_scoped3A : memref<!tpu.dma_semaphore, #tpu.memory_space<semaphore_mem>>) {add = true}
        %dma_wait3A_195 = arith.constant 0 : i32
        %dma_wait3A_196 = arith.constant 0 : i32
        %dma_wait3A_197 = tpu.memref_slice %arg12[%dma_wait3A_195, %dma_wait3A_196] : memref<10112x128xf32, #tpu.memory_space<vmem_shared>> -> memref<10112x128xf32, #tpu.memory_space<vmem_shared>>
        tpu.wait_indirect_dma semaphore(%run_scoped3A : memref<!tpu.dma_semaphore, #tpu.memory_space<semaphore_mem>>) src(%arg11 : memref<112x128xf32, #tpu.memory_space<vmem>>) dst(%dma_wait3A_197 : memref<10112x128xf32, #tpu.memory_space<vmem_shared>>)
        tpu.yield
      }) : () -> ()
      %add3A_170 = arith.constant 2 : i32
      %add3A_171 = arith.addi %add3A_155, %add3A_170 : i32
      %sub3A_172 = arith.constant 1 : i32
      %sub3A_173 = arith.subi %select_n3A, %sub3A_172 : i32
      %min3A_174 = arith.minsi %add3A_171, %sub3A_173 : i32
      %mul3A_175 = arith.constant 112 : i32
      %mul3A_176 = arith.muli %min3A_174, %mul3A_175 : i32
      %add3A_177 = arith.addi %mul3A_22, %mul3A_176 : i32
      %multiple_of3A_178 = tpu.assume_multiple %add3A_177, 8 : i32
      %dma_start3A_179 = tpu.memref_slice %arg3[%multiple_of3A_178] : memref<322560xi32, #tpu.memory_space<hbm>> -> memref<112xi32, #tpu.memory_space<hbm>>
      %dma_start3A_180 = tpu.memref_slice %arg3[%multiple_of3A_178] : memref<322560xi32, #tpu.memory_space<hbm>> -> memref<112xi32, #tpu.memory_space<hbm>>
      tpu.enqueue_dma source(%dma_start3A_180 : memref<112xi32, #tpu.memory_space<hbm>>) target(%arg7 : memref<112xi32, #tpu.memory_space<vmem>>) target_semaphore(%arg16 : memref<!tpu.dma_semaphore, #tpu.memory_space<semaphore_mem>>)
      %add3A_181 = arith.constant 2 : i32
      %add3A_182 = arith.addi %add3A_155, %add3A_181 : i32
      %sub3A_183 = arith.constant 1 : i32
      %sub3A_184 = arith.subi %select_n3A, %sub3A_183 : i32
      %min3A_185 = arith.minsi %add3A_182, %sub3A_184 : i32
      %mul3A_186 = arith.constant 112 : i32
      %mul3A_187 = arith.muli %min3A_185, %mul3A_186 : i32
      %add3A_188 = arith.addi %mul3A_22, %mul3A_187 : i32
      %multiple_of3A_189 = tpu.assume_multiple %add3A_188, 8 : i32
      %dma_start3A_190 = tpu.memref_slice %arg4[%multiple_of3A_189] : memref<322560xi32, #tpu.memory_space<hbm>> -> memref<112xi32, #tpu.memory_space<hbm>>
      %dma_start3A_191 = tpu.memref_slice %arg4[%multiple_of3A_189] : memref<322560xi32, #tpu.memory_space<hbm>> -> memref<112xi32, #tpu.memory_space<hbm>>
      tpu.enqueue_dma source(%dma_start3A_191 : memref<112xi32, #tpu.memory_space<hbm>>) target(%arg9 : memref<112xi32, #tpu.memory_space<vmem>>) target_semaphore(%arg16 : memref<!tpu.dma_semaphore, #tpu.memory_space<semaphore_mem>>)
    }
    %dma_wait3A = arith.constant 0 : i32
    %dma_wait3A_87 = arith.constant 0 : i32
    %dma_wait3A_88 = tpu.memref_slice %arg2[%dma_wait3A, %dma_wait3A_87] : memref<80000x128xf32, #tpu.memory_space<hbm>> -> memref<80000x128xf32, #tpu.memory_space<hbm>>
    tpu.wait_indirect_dma semaphore(%arg13 : memref<!tpu.dma_semaphore, #tpu.memory_space<semaphore_mem>>) src(%dma_wait3A_88 : memref<80000x128xf32, #tpu.memory_space<hbm>>) dst(%arg10 : memref<112x128xf32, #tpu.memory_space<vmem>>)
    %dma_wait3A_89 = arith.constant 0 : i32
    %dma_wait3A_90 = tpu.memref_slice %arg3[%dma_wait3A_89] : memref<322560xi32, #tpu.memory_space<hbm>> -> memref<112xi32, #tpu.memory_space<hbm>>
    %dma_wait3A_91 = arith.constant 0 : i32
    %dma_wait3A_92 = tpu.memref_slice %arg3[%dma_wait3A_91] : memref<322560xi32, #tpu.memory_space<hbm>> -> memref<112xi32, #tpu.memory_space<hbm>>
    tpu.wait_dma2 semaphore(%arg16 : memref<!tpu.dma_semaphore, #tpu.memory_space<semaphore_mem>>) src(%dma_wait3A_92 : memref<112xi32, #tpu.memory_space<hbm>>) dst(%arg7 : memref<112xi32, #tpu.memory_space<vmem>>)
    %dma_wait3A_93 = arith.constant 0 : i32
    %dma_wait3A_94 = tpu.memref_slice %arg4[%dma_wait3A_93] : memref<322560xi32, #tpu.memory_space<hbm>> -> memref<112xi32, #tpu.memory_space<hbm>>
    %dma_wait3A_95 = arith.constant 0 : i32
    %dma_wait3A_96 = tpu.memref_slice %arg4[%dma_wait3A_95] : memref<322560xi32, #tpu.memory_space<hbm>> -> memref<112xi32, #tpu.memory_space<hbm>>
    tpu.wait_dma2 semaphore(%arg16 : memref<!tpu.dma_semaphore, #tpu.memory_space<semaphore_mem>>) src(%dma_wait3A_96 : memref<112xi32, #tpu.memory_space<hbm>>) dst(%arg9 : memref<112xi32, #tpu.memory_space<vmem>>)
    %barrier3A_97 = arith.constant 0 : index
    tpu.barrier barrier_id(%barrier3A_97)
    %scan3A_98 = arith.constant 0 : i32
    %scan3A_99 = arith.constant 0 : i32
    %scan3A_100 = arith.constant 5 : i32
    %scan3A_101 = arith.addi %scan3A_99, %scan3A_100 : i32
    %scan3A_102 = arith.constant 1 : i32
    scf.for %scan3A_111 = %scan3A_99 to %scan3A_101 step %scan3A_102  : i32 {
      %mul3A_112 = arith.constant 112 : i32
      %mul3A_113 = arith.muli %scan3A_111, %mul3A_112 : i32
      %add3A_114 = arith.addi %multiple_of3A, %mul3A_113 : i32
      %multiple_of3A_115 = tpu.assume_multiple %add3A_114, 8 : i32
      "tpu.region"() ({
        %run_scoped3A = tpu.sem_alloc : memref<!tpu.dma_semaphore, #tpu.memory_space<semaphore_mem>>
        %dma_start3A_120 = arith.constant 0 : i32
        %dma_start3A_121 = arith.constant 0 : i32
        %dma_start3A_122 = tpu.memref_slice %arg10[%dma_start3A_120, %dma_start3A_121] : memref<112x128xf32, #tpu.memory_space<vmem>> -> memref<112x128xf32, #tpu.memory_space<vmem>>
        %dma_start3A_123 = arith.constant 0 : i32
        %dma_start3A_124 = tpu.memref_slice %arg12[%multiple_of3A_115, %dma_start3A_123] : memref<10112x128xf32, #tpu.memory_space<vmem_shared>> -> memref<112x128xf32, #tpu.memory_space<vmem_shared>>
        %dma_start3A_125 = arith.constant 0 : i32
        %dma_start3A_126 = arith.constant 0 : i32
        %dma_start3A_127 = tpu.memref_slice %arg10[%dma_start3A_125, %dma_start3A_126] : memref<112x128xf32, #tpu.memory_space<vmem>> -> memref<112x128xf32, #tpu.memory_space<vmem>>
        %dma_start3A_128 = arith.constant 0 : i32
        %dma_start3A_129 = tpu.memref_slice %arg12[%multiple_of3A_115, %dma_start3A_128] : memref<10112x128xf32, #tpu.memory_space<vmem_shared>> -> memref<112x128xf32, #tpu.memory_space<vmem_shared>>
        tpu.enqueue_dma source(%dma_start3A_129 : memref<112x128xf32, #tpu.memory_space<vmem_shared>>) target(%dma_start3A_127 : memref<112x128xf32, #tpu.memory_space<vmem>>) target_semaphore(%run_scoped3A : memref<!tpu.dma_semaphore, #tpu.memory_space<semaphore_mem>>)
        %dma_wait3A_130 = arith.constant 0 : i32
        %dma_wait3A_131 = arith.constant 0 : i32
        %dma_wait3A_132 = tpu.memref_slice %arg10[%dma_wait3A_130, %dma_wait3A_131] : memref<112x128xf32, #tpu.memory_space<vmem>> -> memref<112x128xf32, #tpu.memory_space<vmem>>
        %dma_wait3A_133 = arith.constant 0 : i32
        %dma_wait3A_134 = tpu.memref_slice %arg12[%multiple_of3A_115, %dma_wait3A_133] : memref<10112x128xf32, #tpu.memory_space<vmem_shared>> -> memref<112x128xf32, #tpu.memory_space<vmem_shared>>
        %dma_wait3A_135 = arith.constant 0 : i32
        %dma_wait3A_136 = arith.constant 0 : i32
        %dma_wait3A_137 = tpu.memref_slice %arg10[%dma_wait3A_135, %dma_wait3A_136] : memref<112x128xf32, #tpu.memory_space<vmem>> -> memref<112x128xf32, #tpu.memory_space<vmem>>
        %dma_wait3A_138 = arith.constant 0 : i32
        %dma_wait3A_139 = tpu.memref_slice %arg12[%multiple_of3A_115, %dma_wait3A_138] : memref<10112x128xf32, #tpu.memory_space<vmem_shared>> -> memref<112x128xf32, #tpu.memory_space<vmem_shared>>
        tpu.wait_dma2 semaphore(%run_scoped3A : memref<!tpu.dma_semaphore, #tpu.memory_space<semaphore_mem>>) src(%dma_wait3A_139 : memref<112x128xf32, #tpu.memory_space<vmem_shared>>) dst(%dma_wait3A_137 : memref<112x128xf32, #tpu.memory_space<vmem>>)
        tpu.yield
      }) : () -> ()
      %mul3A_116 = arith.constant 10112 : i32
      %mul3A_117 = arith.muli %arg0, %mul3A_116 : i32
      %add3A_118 = arith.addi %mul3A_117, %multiple_of3A_115 : i32
      %multiple_of3A_119 = tpu.assume_multiple %add3A_118, 8 : i32
      "tpu.region"() ({
        %run_scoped3A = tpu.sem_alloc : memref<!tpu.dma_semaphore, #tpu.memory_space<semaphore_mem>>
        %dma_start3A_120 = arith.constant 0 : i32
        %dma_start3A_121 = arith.constant 0 : i32
        %dma_start3A_122 = tpu.memref_slice %arg10[%dma_start3A_120, %dma_start3A_121] : memref<112x128xf32, #tpu.memory_space<vmem>> -> memref<112x128xf32, #tpu.memory_space<vmem>>
        %dma_start3A_123 = arith.constant 0 : i32
        %dma_start3A_124 = tpu.memref_slice %arg5[%multiple_of3A_119, %dma_start3A_123] : memref<20224x128xf32, #tpu.memory_space<hbm>> -> memref<112x128xf32, #tpu.memory_space<hbm>>
        %dma_start3A_125 = arith.constant 0 : i32
        %dma_start3A_126 = tpu.memref_slice %arg5[%multiple_of3A_119, %dma_start3A_125] : memref<20224x128xf32, #tpu.memory_space<hbm>> -> memref<112x128xf32, #tpu.memory_space<hbm>>
        %dma_start3A_127 = arith.constant 0 : i32
        %dma_start3A_128 = arith.constant 0 : i32
        %dma_start3A_129 = tpu.memref_slice %arg10[%dma_start3A_127, %dma_start3A_128] : memref<112x128xf32, #tpu.memory_space<vmem>> -> memref<112x128xf32, #tpu.memory_space<vmem>>
        tpu.enqueue_dma source(%dma_start3A_129 : memref<112x128xf32, #tpu.memory_space<vmem>>) target(%dma_start3A_126 : memref<112x128xf32, #tpu.memory_space<hbm>>) target_semaphore(%run_scoped3A : memref<!tpu.dma_semaphore, #tpu.memory_space<semaphore_mem>>)
        %dma_wait3A_130 = arith.constant 0 : i32
        %dma_wait3A_131 = arith.constant 0 : i32
        %dma_wait3A_132 = tpu.memref_slice %arg10[%dma_wait3A_130, %dma_wait3A_131] : memref<112x128xf32, #tpu.memory_space<vmem>> -> memref<112x128xf32, #tpu.memory_space<vmem>>
        %dma_wait3A_133 = arith.constant 0 : i32
        %dma_wait3A_134 = tpu.memref_slice %arg5[%multiple_of3A_119, %dma_wait3A_133] : memref<20224x128xf32, #tpu.memory_space<hbm>> -> memref<112x128xf32, #tpu.memory_space<hbm>>
        %dma_wait3A_135 = arith.constant 0 : i32
        %dma_wait3A_136 = tpu.memref_slice %arg5[%multiple_of3A_119, %dma_wait3A_135] : memref<20224x128xf32, #tpu.memory_space<hbm>> -> memref<112x128xf32, #tpu.memory_space<hbm>>
        %dma_wait3A_137 = arith.constant 0 : i32
        %dma_wait3A_138 = arith.constant 0 : i32
        %dma_wait3A_139 = tpu.memref_slice %arg10[%dma_wait3A_137, %dma_wait3A_138] : memref<112x128xf32, #tpu.memory_space<vmem>> -> memref<112x128xf32, #tpu.memory_space<vmem>>
        tpu.wait_dma2 semaphore(%run_scoped3A : memref<!tpu.dma_semaphore, #tpu.memory_space<semaphore_mem>>) src(%dma_wait3A_139 : memref<112x128xf32, #tpu.memory_space<vmem>>) dst(%dma_wait3A_136 : memref<112x128xf32, #tpu.memory_space<hbm>>)
        tpu.yield
      }) : () -> ()
    }
    %scan3A_103 = arith.constant 5 : i32
    %add3A_104 = arith.constant 560 : i32
    %add3A_105 = arith.addi %multiple_of3A, %add3A_104 : i32
    %multiple_of3A_106 = tpu.assume_multiple %add3A_105, 8 : i32
    "tpu.region"() ({
      %run_scoped3A = tpu.sem_alloc : memref<!tpu.dma_semaphore, #tpu.memory_space<semaphore_mem>>
      %dma_start3A_111 = arith.constant 0 : i32
      %dma_start3A_112 = arith.constant 0 : i32
      %dma_start3A_113 = tpu.memref_slice %arg10[%dma_start3A_111, %dma_start3A_112] : memref<112x128xf32, #tpu.memory_space<vmem>> -> memref<72x128xf32, #tpu.memory_space<vmem>>
      %dma_start3A_114 = arith.constant 0 : i32
      %dma_start3A_115 = tpu.memref_slice %arg12[%multiple_of3A_106, %dma_start3A_114] : memref<10112x128xf32, #tpu.memory_space<vmem_shared>> -> memref<72x128xf32, #tpu.memory_space<vmem_shared>>
      %dma_start3A_116 = arith.constant 0 : i32
      %dma_start3A_117 = arith.constant 0 : i32
      %dma_start3A_118 = tpu.memref_slice %arg10[%dma_start3A_116, %dma_start3A_117] : memref<112x128xf32, #tpu.memory_space<vmem>> -> memref<72x128xf32, #tpu.memory_space<vmem>>
      %dma_start3A_119 = arith.constant 0 : i32
      %dma_start3A_120 = tpu.memref_slice %arg12[%multiple_of3A_106, %dma_start3A_119] : memref<10112x128xf32, #tpu.memory_space<vmem_shared>> -> memref<72x128xf32, #tpu.memory_space<vmem_shared>>
      tpu.enqueue_dma source(%dma_start3A_120 : memref<72x128xf32, #tpu.memory_space<vmem_shared>>) target(%dma_start3A_118 : memref<72x128xf32, #tpu.memory_space<vmem>>) target_semaphore(%run_scoped3A : memref<!tpu.dma_semaphore, #tpu.memory_space<semaphore_mem>>)
      %dma_wait3A_121 = arith.constant 0 : i32
      %dma_wait3A_122 = arith.constant 0 : i32
      %dma_wait3A_123 = tpu.memref_slice %arg10[%dma_wait3A_121, %dma_wait3A_122] : memref<112x128xf32, #tpu.memory_space<vmem>> -> memref<72x128xf32, #tpu.memory_space<vmem>>
      %dma_wait3A_124 = arith.constant 0 : i32
      %dma_wait3A_125 = tpu.memref_slice %arg12[%multiple_of3A_106, %dma_wait3A_124] : memref<10112x128xf32, #tpu.memory_space<vmem_shared>> -> memref<72x128xf32, #tpu.memory_space<vmem_shared>>
      %dma_wait3A_126 = arith.constant 0 : i32
      %dma_wait3A_127 = arith.constant 0 : i32
      %dma_wait3A_128 = tpu.memref_slice %arg10[%dma_wait3A_126, %dma_wait3A_127] : memref<112x128xf32, #tpu.memory_space<vmem>> -> memref<72x128xf32, #tpu.memory_space<vmem>>
      %dma_wait3A_129 = arith.constant 0 : i32
      %dma_wait3A_130 = tpu.memref_slice %arg12[%multiple_of3A_106, %dma_wait3A_129] : memref<10112x128xf32, #tpu.memory_space<vmem_shared>> -> memref<72x128xf32, #tpu.memory_space<vmem_shared>>
      tpu.wait_dma2 semaphore(%run_scoped3A : memref<!tpu.dma_semaphore, #tpu.memory_space<semaphore_mem>>) src(%dma_wait3A_130 : memref<72x128xf32, #tpu.memory_space<vmem_shared>>) dst(%dma_wait3A_128 : memref<72x128xf32, #tpu.memory_space<vmem>>)
      tpu.yield
    }) : () -> ()
    %mul3A_107 = arith.constant 10112 : i32
    %mul3A_108 = arith.muli %arg0, %mul3A_107 : i32
    %add3A_109 = arith.addi %mul3A_108, %multiple_of3A_106 : i32
    %multiple_of3A_110 = tpu.assume_multiple %add3A_109, 8 : i32
    "tpu.region"() ({
      %run_scoped3A = tpu.sem_alloc : memref<!tpu.dma_semaphore, #tpu.memory_space<semaphore_mem>>
      %dma_start3A_111 = arith.constant 0 : i32
      %dma_start3A_112 = arith.constant 0 : i32
      %dma_start3A_113 = tpu.memref_slice %arg10[%dma_start3A_111, %dma_start3A_112] : memref<112x128xf32, #tpu.memory_space<vmem>> -> memref<72x128xf32, #tpu.memory_space<vmem>>
      %dma_start3A_114 = arith.constant 0 : i32
      %dma_start3A_115 = tpu.memref_slice %arg5[%multiple_of3A_110, %dma_start3A_114] : memref<20224x128xf32, #tpu.memory_space<hbm>> -> memref<72x128xf32, #tpu.memory_space<hbm>>
      %dma_start3A_116 = arith.constant 0 : i32
      %dma_start3A_117 = tpu.memref_slice %arg5[%multiple_of3A_110, %dma_start3A_116] : memref<20224x128xf32, #tpu.memory_space<hbm>> -> memref<72x128xf32, #tpu.memory_space<hbm>>
      %dma_start3A_118 = arith.constant 0 : i32
      %dma_start3A_119 = arith.constant 0 : i32
      %dma_start3A_120 = tpu.memref_slice %arg10[%dma_start3A_118, %dma_start3A_119] : memref<112x128xf32, #tpu.memory_space<vmem>> -> memref<72x128xf32, #tpu.memory_space<vmem>>
      tpu.enqueue_dma source(%dma_start3A_120 : memref<72x128xf32, #tpu.memory_space<vmem>>) target(%dma_start3A_117 : memref<72x128xf32, #tpu.memory_space<hbm>>) target_semaphore(%run_scoped3A : memref<!tpu.dma_semaphore, #tpu.memory_space<semaphore_mem>>)
      %dma_wait3A_121 = arith.constant 0 : i32
      %dma_wait3A_122 = arith.constant 0 : i32
      %dma_wait3A_123 = tpu.memref_slice %arg10[%dma_wait3A_121, %dma_wait3A_122] : memref<112x128xf32, #tpu.memory_space<vmem>> -> memref<72x128xf32, #tpu.memory_space<vmem>>
      %dma_wait3A_124 = arith.constant 0 : i32
      %dma_wait3A_125 = tpu.memref_slice %arg5[%multiple_of3A_110, %dma_wait3A_124] : memref<20224x128xf32, #tpu.memory_space<hbm>> -> memref<72x128xf32, #tpu.memory_space<hbm>>
      %dma_wait3A_126 = arith.constant 0 : i32
      %dma_wait3A_127 = tpu.memref_slice %arg5[%multiple_of3A_110, %dma_wait3A_126] : memref<20224x128xf32, #tpu.memory_space<hbm>> -> memref<72x128xf32, #tpu.memory_space<hbm>>
      %dma_wait3A_128 = arith.constant 0 : i32
      %dma_wait3A_129 = arith.constant 0 : i32
      %dma_wait3A_130 = tpu.memref_slice %arg10[%dma_wait3A_128, %dma_wait3A_129] : memref<112x128xf32, #tpu.memory_space<vmem>> -> memref<72x128xf32, #tpu.memory_space<vmem>>
      tpu.wait_dma2 semaphore(%run_scoped3A : memref<!tpu.dma_semaphore, #tpu.memory_space<semaphore_mem>>) src(%dma_wait3A_130 : memref<72x128xf32, #tpu.memory_space<vmem>>) dst(%dma_wait3A_127 : memref<72x128xf32, #tpu.memory_space<hbm>>)
      tpu.yield
    }) : () -> ()
    return
  }
}

#map = affine_map<(d0, d1) -> (0)>
#map1 = affine_map<(d0, d1) -> (0, 0)>
module attributes {stable_mosaic.version = 14 : i64} {
  func.func @_deg_body(%arg0: i32, %arg1: i32, %arg2: memref<322560xi32, #tpu.memory_space<hbm>>, %arg3: memref<20224x128xf32, #tpu.memory_space<hbm>>, %arg4: memref<112xi32, #tpu.memory_space<vmem>>, %arg5: memref<112x128xf32, #tpu.memory_space<vmem>>, %arg6: memref<112x128xf32, #tpu.memory_space<vmem>>, %arg7: memref<10112x128xf32, #tpu.memory_space<vmem_shared>>) attributes {dimension_semantics = [#tpu.dimension_semantics<core_parallel>, #tpu.dimension_semantics<subcore_parallel>], iteration_bounds = array<i64: 2, 16>, scalar_prefetch = 0 : i64, scratch_operands = 4 : i64, tpu.core_type = #tpu.core_type<sc_vector_subcore>, window_params = [{transform_indices = #map}, {transform_indices = #map1}]} {
    %mul3A = arith.constant 2 : i32
    %mul3A_0 = arith.muli %arg1, %mul3A : i32
    %add3A = arith.addi %mul3A_0, %arg0 : i32
    %mul3A_1 = arith.constant 632 : i32
    %mul3A_2 = arith.muli %arg1, %mul3A_1 : i32
    %multiple_of3A = tpu.assume_multiple %mul3A_2, 8 : i32
    %broadcast_in_dim3A = arith.constant 1.000000e+00 : f32
    %broadcast_in_dim3A_3 = vector.broadcast %broadcast_in_dim3A : f32 to vector<16xf32>
    %scan3A = arith.constant 0 : i32
    %scan3A_4 = arith.constant 0 : i32
    %scan3A_5 = arith.constant 896 : i32
    %scan3A_6 = arith.addi %scan3A_4, %scan3A_5 : i32
    %scan3A_7 = arith.constant 1 : i32
    scf.for %scan3A_48 = %scan3A_4 to %scan3A_6 step %scan3A_7  : i32 {
      %jit3A = arith.constant 8 : i32
      %div3A = arith.divsi %scan3A_48, %jit3A : i32
      %sign3A = arith.constant 0 : i32
      %sign3A_49 = arith.cmpi sgt, %scan3A_48, %sign3A : i32
      %sign3A_50 = arith.extui %sign3A_49 : i1 to i32
      %sign3A_51 = arith.constant 0 : i32
      %sign3A_52 = arith.cmpi slt, %scan3A_48, %sign3A_51 : i32
      %sign3A_53 = arith.extui %sign3A_52 : i1 to i32
      %sign3A_54 = arith.subi %sign3A_50, %sign3A_53 : i32
      %sign3A_55 = arith.constant 0 : i32
      %sign3A_56 = arith.cmpi sgt, %jit3A, %sign3A_55 : i32
      %sign3A_57 = arith.extui %sign3A_56 : i1 to i32
      %sign3A_58 = arith.constant 0 : i32
      %sign3A_59 = arith.cmpi slt, %jit3A, %sign3A_58 : i32
      %sign3A_60 = arith.extui %sign3A_59 : i1 to i32
      %sign3A_61 = arith.subi %sign3A_57, %sign3A_60 : i32
      %ne3A = arith.cmpi ne, %sign3A_54, %sign3A_61 : i32
      %rem3A = arith.remsi %scan3A_48, %jit3A : i32
      %ne3A_62 = arith.constant 0 : i32
      %ne3A_63 = arith.cmpi ne, %rem3A, %ne3A_62 : i32
      %and3A = arith.andi %ne3A, %ne3A_63 : i1
      %sub3A = arith.constant 1 : i32
      %sub3A_64 = arith.subi %div3A, %sub3A : i32
      %select_n3A = arith.select %and3A, %sub3A_64, %div3A : i32
      %jit3A_65 = arith.constant 8 : i32
      %eq3A = arith.constant 0 : i32
      %eq3A_66 = arith.cmpi eq, %jit3A_65, %eq3A : i32
      %jit3A_67 = arith.constant 1 : i32
      %select_n3A_68 = arith.select %eq3A_66, %jit3A_67, %jit3A_65 : i32
      %rem3A_69 = arith.remsi %scan3A_48, %select_n3A_68 : i32
      %ne3A_70 = arith.constant 0 : i32
      %ne3A_71 = arith.cmpi ne, %rem3A_69, %ne3A_70 : i32
      %lt3A = arith.constant 0 : i32
      %lt3A_72 = arith.cmpi slt, %rem3A_69, %lt3A : i32
      %lt3A_73 = arith.constant 0 : i32
      %lt3A_74 = arith.cmpi slt, %select_n3A_68, %lt3A_73 : i32
      %ne3A_75 = arith.xori %lt3A_72, %lt3A_74 : i1
      %and3A_76 = arith.andi %ne3A_75, %ne3A_71 : i1
      %add3A_77 = arith.addi %rem3A_69, %select_n3A_68 : i32
      %select_n3A_78 = arith.select %and3A_76, %add3A_77, %rem3A_69 : i32
      %mul3A_79 = arith.constant 16 : i32
      %mul3A_80 = arith.muli %select_n3A_78, %mul3A_79 : i32
      %swap3A = arith.index_cast %select_n3A : i32 to index
      %swap3A_81 = arith.index_cast %mul3A_80 : i32 to index
      %swap3A_82 = tpu.vector_load %arg5[%swap3A, %swap3A_81] {strides = array<i32>} : memref<112x128xf32, #tpu.memory_space<vmem>>, vector<1x16xf32>,
      %swap3A_83 = vector.shape_cast %swap3A_82 : vector<1x16xf32> to vector<16xf32>
      %swap3A_84 = vector.shape_cast %broadcast_in_dim3A_3 : vector<16xf32> to vector<1x16xf32>
      tpu.vector_store %arg5[%swap3A, %swap3A_81], %swap3A_84 {strides = array<i32>} : memref<112x128xf32, #tpu.memory_space<vmem>>, vector<1x16xf32>,
    }
    %scan3A_8 = arith.constant 896 : i32
    %broadcast_in_dim3A_9 = arith.constant 0.000000e+00 : f32
    %broadcast_in_dim3A_10 = vector.broadcast %broadcast_in_dim3A_9 : f32 to vector<16xf32>
    %scan3A_11 = arith.constant 0 : i32
    %scan3A_12 = arith.constant 0 : i32
    %scan3A_13 = arith.constant 896 : i32
    %scan3A_14 = arith.addi %scan3A_12, %scan3A_13 : i32
    %scan3A_15 = arith.constant 1 : i32
    scf.for %scan3A_48 = %scan3A_12 to %scan3A_14 step %scan3A_15  : i32 {
      %jit3A = arith.constant 8 : i32
      %div3A = arith.divsi %scan3A_48, %jit3A : i32
      %sign3A = arith.constant 0 : i32
      %sign3A_49 = arith.cmpi sgt, %scan3A_48, %sign3A : i32
      %sign3A_50 = arith.extui %sign3A_49 : i1 to i32
      %sign3A_51 = arith.constant 0 : i32
      %sign3A_52 = arith.cmpi slt, %scan3A_48, %sign3A_51 : i32
      %sign3A_53 = arith.extui %sign3A_52 : i1 to i32
      %sign3A_54 = arith.subi %sign3A_50, %sign3A_53 : i32
      %sign3A_55 = arith.constant 0 : i32
      %sign3A_56 = arith.cmpi sgt, %jit3A, %sign3A_55 : i32
      %sign3A_57 = arith.extui %sign3A_56 : i1 to i32
      %sign3A_58 = arith.constant 0 : i32
      %sign3A_59 = arith.cmpi slt, %jit3A, %sign3A_58 : i32
      %sign3A_60 = arith.extui %sign3A_59 : i1 to i32
      %sign3A_61 = arith.subi %sign3A_57, %sign3A_60 : i32
      %ne3A = arith.cmpi ne, %sign3A_54, %sign3A_61 : i32
      %rem3A = arith.remsi %scan3A_48, %jit3A : i32
      %ne3A_62 = arith.constant 0 : i32
      %ne3A_63 = arith.cmpi ne, %rem3A, %ne3A_62 : i32
      %and3A = arith.andi %ne3A, %ne3A_63 : i1
      %sub3A = arith.constant 1 : i32
      %sub3A_64 = arith.subi %div3A, %sub3A : i32
      %select_n3A = arith.select %and3A, %sub3A_64, %div3A : i32
      %jit3A_65 = arith.constant 8 : i32
      %eq3A = arith.constant 0 : i32
      %eq3A_66 = arith.cmpi eq, %jit3A_65, %eq3A : i32
      %jit3A_67 = arith.constant 1 : i32
      %select_n3A_68 = arith.select %eq3A_66, %jit3A_67, %jit3A_65 : i32
      %rem3A_69 = arith.remsi %scan3A_48, %select_n3A_68 : i32
      %ne3A_70 = arith.constant 0 : i32
      %ne3A_71 = arith.cmpi ne, %rem3A_69, %ne3A_70 : i32
      %lt3A = arith.constant 0 : i32
      %lt3A_72 = arith.cmpi slt, %rem3A_69, %lt3A : i32
      %lt3A_73 = arith.constant 0 : i32
      %lt3A_74 = arith.cmpi slt, %select_n3A_68, %lt3A_73 : i32
      %ne3A_75 = arith.xori %lt3A_72, %lt3A_74 : i1
      %and3A_76 = arith.andi %ne3A_75, %ne3A_71 : i1
      %add3A_77 = arith.addi %rem3A_69, %select_n3A_68 : i32
      %select_n3A_78 = arith.select %and3A_76, %add3A_77, %rem3A_69 : i32
      %mul3A_79 = arith.constant 16 : i32
      %mul3A_80 = arith.muli %select_n3A_78, %mul3A_79 : i32
      %swap3A = arith.index_cast %select_n3A : i32 to index
      %swap3A_81 = arith.index_cast %mul3A_80 : i32 to index
      %swap3A_82 = tpu.vector_load %arg6[%swap3A, %swap3A_81] {strides = array<i32>} : memref<112x128xf32, #tpu.memory_space<vmem>>, vector<1x16xf32>,
      %swap3A_83 = vector.shape_cast %swap3A_82 : vector<1x16xf32> to vector<16xf32>
      %swap3A_84 = vector.shape_cast %broadcast_in_dim3A_10 : vector<16xf32> to vector<1x16xf32>
      tpu.vector_store %arg6[%swap3A, %swap3A_81], %swap3A_84 {strides = array<i32>} : memref<112x128xf32, #tpu.memory_space<vmem>>, vector<1x16xf32>,
    }
    %scan3A_16 = arith.constant 896 : i32
    %scan3A_17 = arith.constant 0 : i32
    %scan3A_18 = arith.constant 0 : i32
    %scan3A_19 = arith.constant 5 : i32
    %scan3A_20 = arith.addi %scan3A_18, %scan3A_19 : i32
    %scan3A_21 = arith.constant 1 : i32
    scf.for %scan3A_48 = %scan3A_18 to %scan3A_20 step %scan3A_21  : i32 {
      %mul3A_49 = arith.constant 112 : i32
      %mul3A_50 = arith.muli %scan3A_48, %mul3A_49 : i32
      %add3A_51 = arith.addi %multiple_of3A, %mul3A_50 : i32
      %multiple_of3A_52 = tpu.assume_multiple %add3A_51, 8 : i32
      "tpu.region"() ({
        %run_scoped3A = tpu.sem_alloc : memref<!tpu.dma_semaphore, #tpu.memory_space<semaphore_mem>>
        %dma_start3A = arith.constant 0 : i32
        %dma_start3A_53 = arith.constant 0 : i32
        %dma_start3A_54 = tpu.memref_slice %arg6[%dma_start3A, %dma_start3A_53] : memref<112x128xf32, #tpu.memory_space<vmem>> -> memref<112x128xf32, #tpu.memory_space<vmem>>
        %dma_start3A_55 = arith.constant 0 : i32
        %dma_start3A_56 = tpu.memref_slice %arg7[%multiple_of3A_52, %dma_start3A_55] : memref<10112x128xf32, #tpu.memory_space<vmem_shared>> -> memref<112x128xf32, #tpu.memory_space<vmem_shared>>
        %dma_start3A_57 = arith.constant 0 : i32
        %dma_start3A_58 = tpu.memref_slice %arg7[%multiple_of3A_52, %dma_start3A_57] : memref<10112x128xf32, #tpu.memory_space<vmem_shared>> -> memref<112x128xf32, #tpu.memory_space<vmem_shared>>
        %dma_start3A_59 = arith.constant 0 : i32
        %dma_start3A_60 = arith.constant 0 : i32
        %dma_start3A_61 = tpu.memref_slice %arg6[%dma_start3A_59, %dma_start3A_60] : memref<112x128xf32, #tpu.memory_space<vmem>> -> memref<112x128xf32, #tpu.memory_space<vmem>>
        tpu.enqueue_dma source(%dma_start3A_61 : memref<112x128xf32, #tpu.memory_space<vmem>>) target(%dma_start3A_58 : memref<112x128xf32, #tpu.memory_space<vmem_shared>>) target_semaphore(%run_scoped3A : memref<!tpu.dma_semaphore, #tpu.memory_space<semaphore_mem>>)
        %dma_wait3A = arith.constant 0 : i32
        %dma_wait3A_62 = arith.constant 0 : i32
        %dma_wait3A_63 = tpu.memref_slice %arg6[%dma_wait3A, %dma_wait3A_62] : memref<112x128xf32, #tpu.memory_space<vmem>> -> memref<112x128xf32, #tpu.memory_space<vmem>>
        %dma_wait3A_64 = arith.constant 0 : i32
        %dma_wait3A_65 = tpu.memref_slice %arg7[%multiple_of3A_52, %dma_wait3A_64] : memref<10112x128xf32, #tpu.memory_space<vmem_shared>> -> memref<112x128xf32, #tpu.memory_space<vmem_shared>>
        %dma_wait3A_66 = arith.constant 0 : i32
        %dma_wait3A_67 = tpu.memref_slice %arg7[%multiple_of3A_52, %dma_wait3A_66] : memref<10112x128xf32, #tpu.memory_space<vmem_shared>> -> memref<112x128xf32, #tpu.memory_space<vmem_shared>>
        %dma_wait3A_68 = arith.constant 0 : i32
        %dma_wait3A_69 = arith.constant 0 : i32
        %dma_wait3A_70 = tpu.memref_slice %arg6[%dma_wait3A_68, %dma_wait3A_69] : memref<112x128xf32, #tpu.memory_space<vmem>> -> memref<112x128xf32, #tpu.memory_space<vmem>>
        tpu.wait_dma2 semaphore(%run_scoped3A : memref<!tpu.dma_semaphore, #tpu.memory_space<semaphore_mem>>) src(%dma_wait3A_70 : memref<112x128xf32, #tpu.memory_space<vmem>>) dst(%dma_wait3A_67 : memref<112x128xf32, #tpu.memory_space<vmem_shared>>)
        tpu.yield
      }) : () -> ()
    }
    %scan3A_22 = arith.constant 5 : i32
    %add3A_23 = arith.constant 560 : i32
    %add3A_24 = arith.addi %multiple_of3A, %add3A_23 : i32
    %multiple_of3A_25 = tpu.assume_multiple %add3A_24, 8 : i32
    "tpu.region"() ({
      %run_scoped3A = tpu.sem_alloc : memref<!tpu.dma_semaphore, #tpu.memory_space<semaphore_mem>>
      %dma_start3A = arith.constant 0 : i32
      %dma_start3A_48 = arith.constant 0 : i32
      %dma_start3A_49 = tpu.memref_slice %arg6[%dma_start3A, %dma_start3A_48] : memref<112x128xf32, #tpu.memory_space<vmem>> -> memref<72x128xf32, #tpu.memory_space<vmem>>
      %dma_start3A_50 = arith.constant 0 : i32
      %dma_start3A_51 = tpu.memref_slice %arg7[%multiple_of3A_25, %dma_start3A_50] : memref<10112x128xf32, #tpu.memory_space<vmem_shared>> -> memref<72x128xf32, #tpu.memory_space<vmem_shared>>
      %dma_start3A_52 = arith.constant 0 : i32
      %dma_start3A_53 = tpu.memref_slice %arg7[%multiple_of3A_25, %dma_start3A_52] : memref<10112x128xf32, #tpu.memory_space<vmem_shared>> -> memref<72x128xf32, #tpu.memory_space<vmem_shared>>
      %dma_start3A_54 = arith.constant 0 : i32
      %dma_start3A_55 = arith.constant 0 : i32
      %dma_start3A_56 = tpu.memref_slice %arg6[%dma_start3A_54, %dma_start3A_55] : memref<112x128xf32, #tpu.memory_space<vmem>> -> memref<72x128xf32, #tpu.memory_space<vmem>>
      tpu.enqueue_dma source(%dma_start3A_56 : memref<72x128xf32, #tpu.memory_space<vmem>>) target(%dma_start3A_53 : memref<72x128xf32, #tpu.memory_space<vmem_shared>>) target_semaphore(%run_scoped3A : memref<!tpu.dma_semaphore, #tpu.memory_space<semaphore_mem>>)
      %dma_wait3A = arith.constant 0 : i32
      %dma_wait3A_57 = arith.constant 0 : i32
      %dma_wait3A_58 = tpu.memref_slice %arg6[%dma_wait3A, %dma_wait3A_57] : memref<112x128xf32, #tpu.memory_space<vmem>> -> memref<72x128xf32, #tpu.memory_space<vmem>>
      %dma_wait3A_59 = arith.constant 0 : i32
      %dma_wait3A_60 = tpu.memref_slice %arg7[%multiple_of3A_25, %dma_wait3A_59] : memref<10112x128xf32, #tpu.memory_space<vmem_shared>> -> memref<72x128xf32, #tpu.memory_space<vmem_shared>>
      %dma_wait3A_61 = arith.constant 0 : i32
      %dma_wait3A_62 = tpu.memref_slice %arg7[%multiple_of3A_25, %dma_wait3A_61] : memref<10112x128xf32, #tpu.memory_space<vmem_shared>> -> memref<72x128xf32, #tpu.memory_space<vmem_shared>>
      %dma_wait3A_63 = arith.constant 0 : i32
      %dma_wait3A_64 = arith.constant 0 : i32
      %dma_wait3A_65 = tpu.memref_slice %arg6[%dma_wait3A_63, %dma_wait3A_64] : memref<112x128xf32, #tpu.memory_space<vmem>> -> memref<72x128xf32, #tpu.memory_space<vmem>>
      tpu.wait_dma2 semaphore(%run_scoped3A : memref<!tpu.dma_semaphore, #tpu.memory_space<semaphore_mem>>) src(%dma_wait3A_65 : memref<72x128xf32, #tpu.memory_space<vmem>>) dst(%dma_wait3A_62 : memref<72x128xf32, #tpu.memory_space<vmem_shared>>)
      tpu.yield
    }) : () -> ()
    %barrier3A = arith.constant 0 : index
    tpu.barrier barrier_id(%barrier3A)
    %mul3A_26 = arith.constant 10080 : i32
    %mul3A_27 = arith.muli %add3A, %mul3A_26 : i32
    %scan3A_28 = arith.constant 0 : i32
    %scan3A_29 = arith.constant 0 : i32
    %scan3A_30 = arith.constant 90 : i32
    %scan3A_31 = arith.addi %scan3A_29, %scan3A_30 : i32
    %scan3A_32 = arith.constant 1 : i32
    scf.for %scan3A_48 = %scan3A_29 to %scan3A_31 step %scan3A_32  : i32 {
      %mul3A_49 = arith.constant 112 : i32
      %mul3A_50 = arith.muli %scan3A_48, %mul3A_49 : i32
      %add3A_51 = arith.addi %mul3A_27, %mul3A_50 : i32
      %multiple_of3A_52 = tpu.assume_multiple %add3A_51, 8 : i32
      "tpu.region"() ({
        %run_scoped3A = tpu.sem_alloc : memref<!tpu.dma_semaphore, #tpu.memory_space<semaphore_mem>>
        %dma_start3A = tpu.memref_slice %arg2[%multiple_of3A_52] : memref<322560xi32, #tpu.memory_space<hbm>> -> memref<112xi32, #tpu.memory_space<hbm>>
        %dma_start3A_53 = tpu.memref_slice %arg2[%multiple_of3A_52] : memref<322560xi32, #tpu.memory_space<hbm>> -> memref<112xi32, #tpu.memory_space<hbm>>
        tpu.enqueue_dma source(%dma_start3A_53 : memref<112xi32, #tpu.memory_space<hbm>>) target(%arg4 : memref<112xi32, #tpu.memory_space<vmem>>) target_semaphore(%run_scoped3A : memref<!tpu.dma_semaphore, #tpu.memory_space<semaphore_mem>>)
        %dma_wait3A = tpu.memref_slice %arg2[%multiple_of3A_52] : memref<322560xi32, #tpu.memory_space<hbm>> -> memref<112xi32, #tpu.memory_space<hbm>>
        %dma_wait3A_54 = tpu.memref_slice %arg2[%multiple_of3A_52] : memref<322560xi32, #tpu.memory_space<hbm>> -> memref<112xi32, #tpu.memory_space<hbm>>
        tpu.wait_dma2 semaphore(%run_scoped3A : memref<!tpu.dma_semaphore, #tpu.memory_space<semaphore_mem>>) src(%dma_wait3A_54 : memref<112xi32, #tpu.memory_space<hbm>>) dst(%arg4 : memref<112xi32, #tpu.memory_space<vmem>>)
        tpu.yield
      }) : () -> ()
      "tpu.region"() ({
        %run_scoped3A = tpu.sem_alloc : memref<!tpu.dma_semaphore, #tpu.memory_space<semaphore_mem>>
        %dma_start3A = arith.constant 0 : i32
        %dma_start3A_53 = arith.constant 0 : i32
        %dma_start3A_54 = tpu.memref_slice %arg7[%dma_start3A, %dma_start3A_53] : memref<10112x128xf32, #tpu.memory_space<vmem_shared>> -> memref<10112x128xf32, #tpu.memory_space<vmem_shared>>
        tpu.enqueue_indirect_dma source(%arg5 : memref<112x128xf32, #tpu.memory_space<vmem>>) target(%dma_start3A_54 : memref<10112x128xf32, #tpu.memory_space<vmem_shared>>) offsets(%arg4 : memref<112xi32, #tpu.memory_space<vmem>>) semaphore(%run_scoped3A : memref<!tpu.dma_semaphore, #tpu.memory_space<semaphore_mem>>) {add = true}
        %dma_wait3A = arith.constant 0 : i32
        %dma_wait3A_55 = arith.constant 0 : i32
        %dma_wait3A_56 = tpu.memref_slice %arg7[%dma_wait3A, %dma_wait3A_55] : memref<10112x128xf32, #tpu.memory_space<vmem_shared>> -> memref<10112x128xf32, #tpu.memory_space<vmem_shared>>
        tpu.wait_indirect_dma semaphore(%run_scoped3A : memref<!tpu.dma_semaphore, #tpu.memory_space<semaphore_mem>>) src(%arg5 : memref<112x128xf32, #tpu.memory_space<vmem>>) dst(%dma_wait3A_56 : memref<10112x128xf32, #tpu.memory_space<vmem_shared>>)
        tpu.yield
      }) : () -> ()
    }
    %scan3A_33 = arith.constant 90 : i32
    %barrier3A_34 = arith.constant 0 : index
    tpu.barrier barrier_id(%barrier3A_34)
    %scan3A_35 = arith.constant 0 : i32
    %scan3A_36 = arith.constant 0 : i32
    %scan3A_37 = arith.constant 5 : i32
    %scan3A_38 = arith.addi %scan3A_36, %scan3A_37 : i32
    %scan3A_39 = arith.constant 1 : i32
    scf.for %scan3A_48 = %scan3A_36 to %scan3A_38 step %scan3A_39  : i32 {
      %mul3A_49 = arith.constant 112 : i32
      %mul3A_50 = arith.muli %scan3A_48, %mul3A_49 : i32
      %add3A_51 = arith.addi %multiple_of3A, %mul3A_50 : i32
      %multiple_of3A_52 = tpu.assume_multiple %add3A_51, 8 : i32
      "tpu.region"() ({
        %run_scoped3A = tpu.sem_alloc : memref<!tpu.dma_semaphore, #tpu.memory_space<semaphore_mem>>
        %dma_start3A = arith.constant 0 : i32
        %dma_start3A_57 = arith.constant 0 : i32
        %dma_start3A_58 = tpu.memref_slice %arg6[%dma_start3A, %dma_start3A_57] : memref<112x128xf32, #tpu.memory_space<vmem>> -> memref<112x128xf32, #tpu.memory_space<vmem>>
        %dma_start3A_59 = arith.constant 0 : i32
        %dma_start3A_60 = tpu.memref_slice %arg7[%multiple_of3A_52, %dma_start3A_59] : memref<10112x128xf32, #tpu.memory_space<vmem_shared>> -> memref<112x128xf32, #tpu.memory_space<vmem_shared>>
        %dma_start3A_61 = arith.constant 0 : i32
        %dma_start3A_62 = arith.constant 0 : i32
        %dma_start3A_63 = tpu.memref_slice %arg6[%dma_start3A_61, %dma_start3A_62] : memref<112x128xf32, #tpu.memory_space<vmem>> -> memref<112x128xf32, #tpu.memory_space<vmem>>
        %dma_start3A_64 = arith.constant 0 : i32
        %dma_start3A_65 = tpu.memref_slice %arg7[%multiple_of3A_52, %dma_start3A_64] : memref<10112x128xf32, #tpu.memory_space<vmem_shared>> -> memref<112x128xf32, #tpu.memory_space<vmem_shared>>
        tpu.enqueue_dma source(%dma_start3A_65 : memref<112x128xf32, #tpu.memory_space<vmem_shared>>) target(%dma_start3A_63 : memref<112x128xf32, #tpu.memory_space<vmem>>) target_semaphore(%run_scoped3A : memref<!tpu.dma_semaphore, #tpu.memory_space<semaphore_mem>>)
        %dma_wait3A = arith.constant 0 : i32
        %dma_wait3A_66 = arith.constant 0 : i32
        %dma_wait3A_67 = tpu.memref_slice %arg6[%dma_wait3A, %dma_wait3A_66] : memref<112x128xf32, #tpu.memory_space<vmem>> -> memref<112x128xf32, #tpu.memory_space<vmem>>
        %dma_wait3A_68 = arith.constant 0 : i32
        %dma_wait3A_69 = tpu.memref_slice %arg7[%multiple_of3A_52, %dma_wait3A_68] : memref<10112x128xf32, #tpu.memory_space<vmem_shared>> -> memref<112x128xf32, #tpu.memory_space<vmem_shared>>
        %dma_wait3A_70 = arith.constant 0 : i32
        %dma_wait3A_71 = arith.constant 0 : i32
        %dma_wait3A_72 = tpu.memref_slice %arg6[%dma_wait3A_70, %dma_wait3A_71] : memref<112x128xf32, #tpu.memory_space<vmem>> -> memref<112x128xf32, #tpu.memory_space<vmem>>
        %dma_wait3A_73 = arith.constant 0 : i32
        %dma_wait3A_74 = tpu.memref_slice %arg7[%multiple_of3A_52, %dma_wait3A_73] : memref<10112x128xf32, #tpu.memory_space<vmem_shared>> -> memref<112x128xf32, #tpu.memory_space<vmem_shared>>
        tpu.wait_dma2 semaphore(%run_scoped3A : memref<!tpu.dma_semaphore, #tpu.memory_space<semaphore_mem>>) src(%dma_wait3A_74 : memref<112x128xf32, #tpu.memory_space<vmem_shared>>) dst(%dma_wait3A_72 : memref<112x128xf32, #tpu.memory_space<vmem>>)
        tpu.yield
      }) : () -> ()
      %mul3A_53 = arith.constant 10112 : i32
      %mul3A_54 = arith.muli %arg0, %mul3A_53 : i32
      %add3A_55 = arith.addi %mul3A_54, %multiple_of3A_52 : i32
      %multiple_of3A_56 = tpu.assume_multiple %add3A_55, 8 : i32
      "tpu.region"() ({
        %run_scoped3A = tpu.sem_alloc : memref<!tpu.dma_semaphore, #tpu.memory_space<semaphore_mem>>
        %dma_start3A = arith.constant 0 : i32
        %dma_start3A_57 = arith.constant 0 : i32
        %dma_start3A_58 = tpu.memref_slice %arg6[%dma_start3A, %dma_start3A_57] : memref<112x128xf32, #tpu.memory_space<vmem>> -> memref<112x128xf32, #tpu.memory_space<vmem>>
        %dma_start3A_59 = arith.constant 0 : i32
        %dma_start3A_60 = tpu.memref_slice %arg3[%multiple_of3A_56, %dma_start3A_59] : memref<20224x128xf32, #tpu.memory_space<hbm>> -> memref<112x128xf32, #tpu.memory_space<hbm>>
        %dma_start3A_61 = arith.constant 0 : i32
        %dma_start3A_62 = tpu.memref_slice %arg3[%multiple_of3A_56, %dma_start3A_61] : memref<20224x128xf32, #tpu.memory_space<hbm>> -> memref<112x128xf32, #tpu.memory_space<hbm>>
        %dma_start3A_63 = arith.constant 0 : i32
        %dma_start3A_64 = arith.constant 0 : i32
        %dma_start3A_65 = tpu.memref_slice %arg6[%dma_start3A_63, %dma_start3A_64] : memref<112x128xf32, #tpu.memory_space<vmem>> -> memref<112x128xf32, #tpu.memory_space<vmem>>
        tpu.enqueue_dma source(%dma_start3A_65 : memref<112x128xf32, #tpu.memory_space<vmem>>) target(%dma_start3A_62 : memref<112x128xf32, #tpu.memory_space<hbm>>) target_semaphore(%run_scoped3A : memref<!tpu.dma_semaphore, #tpu.memory_space<semaphore_mem>>)
        %dma_wait3A = arith.constant 0 : i32
        %dma_wait3A_66 = arith.constant 0 : i32
        %dma_wait3A_67 = tpu.memref_slice %arg6[%dma_wait3A, %dma_wait3A_66] : memref<112x128xf32, #tpu.memory_space<vmem>> -> memref<112x128xf32, #tpu.memory_space<vmem>>
        %dma_wait3A_68 = arith.constant 0 : i32
        %dma_wait3A_69 = tpu.memref_slice %arg3[%multiple_of3A_56, %dma_wait3A_68] : memref<20224x128xf32, #tpu.memory_space<hbm>> -> memref<112x128xf32, #tpu.memory_space<hbm>>
        %dma_wait3A_70 = arith.constant 0 : i32
        %dma_wait3A_71 = tpu.memref_slice %arg3[%multiple_of3A_56, %dma_wait3A_70] : memref<20224x128xf32, #tpu.memory_space<hbm>> -> memref<112x128xf32, #tpu.memory_space<hbm>>
        %dma_wait3A_72 = arith.constant 0 : i32
        %dma_wait3A_73 = arith.constant 0 : i32
        %dma_wait3A_74 = tpu.memref_slice %arg6[%dma_wait3A_72, %dma_wait3A_73] : memref<112x128xf32, #tpu.memory_space<vmem>> -> memref<112x128xf32, #tpu.memory_space<vmem>>
        tpu.wait_dma2 semaphore(%run_scoped3A : memref<!tpu.dma_semaphore, #tpu.memory_space<semaphore_mem>>) src(%dma_wait3A_74 : memref<112x128xf32, #tpu.memory_space<vmem>>) dst(%dma_wait3A_71 : memref<112x128xf32, #tpu.memory_space<hbm>>)
        tpu.yield
      }) : () -> ()
    }
    %scan3A_40 = arith.constant 5 : i32
    %add3A_41 = arith.constant 560 : i32
    %add3A_42 = arith.addi %multiple_of3A, %add3A_41 : i32
    %multiple_of3A_43 = tpu.assume_multiple %add3A_42, 8 : i32
    "tpu.region"() ({
      %run_scoped3A = tpu.sem_alloc : memref<!tpu.dma_semaphore, #tpu.memory_space<semaphore_mem>>
      %dma_start3A = arith.constant 0 : i32
      %dma_start3A_48 = arith.constant 0 : i32
      %dma_start3A_49 = tpu.memref_slice %arg6[%dma_start3A, %dma_start3A_48] : memref<112x128xf32, #tpu.memory_space<vmem>> -> memref<72x128xf32, #tpu.memory_space<vmem>>
      %dma_start3A_50 = arith.constant 0 : i32
      %dma_start3A_51 = tpu.memref_slice %arg7[%multiple_of3A_43, %dma_start3A_50] : memref<10112x128xf32, #tpu.memory_space<vmem_shared>> -> memref<72x128xf32, #tpu.memory_space<vmem_shared>>
      %dma_start3A_52 = arith.constant 0 : i32
      %dma_start3A_53 = arith.constant 0 : i32
      %dma_start3A_54 = tpu.memref_slice %arg6[%dma_start3A_52, %dma_start3A_53] : memref<112x128xf32, #tpu.memory_space<vmem>> -> memref<72x128xf32, #tpu.memory_space<vmem>>
      %dma_start3A_55 = arith.constant 0 : i32
      %dma_start3A_56 = tpu.memref_slice %arg7[%multiple_of3A_43, %dma_start3A_55] : memref<10112x128xf32, #tpu.memory_space<vmem_shared>> -> memref<72x128xf32, #tpu.memory_space<vmem_shared>>
      tpu.enqueue_dma source(%dma_start3A_56 : memref<72x128xf32, #tpu.memory_space<vmem_shared>>) target(%dma_start3A_54 : memref<72x128xf32, #tpu.memory_space<vmem>>) target_semaphore(%run_scoped3A : memref<!tpu.dma_semaphore, #tpu.memory_space<semaphore_mem>>)
      %dma_wait3A = arith.constant 0 : i32
      %dma_wait3A_57 = arith.constant 0 : i32
      %dma_wait3A_58 = tpu.memref_slice %arg6[%dma_wait3A, %dma_wait3A_57] : memref<112x128xf32, #tpu.memory_space<vmem>> -> memref<72x128xf32, #tpu.memory_space<vmem>>
      %dma_wait3A_59 = arith.constant 0 : i32
      %dma_wait3A_60 = tpu.memref_slice %arg7[%multiple_of3A_43, %dma_wait3A_59] : memref<10112x128xf32, #tpu.memory_space<vmem_shared>> -> memref<72x128xf32, #tpu.memory_space<vmem_shared>>
      %dma_wait3A_61 = arith.constant 0 : i32
      %dma_wait3A_62 = arith.constant 0 : i32
      %dma_wait3A_63 = tpu.memref_slice %arg6[%dma_wait3A_61, %dma_wait3A_62] : memref<112x128xf32, #tpu.memory_space<vmem>> -> memref<72x128xf32, #tpu.memory_space<vmem>>
      %dma_wait3A_64 = arith.constant 0 : i32
      %dma_wait3A_65 = tpu.memref_slice %arg7[%multiple_of3A_43, %dma_wait3A_64] : memref<10112x128xf32, #tpu.memory_space<vmem_shared>> -> memref<72x128xf32, #tpu.memory_space<vmem_shared>>
      tpu.wait_dma2 semaphore(%run_scoped3A : memref<!tpu.dma_semaphore, #tpu.memory_space<semaphore_mem>>) src(%dma_wait3A_65 : memref<72x128xf32, #tpu.memory_space<vmem_shared>>) dst(%dma_wait3A_63 : memref<72x128xf32, #tpu.memory_space<vmem>>)
      tpu.yield
    }) : () -> ()
    %mul3A_44 = arith.constant 10112 : i32
    %mul3A_45 = arith.muli %arg0, %mul3A_44 : i32
    %add3A_46 = arith.addi %mul3A_45, %multiple_of3A_43 : i32
    %multiple_of3A_47 = tpu.assume_multiple %add3A_46, 8 : i32
    "tpu.region"() ({
      %run_scoped3A = tpu.sem_alloc : memref<!tpu.dma_semaphore, #tpu.memory_space<semaphore_mem>>
      %dma_start3A = arith.constant 0 : i32
      %dma_start3A_48 = arith.constant 0 : i32
      %dma_start3A_49 = tpu.memref_slice %arg6[%dma_start3A, %dma_start3A_48] : memref<112x128xf32, #tpu.memory_space<vmem>> -> memref<72x128xf32, #tpu.memory_space<vmem>>
      %dma_start3A_50 = arith.constant 0 : i32
      %dma_start3A_51 = tpu.memref_slice %arg3[%multiple_of3A_47, %dma_start3A_50] : memref<20224x128xf32, #tpu.memory_space<hbm>> -> memref<72x128xf32, #tpu.memory_space<hbm>>
      %dma_start3A_52 = arith.constant 0 : i32
      %dma_start3A_53 = tpu.memref_slice %arg3[%multiple_of3A_47, %dma_start3A_52] : memref<20224x128xf32, #tpu.memory_space<hbm>> -> memref<72x128xf32, #tpu.memory_space<hbm>>
      %dma_start3A_54 = arith.constant 0 : i32
      %dma_start3A_55 = arith.constant 0 : i32
      %dma_start3A_56 = tpu.memref_slice %arg6[%dma_start3A_54, %dma_start3A_55] : memref<112x128xf32, #tpu.memory_space<vmem>> -> memref<72x128xf32, #tpu.memory_space<vmem>>
      tpu.enqueue_dma source(%dma_start3A_56 : memref<72x128xf32, #tpu.memory_space<vmem>>) target(%dma_start3A_53 : memref<72x128xf32, #tpu.memory_space<hbm>>) target_semaphore(%run_scoped3A : memref<!tpu.dma_semaphore, #tpu.memory_space<semaphore_mem>>)
      %dma_wait3A = arith.constant 0 : i32
      %dma_wait3A_57 = arith.constant 0 : i32
      %dma_wait3A_58 = tpu.memref_slice %arg6[%dma_wait3A, %dma_wait3A_57] : memref<112x128xf32, #tpu.memory_space<vmem>> -> memref<72x128xf32, #tpu.memory_space<vmem>>
      %dma_wait3A_59 = arith.constant 0 : i32
      %dma_wait3A_60 = tpu.memref_slice %arg3[%multiple_of3A_47, %dma_wait3A_59] : memref<20224x128xf32, #tpu.memory_space<hbm>> -> memref<72x128xf32, #tpu.memory_space<hbm>>
      %dma_wait3A_61 = arith.constant 0 : i32
      %dma_wait3A_62 = tpu.memref_slice %arg3[%multiple_of3A_47, %dma_wait3A_61] : memref<20224x128xf32, #tpu.memory_space<hbm>> -> memref<72x128xf32, #tpu.memory_space<hbm>>
      %dma_wait3A_63 = arith.constant 0 : i32
      %dma_wait3A_64 = arith.constant 0 : i32
      %dma_wait3A_65 = tpu.memref_slice %arg6[%dma_wait3A_63, %dma_wait3A_64] : memref<112x128xf32, #tpu.memory_space<vmem>> -> memref<72x128xf32, #tpu.memory_space<vmem>>
      tpu.wait_dma2 semaphore(%run_scoped3A : memref<!tpu.dma_semaphore, #tpu.memory_space<semaphore_mem>>) src(%dma_wait3A_65 : memref<72x128xf32, #tpu.memory_space<vmem>>) dst(%dma_wait3A_62 : memref<72x128xf32, #tpu.memory_space<hbm>>)
      tpu.yield
    }) : () -> ()
    return
  }
}

module attributes {stable_mosaic.version = 14 : i64} {
  func.func @_gidx_body(%arg0: memref<2520x128xi32, #tpu.memory_space<vmem>>, %arg1: memref<2520x128xi32, #tpu.memory_space<vmem>>, %arg2: memref<2520x128xi32, #tpu.memory_space<vmem>>) attributes {dimension_semantics = [], scalar_prefetch = 0 : i64, scratch_operands = 0 : i64, tpu.core_type = #tpu.core_type<tc>} {
    %get3A = arith.constant 0 : index
    %get3A_0 = arith.constant 0 : index
    %get3A_1 = vector.load %arg1[%get3A, %get3A_0] : memref<2520x128xi32, #tpu.memory_space<vmem>>, vector<2520x128xi32>
    %mul3A = arith.constant 10000 : i32
    %mul3A_2 = vector.broadcast %mul3A : i32 to vector<2520x128xi32>
    %mul3A_3 = arith.muli %get3A_1, %mul3A_2 : vector<2520x128xi32>
    %get3A_4 = arith.constant 0 : index
    %get3A_5 = arith.constant 0 : index
    %get3A_6 = vector.load %arg0[%get3A_4, %get3A_5] : memref<2520x128xi32, #tpu.memory_space<vmem>>, vector<2520x128xi32>
    %add3A = arith.addi %mul3A_3, %get3A_6 : vector<2520x128xi32>
    %swap3A = arith.constant 0 : index
    %swap3A_7 = arith.constant 0 : index
    %swap3A_8 = vector.load %arg2[%swap3A, %swap3A_7] : memref<2520x128xi32, #tpu.memory_space<vmem>>, vector<2520x128xi32>
    tpu.vector_store %arg2[%swap3A, %swap3A_7], %add3A {strides = array<i32>} : memref<2520x128xi32, #tpu.memory_space<vmem>>, vector<2520x128xi32>,
    return
  }
}

module attributes {stable_mosaic.version = 14 : i64} {
  func.func @_layer0_body(%arg0: i32, %arg1: memref<2000x12xf32, #tpu.memory_space<vmem>>, %arg2: memref<8x128xf32, #tpu.memory_space<vmem>>, %arg3: memref<132x128xf32, #tpu.memory_space<vmem>>, %arg4: memref<1x128xf32, #tpu.memory_space<vmem>>, %arg5: memref<8x128x128xf32, #tpu.memory_space<vmem>>, %arg6: memref<128x128xf32, #tpu.memory_space<vmem>>, %arg7: memref<1x128xf32, #tpu.memory_space<vmem>>, %arg8: memref<8x2000x128xf32, #tpu.memory_space<vmem>>, %arg9: memref<2000x128xf32, #tpu.memory_space<vmem>>) attributes {dimension_semantics = [#tpu.dimension_semantics<arbitrary>], iteration_bounds = array<i64: 5>, scalar_prefetch = 0 : i64, scratch_operands = 0 : i64, tpu.core_type = #tpu.core_type<tc>, window_params = [{transform_indices = @transform_0, window_bounds = array<i64: 2000, 12>}, {pipeline_mode = #tpu.pipeline_mode<synchronous>, transform_indices = @transform_1, window_bounds = array<i64: 8, 128>}, {pipeline_mode = #tpu.pipeline_mode<synchronous>, transform_indices = @transform_2, window_bounds = array<i64: 132, 128>}, {pipeline_mode = #tpu.pipeline_mode<synchronous>, transform_indices = @transform_3, window_bounds = array<i64: 1, 128>}, {pipeline_mode = #tpu.pipeline_mode<synchronous>, transform_indices = @transform_4, window_bounds = array<i64: 8, 128, 128>}, {pipeline_mode = #tpu.pipeline_mode<synchronous>, transform_indices = @transform_5, window_bounds = array<i64: 128, 128>}, {pipeline_mode = #tpu.pipeline_mode<synchronous>, transform_indices = @transform_6, window_bounds = array<i64: 1, 128>}, {transform_indices = @transform_7, window_bounds = array<i64: 8, 2000, 128>}, {transform_indices = @transform_8, window_bounds = array<i64: 2000, 128>}]} {
    %get3A = arith.constant 0 : index
    %get3A_0 = arith.constant 0 : index
    %get3A_1 = vector.load %arg1[%get3A, %get3A_0] : memref<2000x12xf32, #tpu.memory_space<vmem>>, vector<2000x12xf32>
    %slice3A = vector.extract_strided_slice %get3A_1 {offsets = [0, 4], sizes = [2000, 8], strides = [1, 1]} : vector<2000x12xf32> to vector<2000x8xf32>
    %get3A_2 = arith.constant 0 : index
    %get3A_3 = arith.constant 0 : index
    %get3A_4 = vector.load %arg2[%get3A_2, %get3A_3] : memref<8x128xf32, #tpu.memory_space<vmem>>, vector<8x128xf32>
    %dot_general3A = arith.constant dense<0.000000e+00> : vector<2000x128xf32>
    %dot_general3A_5 = tpu.matmul %slice3A, %get3A_4, %dot_general3A {dimension_numbers = #tpu.dot_dimension_numbers<[1], [0], [0], [1], [0, 0, 1, 1], [], []>, transpose_lhs_hint = false} : vector<2000x8xf32>, vector<8x128xf32>, vector<2000x128xf32> -> vector<2000x128xf32>
    %slice3A_6 = vector.extract_strided_slice %get3A_1 {offsets = [0, 0], sizes = [2000, 4], strides = [1, 1]} : vector<2000x12xf32> to vector<2000x4xf32>
    %get3A_7 = arith.constant 0 : index
    %get3A_8 = arith.constant 0 : index
    %get3A_9 = vector.load %arg3[%get3A_7, %get3A_8] : memref<132x128xf32, #tpu.memory_space<vmem>>, vector<4x128xf32>
    %dot_general3A_10 = arith.constant dense<0.000000e+00> : vector<2000x128xf32>
    %dot_general3A_11 = tpu.matmul %slice3A_6, %get3A_9, %dot_general3A_10 {dimension_numbers = #tpu.dot_dimension_numbers<[1], [0], [0], [1], [0, 0, 1, 1], [], []>, transpose_lhs_hint = false} : vector<2000x4xf32>, vector<4x128xf32>, vector<2000x128xf32> -> vector<2000x128xf32>
    %get3A_12 = arith.constant 4 : index
    %get3A_13 = arith.constant 0 : index
    %get3A_14 = vector.load %arg3[%get3A_12, %get3A_13] : memref<132x128xf32, #tpu.memory_space<vmem>>, vector<128x128xf32>
    %dot_general3A_15 = arith.constant dense<0.000000e+00> : vector<2000x128xf32>
    %dot_general3A_16 = tpu.matmul %dot_general3A_5, %get3A_14, %dot_general3A_15 {dimension_numbers = #tpu.dot_dimension_numbers<[1], [0], [0], [1], [0, 0, 1, 1], [], []>, transpose_lhs_hint = false} : vector<2000x128xf32>, vector<128x128xf32>, vector<2000x128xf32> -> vector<2000x128xf32>
    %add3A = arith.addf %dot_general3A_11, %dot_general3A_16 : vector<2000x128xf32>
    %get3A_17 = arith.constant 0 : index
    %get3A_18 = arith.constant 0 : index
    %get3A_19 = vector.load %arg4[%get3A_17, %get3A_18] : memref<1x128xf32, #tpu.memory_space<vmem>>, vector<1x128xf32>
    %add3A_20 = vector.broadcast %get3A_19 : vector<1x128xf32> to vector<2000x128xf32>
    %add3A_21 = arith.addf %add3A, %add3A_20 : vector<2000x128xf32>
    %max3A = arith.constant 0.000000e+00 : f32
    %max3A_22 = vector.broadcast %max3A : f32 to vector<2000x128xf32>
    %max3A_23 = arith.maximumf %add3A_21, %max3A_22 : vector<2000x128xf32>
    %get3A_24 = arith.constant 0 : index
    %get3A_25 = arith.constant 0 : index
    %get3A_26 = arith.constant 0 : index
    %get3A_27 = vector.load %arg5[%get3A_24, %get3A_25, %get3A_26] : memref<8x128x128xf32, #tpu.memory_space<vmem>>, vector<1x128x128xf32>
    %get3A_28 = vector.shape_cast %get3A_27 : vector<1x128x128xf32> to vector<128x128xf32>
    %dot_general3A_29 = arith.constant dense<0.000000e+00> : vector<2000x128xf32>
    %dot_general3A_30 = tpu.matmul %max3A_23, %get3A_28, %dot_general3A_29 {dimension_numbers = #tpu.dot_dimension_numbers<[1], [0], [0], [1], [0, 0, 1, 1], [], []>, transpose_lhs_hint = false} : vector<2000x128xf32>, vector<128x128xf32>, vector<2000x128xf32> -> vector<2000x128xf32>
    %swap3A = arith.constant 0 : index
    %swap3A_31 = arith.constant 0 : index
    %swap3A_32 = arith.constant 0 : index
    %swap3A_33 = vector.load %arg8[%swap3A, %swap3A_31, %swap3A_32] : memref<8x2000x128xf32, #tpu.memory_space<vmem>>, vector<1x2000x128xf32>
    %swap3A_34 = vector.shape_cast %swap3A_33 : vector<1x2000x128xf32> to vector<2000x128xf32>
    %swap3A_35 = vector.shape_cast %dot_general3A_30 : vector<2000x128xf32> to vector<1x2000x128xf32>
    tpu.vector_store %arg8[%swap3A, %swap3A_31, %swap3A_32], %swap3A_35 {strides = array<i32>} : memref<8x2000x128xf32, #tpu.memory_space<vmem>>, vector<1x2000x128xf32>,
    %get3A_36 = arith.constant 1 : index
    %get3A_37 = arith.constant 0 : index
    %get3A_38 = arith.constant 0 : index
    %get3A_39 = vector.load %arg5[%get3A_36, %get3A_37, %get3A_38] : memref<8x128x128xf32, #tpu.memory_space<vmem>>, vector<1x128x128xf32>
    %get3A_40 = vector.shape_cast %get3A_39 : vector<1x128x128xf32> to vector<128x128xf32>
    %dot_general3A_41 = arith.constant dense<0.000000e+00> : vector<2000x128xf32>
    %dot_general3A_42 = tpu.matmul %max3A_23, %get3A_40, %dot_general3A_41 {dimension_numbers = #tpu.dot_dimension_numbers<[1], [0], [0], [1], [0, 0, 1, 1], [], []>, transpose_lhs_hint = false} : vector<2000x128xf32>, vector<128x128xf32>, vector<2000x128xf32> -> vector<2000x128xf32>
    %swap3A_43 = arith.constant 1 : index
    %swap3A_44 = arith.constant 0 : index
    %swap3A_45 = arith.constant 0 : index
    %swap3A_46 = vector.load %arg8[%swap3A_43, %swap3A_44, %swap3A_45] : memref<8x2000x128xf32, #tpu.memory_space<vmem>>, vector<1x2000x128xf32>
    %swap3A_47 = vector.shape_cast %swap3A_46 : vector<1x2000x128xf32> to vector<2000x128xf32>
    %swap3A_48 = vector.shape_cast %dot_general3A_42 : vector<2000x128xf32> to vector<1x2000x128xf32>
    tpu.vector_store %arg8[%swap3A_43, %swap3A_44, %swap3A_45], %swap3A_48 {strides = array<i32>} : memref<8x2000x128xf32, #tpu.memory_space<vmem>>, vector<1x2000x128xf32>,
    %get3A_49 = arith.constant 2 : index
    %get3A_50 = arith.constant 0 : index
    %get3A_51 = arith.constant 0 : index
    %get3A_52 = vector.load %arg5[%get3A_49, %get3A_50, %get3A_51] : memref<8x128x128xf32, #tpu.memory_space<vmem>>, vector<1x128x128xf32>
    %get3A_53 = vector.shape_cast %get3A_52 : vector<1x128x128xf32> to vector<128x128xf32>
    %dot_general3A_54 = arith.constant dense<0.000000e+00> : vector<2000x128xf32>
    %dot_general3A_55 = tpu.matmul %max3A_23, %get3A_53, %dot_general3A_54 {dimension_numbers = #tpu.dot_dimension_numbers<[1], [0], [0], [1], [0, 0, 1, 1], [], []>, transpose_lhs_hint = false} : vector<2000x128xf32>, vector<128x128xf32>, vector<2000x128xf32> -> vector<2000x128xf32>
    %swap3A_56 = arith.constant 2 : index
    %swap3A_57 = arith.constant 0 : index
    %swap3A_58 = arith.constant 0 : index
    %swap3A_59 = vector.load %arg8[%swap3A_56, %swap3A_57, %swap3A_58] : memref<8x2000x128xf32, #tpu.memory_space<vmem>>, vector<1x2000x128xf32>
    %swap3A_60 = vector.shape_cast %swap3A_59 : vector<1x2000x128xf32> to vector<2000x128xf32>
    %swap3A_61 = vector.shape_cast %dot_general3A_55 : vector<2000x128xf32> to vector<1x2000x128xf32>
    tpu.vector_store %arg8[%swap3A_56, %swap3A_57, %swap3A_58], %swap3A_61 {strides = array<i32>} : memref<8x2000x128xf32, #tpu.memory_space<vmem>>, vector<1x2000x128xf32>,
    %get3A_62 = arith.constant 3 : index
    %get3A_63 = arith.constant 0 : index
    %get3A_64 = arith.constant 0 : index
    %get3A_65 = vector.load %arg5[%get3A_62, %get3A_63, %get3A_64] : memref<8x128x128xf32, #tpu.memory_space<vmem>>, vector<1x128x128xf32>
    %get3A_66 = vector.shape_cast %get3A_65 : vector<1x128x128xf32> to vector<128x128xf32>
    %dot_general3A_67 = arith.constant dense<0.000000e+00> : vector<2000x128xf32>
    %dot_general3A_68 = tpu.matmul %max3A_23, %get3A_66, %dot_general3A_67 {dimension_numbers = #tpu.dot_dimension_numbers<[1], [0], [0], [1], [0, 0, 1, 1], [], []>, transpose_lhs_hint = false} : vector<2000x128xf32>, vector<128x128xf32>, vector<2000x128xf32> -> vector<2000x128xf32>
    %swap3A_69 = arith.constant 3 : index
    %swap3A_70 = arith.constant 0 : index
    %swap3A_71 = arith.constant 0 : index
    %swap3A_72 = vector.load %arg8[%swap3A_69, %swap3A_70, %swap3A_71] : memref<8x2000x128xf32, #tpu.memory_space<vmem>>, vector<1x2000x128xf32>
    %swap3A_73 = vector.shape_cast %swap3A_72 : vector<1x2000x128xf32> to vector<2000x128xf32>
    %swap3A_74 = vector.shape_cast %dot_general3A_68 : vector<2000x128xf32> to vector<1x2000x128xf32>
    tpu.vector_store %arg8[%swap3A_69, %swap3A_70, %swap3A_71], %swap3A_74 {strides = array<i32>} : memref<8x2000x128xf32, #tpu.memory_space<vmem>>, vector<1x2000x128xf32>,
    %get3A_75 = arith.constant 4 : index
    %get3A_76 = arith.constant 0 : index
    %get3A_77 = arith.constant 0 : index
    %get3A_78 = vector.load %arg5[%get3A_75, %get3A_76, %get3A_77] : memref<8x128x128xf32, #tpu.memory_space<vmem>>, vector<1x128x128xf32>
    %get3A_79 = vector.shape_cast %get3A_78 : vector<1x128x128xf32> to vector<128x128xf32>
    %dot_general3A_80 = arith.constant dense<0.000000e+00> : vector<2000x128xf32>
    %dot_general3A_81 = tpu.matmul %max3A_23, %get3A_79, %dot_general3A_80 {dimension_numbers = #tpu.dot_dimension_numbers<[1], [0], [0], [1], [0, 0, 1, 1], [], []>, transpose_lhs_hint = false} : vector<2000x128xf32>, vector<128x128xf32>, vector<2000x128xf32> -> vector<2000x128xf32>
    %swap3A_82 = arith.constant 4 : index
    %swap3A_83 = arith.constant 0 : index
    %swap3A_84 = arith.constant 0 : index
    %swap3A_85 = vector.load %arg8[%swap3A_82, %swap3A_83, %swap3A_84] : memref<8x2000x128xf32, #tpu.memory_space<vmem>>, vector<1x2000x128xf32>
    %swap3A_86 = vector.shape_cast %swap3A_85 : vector<1x2000x128xf32> to vector<2000x128xf32>
    %swap3A_87 = vector.shape_cast %dot_general3A_81 : vector<2000x128xf32> to vector<1x2000x128xf32>
    tpu.vector_store %arg8[%swap3A_82, %swap3A_83, %swap3A_84], %swap3A_87 {strides = array<i32>} : memref<8x2000x128xf32, #tpu.memory_space<vmem>>, vector<1x2000x128xf32>,
    %get3A_88 = arith.constant 5 : index
    %get3A_89 = arith.constant 0 : index
    %get3A_90 = arith.constant 0 : index
    %get3A_91 = vector.load %arg5[%get3A_88, %get3A_89, %get3A_90] : memref<8x128x128xf32, #tpu.memory_space<vmem>>, vector<1x128x128xf32>
    %get3A_92 = vector.shape_cast %get3A_91 : vector<1x128x128xf32> to vector<128x128xf32>
    %dot_general3A_93 = arith.constant dense<0.000000e+00> : vector<2000x128xf32>
    %dot_general3A_94 = tpu.matmul %max3A_23, %get3A_92, %dot_general3A_93 {dimension_numbers = #tpu.dot_dimension_numbers<[1], [0], [0], [1], [0, 0, 1, 1], [], []>, transpose_lhs_hint = false} : vector<2000x128xf32>, vector<128x128xf32>, vector<2000x128xf32> -> vector<2000x128xf32>
    %swap3A_95 = arith.constant 5 : index
    %swap3A_96 = arith.constant 0 : index
    %swap3A_97 = arith.constant 0 : index
    %swap3A_98 = vector.load %arg8[%swap3A_95, %swap3A_96, %swap3A_97] : memref<8x2000x128xf32, #tpu.memory_space<vmem>>, vector<1x2000x128xf32>
    %swap3A_99 = vector.shape_cast %swap3A_98 : vector<1x2000x128xf32> to vector<2000x128xf32>
    %swap3A_100 = vector.shape_cast %dot_general3A_94 : vector<2000x128xf32> to vector<1x2000x128xf32>
    tpu.vector_store %arg8[%swap3A_95, %swap3A_96, %swap3A_97], %swap3A_100 {strides = array<i32>} : memref<8x2000x128xf32, #tpu.memory_space<vmem>>, vector<1x2000x128xf32>,
    %get3A_101 = arith.constant 6 : index
    %get3A_102 = arith.constant 0 : index
    %get3A_103 = arith.constant 0 : index
    %get3A_104 = vector.load %arg5[%get3A_101, %get3A_102, %get3A_103] : memref<8x128x128xf32, #tpu.memory_space<vmem>>, vector<1x128x128xf32>
    %get3A_105 = vector.shape_cast %get3A_104 : vector<1x128x128xf32> to vector<128x128xf32>
    %dot_general3A_106 = arith.constant dense<0.000000e+00> : vector<2000x128xf32>
    %dot_general3A_107 = tpu.matmul %max3A_23, %get3A_105, %dot_general3A_106 {dimension_numbers = #tpu.dot_dimension_numbers<[1], [0], [0], [1], [0, 0, 1, 1], [], []>, transpose_lhs_hint = false} : vector<2000x128xf32>, vector<128x128xf32>, vector<2000x128xf32> -> vector<2000x128xf32>
    %swap3A_108 = arith.constant 6 : index
    %swap3A_109 = arith.constant 0 : index
    %swap3A_110 = arith.constant 0 : index
    %swap3A_111 = vector.load %arg8[%swap3A_108, %swap3A_109, %swap3A_110] : memref<8x2000x128xf32, #tpu.memory_space<vmem>>, vector<1x2000x128xf32>
    %swap3A_112 = vector.shape_cast %swap3A_111 : vector<1x2000x128xf32> to vector<2000x128xf32>
    %swap3A_113 = vector.shape_cast %dot_general3A_107 : vector<2000x128xf32> to vector<1x2000x128xf32>
    tpu.vector_store %arg8[%swap3A_108, %swap3A_109, %swap3A_110], %swap3A_113 {strides = array<i32>} : memref<8x2000x128xf32, #tpu.memory_space<vmem>>, vector<1x2000x128xf32>,
    %get3A_114 = arith.constant 7 : index
    %get3A_115 = arith.constant 0 : index
    %get3A_116 = arith.constant 0 : index
    %get3A_117 = vector.load %arg5[%get3A_114, %get3A_115, %get3A_116] : memref<8x128x128xf32, #tpu.memory_space<vmem>>, vector<1x128x128xf32>
    %get3A_118 = vector.shape_cast %get3A_117 : vector<1x128x128xf32> to vector<128x128xf32>
    %dot_general3A_119 = arith.constant dense<0.000000e+00> : vector<2000x128xf32>
    %dot_general3A_120 = tpu.matmul %max3A_23, %get3A_118, %dot_general3A_119 {dimension_numbers = #tpu.dot_dimension_numbers<[1], [0], [0], [1], [0, 0, 1, 1], [], []>, transpose_lhs_hint = false} : vector<2000x128xf32>, vector<128x128xf32>, vector<2000x128xf32> -> vector<2000x128xf32>
    %swap3A_121 = arith.constant 7 : index
    %swap3A_122 = arith.constant 0 : index
    %swap3A_123 = arith.constant 0 : index
    %swap3A_124 = vector.load %arg8[%swap3A_121, %swap3A_122, %swap3A_123] : memref<8x2000x128xf32, #tpu.memory_space<vmem>>, vector<1x2000x128xf32>
    %swap3A_125 = vector.shape_cast %swap3A_124 : vector<1x2000x128xf32> to vector<2000x128xf32>
    %swap3A_126 = vector.shape_cast %dot_general3A_120 : vector<2000x128xf32> to vector<1x2000x128xf32>
    tpu.vector_store %arg8[%swap3A_121, %swap3A_122, %swap3A_123], %swap3A_126 {strides = array<i32>} : memref<8x2000x128xf32, #tpu.memory_space<vmem>>, vector<1x2000x128xf32>,
    %get3A_127 = arith.constant 0 : index
    %get3A_128 = arith.constant 0 : index
    %get3A_129 = vector.load %arg6[%get3A_127, %get3A_128] : memref<128x128xf32, #tpu.memory_space<vmem>>, vector<128x128xf32>
    %dot_general3A_130 = arith.constant dense<0.000000e+00> : vector<2000x128xf32>
    %dot_general3A_131 = tpu.matmul %max3A_23, %get3A_129, %dot_general3A_130 {dimension_numbers = #tpu.dot_dimension_numbers<[1], [0], [0], [1], [0, 0, 1, 1], [], []>, transpose_lhs_hint = false} : vector<2000x128xf32>, vector<128x128xf32>, vector<2000x128xf32> -> vector<2000x128xf32>
    %get3A_132 = arith.constant 0 : index
    %get3A_133 = arith.constant 0 : index
    %get3A_134 = vector.load %arg7[%get3A_132, %get3A_133] : memref<1x128xf32, #tpu.memory_space<vmem>>, vector<1x128xf32>
    %add3A_135 = vector.broadcast %get3A_134 : vector<1x128xf32> to vector<2000x128xf32>
    %add3A_136 = arith.addf %dot_general3A_131, %add3A_135 : vector<2000x128xf32>
    %swap3A_137 = arith.constant 0 : index
    %swap3A_138 = arith.constant 0 : index
    %swap3A_139 = vector.load %arg9[%swap3A_137, %swap3A_138] : memref<2000x128xf32, #tpu.memory_space<vmem>>, vector<2000x128xf32>
    tpu.vector_store %arg9[%swap3A_137, %swap3A_138], %add3A_136 {strides = array<i32>} : memref<2000x128xf32, #tpu.memory_space<vmem>>, vector<2000x128xf32>,
    return
  }
  func.func @transform_0(%arg0: i32) -> (i32, i32) {
    %c0_i32 = arith.constant 0 : i32
    %c0_i32_0 = arith.constant 0 : i32
    return %arg0, %c0_i32 : i32, i32
  }
  func.func @transform_1(%arg0: i32) -> (i32, i32) {
    %c0_i32 = arith.constant 0 : i32
    %c0_i32_0 = arith.constant 0 : i32
    %c0_i32_1 = arith.constant 0 : i32
    return %c0_i32, %c0_i32_0 : i32, i32
  }
  func.func @transform_2(%arg0: i32) -> (i32, i32) {
    %c0_i32 = arith.constant 0 : i32
    %c0_i32_0 = arith.constant 0 : i32
    %c0_i32_1 = arith.constant 0 : i32
    return %c0_i32, %c0_i32_0 : i32, i32
  }
  func.func @transform_3(%arg0: i32) -> (i32, i32) {
    %c0_i32 = arith.constant 0 : i32
    %c0_i32_0 = arith.constant 0 : i32
    %c0_i32_1 = arith.constant 0 : i32
    return %c0_i32, %c0_i32_0 : i32, i32
  }
  func.func @transform_4(%arg0: i32) -> (i32, i32, i32) {
    %c0_i32 = arith.constant 0 : i32
    %c0_i32_0 = arith.constant 0 : i32
    %c0_i32_1 = arith.constant 0 : i32
    %c0_i32_2 = arith.constant 0 : i32
    return %c0_i32, %c0_i32_0, %c0_i32_1 : i32, i32, i32
  }
  func.func @transform_5(%arg0: i32) -> (i32, i32) {
    %c0_i32 = arith.constant 0 : i32
    %c0_i32_0 = arith.constant 0 : i32
    %c0_i32_1 = arith.constant 0 : i32
    return %c0_i32, %c0_i32_0 : i32, i32
  }
  func.func @transform_6(%arg0: i32) -> (i32, i32) {
    %c0_i32 = arith.constant 0 : i32
    %c0_i32_0 = arith.constant 0 : i32
    %c0_i32_1 = arith.constant 0 : i32
    return %c0_i32, %c0_i32_0 : i32, i32
  }
  func.func @transform_7(%arg0: i32) -> (i32, i32, i32) {
    %c0_i32 = arith.constant 0 : i32
    %c0_i32_0 = arith.constant 0 : i32
    %c0_i32_1 = arith.constant 0 : i32
    return %c0_i32, %arg0, %c0_i32_0 : i32, i32, i32
  }
  func.func @transform_8(%arg0: i32) -> (i32, i32) {
    %c0_i32 = arith.constant 0 : i32
    %c0_i32_0 = arith.constant 0 : i32
    return %arg0, %c0_i32 : i32, i32
  }
}

module attributes {stable_mosaic.version = 14 : i64} {
  func.func @_layer1_body(%arg0: i32, %arg1: memref<2000x128xf32, #tpu.memory_space<vmem>>, %arg2: memref<2x2000x128xf32, #tpu.memory_space<vmem>>, %arg3: memref<2x2000x128xf32, #tpu.memory_space<vmem>>, %arg4: memref<8x128x128xf32, #tpu.memory_space<vmem>>, %arg5: memref<128x128xf32, #tpu.memory_space<vmem>>, %arg6: memref<1x128xf32, #tpu.memory_space<vmem>>, %arg7: memref<8x2000x128xf32, #tpu.memory_space<vmem>>, %arg8: memref<2000x128xf32, #tpu.memory_space<vmem>>) attributes {dimension_semantics = [#tpu.dimension_semantics<arbitrary>], iteration_bounds = array<i64: 5>, scalar_prefetch = 0 : i64, scratch_operands = 0 : i64, tpu.core_type = #tpu.core_type<tc>, window_params = [{transform_indices = @transform_0, window_bounds = array<i64: 2000, 128>}, {transform_indices = @transform_1, window_bounds = array<i64: 2, 2000, 128>}, {transform_indices = @transform_2, window_bounds = array<i64: 2, 2000, 128>}, {pipeline_mode = #tpu.pipeline_mode<synchronous>, transform_indices = @transform_3, window_bounds = array<i64: 8, 128, 128>}, {pipeline_mode = #tpu.pipeline_mode<synchronous>, transform_indices = @transform_4, window_bounds = array<i64: 128, 128>}, {pipeline_mode = #tpu.pipeline_mode<synchronous>, transform_indices = @transform_5, window_bounds = array<i64: 1, 128>}, {transform_indices = @transform_6, window_bounds = array<i64: 8, 2000, 128>}, {transform_indices = @transform_7, window_bounds = array<i64: 2000, 128>}]} {
    %get3A = arith.constant 0 : index
    %get3A_0 = arith.constant 0 : index
    %get3A_1 = arith.constant 0 : index
    %get3A_2 = vector.load %arg2[%get3A, %get3A_0, %get3A_1] : memref<2x2000x128xf32, #tpu.memory_space<vmem>>, vector<1x2000x128xf32>
    %get3A_3 = vector.shape_cast %get3A_2 : vector<1x2000x128xf32> to vector<2000x128xf32>
    %get3A_4 = arith.constant 1 : index
    %get3A_5 = arith.constant 0 : index
    %get3A_6 = arith.constant 0 : index
    %get3A_7 = vector.load %arg2[%get3A_4, %get3A_5, %get3A_6] : memref<2x2000x128xf32, #tpu.memory_space<vmem>>, vector<1x2000x128xf32>
    %get3A_8 = vector.shape_cast %get3A_7 : vector<1x2000x128xf32> to vector<2000x128xf32>
    %add3A = arith.addf %get3A_3, %get3A_8 : vector<2000x128xf32>
    %get3A_9 = arith.constant 0 : index
    %get3A_10 = arith.constant 0 : index
    %get3A_11 = arith.constant 0 : index
    %get3A_12 = vector.load %arg3[%get3A_9, %get3A_10, %get3A_11] : memref<2x2000x128xf32, #tpu.memory_space<vmem>>, vector<1x2000x1xf32>
    %get3A_13 = vector.shape_cast %get3A_12 : vector<1x2000x1xf32> to vector<2000x1xf32>
    %get3A_14 = arith.constant 1 : index
    %get3A_15 = arith.constant 0 : index
    %get3A_16 = arith.constant 0 : index
    %get3A_17 = vector.load %arg3[%get3A_14, %get3A_15, %get3A_16] : memref<2x2000x128xf32, #tpu.memory_space<vmem>>, vector<1x2000x1xf32>
    %get3A_18 = vector.shape_cast %get3A_17 : vector<1x2000x1xf32> to vector<2000x1xf32>
    %add3A_19 = arith.addf %get3A_13, %get3A_18 : vector<2000x1xf32>
    %max3A = arith.constant 1.000000e+00 : f32
    %max3A_20 = vector.broadcast %max3A : f32 to vector<2000x1xf32>
    %max3A_21 = arith.maximumf %add3A_19, %max3A_20 : vector<2000x1xf32>
    %get3A_22 = arith.constant 0 : index
    %get3A_23 = arith.constant 0 : index
    %get3A_24 = vector.load %arg1[%get3A_22, %get3A_23] : memref<2000x128xf32, #tpu.memory_space<vmem>>, vector<2000x128xf32>
    %div3A = vector.broadcast %max3A_21 : vector<2000x1xf32> to vector<2000x128xf32>
    %div3A_25 = arith.divf %add3A, %div3A : vector<2000x128xf32>
    %add3A_26 = arith.addf %get3A_24, %div3A_25 : vector<2000x128xf32>
    %max3A_27 = arith.constant 0.000000e+00 : f32
    %max3A_28 = vector.broadcast %max3A_27 : f32 to vector<2000x128xf32>
    %max3A_29 = arith.maximumf %add3A_26, %max3A_28 : vector<2000x128xf32>
    %get3A_30 = arith.constant 0 : index
    %get3A_31 = arith.constant 0 : index
    %get3A_32 = arith.constant 0 : index
    %get3A_33 = vector.load %arg4[%get3A_30, %get3A_31, %get3A_32] : memref<8x128x128xf32, #tpu.memory_space<vmem>>, vector<1x128x128xf32>
    %get3A_34 = vector.shape_cast %get3A_33 : vector<1x128x128xf32> to vector<128x128xf32>
    %dot_general3A = arith.constant dense<0.000000e+00> : vector<2000x128xf32>
    %dot_general3A_35 = tpu.matmul %max3A_29, %get3A_34, %dot_general3A {dimension_numbers = #tpu.dot_dimension_numbers<[1], [0], [0], [1], [0, 0, 1, 1], [], []>, transpose_lhs_hint = false} : vector<2000x128xf32>, vector<128x128xf32>, vector<2000x128xf32> -> vector<2000x128xf32>
    %swap3A = arith.constant 0 : index
    %swap3A_36 = arith.constant 0 : index
    %swap3A_37 = arith.constant 0 : index
    %swap3A_38 = vector.load %arg7[%swap3A, %swap3A_36, %swap3A_37] : memref<8x2000x128xf32, #tpu.memory_space<vmem>>, vector<1x2000x128xf32>
    %swap3A_39 = vector.shape_cast %swap3A_38 : vector<1x2000x128xf32> to vector<2000x128xf32>
    %swap3A_40 = vector.shape_cast %dot_general3A_35 : vector<2000x128xf32> to vector<1x2000x128xf32>
    tpu.vector_store %arg7[%swap3A, %swap3A_36, %swap3A_37], %swap3A_40 {strides = array<i32>} : memref<8x2000x128xf32, #tpu.memory_space<vmem>>, vector<1x2000x128xf32>,
    %get3A_41 = arith.constant 1 : index
    %get3A_42 = arith.constant 0 : index
    %get3A_43 = arith.constant 0 : index
    %get3A_44 = vector.load %arg4[%get3A_41, %get3A_42, %get3A_43] : memref<8x128x128xf32, #tpu.memory_space<vmem>>, vector<1x128x128xf32>
    %get3A_45 = vector.shape_cast %get3A_44 : vector<1x128x128xf32> to vector<128x128xf32>
    %dot_general3A_46 = arith.constant dense<0.000000e+00> : vector<2000x128xf32>
    %dot_general3A_47 = tpu.matmul %max3A_29, %get3A_45, %dot_general3A_46 {dimension_numbers = #tpu.dot_dimension_numbers<[1], [0], [0], [1], [0, 0, 1, 1], [], []>, transpose_lhs_hint = false} : vector<2000x128xf32>, vector<128x128xf32>, vector<2000x128xf32> -> vector<2000x128xf32>
    %swap3A_48 = arith.constant 1 : index
    %swap3A_49 = arith.constant 0 : index
    %swap3A_50 = arith.constant 0 : index
    %swap3A_51 = vector.load %arg7[%swap3A_48, %swap3A_49, %swap3A_50] : memref<8x2000x128xf32, #tpu.memory_space<vmem>>, vector<1x2000x128xf32>
    %swap3A_52 = vector.shape_cast %swap3A_51 : vector<1x2000x128xf32> to vector<2000x128xf32>
    %swap3A_53 = vector.shape_cast %dot_general3A_47 : vector<2000x128xf32> to vector<1x2000x128xf32>
    tpu.vector_store %arg7[%swap3A_48, %swap3A_49, %swap3A_50], %swap3A_53 {strides = array<i32>} : memref<8x2000x128xf32, #tpu.memory_space<vmem>>, vector<1x2000x128xf32>,
    %get3A_54 = arith.constant 2 : index
    %get3A_55 = arith.constant 0 : index
    %get3A_56 = arith.constant 0 : index
    %get3A_57 = vector.load %arg4[%get3A_54, %get3A_55, %get3A_56] : memref<8x128x128xf32, #tpu.memory_space<vmem>>, vector<1x128x128xf32>
    %get3A_58 = vector.shape_cast %get3A_57 : vector<1x128x128xf32> to vector<128x128xf32>
    %dot_general3A_59 = arith.constant dense<0.000000e+00> : vector<2000x128xf32>
    %dot_general3A_60 = tpu.matmul %max3A_29, %get3A_58, %dot_general3A_59 {dimension_numbers = #tpu.dot_dimension_numbers<[1], [0], [0], [1], [0, 0, 1, 1], [], []>, transpose_lhs_hint = false} : vector<2000x128xf32>, vector<128x128xf32>, vector<2000x128xf32> -> vector<2000x128xf32>
    %swap3A_61 = arith.constant 2 : index
    %swap3A_62 = arith.constant 0 : index
    %swap3A_63 = arith.constant 0 : index
    %swap3A_64 = vector.load %arg7[%swap3A_61, %swap3A_62, %swap3A_63] : memref<8x2000x128xf32, #tpu.memory_space<vmem>>, vector<1x2000x128xf32>
    %swap3A_65 = vector.shape_cast %swap3A_64 : vector<1x2000x128xf32> to vector<2000x128xf32>
    %swap3A_66 = vector.shape_cast %dot_general3A_60 : vector<2000x128xf32> to vector<1x2000x128xf32>
    tpu.vector_store %arg7[%swap3A_61, %swap3A_62, %swap3A_63], %swap3A_66 {strides = array<i32>} : memref<8x2000x128xf32, #tpu.memory_space<vmem>>, vector<1x2000x128xf32>,
    %get3A_67 = arith.constant 3 : index
    %get3A_68 = arith.constant 0 : index
    %get3A_69 = arith.constant 0 : index
    %get3A_70 = vector.load %arg4[%get3A_67, %get3A_68, %get3A_69] : memref<8x128x128xf32, #tpu.memory_space<vmem>>, vector<1x128x128xf32>
    %get3A_71 = vector.shape_cast %get3A_70 : vector<1x128x128xf32> to vector<128x128xf32>
    %dot_general3A_72 = arith.constant dense<0.000000e+00> : vector<2000x128xf32>
    %dot_general3A_73 = tpu.matmul %max3A_29, %get3A_71, %dot_general3A_72 {dimension_numbers = #tpu.dot_dimension_numbers<[1], [0], [0], [1], [0, 0, 1, 1], [], []>, transpose_lhs_hint = false} : vector<2000x128xf32>, vector<128x128xf32>, vector<2000x128xf32> -> vector<2000x128xf32>
    %swap3A_74 = arith.constant 3 : index
    %swap3A_75 = arith.constant 0 : index
    %swap3A_76 = arith.constant 0 : index
    %swap3A_77 = vector.load %arg7[%swap3A_74, %swap3A_75, %swap3A_76] : memref<8x2000x128xf32, #tpu.memory_space<vmem>>, vector<1x2000x128xf32>
    %swap3A_78 = vector.shape_cast %swap3A_77 : vector<1x2000x128xf32> to vector<2000x128xf32>
    %swap3A_79 = vector.shape_cast %dot_general3A_73 : vector<2000x128xf32> to vector<1x2000x128xf32>
    tpu.vector_store %arg7[%swap3A_74, %swap3A_75, %swap3A_76], %swap3A_79 {strides = array<i32>} : memref<8x2000x128xf32, #tpu.memory_space<vmem>>, vector<1x2000x128xf32>,
    %get3A_80 = arith.constant 4 : index
    %get3A_81 = arith.constant 0 : index
    %get3A_82 = arith.constant 0 : index
    %get3A_83 = vector.load %arg4[%get3A_80, %get3A_81, %get3A_82] : memref<8x128x128xf32, #tpu.memory_space<vmem>>, vector<1x128x128xf32>
    %get3A_84 = vector.shape_cast %get3A_83 : vector<1x128x128xf32> to vector<128x128xf32>
    %dot_general3A_85 = arith.constant dense<0.000000e+00> : vector<2000x128xf32>
    %dot_general3A_86 = tpu.matmul %max3A_29, %get3A_84, %dot_general3A_85 {dimension_numbers = #tpu.dot_dimension_numbers<[1], [0], [0], [1], [0, 0, 1, 1], [], []>, transpose_lhs_hint = false} : vector<2000x128xf32>, vector<128x128xf32>, vector<2000x128xf32> -> vector<2000x128xf32>
    %swap3A_87 = arith.constant 4 : index
    %swap3A_88 = arith.constant 0 : index
    %swap3A_89 = arith.constant 0 : index
    %swap3A_90 = vector.load %arg7[%swap3A_87, %swap3A_88, %swap3A_89] : memref<8x2000x128xf32, #tpu.memory_space<vmem>>, vector<1x2000x128xf32>
    %swap3A_91 = vector.shape_cast %swap3A_90 : vector<1x2000x128xf32> to vector<2000x128xf32>
    %swap3A_92 = vector.shape_cast %dot_general3A_86 : vector<2000x128xf32> to vector<1x2000x128xf32>
    tpu.vector_store %arg7[%swap3A_87, %swap3A_88, %swap3A_89], %swap3A_92 {strides = array<i32>} : memref<8x2000x128xf32, #tpu.memory_space<vmem>>, vector<1x2000x128xf32>,
    %get3A_93 = arith.constant 5 : index
    %get3A_94 = arith.constant 0 : index
    %get3A_95 = arith.constant 0 : index
    %get3A_96 = vector.load %arg4[%get3A_93, %get3A_94, %get3A_95] : memref<8x128x128xf32, #tpu.memory_space<vmem>>, vector<1x128x128xf32>
    %get3A_97 = vector.shape_cast %get3A_96 : vector<1x128x128xf32> to vector<128x128xf32>
    %dot_general3A_98 = arith.constant dense<0.000000e+00> : vector<2000x128xf32>
    %dot_general3A_99 = tpu.matmul %max3A_29, %get3A_97, %dot_general3A_98 {dimension_numbers = #tpu.dot_dimension_numbers<[1], [0], [0], [1], [0, 0, 1, 1], [], []>, transpose_lhs_hint = false} : vector<2000x128xf32>, vector<128x128xf32>, vector<2000x128xf32> -> vector<2000x128xf32>
    %swap3A_100 = arith.constant 5 : index
    %swap3A_101 = arith.constant 0 : index
    %swap3A_102 = arith.constant 0 : index
    %swap3A_103 = vector.load %arg7[%swap3A_100, %swap3A_101, %swap3A_102] : memref<8x2000x128xf32, #tpu.memory_space<vmem>>, vector<1x2000x128xf32>
    %swap3A_104 = vector.shape_cast %swap3A_103 : vector<1x2000x128xf32> to vector<2000x128xf32>
    %swap3A_105 = vector.shape_cast %dot_general3A_99 : vector<2000x128xf32> to vector<1x2000x128xf32>
    tpu.vector_store %arg7[%swap3A_100, %swap3A_101, %swap3A_102], %swap3A_105 {strides = array<i32>} : memref<8x2000x128xf32, #tpu.memory_space<vmem>>, vector<1x2000x128xf32>,
    %get3A_106 = arith.constant 6 : index
    %get3A_107 = arith.constant 0 : index
    %get3A_108 = arith.constant 0 : index
    %get3A_109 = vector.load %arg4[%get3A_106, %get3A_107, %get3A_108] : memref<8x128x128xf32, #tpu.memory_space<vmem>>, vector<1x128x128xf32>
    %get3A_110 = vector.shape_cast %get3A_109 : vector<1x128x128xf32> to vector<128x128xf32>
    %dot_general3A_111 = arith.constant dense<0.000000e+00> : vector<2000x128xf32>
    %dot_general3A_112 = tpu.matmul %max3A_29, %get3A_110, %dot_general3A_111 {dimension_numbers = #tpu.dot_dimension_numbers<[1], [0], [0], [1], [0, 0, 1, 1], [], []>, transpose_lhs_hint = false} : vector<2000x128xf32>, vector<128x128xf32>, vector<2000x128xf32> -> vector<2000x128xf32>
    %swap3A_113 = arith.constant 6 : index
    %swap3A_114 = arith.constant 0 : index
    %swap3A_115 = arith.constant 0 : index
    %swap3A_116 = vector.load %arg7[%swap3A_113, %swap3A_114, %swap3A_115] : memref<8x2000x128xf32, #tpu.memory_space<vmem>>, vector<1x2000x128xf32>
    %swap3A_117 = vector.shape_cast %swap3A_116 : vector<1x2000x128xf32> to vector<2000x128xf32>
    %swap3A_118 = vector.shape_cast %dot_general3A_112 : vector<2000x128xf32> to vector<1x2000x128xf32>
    tpu.vector_store %arg7[%swap3A_113, %swap3A_114, %swap3A_115], %swap3A_118 {strides = array<i32>} : memref<8x2000x128xf32, #tpu.memory_space<vmem>>, vector<1x2000x128xf32>,
    %get3A_119 = arith.constant 7 : index
    %get3A_120 = arith.constant 0 : index
    %get3A_121 = arith.constant 0 : index
    %get3A_122 = vector.load %arg4[%get3A_119, %get3A_120, %get3A_121] : memref<8x128x128xf32, #tpu.memory_space<vmem>>, vector<1x128x128xf32>
    %get3A_123 = vector.shape_cast %get3A_122 : vector<1x128x128xf32> to vector<128x128xf32>
    %dot_general3A_124 = arith.constant dense<0.000000e+00> : vector<2000x128xf32>
    %dot_general3A_125 = tpu.matmul %max3A_29, %get3A_123, %dot_general3A_124 {dimension_numbers = #tpu.dot_dimension_numbers<[1], [0], [0], [1], [0, 0, 1, 1], [], []>, transpose_lhs_hint = false} : vector<2000x128xf32>, vector<128x128xf32>, vector<2000x128xf32> -> vector<2000x128xf32>
    %swap3A_126 = arith.constant 7 : index
    %swap3A_127 = arith.constant 0 : index
    %swap3A_128 = arith.constant 0 : index
    %swap3A_129 = vector.load %arg7[%swap3A_126, %swap3A_127, %swap3A_128] : memref<8x2000x128xf32, #tpu.memory_space<vmem>>, vector<1x2000x128xf32>
    %swap3A_130 = vector.shape_cast %swap3A_129 : vector<1x2000x128xf32> to vector<2000x128xf32>
    %swap3A_131 = vector.shape_cast %dot_general3A_125 : vector<2000x128xf32> to vector<1x2000x128xf32>
    tpu.vector_store %arg7[%swap3A_126, %swap3A_127, %swap3A_128], %swap3A_131 {strides = array<i32>} : memref<8x2000x128xf32, #tpu.memory_space<vmem>>, vector<1x2000x128xf32>,
    %get3A_132 = arith.constant 0 : index
    %get3A_133 = arith.constant 0 : index
    %get3A_134 = vector.load %arg5[%get3A_132, %get3A_133] : memref<128x128xf32, #tpu.memory_space<vmem>>, vector<128x128xf32>
    %dot_general3A_135 = arith.constant dense<0.000000e+00> : vector<2000x128xf32>
    %dot_general3A_136 = tpu.matmul %max3A_29, %get3A_134, %dot_general3A_135 {dimension_numbers = #tpu.dot_dimension_numbers<[1], [0], [0], [1], [0, 0, 1, 1], [], []>, transpose_lhs_hint = false} : vector<2000x128xf32>, vector<128x128xf32>, vector<2000x128xf32> -> vector<2000x128xf32>
    %get3A_137 = arith.constant 0 : index
    %get3A_138 = arith.constant 0 : index
    %get3A_139 = vector.load %arg6[%get3A_137, %get3A_138] : memref<1x128xf32, #tpu.memory_space<vmem>>, vector<1x128xf32>
    %add3A_140 = vector.broadcast %get3A_139 : vector<1x128xf32> to vector<2000x128xf32>
    %add3A_141 = arith.addf %dot_general3A_136, %add3A_140 : vector<2000x128xf32>
    %swap3A_142 = arith.constant 0 : index
    %swap3A_143 = arith.constant 0 : index
    %swap3A_144 = vector.load %arg8[%swap3A_142, %swap3A_143] : memref<2000x128xf32, #tpu.memory_space<vmem>>, vector<2000x128xf32>
    tpu.vector_store %arg8[%swap3A_142, %swap3A_143], %add3A_141 {strides = array<i32>} : memref<2000x128xf32, #tpu.memory_space<vmem>>, vector<2000x128xf32>,
    return
  }
  func.func @transform_0(%arg0: i32) -> (i32, i32) {
    %c0_i32 = arith.constant 0 : i32
    %c0_i32_0 = arith.constant 0 : i32
    return %arg0, %c0_i32 : i32, i32
  }
  func.func @transform_1(%arg0: i32) -> (i32, i32, i32) {
    %c0_i32 = arith.constant 0 : i32
    %c0_i32_0 = arith.constant 0 : i32
    %c0_i32_1 = arith.constant 0 : i32
    return %c0_i32, %arg0, %c0_i32_0 : i32, i32, i32
  }
  func.func @transform_2(%arg0: i32) -> (i32, i32, i32) {
    %c0_i32 = arith.constant 0 : i32
    %c0_i32_0 = arith.constant 0 : i32
    %c0_i32_1 = arith.constant 0 : i32
    return %c0_i32, %arg0, %c0_i32_0 : i32, i32, i32
  }
  func.func @transform_3(%arg0: i32) -> (i32, i32, i32) {
    %c0_i32 = arith.constant 0 : i32
    %c0_i32_0 = arith.constant 0 : i32
    %c0_i32_1 = arith.constant 0 : i32
    %c0_i32_2 = arith.constant 0 : i32
    return %c0_i32, %c0_i32_0, %c0_i32_1 : i32, i32, i32
  }
  func.func @transform_4(%arg0: i32) -> (i32, i32) {
    %c0_i32 = arith.constant 0 : i32
    %c0_i32_0 = arith.constant 0 : i32
    %c0_i32_1 = arith.constant 0 : i32
    return %c0_i32, %c0_i32_0 : i32, i32
  }
  func.func @transform_5(%arg0: i32) -> (i32, i32) {
    %c0_i32 = arith.constant 0 : i32
    %c0_i32_0 = arith.constant 0 : i32
    %c0_i32_1 = arith.constant 0 : i32
    return %c0_i32, %c0_i32_0 : i32, i32
  }
  func.func @transform_6(%arg0: i32) -> (i32, i32, i32) {
    %c0_i32 = arith.constant 0 : i32
    %c0_i32_0 = arith.constant 0 : i32
    %c0_i32_1 = arith.constant 0 : i32
    return %c0_i32, %arg0, %c0_i32_0 : i32, i32, i32
  }
  func.func @transform_7(%arg0: i32) -> (i32, i32) {
    %c0_i32 = arith.constant 0 : i32
    %c0_i32_0 = arith.constant 0 : i32
    return %arg0, %c0_i32 : i32, i32
  }
}

module attributes {stable_mosaic.version = 14 : i64} {
  func.func @_final_body(%arg0: memref<10000x128xf32, #tpu.memory_space<vmem>>, %arg1: memref<2x10112x128xf32, #tpu.memory_space<vmem>>, %arg2: memref<2x10112x128xf32, #tpu.memory_space<vmem>>, %arg3: memref<10000x128xf32, #tpu.memory_space<vmem>>, %arg4: memref<1x128xf32, #tpu.memory_space<vmem>>) attributes {dimension_semantics = [], scalar_prefetch = 0 : i64, scratch_operands = 0 : i64, tpu.core_type = #tpu.core_type<tc>} {
    %get3A = arith.constant 0 : index
    %get3A_0 = arith.constant 0 : index
    %get3A_1 = arith.constant 0 : index
    %get3A_2 = vector.load %arg1[%get3A, %get3A_0, %get3A_1] : memref<2x10112x128xf32, #tpu.memory_space<vmem>>, vector<1x10000x128xf32>
    %get3A_3 = vector.shape_cast %get3A_2 : vector<1x10000x128xf32> to vector<10000x128xf32>
    %get3A_4 = arith.constant 1 : index
    %get3A_5 = arith.constant 0 : index
    %get3A_6 = arith.constant 0 : index
    %get3A_7 = vector.load %arg1[%get3A_4, %get3A_5, %get3A_6] : memref<2x10112x128xf32, #tpu.memory_space<vmem>>, vector<1x10000x128xf32>
    %get3A_8 = vector.shape_cast %get3A_7 : vector<1x10000x128xf32> to vector<10000x128xf32>
    %add3A = arith.addf %get3A_3, %get3A_8 : vector<10000x128xf32>
    %get3A_9 = arith.constant 0 : index
    %get3A_10 = arith.constant 0 : index
    %get3A_11 = arith.constant 0 : index
    %get3A_12 = vector.load %arg2[%get3A_9, %get3A_10, %get3A_11] : memref<2x10112x128xf32, #tpu.memory_space<vmem>>, vector<1x10000x1xf32>
    %get3A_13 = vector.shape_cast %get3A_12 : vector<1x10000x1xf32> to vector<10000x1xf32>
    %get3A_14 = arith.constant 1 : index
    %get3A_15 = arith.constant 0 : index
    %get3A_16 = arith.constant 0 : index
    %get3A_17 = vector.load %arg2[%get3A_14, %get3A_15, %get3A_16] : memref<2x10112x128xf32, #tpu.memory_space<vmem>>, vector<1x10000x1xf32>
    %get3A_18 = vector.shape_cast %get3A_17 : vector<1x10000x1xf32> to vector<10000x1xf32>
    %add3A_19 = arith.addf %get3A_13, %get3A_18 : vector<10000x1xf32>
    %max3A = arith.constant 1.000000e+00 : f32
    %max3A_20 = vector.broadcast %max3A : f32 to vector<10000x1xf32>
    %max3A_21 = arith.maximumf %add3A_19, %max3A_20 : vector<10000x1xf32>
    %get3A_22 = arith.constant 0 : index
    %get3A_23 = arith.constant 0 : index
    %get3A_24 = vector.load %arg0[%get3A_22, %get3A_23] : memref<10000x128xf32, #tpu.memory_space<vmem>>, vector<10000x128xf32>
    %div3A = vector.broadcast %max3A_21 : vector<10000x1xf32> to vector<10000x128xf32>
    %div3A_25 = arith.divf %add3A, %div3A : vector<10000x128xf32>
    %add3A_26 = arith.addf %get3A_24, %div3A_25 : vector<10000x128xf32>
    %max3A_27 = arith.constant 0.000000e+00 : f32
    %max3A_28 = vector.broadcast %max3A_27 : f32 to vector<10000x128xf32>
    %max3A_29 = arith.maximumf %add3A_26, %max3A_28 : vector<10000x128xf32>
    %swap3A = arith.constant 0 : index
    %swap3A_30 = arith.constant 0 : index
    %swap3A_31 = vector.load %arg3[%swap3A, %swap3A_30] : memref<10000x128xf32, #tpu.memory_space<vmem>>, vector<10000x128xf32>
    tpu.vector_store %arg3[%swap3A, %swap3A_30], %max3A_29 {strides = array<i32>} : memref<10000x128xf32, #tpu.memory_space<vmem>>, vector<10000x128xf32>,
    %reduce_sum3A = arith.constant dense<0.000000e+00> : vector<128xf32>
    %reduce_sum3A_32 = vector.multi_reduction <add>, %max3A_29, %reduce_sum3A [0] : vector<10000x128xf32> to vector<128xf32>
    %broadcast_in_dim3A = vector.shape_cast %reduce_sum3A_32 : vector<128xf32> to vector<1x128xf32>
    %div3A_33 = arith.constant 1.000000e+04 : f32
    %div3A_34 = vector.broadcast %div3A_33 : f32 to vector<1x128xf32>
    %div3A_35 = arith.divf %broadcast_in_dim3A, %div3A_34 : vector<1x128xf32>
    %swap3A_36 = arith.constant 0 : index
    %swap3A_37 = arith.constant 0 : index
    %swap3A_38 = vector.load %arg4[%swap3A_36, %swap3A_37] : memref<1x128xf32, #tpu.memory_space<vmem>>, vector<1x128xf32>
    tpu.vector_store %arg4[%swap3A_36, %swap3A_37], %div3A_35 {strides = array<i32>} : memref<1x128xf32, #tpu.memory_space<vmem>>, vector<1x128xf32>,
    return
  }
}

module attributes {stable_mosaic.version = 14 : i64} {
  func.func @_scorer_body(%arg0: memref<1x128xf32, #tpu.memory_space<vmem>>, %arg1: memref<1024x128xf32, #tpu.memory_space<vmem>>, %arg2: memref<1024x128xf32, #tpu.memory_space<vmem>>, %arg3: memref<1024x128xf32, #tpu.memory_space<vmem>>, %arg4: memref<512x128xf32, #tpu.memory_space<vmem>>, %arg5: memref<1x128xf32, #tpu.memory_space<vmem>>, %arg6: memref<128x128xf32, #tpu.memory_space<vmem>>, %arg7: memref<1x128xf32, #tpu.memory_space<vmem>>, %arg8: memref<1024x128xf32, #tpu.memory_space<vmem>>) attributes {dimension_semantics = [], scalar_prefetch = 0 : i64, scratch_operands = 0 : i64, tpu.core_type = #tpu.core_type<tc>} {
    %get3A = arith.constant 0 : index
    %get3A_0 = arith.constant 0 : index
    %get3A_1 = vector.load %arg5[%get3A, %get3A_0] : memref<1x128xf32, #tpu.memory_space<vmem>>, vector<1x128xf32>
    %get3A_2 = arith.constant 0 : index
    %get3A_3 = arith.constant 0 : index
    %get3A_4 = vector.load %arg0[%get3A_2, %get3A_3] : memref<1x128xf32, #tpu.memory_space<vmem>>, vector<1x128xf32>
    %get3A_5 = arith.constant 384 : index
    %get3A_6 = arith.constant 0 : index
    %get3A_7 = vector.load %arg4[%get3A_5, %get3A_6] : memref<512x128xf32, #tpu.memory_space<vmem>>, vector<128x128xf32>
    %dot_general3A = arith.constant dense<0.000000e+00> : vector<1x128xf32>
    %dot_general3A_8 = tpu.matmul %get3A_4, %get3A_7, %dot_general3A {dimension_numbers = #tpu.dot_dimension_numbers<[1], [0], [0], [1], [0, 0, 1, 1], [], []>, transpose_lhs_hint = false} : vector<1x128xf32>, vector<128x128xf32>, vector<1x128xf32> -> vector<1x128xf32>
    %add3A = arith.addf %get3A_1, %dot_general3A_8 : vector<1x128xf32>
    %get3A_9 = arith.constant 0 : index
    %get3A_10 = arith.constant 0 : index
    %get3A_11 = vector.load %arg1[%get3A_9, %get3A_10] : memref<1024x128xf32, #tpu.memory_space<vmem>>, vector<1024x128xf32>
    %get3A_12 = arith.constant 0 : index
    %get3A_13 = arith.constant 0 : index
    %get3A_14 = vector.load %arg4[%get3A_12, %get3A_13] : memref<512x128xf32, #tpu.memory_space<vmem>>, vector<128x128xf32>
    %dot_general3A_15 = arith.constant dense<0.000000e+00> : vector<1024x128xf32>
    %dot_general3A_16 = tpu.matmul %get3A_11, %get3A_14, %dot_general3A_15 {dimension_numbers = #tpu.dot_dimension_numbers<[1], [0], [0], [1], [0, 0, 1, 1], [], []>, transpose_lhs_hint = false} : vector<1024x128xf32>, vector<128x128xf32>, vector<1024x128xf32> -> vector<1024x128xf32>
    %get3A_17 = arith.constant 0 : index
    %get3A_18 = arith.constant 0 : index
    %get3A_19 = vector.load %arg2[%get3A_17, %get3A_18] : memref<1024x128xf32, #tpu.memory_space<vmem>>, vector<1024x128xf32>
    %get3A_20 = arith.constant 128 : index
    %get3A_21 = arith.constant 0 : index
    %get3A_22 = vector.load %arg4[%get3A_20, %get3A_21] : memref<512x128xf32, #tpu.memory_space<vmem>>, vector<128x128xf32>
    %dot_general3A_23 = arith.constant dense<0.000000e+00> : vector<1024x128xf32>
    %dot_general3A_24 = tpu.matmul %get3A_19, %get3A_22, %dot_general3A_23 {dimension_numbers = #tpu.dot_dimension_numbers<[1], [0], [0], [1], [0, 0, 1, 1], [], []>, transpose_lhs_hint = false} : vector<1024x128xf32>, vector<128x128xf32>, vector<1024x128xf32> -> vector<1024x128xf32>
    %add3A_25 = arith.addf %dot_general3A_16, %dot_general3A_24 : vector<1024x128xf32>
    %get3A_26 = arith.constant 0 : index
    %get3A_27 = arith.constant 0 : index
    %get3A_28 = vector.load %arg3[%get3A_26, %get3A_27] : memref<1024x128xf32, #tpu.memory_space<vmem>>, vector<1024x128xf32>
    %get3A_29 = arith.constant 256 : index
    %get3A_30 = arith.constant 0 : index
    %get3A_31 = vector.load %arg4[%get3A_29, %get3A_30] : memref<512x128xf32, #tpu.memory_space<vmem>>, vector<128x128xf32>
    %dot_general3A_32 = arith.constant dense<0.000000e+00> : vector<1024x128xf32>
    %dot_general3A_33 = tpu.matmul %get3A_28, %get3A_31, %dot_general3A_32 {dimension_numbers = #tpu.dot_dimension_numbers<[1], [0], [0], [1], [0, 0, 1, 1], [], []>, transpose_lhs_hint = false} : vector<1024x128xf32>, vector<128x128xf32>, vector<1024x128xf32> -> vector<1024x128xf32>
    %add3A_34 = arith.addf %add3A_25, %dot_general3A_33 : vector<1024x128xf32>
    %add3A_35 = vector.broadcast %add3A : vector<1x128xf32> to vector<1024x128xf32>
    %add3A_36 = arith.addf %add3A_34, %add3A_35 : vector<1024x128xf32>
    %max3A = arith.constant 0.000000e+00 : f32
    %max3A_37 = vector.broadcast %max3A : f32 to vector<1024x128xf32>
    %max3A_38 = arith.maximumf %add3A_36, %max3A_37 : vector<1024x128xf32>
    %get3A_39 = arith.constant 0 : index
    %get3A_40 = arith.constant 0 : index
    %get3A_41 = vector.load %arg6[%get3A_39, %get3A_40] : memref<128x128xf32, #tpu.memory_space<vmem>>, vector<128x128xf32>
    %dot_general3A_42 = arith.constant dense<0.000000e+00> : vector<1024x128xf32>
    %dot_general3A_43 = tpu.matmul %max3A_38, %get3A_41, %dot_general3A_42 {dimension_numbers = #tpu.dot_dimension_numbers<[1], [0], [0], [1], [0, 0, 1, 1], [], []>, transpose_lhs_hint = false} : vector<1024x128xf32>, vector<128x128xf32>, vector<1024x128xf32> -> vector<1024x128xf32>
    %get3A_44 = arith.constant 0 : index
    %get3A_45 = arith.constant 0 : index
    %get3A_46 = vector.load %arg7[%get3A_44, %get3A_45] : memref<1x128xf32, #tpu.memory_space<vmem>>, vector<1x128xf32>
    %add3A_47 = vector.broadcast %get3A_46 : vector<1x128xf32> to vector<1024x128xf32>
    %add3A_48 = arith.addf %dot_general3A_43, %add3A_47 : vector<1024x128xf32>
    %swap3A = arith.constant 0 : index
    %swap3A_49 = arith.constant 0 : index
    %swap3A_50 = vector.load %arg8[%swap3A, %swap3A_49] : memref<1024x128xf32, #tpu.memory_space<vmem>>, vector<1024x128xf32>
    tpu.vector_store %arg8[%swap3A, %swap3A_49], %add3A_48 {strides = array<i32>} : memref<1024x128xf32, #tpu.memory_space<vmem>>, vector<1024x128xf32>,
    return
  }
}

</mosaic_0001>

<sc_bundles>
// kernel: kernel.11.cloned.1.call-start
scs
__scs_entry_jumppad:
0x0: {  	(pc) =	sbr.rel $0x88, $3  }
0x1: {  	(tag) =	ssettag $0x0;
	lr =	simm.s32 $0x1  }
0x2: {  	[smem:$0x3F90] =	sst lr;
	_ =	strace $0xD0000000  }
0x3: {  	_ = 	snop  }
0x4: {  	_ = 	snop  }
0x5: {  	_ = 	snop  }
0x6: {  	_ = 	snop  }
0x7: {  	_ = 	snop  }
__scs_overlays_trampoline_lowered:
0x8: {  	[smem:$0x3F9F] =	sst s0  }
0x9: {  	[smem:$0x3FA0] =	sst s1  }
0xa: {  	[smem:$0x3FA1] =	sst s2  }
0xb: {  	[smem:$0x3FA2] =	sst s3  }
0xc: {  	[smem:$0x3FA3] =	sst s4  }
0xd: {  	[smem:$0x3FA4] =	sst s5  }
0xe: {  	[smem:$0x3FA5] =	sst s6  }
0xf: {  	[smem:$0x3FA6] =	sst s7  }
0x10: {  	[smem:$0x3FA7] =	sst s8  }
0x11: {  	[smem:$0x3FA8] =	sst s9;
	s0 =	simm.s32 @!p0 $0x0  }
0x12: {  	s1 =	sld [smem:$0x3F8E];
	s0 =	simm.s32 @p0 $0x1  }
0x13: {  	[smem:$0x3FA9] =	sst s0;
	s0 =	simm.s32 @!p1 $0x0  }
0x14: {  	s2 =	sld [smem:$0x3F8D];
	s0 =	simm.s32 @p1 $0x1  }
0x15: {  	[smem:$0x3FAA] =	sst s0;
	s0 =	simm.s32 @!p2 $0x0  }
0x16: {  	s3 =	sld [smem:$0x3FDB];
	s0 =	simm.s32 @p2 $0x1  }
0x17: {  	s4 =	simm.s32 $0x1BF5;
	[smem:$0x3FAC] =	sst s0  }
0x18: {  	s0 =	sld [smem:$0x3F8F];
	_ =	swait.ge [sflag:s4], $0x0  }
0x19: {  	s7 =	sld [smem:$0x3F90]  }
0x1a: {  	s8 =	sadd.s32 $0xFFFFE003, lr  }
0x1b: {  	s9 =	sadd.s32 $0xFFFFFEF7, lr;
	s5 =	simm.s32 $0xFFFFFFFF;
	p2 =	slt.u32 s8, $0xFFFFF086  }
0x1c: {  	p1 =	slt.u32 s9, $0xF7A;
	s5 =	simm.s32 @!p2 $0x0  }
0x1d: {  	s5 =	simm.s32 @p1 $0x1;
	p0 =	seq.s32 s7, s2  }
0x1e: {  	s7 =	smul.u32 @!p0 $0xF7A, s2;
	p2 =	seq.s32 @!p0 s5, $0x0  }
0x1f: {  	s9 =	smul.u32 $0xF7A, s1;
	s8 =	simm.s32 @!p0 $0x1BF5;
	p2 =	por !p2, p0  }
0x20: {  	[sflag:s8] =	ssyncset.s32 @!p0 $0xFFFFF086;
	s6 =	sadd.s32 @!p0 s3, s7;
	s7 =	simm.s32 @!p0 $0x108  }
0x21: {  	s3 =	sadd.s32 s3, s9;
	s6 =	sadd.s32 @!p0 $0x88, s6;
	s7 =	simm.s32 @p2 $0x1082  }
0x22: {  	[simem:s7], [sflag:s8] =	dma.local @!p0 [hbm:s6], $0xF7A  }
0x23: {  	s9 =	sor.u32 $0xD0000000, s2;
	s6 =	simm.s32 $0x108;
	_ =	swait.ge @!p0 [sflag:s8], $0x0  }
0x24: {  	s3 =	sadd.s32 $0x88, s3;
	s6 =	simm.s32 @!p1 $0x1082;
	[sflag:s4] =	ssyncset.s32 $0xFFFFF086  }
0x25: {  	[simem:s6], [sflag:s4] =	dma.local [hbm:s3], $0xF7A  }
0x26: {  	[smem:$0x3F90] =	sst s1;
	(tag) =	ssettag s2;
	_ =	strace s9  }
0x27: {  	s1 =	sld [smem:$0x3FA0]  }
0x28: {  	s2 =	sld [smem:$0x3FA1]  }
0x29: {  	s4 =	sld [smem:$0x3FA3]  }
0x2a: {  	p0 =	seq.s32 s5, $0x0;
	s5 =	sld [smem:$0x3FA4]  }
0x2b: {  	s6 =	sld [smem:$0x3FA5]  }
0x2c: {  	s7 =	sld [smem:$0x3FA6]  }
0x2d: {  	s3 =	simm.s32 $0x108;
	s8 =	sld [smem:$0x3FA7]  }
0x2e: {  	s3 =	simm.s32 @!p0 $0x1082;
	s9 =	sld [smem:$0x3FA8]  }
0x2f: {  	lr =	sadd.s32 s0, s3;
	s0 =	sld [smem:$0x3F9F]  }
0x30: {  	s3 =	sld [smem:$0x3FA2]  }
0x31: {  	[smem:$0x3FAB] =	sst s10  }
0x32: {  	s10 =	sld [smem:$0x3FA9];
	_ =	sdelay $0x3  }
0x33: {  	p0 =	seq.s32 s10, $0x1;
	s10 =	sld [smem:$0x3FAB];
	_ =	sdelay $0x3  }
0x34: {  	[smem:$0x3FAB] =	sst s10  }
0x35: {  	s10 =	sld [smem:$0x3FAA];
	_ =	sdelay $0x3  }
0x36: {  	p1 =	seq.s32 s10, $0x1;
	s10 =	sld [smem:$0x3FAB];
	_ =	sdelay $0x3  }
0x37: {  	[smem:$0x3FAB] =	sst s10  }
0x38: {  	s10 =	sld [smem:$0x3FAC]  }
0x39: {  	_ = 	snop;
	(pc) =	sbr.ind lr, $3  }
0x3a: {  	_ = 	snop  }
0x3b: {  	_ = 	snop  }
0x3c: {  	p2 =	seq.s32 s10, $0x1;
	s10 =	sld [smem:$0x3FAB]  }
0x3d: {  	_ =	shalt  }
0x3e: {  	_ =	shalt  }
0x3f: {  	_ =	shalt  }
0x40: {  	_ =	shalt  }
0x41: {  	_ =	shalt  }
0x42: {  	_ =	shalt  }
0x43: {  	_ =	shalt  }
0x44: {  	_ =	shalt  }
0x45: {  	_ =	shalt  }
0x46: {  	_ =	shalt  }
0x47: {  	_ =	shalt  }
0x48: {  	_ =	shalt  }
0x49: {  	_ =	shalt  }
0x4a: {  	_ =	shalt  }
0x4b: {  	_ =	shalt  }
0x4c: {  	_ =	shalt  }
0x4d: {  	_ =	shalt  }
0x4e: {  	_ =	shalt  }
0x4f: {  	_ =	shalt  }
0x50: {  	_ =	shalt  }
0x51: {  	_ =	shalt  }
0x52: {  	_ =	shalt  }
0x53: {  	_ =	shalt  }
0x54: {  	_ =	shalt  }
0x55: {  	_ =	shalt  }
0x56: {  	_ =	shalt  }
0x57: {  	_ =	shalt  }
0x58: {  	_ =	shalt  }
0x59: {  	_ =	shalt  }
0x5a: {  	_ =	shalt  }
0x5b: {  	_ =	shalt  }
0x5c: {  	_ =	shalt  }
0x5d: {  	_ =	shalt  }
0x5e: {  	_ =	shalt  }
0x5f: {  	_ =	shalt  }
0x60: {  	_ =	shalt  }
0x61: {  	_ =	shalt  }
0x62: {  	_ =	shalt  }
0x63: {  	_ =	shalt  }
0x64: {  	_ =	shalt  }
0x65: {  	_ =	shalt  }
0x66: {  	_ =	shalt  }
0x67: {  	_ =	shalt  }
0x68: {  	_ =	shalt  }
0x69: {  	_ =	shalt  }
0x6a: {  	_ =	shalt  }
0x6b: {  	_ =	shalt  }
0x6c: {  	_ =	shalt  }
0x6d: {  	_ =	shalt  }
0x6e: {  	_ =	shalt  }
0x6f: {  	_ =	shalt  }
0x70: {  	_ =	shalt  }
0x71: {  	_ =	shalt  }
0x72: {  	_ =	shalt  }
0x73: {  	_ =	shalt  }
0x74: {  	_ =	shalt  }
0x75: {  	_ =	shalt  }
0x76: {  	_ =	shalt  }
0x77: {  	_ =	shalt  }
0x78: {  	_ =	shalt  }
0x79: {  	_ =	shalt  }
0x7a: {  	_ =	shalt  }
0x7b: {  	_ =	shalt  }
0x7c: {  	_ =	shalt  }
0x7d: {  	_ =	shalt  }
0x7e: {  	_ =	shalt  }
0x7f: {  	_ =	shalt  }
0x80: {  	_ =	shalt  }
0x81: {  	_ =	shalt  }
0x82: {  	_ =	shalt  }
0x83: {  	_ =	shalt  }
0x84: {  	_ =	shalt  }
0x85: {  	_ =	shalt  }
0x86: {  	_ =	shalt  }
0x87: {  	_ =	shalt  }
.Lfunc_end0:
.L_simem_size_0:
called_computation_lowered:
.L_overlay_start_0:
0x88: {  	s2 =	sld [smem:$0x3FD9]  }
0x89: {  	s3 =	sld [smem:$0x3FFE];
	_ =	sdelay $0x1  }
0x8a: {  	s1 =	srdreg.scid  }
0x8b: {  	s0 =	sand.u32 $0x1, s1  }
0x8c: {  	s17 =	sshll.u32 s0, $0xA;
	s2 =	sadd.s32 s3, s2  }
0x8d: {  	s2 =	sadd.s32 s2, s17  }
0x8e: {  	[smem:$0x3FB7] =	sst s2  }
0x8f: {  	_ = 	snop  }
0x90: {  	(tm) =	ssettm $0x1  }
0x91: {  	s18 =	sld [smem:$0x3FFB];
	_ =	sdelay $0x3  }
0x92: {  	_ =	strace s18  }
0x93: {  	s2 =	sld [smem:$0x3FFC];
	_ =	sdelay $0x3  }
0x94: {  	_ =	strace s2  }
0x95: {  	s2 =	sld [smem:$0x3FFD];
	_ =	sdelay $0x3  }
0x96: {  	_ =	strace s2  }
0x97: {  	_ =	strace $0x8FFFFFFF  }
0x98: {  	s19 =	sld [smem:$0x3FDB];
	_ =	sdelay $0x1  }
0x99: {  	s20 =	simm.s32 $_scs_section_size  }
0x9a: {  	s4 =	simm.s32 $_size__tile_overlayer_lowered;
	s5 =	simm.s32 $_tile_overlayer_lowered  }
0x9b: {  	s6 =	simm.s32 $0x1BFF;
	s21 =	sshll.u32 s5, $0x1;
	s3 =	sadd.s32 s20, s19  }
0x9c: {  	s22 =	simm.s32 $0x0;
	s4 =	sshll.u32 s4, $0x1;
	s5 =	sadd.s32 s21, s3  }
0x9d: {  	[timem:s22], [sflag:s6] =	dma.local [hbm:s5], s4  }
0x9e: {  	_ =	swait.ge [sflag:s6], s4  }
0x9f: {  	s4 =	ssub.s32 $0x0, s4;
	[sflag:s6] =	ssyncset.done $0x0  }
0xa0: {  	[sflag:s6] =	ssyncadd.s32 s4;
	_ =	sdelay $0x1  }
0xa1: {  	s23 =	simm.s32 $0x1B8B  }
0xa2: {  	_ =	swait.ge [sflag:s23], $0x1  }
0xa3: {  	[sflag:s23] =	ssyncset.done $0x0  }
0xa4: {  	[sflag:s23] =	ssyncadd.s32 $0xFFFFFFFF  }
0xa5: {  	s4 =	sld [smem:$0x0]  }
0xa6: {  	s5 =	sand.u32 $0xFFFFFFFE, s1  }
0xa7: {  	p0 =	sne.s32 s1, s5  }
0xa8: {  	s5 =	sshll.u32 @p0 s5, $0xE  }
0xa9: {  	s5 =	sadd.s32 @p0 $0x11B8D, s5;
	s6 =	sshll.u32 @p0 s4, $0x11  }
0xaa: {  	s5 =	sor.u32 @p0 s6, s5  }
0xab: {  	[sflag:s5] =	ssyncadd.remote.s32 @p0 $0x1;
	_ =	sdelay $0x1  }
0xac: {  	s5 =	simm.s32 @p0 $0x1B8D  }
0xad: {  	_ =	swait.eq @p0 [sflag:s5], $0x1  }
0xae: {  	[sflag:s5] =	ssyncadd.s32 @p0 $0xFFFFFFFF  }
0xaf: {  	s6 =	sshll.u32 @!p0 s1, $0xE  }
0xb0: {  	s6 =	sor.u32 @!p0 $0x4000, s6;
	s5 =	simm.s32 @!p0 $0x1B8D  }
0xb1: {  	s4 =	sshll.u32 @!p0 s4, $0x11;
	s6 =	sadd.s32 @!p0 $0x11B8D, s6;
	_ =	swait.eq @!p0 [sflag:s5], $0x1  }
0xb2: {  	s4 =	sor.u32 @!p0 s4, s6;
	[sflag:s5] =	ssyncadd.s32 @!p0 $0xFFFFFFFF  }
0xb3: {  	s25 =	simm.s32 $0x1B8E;
	s24 =	sld [smem:$0x3FFE];
	[sflag:s4] =	ssyncadd.remote.s32 @!p0 $0x1  }
0xb4: {  	s26 =	simm.s32 $execute0_lowered;
	[smem:$0x3FD2] =	sst s25  }
0xb5: {  	s5 =	sshll.u32 s26, $0x1;
	_ =	strace $0x80000049;
	[dreg:$0x1] =	wrdreg $0xFFFFFFFF  }
0xb6: {  	s28 =	simm.s32 $_size_execute0_lowered;
	s3 =	sadd.s32 s3, s5;
	[dreg:$0x0] =	wrdreg $0x0  }
0xb7: {  	s5 =	sshll.u32 s28, $0x1;
	[dreg:$0x2] =	wrdreg s3  }
0xb8: {  	[dreg:$0x3] =	wrdreg s5  }
0xb9: {  	[dreg:$0x4] =	wrdreg $0xC0  }
0xba: {  	_ =	task [dreg:s22], $0x5FFFF  }
0xbb: {  	[dreg:$0x1] =	wrdreg $0xFFFFFFFF  }
0xbc: {  	[dreg:$0x0] =	wrdreg $0x60  }
0xbd: {  	[dreg:$0x2] =	wrdreg s24  }
0xbe: {  	[dreg:$0x3] =	wrdreg $0x70800  }
0xbf: {  	[dreg:$0x4] =	wrdreg $0x9  }
0xc0: {  	_ =	task.clear_ibuf [dreg:s22], $0x5FFFF;
	_ =	strace $0x90000049  }
0xc1: {  	s29 =	simm.s32 $0x9;
	_ =	strace $0x8000004B  }
0xc2: {  	_ =	swait.ge [sflag:s29], $0x1  }
0xc3: {  	[sflag:s29] =	ssyncadd.s32 $0xFFFFFFFF  }
0xc4: {  	_ =	strace $0x9000004B  }
0xc5: {  	_ =	sfence  }
0xc6: {  	s30 =	sld [smem:$0x0];
	_ =	sdelay $0x2  }
0xc7: {  	s31 =	sshll.u32 s1, $0xD;
	s1 =	sshrl.u32 s1, $0x2  }
0xc8: {  	s4 =	sand.u32 $0x4000, s31;
	s1 =	sadd.s32 s1, s30  }
0xc9: {  	s0 =	sor.u32 s4, s0;
	s1 =	sshll.u32 s1, $0x11  }
0xca: {  	s0 =	sor.u32 s1, s0  }
0xcb: {  	s0 =	sadd.s32 $0x8F2B, s0  }
0xcc: {  	[sflag:s0] =	ssyncadd.remote.s32 $0x1  }
0xcd: {  	_ =	sfence.sel $0xFFFF  }
0xce: {  	[dreg:$0x0] =	wrdreg $0xFFFFFFFF;
	(pc) =	sbr.abs _section_cstart, $3  }
0xcf: {  	[dreg:$0x1] =	wrdreg $0xFFFFFFFF  }
0xd0: {  	_ =	task.clear_ibuf [dreg:s22], $0x2FFFF;
	_ =	strace $0x9FFFFFFF  }
0xd1: {  	(tm) =	ssettm $0x7FFFFFFF  }
tec
execute0_lowered:
.L_overlay_start_1:
0x0: {  	(tag) =	ssettag $0x1  }
0x1: {  	s1 =	srdreg.scid  }
0x2: {  	s0 =	stileid.u32;
	s6 =	rddreg [dreg:$0x0]  }
0x3: {  	s2 =	rddreg [dreg:$0x1];
	s3 =	simm.s32 $0x0;
	s5 =	smul.u32 $0x4EC0, s0  }
0x4: {  	s4 =	sand.u32 $0x1, s1;
	s1 =	rddreg [dreg:$0x2];
	s11 =	smul.u32 $0x278, s0  }
0x5: {  	s22 =	simm.s32 $0x0;
	[smem:$0x7FF] =	sst s3;
	s26 =	smul.u32 $0x4F000, s0  }
0x6: {  	s16 =	sadd.s32 $0x19EC00, s6;
	s7 =	smul.u32 $0x2760, s4;
	s23 =	ssub.s32 $0x2, s4  }
0x7: {  	_ =	strace $0x8000004A;
	s14 =	smul.u32 $0x2780, s4;
	s24 =	sshrl.u32 s23, $0x1  }
0x8: {  	s25 =	sadd.s32 $0x230, s11;
	s30 =	sshrl.u32 s26, $0x2;
	s12 =	sadd.s32 $0x70, s11  }
0x9: {  	s15 =	sadd.s32 $0xE0, s11;
	s18 =	sadd.s32 $0x150, s11;
	s19 =	sadd.s32 $0x1C0, s11  }
0xa: {  	s5 =	sadd.s32 s7, s5;
	s8 =	ssub.s32 s23, s24;
	s28 =	sshll.u32 s25, $0x7  }
0xb: {  	s29 =	sadd.s32 s14, s25;
	s31 =	sshll.u32 s12, $0x7;
	s9 =	sshll.u32 s15, $0x7  }
0xc: {  	s10 =	sshll.u32 s18, $0x7;
	s11 =	sadd.s32 s14, s11;
	s12 =	sadd.s32 s14, s12  }
0xd: {  	s13 =	sshll.u32 s19, $0x7;
	s15 =	sadd.s32 s14, s15;
	s18 =	sadd.s32 s14, s18  }
0xe: {  	s14 =	sadd.s32 s14, s19;
	s5 =	sshrl.u32 s5, $0x3;
	s4 =	sadd.s32 s28, s2  }
0xf: {  	s7 =	smax.u32 s8, $0x1;
	s8 =	sadd.s32 s31, s2;
	s9 =	sadd.s32 s9, s2  }
0x10: {  	s10 =	sadd.s32 s10, s2;
	s20 =	sshll.u32 s11, $0x4;
	s21 =	sshll.u32 s12, $0x4  }
0x11: {  	s11 =	sadd.s32 s13, s2;
	s15 =	sshll.u32 s15, $0x4;
	s18 =	sshll.u32 s18, $0x4  }
0x12: {  	s19 =	sshll.u32 s14, $0x4;
	s17 =	sadd.s32 s5, s6;
	s5 =	sshll.u32 s29, $0x4  }
0x13: {  	s6 =	sadd.s32 s30, s2;
	s12 =	sadd.s32 s16, s20;
	s13 =	sadd.s32 s16, s21  }
0x14: {  	s14 =	sadd.s32 s16, s15;
	s15 =	sadd.s32 s16, s18;
	s18 =	simm.s32 $0x3880  }
0x15: {  	s20 =	simm.s32 $0x70;
	s21 =	simm.s32 $0x80;
	s5 =	sadd.s32 s16, s5  }
0x16: {  	v0 =	vimm.f32 $1.000000000e+00;
	v1 =	vimm.f32 $0.0e+00;
	s16 =	sadd.s32 s16, s19;
	s17 =	sadd.s32 $0xD600, s17;
	s19 =	simm.s32 $0x1  }
.LBB2_1:
0x17: {  	s23 =	simm.s32 $0x0;
	s24 =	simm.s32 $0x0  }
.LBB2_2:
0x18: {  	p0 =	sne.s32 s24, $0xDFC0  }
.Ltmp0:
0x19: {  	_ = 	snop;
	(pc) =	sbr.rel @p0 .LBB2_2-.Ltmp0, $4  }
0x1a: {  	s25 =	sand.u32 $0xFE00, s24  }
0x1b: {  	s26 =	sand.u32 $0x70, s23;
	s25 =	sshrl.u32 s25, $0x2  }
0x1c: {  	s25 =	sor.u32 s26, s25  }
0x1d: {  	s23 =	sadd.s32 $0x10, s23;
	s24 =	sadd.s32 $0x40, s24;
	[tilespmem:s25+$0x80] =	vst v0  }
0x1e: {  	s23 =	simm.s32 $0x0  }
0x1f: {  	s24 =	sand.u32 $0xFE00, s23  }
0x20: {  	s25 =	sand.u32 $0x70, s23;
	s26 =	sshrl.u32 s24, $0x2  }
0x21: {  	s24 =	simm.s32 $0x40;
	s25 =	sor.u32 s25, s26  }
.LBB2_4:
0x22: {  	p0 =	sne.s32 s24, $0xDFC0  }
0x23: {  	[tilespmem:s25+$0x3880] =	vst v1;
	s23 =	sadd.s32 $0x10, s23;
	s25 =	smov.u32 s24;
	s24 =	sadd.s32 $0x40, s24  }
.Ltmp1:
0x24: {  	(pc) =	sbr.rel @p0 .LBB2_4-.Ltmp1, $4  }
0x25: {  	_ = 	snop  }
0x26: {  	s25 =	sand.u32 $0xFE00, s25  }
0x27: {  	s26 =	sand.u32 $0x70, s23;
	s25 =	sshrl.u32 s25, $0x2  }
0x28: {  	s25 =	sor.u32 s26, s25  }
0x29: {  	[tilespmem:s25+$0x3880] =	vst v1  }
0x2a: {  	[spmem:s6] =	stream.linear.scatter [tilespmem:s18], [sflag:$0x1], $0x3800, $0x38;
	[tilespmem:$0x1AC80] =	vst v63  }
0x2b: {  	_ =	swait.ge [sflag:s19], $0x3800  }
0x2c: {  	[sflag:s19] =	ssyncset.done $0x0  }
0x2d: {  	[sflag:s19] =	ssyncadd.s32 $0xFFFFC800  }
0x2e: {  	[spmem:s8] =	stream.linear.scatter [tilespmem:s18], [sflag:$0x1], $0x3800, $0x38;
	[tilespmem:$0x1AC80] =	vst v63  }
0x2f: {  	_ =	swait.ge [sflag:s19], $0x3800  }
0x30: {  	[sflag:s19] =	ssyncset.done $0x0  }
0x31: {  	[sflag:s19] =	ssyncadd.s32 $0xFFFFC800  }
0x32: {  	[spmem:s9] =	stream.linear.scatter [tilespmem:s18], [sflag:$0x1], $0x3800, $0x38;
	[tilespmem:$0x1AC80] =	vst v63  }
0x33: {  	_ =	swait.ge [sflag:s19], $0x3800  }
0x34: {  	[sflag:s19] =	ssyncset.done $0x0  }
0x35: {  	[sflag:s19] =	ssyncadd.s32 $0xFFFFC800  }
0x36: {  	[spmem:s10] =	stream.linear.scatter [tilespmem:s18], [sflag:$0x1], $0x3800, $0x38;
	[tilespmem:$0x1AC80] =	vst v63  }
0x37: {  	_ =	swait.ge [sflag:s19], $0x3800  }
0x38: {  	[sflag:s19] =	ssyncset.done $0x0  }
0x39: {  	[sflag:s19] =	ssyncadd.s32 $0xFFFFC800  }
0x3a: {  	[spmem:s11] =	stream.linear.scatter [tilespmem:s18], [sflag:$0x1], $0x3800, $0x38;
	[tilespmem:$0x1AC80] =	vst v63  }
0x3b: {  	_ =	swait.ge [sflag:s19], $0x3800  }
0x3c: {  	[sflag:s19] =	ssyncset.done $0x0  }
0x3d: {  	[sflag:s19] =	ssyncadd.s32 $0xFFFFC800  }
0x3e: {  	[spmem:s4] =	stream.linear.scatter [tilespmem:s18], [sflag:$0x1], $0x2400, $0x38;
	[tilespmem:$0x1AC80] =	vst v63  }
0x3f: {  	_ =	swait.ge [sflag:s19], $0x2400  }
0x40: {  	[sflag:s19] =	ssyncset.done $0x0  }
0x41: {  	[sflag:s19] =	ssyncadd.s32 $0xFFFFDC00  }
0x42: {  	s23 =	sadd.s32 $0x0, s17;
	[bflag:$0x0] =	sbarrier.arrive $0xFFFF  }
0x43: {  	[tilespmem:s3], [sflag:$0x1] =	stream.linear.gather [hbm4b:s23+s3], $0x70, $0x38;
	[tilespmem:$0x1AC80] =	vst v63  }
0x44: {  	_ =	swait.ge [sflag:s19], $0x70  }
0x45: {  	[sflag:s19] =	ssyncset.done $0x0  }
0x46: {  	[sflag:s19] =	ssyncadd.s32 $0xFFFFFF90  }
0x47: {  	[spmem:s2] =	stream.indirect.scatter.add.f32 [tilespmem:s21], [sflag:$0x1], $0x80, s3, s20, $0xb8;
	[tilespmem:$0x1AC80] =	vst v63  }
0x48: {  	_ =	swait.ge [sflag:s19], $0x3800  }
0x49: {  	s24 =	simm.s32 $0x1C;
	s23 =	simm.s32 $0xE;
	[sflag:s19] =	ssyncset.done $0x0  }
.LBB2_6:
0x4a: {  	s25 =	sadd.s32 s23, s17  }
0x4b: {  	[sflag:s19] =	ssyncadd.s32 $0xFFFFC800;
	s23 =	smov.u32 s24;
	s26 =	sadd.s32 $0xE, s24  }
0x4c: {  	[tilespmem:s3], [sflag:$0x1] =	stream.linear.gather [hbm4b:s25+s3], $0x70, $0x38;
	[tilespmem:$0x1AC80] =	vst v63  }
0x4d: {  	p0 =	sne.s32 s24, $0x4DE;
	_ =	swait.ge [sflag:s19], $0x70  }
.Ltmp2:
0x4e: {  	[sflag:s19] =	ssyncset.done $0x0;
	(pc) =	sbr.rel @p0 .LBB2_6-.Ltmp2, $4  }
0x4f: {  	[sflag:s19] =	ssyncadd.s32 $0xFFFFFF90  }
0x50: {  	[spmem:s2] =	stream.indirect.scatter.add.f32 [tilespmem:s21], [sflag:$0x1], $0x80, s3, s20, $0xb8;
	[tilespmem:$0x1AC80] =	vst v63  }
0x51: {  	_ =	swait.ge [sflag:s19], $0x3800  }
0x52: {  	s24 =	smov.u32 s26;
	[sflag:s19] =	ssyncset.done $0x0  }
0x53: {  	s23 =	sadd.s32 s23, s17;
	[sflag:s19] =	ssyncadd.s32 $0xFFFFC800  }
0x54: {  	[tilespmem:s3], [sflag:$0x1] =	stream.linear.gather [hbm4b:s23+s3], $0x70, $0x38;
	[tilespmem:$0x1AC80] =	vst v63  }
0x55: {  	_ =	swait.ge [sflag:s19], $0x70  }
0x56: {  	[sflag:s19] =	ssyncset.done $0x0  }
0x57: {  	[sflag:s19] =	ssyncadd.s32 $0xFFFFFF90  }
0x58: {  	[spmem:s2] =	stream.indirect.scatter.add.f32 [tilespmem:s21], [sflag:$0x1], $0x80, s3, s20, $0xb8;
	[tilespmem:$0x1AC80] =	vst v63  }
0x59: {  	_ =	swait.ge [sflag:s19], $0x3800  }
0x5a: {  	[sflag:s19] =	ssyncset.done $0x0  }
0x5b: {  	[sflag:s19] =	ssyncadd.s32 $0xFFFFC800  }
0x5c: {  	[bflag:$0x0] =	sbarrier.arrive $0xFFFF  }
0x5d: {  	[tilespmem:s18], [sflag:$0x1] =	stream.linear.gather [spmem:s6], $0x3800, $0x38;
	[tilespmem:$0x1AC80] =	vst v63  }
0x5e: {  	_ =	swait.ge [sflag:s19], $0x3800  }
0x5f: {  	[sflag:s19] =	ssyncset.done $0x0  }
0x60: {  	[sflag:s19] =	ssyncadd.s32 $0xFFFFC800  }
0x61: {  	[hbm4b:s12+s3] =	stream.linear.scatter [tilespmem:s18], [sflag:$0x1], $0x3800, $0x38;
	[tilespmem:$0x1AC80] =	vst v63  }
0x62: {  	_ =	swait.ge [sflag:s19], $0x3800  }
0x63: {  	[sflag:s19] =	ssyncset.done $0x0  }
0x64: {  	[sflag:s19] =	ssyncadd.s32 $0xFFFFC800  }
0x65: {  	[tilespmem:s18], [sflag:$0x1] =	stream.linear.gather [spmem:s8], $0x3800, $0x38;
	[tilespmem:$0x1AC80] =	vst v63  }
0x66: {  	_ =	swait.ge [sflag:s19], $0x3800  }
0x67: {  	[sflag:s19] =	ssyncset.done $0x0  }
0x68: {  	[sflag:s19] =	ssyncadd.s32 $0xFFFFC800  }
0x69: {  	[hbm4b:s13+s3] =	stream.linear.scatter [tilespmem:s18], [sflag:$0x1], $0x3800, $0x38;
	[tilespmem:$0x1AC80] =	vst v63  }
0x6a: {  	_ =	swait.ge [sflag:s19], $0x3800  }
0x6b: {  	[sflag:s19] =	ssyncset.done $0x0  }
0x6c: {  	[sflag:s19] =	ssyncadd.s32 $0xFFFFC800  }
0x6d: {  	[tilespmem:s18], [sflag:$0x1] =	stream.linear.gather [spmem:s9], $0x3800, $0x38;
	[tilespmem:$0x1AC80] =	vst v63  }
0x6e: {  	_ =	swait.ge [sflag:s19], $0x3800  }
0x6f: {  	[sflag:s19] =	ssyncset.done $0x0  }
0x70: {  	[sflag:s19] =	ssyncadd.s32 $0xFFFFC800  }
0x71: {  	[hbm4b:s14+s3] =	stream.linear.scatter [tilespmem:s18], [sflag:$0x1], $0x3800, $0x38;
	[tilespmem:$0x1AC80] =	vst v63  }
0x72: {  	_ =	swait.ge [sflag:s19], $0x3800  }
0x73: {  	[sflag:s19] =	ssyncset.done $0x0  }
0x74: {  	[sflag:s19] =	ssyncadd.s32 $0xFFFFC800  }
0x75: {  	[tilespmem:s18], [sflag:$0x1] =	stream.linear.gather [spmem:s10], $0x3800, $0x38;
	[tilespmem:$0x1AC80] =	vst v63  }
0x76: {  	_ =	swait.ge [sflag:s19], $0x3800  }
0x77: {  	[sflag:s19] =	ssyncset.done $0x0  }
0x78: {  	[sflag:s19] =	ssyncadd.s32 $0xFFFFC800  }
0x79: {  	[hbm4b:s15+s3] =	stream.linear.scatter [tilespmem:s18], [sflag:$0x1], $0x3800, $0x38;
	[tilespmem:$0x1AC80] =	vst v63  }
0x7a: {  	_ =	swait.ge [sflag:s19], $0x3800  }
0x7b: {  	[sflag:s19] =	ssyncset.done $0x0  }
0x7c: {  	[sflag:s19] =	ssyncadd.s32 $0xFFFFC800  }
0x7d: {  	[tilespmem:s18], [sflag:$0x1] =	stream.linear.gather [spmem:s11], $0x3800, $0x38;
	[tilespmem:$0x1AC80] =	vst v63  }
0x7e: {  	_ =	swait.ge [sflag:s19], $0x3800  }
0x7f: {  	[sflag:s19] =	ssyncset.done $0x0  }
0x80: {  	[sflag:s19] =	ssyncadd.s32 $0xFFFFC800  }
0x81: {  	[hbm4b:s16+s3] =	stream.linear.scatter [tilespmem:s18], [sflag:$0x1], $0x3800, $0x38;
	[tilespmem:$0x1AC80] =	vst v63  }
0x82: {  	_ =	swait.ge [sflag:s19], $0x3800  }
0x83: {  	[sflag:s19] =	ssyncset.done $0x0  }
0x84: {  	[sflag:s19] =	ssyncadd.s32 $0xFFFFC800  }
0x85: {  	[tilespmem:s18], [sflag:$0x1] =	stream.linear.gather [spmem:s4], $0x2400, $0x38;
	[tilespmem:$0x1AC80] =	vst v63  }
0x86: {  	s22 =	sadd.s32 $0x1, s22;
	_ =	swait.ge [sflag:s19], $0x2400  }
0x87: {  	p0 =	sne.s32 s22, s7;
	[sflag:s19] =	ssyncset.done $0x0  }
.Ltmp3:
0x88: {  	[sflag:s19] =	ssyncadd.s32 $0xFFFFDC00;
	(pc) =	sbr.rel @p0 .LBB2_1-.Ltmp3, $4  }
0x89: {  	[hbm4b:s5+s3] =	stream.linear.scatter [tilespmem:s18], [sflag:$0x1], $0x2400, $0x38;
	[tilespmem:$0x1AC80] =	vst v63  }
0x8a: {  	_ =	swait.ge [sflag:s19], $0x2400  }
0x8b: {  	[sflag:s19] =	ssyncset.done $0x0  }
0x8c: {  	[sflag:s19] =	ssyncadd.s32 $0xFFFFDC00  }
0x8d: {  	_ =	sfence.sel $0x180000  }
0x8e: {  	[bflag:$0x0] =	sbarrier.arrive $0xFFFF  }
0x8f: {  	p0 =	sne.s32 s0, $0x0;
	_ =	strace $0x9000004A  }
0x90: {  	s0 =	sadd.s32 @!p0 $0x100000, s1;
	[bflag:$0x2] =	sbarrier.arrive $0xFFFF  }
0x91: {  	[sflag:s0] =	ssyncadd.tile.s32 @!p0 $0x1;
	_ =	shalt  }
.Lfunc_end2:
_tile_overlayer_lowered:
.L_overlay_start_2:
0x92: {  	(tag) =	ssettag $0x2  }
0x93: {  	s0 =	rddreg [dreg:$0x0];
	s2 =	stileid.u32  }
0x94: {  	s1 =	rddreg [dreg:$0x1];
	p0 =	sne.s32 s2, $0x0  }
0x95: {  	s3 =	rddreg [dreg:$0x2];
	[bflag:$0x3] =	sbarrier.arrive $0xFFFF;
	s2 =	simm.s32 @!p0 $0x1C01  }
0x96: {  	[timem:s3], [sflag:s2] =	dma.local @!p0 [hbm:s0], s1  }
0x97: {  	s0 =	simm.s32 @!p0 $0x1  }
0x98: {  	_ =	swait.ge @!p0 [sflag:s0], s1  }
0x99: {  	s1 =	ssub.s32 @!p0 $0x0, s1;
	[sflag:s0] =	ssyncset.done @!p0 $0x0  }
0x9a: {  	[sflag:s0] =	ssyncadd.s32 @!p0 s1  }
0x9b: {  	[bflag:$0x3] =	sbarrier.arrive $0xFFFF  }
0x9c: {  	_ =	shalt  }

// kernel: kernel.14.cloned.1.call-start
scs
__scs_entry_jumppad:
0x0: {  	(pc) =	sbr.rel $0x88, $3  }
0x1: {  	(tag) =	ssettag $0x0;
	lr =	simm.s32 $0x1  }
0x2: {  	[smem:$0x3F90] =	sst lr;
	_ =	strace $0xD0000000  }
0x3: {  	_ = 	snop  }
0x4: {  	_ = 	snop  }
0x5: {  	_ = 	snop  }
0x6: {  	_ = 	snop  }
0x7: {  	_ = 	snop  }
__scs_overlays_trampoline_lowered:
0x8: {  	[smem:$0x3F9F] =	sst s0  }
0x9: {  	[smem:$0x3FA0] =	sst s1  }
0xa: {  	[smem:$0x3FA1] =	sst s2  }
0xb: {  	[smem:$0x3FA2] =	sst s3  }
0xc: {  	[smem:$0x3FA3] =	sst s4  }
0xd: {  	[smem:$0x3FA4] =	sst s5  }
0xe: {  	[smem:$0x3FA5] =	sst s6  }
0xf: {  	[smem:$0x3FA6] =	sst s7  }
0x10: {  	[smem:$0x3FA7] =	sst s8  }
0x11: {  	[smem:$0x3FA8] =	sst s9;
	s0 =	simm.s32 @!p0 $0x0  }
0x12: {  	s1 =	sld [smem:$0x3F8E];
	s0 =	simm.s32 @p0 $0x1  }
0x13: {  	[smem:$0x3FA9] =	sst s0;
	s0 =	simm.s32 @!p1 $0x0  }
0x14: {  	s2 =	sld [smem:$0x3F8D];
	s0 =	simm.s32 @p1 $0x1  }
0x15: {  	[smem:$0x3FAA] =	sst s0;
	s0 =	simm.s32 @!p2 $0x0  }
0x16: {  	s3 =	sld [smem:$0x3FDB];
	s0 =	simm.s32 @p2 $0x1  }
0x17: {  	s4 =	simm.s32 $0x1BF5;
	[smem:$0x3FAC] =	sst s0  }
0x18: {  	s0 =	sld [smem:$0x3F8F];
	_ =	swait.ge [sflag:s4], $0x0  }
0x19: {  	s7 =	sld [smem:$0x3F90]  }
0x1a: {  	s8 =	sadd.s32 $0xFFFFE003, lr  }
0x1b: {  	s9 =	sadd.s32 $0xFFFFFEF7, lr;
	s5 =	simm.s32 $0xFFFFFFFF;
	p2 =	slt.u32 s8, $0xFFFFF086  }
0x1c: {  	p1 =	slt.u32 s9, $0xF7A;
	s5 =	simm.s32 @!p2 $0x0  }
0x1d: {  	s5 =	simm.s32 @p1 $0x1;
	p0 =	seq.s32 s7, s2  }
0x1e: {  	s7 =	smul.u32 @!p0 $0xF7A, s2;
	p2 =	seq.s32 @!p0 s5, $0x0  }
0x1f: {  	s9 =	smul.u32 $0xF7A, s1;
	s8 =	simm.s32 @!p0 $0x1BF5;
	p2 =	por !p2, p0  }
0x20: {  	[sflag:s8] =	ssyncset.s32 @!p0 $0xFFFFF086;
	s6 =	sadd.s32 @!p0 s3, s7;
	s7 =	simm.s32 @!p0 $0x108  }
0x21: {  	s3 =	sadd.s32 s3, s9;
	s6 =	sadd.s32 @!p0 $0x88, s6;
	s7 =	simm.s32 @p2 $0x1082  }
0x22: {  	[simem:s7], [sflag:s8] =	dma.local @!p0 [hbm:s6], $0xF7A  }
0x23: {  	s9 =	sor.u32 $0xD0000000, s2;
	s6 =	simm.s32 $0x108;
	_ =	swait.ge @!p0 [sflag:s8], $0x0  }
0x24: {  	s3 =	sadd.s32 $0x88, s3;
	s6 =	simm.s32 @!p1 $0x1082;
	[sflag:s4] =	ssyncset.s32 $0xFFFFF086  }
0x25: {  	[simem:s6], [sflag:s4] =	dma.local [hbm:s3], $0xF7A  }
0x26: {  	[smem:$0x3F90] =	sst s1;
	(tag) =	ssettag s2;
	_ =	strace s9  }
0x27: {  	s1 =	sld [smem:$0x3FA0]  }
0x28: {  	s2 =	sld [smem:$0x3FA1]  }
0x29: {  	s4 =	sld [smem:$0x3FA3]  }
0x2a: {  	p0 =	seq.s32 s5, $0x0;
	s5 =	sld [smem:$0x3FA4]  }
0x2b: {  	s6 =	sld [smem:$0x3FA5]  }
0x2c: {  	s7 =	sld [smem:$0x3FA6]  }
0x2d: {  	s3 =	simm.s32 $0x108;
	s8 =	sld [smem:$0x3FA7]  }
0x2e: {  	s3 =	simm.s32 @!p0 $0x1082;
	s9 =	sld [smem:$0x3FA8]  }
0x2f: {  	lr =	sadd.s32 s0, s3;
	s0 =	sld [smem:$0x3F9F]  }
0x30: {  	s3 =	sld [smem:$0x3FA2]  }
0x31: {  	[smem:$0x3FAB] =	sst s10  }
0x32: {  	s10 =	sld [smem:$0x3FA9];
	_ =	sdelay $0x3  }
0x33: {  	p0 =	seq.s32 s10, $0x1;
	s10 =	sld [smem:$0x3FAB];
	_ =	sdelay $0x3  }
0x34: {  	[smem:$0x3FAB] =	sst s10  }
0x35: {  	s10 =	sld [smem:$0x3FAA];
	_ =	sdelay $0x3  }
0x36: {  	p1 =	seq.s32 s10, $0x1;
	s10 =	sld [smem:$0x3FAB];
	_ =	sdelay $0x3  }
0x37: {  	[smem:$0x3FAB] =	sst s10  }
0x38: {  	s10 =	sld [smem:$0x3FAC]  }
0x39: {  	_ = 	snop;
	(pc) =	sbr.ind lr, $3  }
0x3a: {  	_ = 	snop  }
0x3b: {  	_ = 	snop  }
0x3c: {  	p2 =	seq.s32 s10, $0x1;
	s10 =	sld [smem:$0x3FAB]  }
0x3d: {  	_ =	shalt  }
0x3e: {  	_ =	shalt  }
0x3f: {  	_ =	shalt  }
0x40: {  	_ =	shalt  }
0x41: {  	_ =	shalt  }
0x42: {  	_ =	shalt  }
0x43: {  	_ =	shalt  }
0x44: {  	_ =	shalt  }
0x45: {  	_ =	shalt  }
0x46: {  	_ =	shalt  }
0x47: {  	_ =	shalt  }
0x48: {  	_ =	shalt  }
0x49: {  	_ =	shalt  }
0x4a: {  	_ =	shalt  }
0x4b: {  	_ =	shalt  }
0x4c: {  	_ =	shalt  }
0x4d: {  	_ =	shalt  }
0x4e: {  	_ =	shalt  }
0x4f: {  	_ =	shalt  }
0x50: {  	_ =	shalt  }
0x51: {  	_ =	shalt  }
0x52: {  	_ =	shalt  }
0x53: {  	_ =	shalt  }
0x54: {  	_ =	shalt  }
0x55: {  	_ =	shalt  }
0x56: {  	_ =	shalt  }
0x57: {  	_ =	shalt  }
0x58: {  	_ =	shalt  }
0x59: {  	_ =	shalt  }
0x5a: {  	_ =	shalt  }
0x5b: {  	_ =	shalt  }
0x5c: {  	_ =	shalt  }
0x5d: {  	_ =	shalt  }
0x5e: {  	_ =	shalt  }
0x5f: {  	_ =	shalt  }
0x60: {  	_ =	shalt  }
0x61: {  	_ =	shalt  }
0x62: {  	_ =	shalt  }
0x63: {  	_ =	shalt  }
0x64: {  	_ =	shalt  }
0x65: {  	_ =	shalt  }
0x66: {  	_ =	shalt  }
0x67: {  	_ =	shalt  }
0x68: {  	_ =	shalt  }
0x69: {  	_ =	shalt  }
0x6a: {  	_ =	shalt  }
0x6b: {  	_ =	shalt  }
0x6c: {  	_ =	shalt  }
0x6d: {  	_ =	shalt  }
0x6e: {  	_ =	shalt  }
0x6f: {  	_ =	shalt  }
0x70: {  	_ =	shalt  }
0x71: {  	_ =	shalt  }
0x72: {  	_ =	shalt  }
0x73: {  	_ =	shalt  }
0x74: {  	_ =	shalt  }
0x75: {  	_ =	shalt  }
0x76: {  	_ =	shalt  }
0x77: {  	_ =	shalt  }
0x78: {  	_ =	shalt  }
0x79: {  	_ =	shalt  }
0x7a: {  	_ =	shalt  }
0x7b: {  	_ =	shalt  }
0x7c: {  	_ =	shalt  }
0x7d: {  	_ =	shalt  }
0x7e: {  	_ =	shalt  }
0x7f: {  	_ =	shalt  }
0x80: {  	_ =	shalt  }
0x81: {  	_ =	shalt  }
0x82: {  	_ =	shalt  }
0x83: {  	_ =	shalt  }
0x84: {  	_ =	shalt  }
0x85: {  	_ =	shalt  }
0x86: {  	_ =	shalt  }
0x87: {  	_ =	shalt  }
.Lfunc_end0:
.L_simem_size_0:
called_computation.1_lowered:
.L_overlay_start_0:
0x88: {  	s2 =	sld [smem:$0x3FD9]  }
0x89: {  	s3 =	sld [smem:$0x3FFE];
	_ =	sdelay $0x1  }
0x8a: {  	s1 =	srdreg.scid  }
0x8b: {  	s0 =	sand.u32 $0x1, s1  }
0x8c: {  	s16 =	sshll.u32 s0, $0xA;
	s2 =	sadd.s32 s3, s2  }
0x8d: {  	s2 =	sadd.s32 s2, s16  }
0x8e: {  	[smem:$0x3FB7] =	sst s2  }
0x8f: {  	_ = 	snop  }
0x90: {  	(tm) =	ssettm $0x1  }
0x91: {  	s17 =	sld [smem:$0x3FFB];
	_ =	sdelay $0x3  }
0x92: {  	_ =	strace s17  }
0x93: {  	s2 =	sld [smem:$0x3FFC];
	_ =	sdelay $0x3  }
0x94: {  	_ =	strace s2  }
0x95: {  	s2 =	sld [smem:$0x3FFD];
	_ =	sdelay $0x3  }
0x96: {  	_ =	strace s2  }
0x97: {  	_ =	strace $0x8FFFFFFF  }
0x98: {  	s18 =	sld [smem:$0x3FDB];
	_ =	sdelay $0x1  }
0x99: {  	s19 =	simm.s32 $_scs_section_size  }
0x9a: {  	s4 =	simm.s32 $_size__tile_overlayer_lowered;
	s5 =	simm.s32 $_tile_overlayer_lowered  }
0x9b: {  	s22 =	simm.s32 $0x1BFF;
	s21 =	sshll.u32 s5, $0x1;
	s2 =	sadd.s32 s19, s18  }
0x9c: {  	s6 =	simm.s32 $0x0;
	s20 =	sshll.u32 s4, $0x1;
	s4 =	sadd.s32 s21, s2  }
0x9d: {  	[timem:s6], [sflag:s22] =	dma.local [hbm:s4], s20  }
0x9e: {  	_ =	swait.ge [sflag:s22], s20  }
0x9f: {  	s3 =	ssub.s32 $0x0, s20;
	[sflag:s22] =	ssyncset.done $0x0  }
0xa0: {  	[sflag:s22] =	ssyncadd.s32 s3;
	_ =	sdelay $0x1  }
0xa1: {  	s23 =	simm.s32 $0x1B8B  }
0xa2: {  	_ =	swait.ge [sflag:s23], $0x1  }
0xa3: {  	[sflag:s23] =	ssyncset.done $0x0  }
0xa4: {  	s25 =	simm.s32 $0x1B8E;
	s24 =	sld [smem:$0x3FFE];
	[sflag:s23] =	ssyncadd.s32 $0xFFFFFFFF  }
0xa5: {  	s26 =	simm.s32 $execute0_lowered;
	[smem:$0x3FD2] =	sst s25  }
0xa6: {  	s4 =	sshll.u32 s26, $0x1;
	_ =	strace $0x80000046;
	[dreg:$0x1] =	wrdreg $0xFFFFFFFF  }
0xa7: {  	s28 =	simm.s32 $_size_execute0_lowered;
	s2 =	sadd.s32 s2, s4;
	[dreg:$0x0] =	wrdreg $0x0  }
0xa8: {  	s4 =	sshll.u32 s28, $0x1;
	[dreg:$0x2] =	wrdreg s2  }
0xa9: {  	[dreg:$0x3] =	wrdreg s4  }
0xaa: {  	[dreg:$0x4] =	wrdreg $0xC0  }
0xab: {  	_ =	task [dreg:s6], $0x5FFFF  }
0xac: {  	[dreg:$0x1] =	wrdreg $0xFFFFFFFF  }
0xad: {  	[dreg:$0x0] =	wrdreg $0x60  }
0xae: {  	[dreg:$0x2] =	wrdreg s24  }
0xaf: {  	[dreg:$0x3] =	wrdreg $0x72000  }
0xb0: {  	[dreg:$0x4] =	wrdreg $0xA  }
0xb1: {  	_ =	task.clear_ibuf [dreg:s6], $0x5FFFF;
	_ =	strace $0x90000046  }
0xb2: {  	s29 =	simm.s32 $0xA;
	_ =	strace $0x80000048  }
0xb3: {  	_ =	swait.ge [sflag:s29], $0x1  }
0xb4: {  	[sflag:s29] =	ssyncadd.s32 $0xFFFFFFFF  }
0xb5: {  	_ =	strace $0x90000048  }
0xb6: {  	_ =	sfence  }
0xb7: {  	s30 =	sld [smem:$0x0];
	_ =	sdelay $0x2  }
0xb8: {  	s31 =	sshll.u32 s1, $0xD;
	s1 =	sshrl.u32 s1, $0x2  }
0xb9: {  	s3 =	sand.u32 $0x4000, s31;
	s1 =	sadd.s32 s1, s30  }
0xba: {  	s0 =	sor.u32 s3, s0;
	s1 =	sshll.u32 s1, $0x11  }
0xbb: {  	s0 =	sor.u32 s1, s0  }
0xbc: {  	s0 =	sadd.s32 $0x8F2B, s0  }
0xbd: {  	[sflag:s0] =	ssyncadd.remote.s32 $0x1  }
0xbe: {  	_ =	sfence.sel $0xFFFF  }
0xbf: {  	[dreg:$0x0] =	wrdreg $0xFFFFFFFF;
	(pc) =	sbr.abs _section_cstart, $3  }
0xc0: {  	[dreg:$0x1] =	wrdreg $0xFFFFFFFF  }
0xc1: {  	_ =	task.clear_ibuf [dreg:s6], $0x2FFFF;
	_ =	strace $0x9FFFFFFF  }
0xc2: {  	(tm) =	ssettm $0x7FFFFFFF  }
0xc3: {  	_ =	shalt  }
tec
execute0_lowered:
.L_overlay_start_1:
0x0: {  	(tag) =	ssettag $0x1  }
0x1: {  	s0 =	rddreg [dreg:$0x0]  }
0x2: {  	s2 =	rddreg [dreg:$0x1];
	s1 =	srdreg.scid  }
0x3: {  	s15 =	stileid.u32;
	s9 =	simm.s32 $0x8C;
	s3 =	simm.s32 $0x0  }
0x4: {  	s28 =	simm.s32 $0x200;
	s29 =	simm.s32 $0x100;
	s30 =	simm.s32 $0x70  }
0x5: {  	s31 =	simm.s32 $0x80;
	s1 =	sand.u32 $0x1, s1;
	s10 =	smul.u32 $0x278, s15  }
0x6: {  	[smem:$0x7FF] =	sst s3;
	s4 =	sadd.s32 $0x17400, s0;
	s21 =	smul.u32 $0x4F000, s15  }
0x7: {  	s7 =	sadd.s32 $0xD600, s0;
	p0 =	seq.s32 s1, $0x0;
	s5 =	smul.u32 $0x8C0, s1  }
0x8: {  	_ =	strace $0x80000047;
	s8 =	ssub.s32 $0x2, s1;
	s1 =	smul.u32 $0x2780, s1  }
0x9: {  	s9 =	simm.s32 @!p0 $0x28;
	s12 =	sshrl.u32 s8, $0x1;
	s17 =	sadd.s32 $0x230, s10  }
0xa: {  	s22 =	sadd.s32 $0x70, s10;
	s16 =	sadd.s32 $0x150, s10;
	s6 =	smul.u32 s15, s9  }
0xb: {  	s12 =	ssub.s32 s8, s12;
	s13 =	sshll.u32 s17, $0x7;
	s14 =	sadd.s32 s1, s17  }
0xc: {  	s15 =	sadd.s32 $0xE0, s10;
	s17 =	sadd.s32 s1, s10;
	s10 =	sadd.s32 $0x1C0, s10  }
0xd: {  	s25 =	sadd.s32 s1, s16;
	s8 =	sadd.s32 s13, s2;
	s19 =	sshll.u32 s14, $0x4  }
0xe: {  	s17 =	sshll.u32 s17, $0x4;
	s24 =	sadd.s32 s1, s15;
	s26 =	sshll.u32 s25, $0x4  }
0xf: {  	s5 =	sadd.s32 s5, s6;
	s6 =	sadd.s32 $0x3800, s0;
	s0 =	sadd.s32 $0x14FC00, s0  }
0x10: {  	s25 =	sshll.u32 s16, $0x7;
	s14 =	simm.s32 $0x0;
	s13 =	sadd.s32 s0, s19  }
0x11: {  	s11 =	smul.u32 $0x70, s5;
	s17 =	sadd.s32 s0, s17;
	[dreg:$0x5] =	wrdreg s13  }
0x12: {  	[dreg:$0x6] =	wrdreg s17;
	s17 =	sshll.u32 s24, $0x4;
	s24 =	sshll.u32 s15, $0x7  }
0x13: {  	s13 =	simm.s32 $0x2;
	s11 =	sshrl.u32 s11, $0x3;
	s17 =	sadd.s32 s0, s17  }
0x14: {  	s18 =	sadd.s32 s6, s11;
	s20 =	sadd.s32 s7, s11;
	[dreg:$0x8] =	wrdreg s17  }
0x15: {  	s11 =	sadd.s32 $0xE, s11;
	s17 =	sadd.s32 s0, s26;
	[dreg:$0x3] =	wrdreg s18  }
0x16: {  	s26 =	sshll.u32 s10, $0x7;
	[dreg:$0x4] =	wrdreg s20;
	s18 =	sadd.s32 s1, s22  }
0x17: {  	s1 =	sadd.s32 s1, s10;
	[dreg:$0x9] =	wrdreg s17;
	s19 =	sadd.s32 s7, s11  }
0x18: {  	s20 =	sshrl.u32 s21, $0x2;
	s21 =	sshrl.u32 s9, $0x1;
	s22 =	sshll.u32 s22, $0x7  }
0x19: {  	s10 =	simm.s32 $0x1;
	s18 =	sshll.u32 s18, $0x4;
	s1 =	sshll.u32 s1, $0x4  }
0x1a: {  	[dreg:$0xc] =	wrdreg s19;
	s19 =	sadd.s32 $0xFFFFFFFF, s9;
	s20 =	sadd.s32 s20, s2  }
0x1b: {  	s22 =	sadd.s32 s22, s2;
	s9 =	simm.s32 $0x3A00;
	s23 =	sadd.s32 s0, s18  }
0x1c: {  	s0 =	sadd.s32 s0, s1;
	s18 =	sadd.s32 s6, s11;
	[dreg:$0x7] =	wrdreg s23  }
0x1d: {  	s1 =	simm.s32 $0x4;
	s11 =	simm.s32 $0x5;
	[dreg:$0xa] =	wrdreg s0  }
0x1e: {  	[dreg:$0xb] =	wrdreg s18;
	s23 =	smax.u32 s12, $0x1;
	s0 =	simm.s32 $0x180  }
0x1f: {  	s12 =	simm.s32 $0x3;
	[dreg:$0xd] =	wrdreg s23;
	s23 =	sadd.s32 s24, s2  }
0x20: {  	v0 =	vimm.f32 $0.0e+00;
	s24 =	sadd.s32 s25, s2;
	s25 =	sadd.s32 s26, s2;
	s26 =	sadd.s32 $0xFFFFFFFE, s21  }
.LBB2_1:
0x21: {  	s15 =	sand.u32 $0xFE00, s3  }
0x22: {  	s16 =	sand.u32 $0x70, s3;
	s17 =	sshrl.u32 s15, $0x2  }
0x23: {  	s15 =	simm.s32 $0x40;
	s17 =	sor.u32 s16, s17;
	s16 =	simm.s32 $0x0  }
.LBB2_2:
0x24: {  	p0 =	sne.s32 s15, $0xDFC0  }
0x25: {  	[tilespmem:s17+$0x200] =	vst v0;
	s16 =	sadd.s32 $0x10, s16;
	s17 =	smov.u32 s15;
	s15 =	sadd.s32 $0x40, s15  }
.Ltmp0:
0x26: {  	(pc) =	sbr.rel @p0 .LBB2_2-.Ltmp0, $4  }
0x27: {  	_ = 	snop  }
0x28: {  	s17 =	sand.u32 $0xFE00, s17  }
0x29: {  	s18 =	sand.u32 $0x70, s16;
	s17 =	sshrl.u32 s17, $0x2  }
0x2a: {  	s17 =	sor.u32 s18, s17  }
0x2b: {  	[tilespmem:s17+$0x200] =	vst v0;
	s16 =	simm.s32 $0x5  }
0x2c: {  	[spmem:s20] =	stream.linear.scatter [tilespmem:s28], [sflag:$0x5], $0x3800, $0x38;
	[tilespmem:$0x1AE00] =	vst v63  }
0x2d: {  	_ =	swait.ge [sflag:s16], $0x3800  }
0x2e: {  	[sflag:s16] =	ssyncset.done $0x0  }
0x2f: {  	[sflag:s16] =	ssyncadd.s32 $0xFFFFC800  }
0x30: {  	[spmem:s22] =	stream.linear.scatter [tilespmem:s28], [sflag:$0x5], $0x3800, $0x38;
	[tilespmem:$0x1AE00] =	vst v63  }
0x31: {  	_ =	swait.ge [sflag:s16], $0x3800  }
0x32: {  	[sflag:s16] =	ssyncset.done $0x0  }
0x33: {  	[sflag:s16] =	ssyncadd.s32 $0xFFFFC800  }
0x34: {  	[spmem:s23] =	stream.linear.scatter [tilespmem:s28], [sflag:$0x5], $0x3800, $0x38;
	[tilespmem:$0x1AE00] =	vst v63  }
0x35: {  	_ =	swait.ge [sflag:s16], $0x3800  }
0x36: {  	[sflag:s16] =	ssyncset.done $0x0  }
0x37: {  	[sflag:s16] =	ssyncadd.s32 $0xFFFFC800  }
0x38: {  	[spmem:s24] =	stream.linear.scatter [tilespmem:s28], [sflag:$0x5], $0x3800, $0x38;
	[tilespmem:$0x1AE00] =	vst v63  }
0x39: {  	_ =	swait.ge [sflag:s16], $0x3800  }
0x3a: {  	[sflag:s16] =	ssyncset.done $0x0  }
0x3b: {  	[sflag:s16] =	ssyncadd.s32 $0xFFFFC800  }
0x3c: {  	[spmem:s25] =	stream.linear.scatter [tilespmem:s28], [sflag:$0x5], $0x3800, $0x38;
	[tilespmem:$0x1AE00] =	vst v63  }
0x3d: {  	_ =	swait.ge [sflag:s16], $0x3800  }
0x3e: {  	[sflag:s16] =	ssyncset.done $0x0  }
0x3f: {  	[sflag:s16] =	ssyncadd.s32 $0xFFFFC800  }
0x40: {  	[spmem:s8] =	stream.linear.scatter [tilespmem:s28], [sflag:$0x5], $0x2400, $0x38;
	[tilespmem:$0x1AE00] =	vst v63  }
0x41: {  	_ =	swait.ge [sflag:s16], $0x2400  }
0x42: {  	[sflag:s16] =	ssyncset.done $0x0  }
0x43: {  	[sflag:s16] =	ssyncadd.s32 $0xFFFFDC00  }
0x44: {  	[bflag:$0x0] =	sbarrier.arrive $0xFFFF  }
0x45: {  	s15 =	rddreg [dreg:$0x3]  }
0x46: {  	[tilespmem:s3], [sflag:$0x5] =	stream.linear.gather [hbm4b:s15+s3], $0x70, $0x38;
	[tilespmem:$0x1AE00] =	vst v63  }
0x47: {  	_ =	swait.ge [sflag:s16], $0x70  }
0x48: {  	[sflag:s16] =	ssyncset.done $0x0  }
0x49: {  	s21 =	rddreg [dreg:$0x4];
	[sflag:s16] =	ssyncadd.s32 $0xFFFFFF90  }
0x4a: {  	[tilespmem:s29], [sflag:$0x5] =	stream.linear.gather [hbm4b:s21+s3], $0x70, $0x38;
	[tilespmem:$0x1AE00] =	vst v63  }
0x4b: {  	_ =	swait.ge [sflag:s16], $0x70  }
0x4c: {  	[sflag:s16] =	ssyncset.done $0x0  }
0x4d: {  	[sflag:s16] =	ssyncadd.s32 $0xFFFFFF90  }
0x4e: {  	[tilespmem:s28], [sflag:$0x1] =	stream.indirect.gather [hbm4b:s4+s30], $0x80, s3, s30, $0xb8;
	[tilespmem:$0x1AE00] =	vst v63  }
0x4f: {  	s17 =	rddreg [dreg:$0xb]  }
0x50: {  	[tilespmem:s31], [sflag:$0x4] =	stream.linear.gather [hbm4b:s17+s3], $0x70, $0x38;
	[tilespmem:$0x1AE00] =	vst v63  }
0x51: {  	s18 =	rddreg [dreg:$0xc]  }
0x52: {  	[tilespmem:s0], [sflag:$0x4] =	stream.linear.gather [hbm4b:s18+s3], $0x70, $0x38;
	[tilespmem:$0x1AE00] =	vst v63  }
0x53: {  	_ =	swait.ge [sflag:s1], $0x70  }
0x54: {  	[sflag:s1] =	ssyncset.done $0x0  }
0x55: {  	[sflag:s1] =	ssyncadd.s32 $0xFFFFFF90  }
0x56: {  	_ =	swait.ge [sflag:s1], $0x70  }
0x57: {  	p0 =	sgt.s32 s19, $0x2;
	[sflag:s1] =	ssyncset.done $0x0  }
0x58: {  	s15 =	simm.s32 $0x2;
	s17 =	smov.u32 s19;
	[sflag:s1] =	ssyncadd.s32 $0xFFFFFF90  }
0x59: {  	[tilespmem:s9], [sflag:$0x2] =	stream.indirect.gather [hbm4b:s4+s30], $0x80, s31, s30, $0xb8;
	[tilespmem:$0x1AE00] =	vst v63  }
0x5a: {  	s17 =	smov.u32 @p0 s15;
	_ =	swait.ge [sflag:s10], $0x3800  }
0x5b: {  	s15 =	sadd.s32 s5, s17;
	[sflag:s10] =	ssyncset.done $0x0  }
0x5c: {  	s15 =	smul.u32 $0x70, s15;
	[sflag:s10] =	ssyncadd.s32 $0xFFFFC800  }
0x5d: {  	[spmem:s2] =	stream.indirect.scatter.add.f32 [tilespmem:s28], [sflag:$0x5], $0x80, s29, s30, $0xb8;
	[tilespmem:$0x1AE00] =	vst v63  }
0x5e: {  	_ =	swait.ge [sflag:s11], $0x3800  }
0x5f: {  	s15 =	sshrl.u32 s15, $0x3;
	[sflag:s11] =	ssyncset.done $0x0  }
0x60: {  	s21 =	sadd.s32 s6, s15;
	[sflag:s11] =	ssyncadd.s32 $0xFFFFC800  }
0x61: {  	[tilespmem:s3], [sflag:$0x3] =	stream.linear.gather [hbm4b:s21+s3], $0x70, $0x38;
	[tilespmem:$0x1AE00] =	vst v63  }
0x62: {  	s15 =	sadd.s32 s7, s15  }
0x63: {  	[tilespmem:s29], [sflag:$0x3] =	stream.linear.gather [hbm4b:s15+s3], $0x70, $0x38;
	[tilespmem:$0x1AE00] =	vst v63  }
0x64: {  	_ =	swait.ge [sflag:s12], $0x70  }
0x65: {  	[sflag:s12] =	ssyncset.done $0x0  }
0x66: {  	[sflag:s12] =	ssyncadd.s32 $0xFFFFFF90  }
0x67: {  	p0 =	sgt.s32 s19, $0x3;
	_ =	swait.ge [sflag:s12], $0x70  }
0x68: {  	s17 =	smov.u32 s19;
	s15 =	simm.s32 $0x3;
	[sflag:s12] =	ssyncset.done $0x0  }
0x69: {  	s17 =	smov.u32 @p0 s15;
	[sflag:s12] =	ssyncadd.s32 $0xFFFFFF90  }
0x6a: {  	[tilespmem:s28], [sflag:$0x1] =	stream.indirect.gather [hbm4b:s4+s30], $0x80, s3, s30, $0xb8;
	[tilespmem:$0x1AE00] =	vst v63  }
0x6b: {  	s15 =	sadd.s32 s5, s17;
	_ =	swait.ge [sflag:s13], $0x3800  }
0x6c: {  	p0 =	sne.s32 s26, $0x1;
	s15 =	smul.u32 $0x70, s15;
	[sflag:s13] =	ssyncset.done $0x0  }
.Ltmp1:
0x6d: {  	[sflag:s13] =	ssyncadd.s32 $0xFFFFC800;
	(pc) =	sbr.rel @!p0 .LBB2_5-.Ltmp1, $4  }
0x6e: {  	[spmem:s2] =	stream.indirect.scatter.add.f32 [tilespmem:s9], [sflag:$0x5], $0x80, s0, s30, $0xb8;
	[tilespmem:$0x1AE00] =	vst v63  }
0x6f: {  	s15 =	sshrl.u32 s15, $0x3;
	_ =	swait.ge [sflag:s11], $0x3800  }
0x70: {  	s17 =	sadd.s32 $0xFFFFFFFF, s26;
	s21 =	sadd.s32 s6, s15;
	[sflag:s11] =	ssyncset.done $0x0  }
0x71: {  	s18 =	sadd.s32 s7, s15;
	s15 =	simm.s32 $0x7;
	[sflag:s11] =	ssyncadd.s32 $0xFFFFC800  }
.LBB2_4:
0x72: {  	s16 =	smov.u32 s15  }
0x73: {  	[tilespmem:s31], [sflag:$0x4] =	stream.linear.gather [hbm4b:s21+s3], $0x70, $0x38;
	[tilespmem:$0x1AE00] =	vst v63  }
0x74: {  	p0 =	sne.s32 s17, $0x1;
	s17 =	sadd.s32 $0xFFFFFFFF, s17  }
0x75: {  	[tilespmem:s0], [sflag:$0x4] =	stream.linear.gather [hbm4b:s18+s3], $0x70, $0x38;
	[tilespmem:$0x1AE00] =	vst v63  }
0x76: {  	_ =	swait.ge [sflag:s1], $0x70  }
0x77: {  	[sflag:s1] =	ssyncset.done $0x0  }
0x78: {  	[sflag:s1] =	ssyncadd.s32 $0xFFFFFF90  }
0x79: {  	_ =	swait.ge [sflag:s1], $0x70  }
0x7a: {  	s18 =	sadd.s32 $0xFFFFFFFD, s15;
	[sflag:s1] =	ssyncset.done $0x0  }
0x7b: {  	s21 =	smov.u32 s19;
	p1 =	slt.s32 s18, s19;
	[sflag:s1] =	ssyncadd.s32 $0xFFFFFF90  }
0x7c: {  	[tilespmem:s9], [sflag:$0x2] =	stream.indirect.gather [hbm4b:s4+s30], $0x80, s31, s30, $0xb8;
	[tilespmem:$0x1AE00] =	vst v63  }
0x7d: {  	s21 =	smov.u32 @p1 s18;
	_ =	swait.ge [sflag:s10], $0x3800  }
0x7e: {  	s18 =	sadd.s32 s5, s21;
	[sflag:s10] =	ssyncset.done $0x0  }
0x7f: {  	s18 =	smul.u32 $0x70, s18;
	[sflag:s10] =	ssyncadd.s32 $0xFFFFC800  }
0x80: {  	[spmem:s2] =	stream.indirect.scatter.add.f32 [tilespmem:s28], [sflag:$0x5], $0x80, s29, s30, $0xb8;
	[tilespmem:$0x1AE00] =	vst v63  }
0x81: {  	_ =	swait.ge [sflag:s11], $0x3800  }
0x82: {  	s18 =	sshrl.u32 s18, $0x3;
	[sflag:s11] =	ssyncset.done $0x0  }
0x83: {  	s21 =	sadd.s32 s6, s18;
	s18 =	sadd.s32 s7, s18;
	[sflag:s11] =	ssyncadd.s32 $0xFFFFC800  }
0x84: {  	[tilespmem:s3], [sflag:$0x3] =	stream.linear.gather [hbm4b:s21+s3], $0x70, $0x38;
	[tilespmem:$0x1AE00] =	vst v63  }
0x85: {  	_ = 	snop  }
0x86: {  	[tilespmem:s29], [sflag:$0x3] =	stream.linear.gather [hbm4b:s18+s3], $0x70, $0x38;
	[tilespmem:$0x1AE00] =	vst v63  }
0x87: {  	_ =	swait.ge [sflag:s12], $0x70  }
0x88: {  	[sflag:s12] =	ssyncset.done $0x0  }
0x89: {  	[sflag:s12] =	ssyncadd.s32 $0xFFFFFF90  }
0x8a: {  	_ =	swait.ge [sflag:s12], $0x70  }
0x8b: {  	[sflag:s12] =	ssyncset.done $0x0  }
0x8c: {  	s18 =	sadd.s32 $0xFFFFFFFE, s15;
	[sflag:s12] =	ssyncadd.s32 $0xFFFFFF90  }
0x8d: {  	[tilespmem:s28], [sflag:$0x1] =	stream.indirect.gather [hbm4b:s4+s30], $0x80, s3, s30, $0xb8;
	[tilespmem:$0x1AE00] =	vst v63  }
0x8e: {  	s21 =	smov.u32 s19;
	p1 =	slt.s32 s18, s19;
	_ =	swait.ge [sflag:s13], $0x3800  }
0x8f: {  	s21 =	smov.u32 @p1 s18;
	[sflag:s13] =	ssyncset.done $0x0  }
0x90: {  	s18 =	sadd.s32 s5, s21;
	[sflag:s13] =	ssyncadd.s32 $0xFFFFC800  }
0x91: {  	[spmem:s2] =	stream.indirect.scatter.add.f32 [tilespmem:s9], [sflag:$0x5], $0x80, s0, s30, $0xb8;
	[tilespmem:$0x1AE00] =	vst v63  }
.Ltmp2:
0x92: {  	_ = 	snop;
	(pc) =	sbr.rel @p0 .LBB2_4-.Ltmp2, $4  }
0x93: {  	s18 =	smul.u32 $0x70, s18;
	_ =	swait.ge [sflag:s11], $0x3800  }
0x94: {  	[sflag:s11] =	ssyncset.done $0x0  }
0x95: {  	s18 =	sshrl.u32 s18, $0x3;
	[sflag:s11] =	ssyncadd.s32 $0xFFFFC800  }
0x96: {  	s15 =	sadd.s32 $0x2, s15;
	s21 =	sadd.s32 s6, s18;
	s18 =	sadd.s32 s7, s18  }
.LBB2_5:
0x97: {  	[tilespmem:s31], [sflag:$0x4] =	stream.linear.gather [hbm4b:s21+s3], $0x70, $0x38;
	[tilespmem:$0x1AE00] =	vst v63  }
0x98: {  	_ = 	snop  }
0x99: {  	[tilespmem:s0], [sflag:$0x4] =	stream.linear.gather [hbm4b:s18+s3], $0x70, $0x38;
	[tilespmem:$0x1AE00] =	vst v63  }
0x9a: {  	_ =	swait.ge [sflag:s1], $0x70  }
0x9b: {  	[sflag:s1] =	ssyncset.done $0x0  }
0x9c: {  	[sflag:s1] =	ssyncadd.s32 $0xFFFFFF90  }
0x9d: {  	_ =	swait.ge [sflag:s1], $0x70  }
0x9e: {  	s17 =	sadd.s32 $0xFFFFFFFD, s15;
	[sflag:s1] =	ssyncset.done $0x0  }
0x9f: {  	p0 =	slt.s32 s17, s19;
	s18 =	smov.u32 s19;
	[sflag:s1] =	ssyncadd.s32 $0xFFFFFF90  }
0xa0: {  	[tilespmem:s9], [sflag:$0x2] =	stream.indirect.gather [hbm4b:s4+s30], $0x80, s31, s30, $0xb8;
	[tilespmem:$0x1AE00] =	vst v63  }
0xa1: {  	s18 =	smov.u32 @p0 s17;
	_ =	swait.ge [sflag:s10], $0x3800  }
0xa2: {  	s17 =	sadd.s32 s5, s18;
	[sflag:s10] =	ssyncset.done $0x0  }
0xa3: {  	s17 =	smul.u32 $0x70, s17;
	[sflag:s10] =	ssyncadd.s32 $0xFFFFC800  }
0xa4: {  	[spmem:s2] =	stream.indirect.scatter.add.f32 [tilespmem:s28], [sflag:$0x5], $0x80, s29, s30, $0xb8;
	[tilespmem:$0x1AE00] =	vst v63  }
0xa5: {  	_ =	swait.ge [sflag:s11], $0x3800  }
0xa6: {  	s17 =	sshrl.u32 s17, $0x3;
	[sflag:s11] =	ssyncset.done $0x0  }
0xa7: {  	s21 =	sadd.s32 s6, s17;
	[sflag:s11] =	ssyncadd.s32 $0xFFFFC800  }
0xa8: {  	[tilespmem:s3], [sflag:$0x3] =	stream.linear.gather [hbm4b:s21+s3], $0x70, $0x38;
	[tilespmem:$0x1AE00] =	vst v63  }
0xa9: {  	s17 =	sadd.s32 s7, s17  }
0xaa: {  	[tilespmem:s29], [sflag:$0x3] =	stream.linear.gather [hbm4b:s17+s3], $0x70, $0x38;
	[tilespmem:$0x1AE00] =	vst v63  }
0xab: {  	_ =	swait.ge [sflag:s12], $0x70  }
0xac: {  	[sflag:s12] =	ssyncset.done $0x0  }
0xad: {  	[sflag:s12] =	ssyncadd.s32 $0xFFFFFF90  }
0xae: {  	_ =	swait.ge [sflag:s12], $0x70  }
0xaf: {  	[sflag:s12] =	ssyncset.done $0x0  }
0xb0: {  	p0 =	slt.s32 s16, s19;
	s17 =	smov.u32 s19;
	[sflag:s12] =	ssyncadd.s32 $0xFFFFFF90  }
0xb1: {  	[tilespmem:s28], [sflag:$0x1] =	stream.indirect.gather [hbm4b:s4+s30], $0x80, s3, s30, $0xb8;
	[tilespmem:$0x1AE00] =	vst v63  }
0xb2: {  	s17 =	smov.u32 @p0 s16;
	_ =	swait.ge [sflag:s13], $0x3800  }
0xb3: {  	s16 =	sadd.s32 s5, s17;
	[sflag:s13] =	ssyncset.done $0x0  }
0xb4: {  	s16 =	smul.u32 $0x70, s16;
	[sflag:s13] =	ssyncadd.s32 $0xFFFFC800  }
0xb5: {  	[spmem:s2] =	stream.indirect.scatter.add.f32 [tilespmem:s9], [sflag:$0x5], $0x80, s0, s30, $0xb8;
	[tilespmem:$0x1AE00] =	vst v63  }
0xb6: {  	_ =	swait.ge [sflag:s11], $0x3800  }
0xb7: {  	s16 =	sshrl.u32 s16, $0x3;
	[sflag:s11] =	ssyncset.done $0x0  }
0xb8: {  	s21 =	sadd.s32 s6, s16;
	[sflag:s11] =	ssyncadd.s32 $0xFFFFC800  }
0xb9: {  	[tilespmem:s31], [sflag:$0x4] =	stream.linear.gather [hbm4b:s21+s3], $0x70, $0x38;
	[tilespmem:$0x1AE00] =	vst v63  }
0xba: {  	s16 =	sadd.s32 s7, s16  }
0xbb: {  	[tilespmem:s0], [sflag:$0x4] =	stream.linear.gather [hbm4b:s16+s3], $0x70, $0x38;
	[tilespmem:$0x1AE00] =	vst v63  }
0xbc: {  	_ =	swait.ge [sflag:s1], $0x70  }
0xbd: {  	[sflag:s1] =	ssyncset.done $0x0  }
0xbe: {  	[sflag:s1] =	ssyncadd.s32 $0xFFFFFF90  }
0xbf: {  	_ =	swait.ge [sflag:s1], $0x70  }
0xc0: {  	[sflag:s1] =	ssyncset.done $0x0  }
0xc1: {  	s16 =	sadd.s32 $0xFFFFFFFF, s15;
	[sflag:s1] =	ssyncadd.s32 $0xFFFFFF90  }
0xc2: {  	[tilespmem:s9], [sflag:$0x2] =	stream.indirect.gather [hbm4b:s4+s30], $0x80, s31, s30, $0xb8;
	[tilespmem:$0x1AE00] =	vst v63  }
0xc3: {  	s17 =	smov.u32 s19;
	p0 =	slt.s32 s16, s19;
	_ =	swait.ge [sflag:s10], $0x3800  }
0xc4: {  	s17 =	smov.u32 @p0 s16;
	[sflag:s10] =	ssyncset.done $0x0  }
0xc5: {  	s16 =	sadd.s32 s5, s17;
	[sflag:s10] =	ssyncadd.s32 $0xFFFFC800  }
0xc6: {  	[spmem:s2] =	stream.indirect.scatter.add.f32 [tilespmem:s28], [sflag:$0x5], $0x80, s29, s30, $0xb8;
	[tilespmem:$0x1AE00] =	vst v63  }
0xc7: {  	s16 =	smul.u32 $0xE, s16;
	_ =	swait.ge [sflag:s11], $0x3800  }
0xc8: {  	[sflag:s11] =	ssyncset.done $0x0  }
0xc9: {  	s18 =	sadd.s32 s6, s16;
	[sflag:s11] =	ssyncadd.s32 $0xFFFFC800  }
0xca: {  	[tilespmem:s3], [sflag:$0x3] =	stream.linear.gather [hbm4b:s18+s3], $0x70, $0x38;
	[tilespmem:$0x1AE00] =	vst v63  }
0xcb: {  	s16 =	sadd.s32 s7, s16  }
0xcc: {  	[tilespmem:s29], [sflag:$0x3] =	stream.linear.gather [hbm4b:s16+s3], $0x70, $0x38;
	[tilespmem:$0x1AE00] =	vst v63  }
0xcd: {  	_ =	swait.ge [sflag:s12], $0x70  }
0xce: {  	[sflag:s12] =	ssyncset.done $0x0  }
0xcf: {  	[sflag:s12] =	ssyncadd.s32 $0xFFFFFF90  }
0xd0: {  	_ =	swait.ge [sflag:s12], $0x70  }
0xd1: {  	[sflag:s12] =	ssyncset.done $0x0  }
0xd2: {  	[sflag:s12] =	ssyncadd.s32 $0xFFFFFF90  }
0xd3: {  	[tilespmem:s28], [sflag:$0x1] =	stream.indirect.gather [hbm4b:s4+s30], $0x80, s3, s30, $0xb8;
	[tilespmem:$0x1AE00] =	vst v63  }
0xd4: {  	p0 =	slt.s32 s15, s19;
	s16 =	smov.u32 s19;
	_ =	swait.ge [sflag:s13], $0x3800  }
0xd5: {  	s16 =	smov.u32 @p0 s15;
	[sflag:s13] =	ssyncset.done $0x0  }
0xd6: {  	s15 =	sadd.s32 s5, s16;
	[sflag:s13] =	ssyncadd.s32 $0xFFFFC800  }
0xd7: {  	[spmem:s2] =	stream.indirect.scatter.add.f32 [tilespmem:s9], [sflag:$0x5], $0x80, s0, s30, $0xb8;
	[tilespmem:$0x1AE00] =	vst v63  }
0xd8: {  	s15 =	smul.u32 $0xE, s15;
	_ =	swait.ge [sflag:s11], $0x3800  }
0xd9: {  	[sflag:s11] =	ssyncset.done $0x0  }
0xda: {  	s21 =	sadd.s32 s6, s15;
	[sflag:s11] =	ssyncadd.s32 $0xFFFFC800  }
0xdb: {  	[tilespmem:s31], [sflag:$0x4] =	stream.linear.gather [hbm4b:s21+s3], $0x70, $0x38;
	[tilespmem:$0x1AE00] =	vst v63  }
0xdc: {  	s15 =	sadd.s32 s7, s15  }
0xdd: {  	[tilespmem:s0], [sflag:$0x4] =	stream.linear.gather [hbm4b:s15+s3], $0x70, $0x38;
	[tilespmem:$0x1AE00] =	vst v63  }
0xde: {  	_ =	swait.ge [sflag:s10], $0x3800  }
0xdf: {  	[sflag:s10] =	ssyncset.done $0x0  }
0xe0: {  	[sflag:s10] =	ssyncadd.s32 $0xFFFFC800  }
0xe1: {  	_ =	swait.ge [sflag:s1], $0x70  }
0xe2: {  	[sflag:s1] =	ssyncset.done $0x0  }
0xe3: {  	[sflag:s1] =	ssyncadd.s32 $0xFFFFFF90  }
0xe4: {  	_ =	swait.ge [sflag:s1], $0x70  }
0xe5: {  	[sflag:s1] =	ssyncset.done $0x0  }
0xe6: {  	[sflag:s1] =	ssyncadd.s32 $0xFFFFFF90  }
0xe7: {  	[bflag:$0x0] =	sbarrier.arrive $0xFFFF  }
0xe8: {  	[tilespmem:s28], [sflag:$0x5] =	stream.linear.gather [spmem:s20], $0x3800, $0x38;
	[tilespmem:$0x1AE00] =	vst v63  }
0xe9: {  	_ =	swait.ge [sflag:s11], $0x3800  }
0xea: {  	[sflag:s11] =	ssyncset.done $0x0  }
0xeb: {  	s17 =	rddreg [dreg:$0x6];
	[sflag:s11] =	ssyncadd.s32 $0xFFFFC800  }
0xec: {  	[hbm4b:s17+s3] =	stream.linear.scatter [tilespmem:s28], [sflag:$0x5], $0x3800, $0x38;
	[tilespmem:$0x1AE00] =	vst v63  }
0xed: {  	_ =	swait.ge [sflag:s11], $0x3800  }
0xee: {  	[sflag:s11] =	ssyncset.done $0x0  }
0xef: {  	[sflag:s11] =	ssyncadd.s32 $0xFFFFC800  }
0xf0: {  	[tilespmem:s28], [sflag:$0x5] =	stream.linear.gather [spmem:s22], $0x3800, $0x38;
	[tilespmem:$0x1AE00] =	vst v63  }
0xf1: {  	_ =	swait.ge [sflag:s11], $0x3800  }
0xf2: {  	[sflag:s11] =	ssyncset.done $0x0  }
0xf3: {  	s18 =	rddreg [dreg:$0x7];
	[sflag:s11] =	ssyncadd.s32 $0xFFFFC800  }
0xf4: {  	[hbm4b:s18+s3] =	stream.linear.scatter [tilespmem:s28], [sflag:$0x5], $0x3800, $0x38;
	[tilespmem:$0x1AE00] =	vst v63  }
0xf5: {  	_ =	swait.ge [sflag:s11], $0x3800  }
0xf6: {  	[sflag:s11] =	ssyncset.done $0x0  }
0xf7: {  	[sflag:s11] =	ssyncadd.s32 $0xFFFFC800  }
0xf8: {  	[tilespmem:s28], [sflag:$0x5] =	stream.linear.gather [spmem:s23], $0x3800, $0x38;
	[tilespmem:$0x1AE00] =	vst v63  }
0xf9: {  	_ =	swait.ge [sflag:s11], $0x3800  }
0xfa: {  	[sflag:s11] =	ssyncset.done $0x0  }
0xfb: {  	s21 =	rddreg [dreg:$0x8];
	[sflag:s11] =	ssyncadd.s32 $0xFFFFC800  }
0xfc: {  	[hbm4b:s21+s3] =	stream.linear.scatter [tilespmem:s28], [sflag:$0x5], $0x3800, $0x38;
	[tilespmem:$0x1AE00] =	vst v63  }
0xfd: {  	_ =	swait.ge [sflag:s11], $0x3800  }
0xfe: {  	[sflag:s11] =	ssyncset.done $0x0  }
0xff: {  	[sflag:s11] =	ssyncadd.s32 $0xFFFFC800  }
0x100: {  	[tilespmem:s28], [sflag:$0x5] =	stream.linear.gather [spmem:s24], $0x3800, $0x38;
	[tilespmem:$0x1AE00] =	vst v63  }
0x101: {  	_ =	swait.ge [sflag:s11], $0x3800  }
0x102: {  	[sflag:s11] =	ssyncset.done $0x0  }
0x103: {  	s16 =	rddreg [dreg:$0x9];
	[sflag:s11] =	ssyncadd.s32 $0xFFFFC800  }
0x104: {  	[hbm4b:s16+s3] =	stream.linear.scatter [tilespmem:s28], [sflag:$0x5], $0x3800, $0x38;
	[tilespmem:$0x1AE00] =	vst v63  }
0x105: {  	_ =	swait.ge [sflag:s11], $0x3800  }
0x106: {  	[sflag:s11] =	ssyncset.done $0x0  }
0x107: {  	[sflag:s11] =	ssyncadd.s32 $0xFFFFC800  }
0x108: {  	[tilespmem:s28], [sflag:$0x5] =	stream.linear.gather [spmem:s25], $0x3800, $0x38;
	[tilespmem:$0x1AE00] =	vst v63  }
0x109: {  	_ =	swait.ge [sflag:s11], $0x3800  }
0x10a: {  	[sflag:s11] =	ssyncset.done $0x0  }
0x10b: {  	s17 =	rddreg [dreg:$0xa];
	[sflag:s11] =	ssyncadd.s32 $0xFFFFC800  }
0x10c: {  	[hbm4b:s17+s3] =	stream.linear.scatter [tilespmem:s28], [sflag:$0x5], $0x3800, $0x38;
	[tilespmem:$0x1AE00] =	vst v63  }
0x10d: {  	_ =	swait.ge [sflag:s11], $0x3800  }
0x10e: {  	[sflag:s11] =	ssyncset.done $0x0  }
0x10f: {  	[sflag:s11] =	ssyncadd.s32 $0xFFFFC800  }
0x110: {  	[tilespmem:s28], [sflag:$0x5] =	stream.linear.gather [spmem:s8], $0x2400, $0x38;
	[tilespmem:$0x1AE00] =	vst v63  }
0x111: {  	_ =	swait.ge [sflag:s11], $0x2400  }
0x112: {  	[sflag:s11] =	ssyncset.done $0x0  }
0x113: {  	s18 =	rddreg [dreg:$0x5];
	[sflag:s11] =	ssyncadd.s32 $0xFFFFDC00  }
0x114: {  	[hbm4b:s18+s3] =	stream.linear.scatter [tilespmem:s28], [sflag:$0x5], $0x2400, $0x38;
	[tilespmem:$0x1AE00] =	vst v63  }
0x115: {  	_ =	swait.ge [sflag:s11], $0x2400  }
0x116: {  	s14 =	sadd.s32 $0x1, s14;
	s21 =	rddreg [dreg:$0xd]  }
0x117: {  	p0 =	sne.s32 s14, s21  }
.Ltmp3:
0x118: {  	_ = 	snop;
	(pc) =	sbr.rel @p0 .LBB2_1-.Ltmp3, $3  }
0x119: {  	_ =	sdelay $0x1  }
0x11a: {  	[sflag:s11] =	ssyncset.done $0x0  }
0x11b: {  	[sflag:s11] =	ssyncadd.s32 $0xFFFFDC00  }
0x11c: {  	_ =	sfence.sel $0x180000  }
0x11d: {  	[bflag:$0x0] =	sbarrier.arrive $0xFFFF  }
0x11e: {  	_ =	strace $0x90000047  }
0x11f: {  	s0 =	stileid.u32;
	[bflag:$0x2] =	sbarrier.arrive $0xFFFF  }
0x120: {  	p0 =	sne.s32 s0, $0x0;
	s0 =	rddreg [dreg:$0x2]  }
0x121: {  	s0 =	sadd.s32 @!p0 $0x100000, s0  }
0x122: {  	[sflag:s0] =	ssyncadd.tile.s32 @!p0 $0x1;
	_ =	shalt  }
.Lfunc_end2:
_tile_overlayer_lowered:
.L_overlay_start_2:
0x123: {  	(tag) =	ssettag $0x2  }
0x124: {  	s0 =	rddreg [dreg:$0x0];
	s2 =	stileid.u32  }
0x125: {  	s1 =	rddreg [dreg:$0x1];
	p0 =	sne.s32 s2, $0x0  }
0x126: {  	s3 =	rddreg [dreg:$0x2];
	[bflag:$0x3] =	sbarrier.arrive $0xFFFF;
	s2 =	simm.s32 @!p0 $0x1C05  }
0x127: {  	[timem:s3], [sflag:s2] =	dma.local @!p0 [hbm:s0], s1  }
0x128: {  	s0 =	simm.s32 @!p0 $0x5  }
0x129: {  	_ =	swait.ge @!p0 [sflag:s0], s1  }
0x12a: {  	s1 =	ssub.s32 @!p0 $0x0, s1;
	[sflag:s0] =	ssyncset.done @!p0 $0x0  }
0x12b: {  	[sflag:s0] =	ssyncadd.s32 @!p0 s1  }
0x12c: {  	[bflag:$0x3] =	sbarrier.arrive $0xFFFF  }
0x12d: {  	_ =	shalt  }

// kernel: kernel.17.cloned.1.call-start
scs
__scs_entry_jumppad:
0x0: {  	(pc) =	sbr.rel $0x88, $3  }
0x1: {  	(tag) =	ssettag $0x0;
	lr =	simm.s32 $0x1  }
0x2: {  	[smem:$0x3F90] =	sst lr;
	_ =	strace $0xD0000000  }
0x3: {  	_ = 	snop  }
0x4: {  	_ = 	snop  }
0x5: {  	_ = 	snop  }
0x6: {  	_ = 	snop  }
0x7: {  	_ = 	snop  }
__scs_overlays_trampoline_lowered:
0x8: {  	[smem:$0x3F9F] =	sst s0  }
0x9: {  	[smem:$0x3FA0] =	sst s1  }
0xa: {  	[smem:$0x3FA1] =	sst s2  }
0xb: {  	[smem:$0x3FA2] =	sst s3  }
0xc: {  	[smem:$0x3FA3] =	sst s4  }
0xd: {  	[smem:$0x3FA4] =	sst s5  }
0xe: {  	[smem:$0x3FA5] =	sst s6  }
0xf: {  	[smem:$0x3FA6] =	sst s7  }
0x10: {  	[smem:$0x3FA7] =	sst s8  }
0x11: {  	[smem:$0x3FA8] =	sst s9;
	s0 =	simm.s32 @!p0 $0x0  }
0x12: {  	s1 =	sld [smem:$0x3F8E];
	s0 =	simm.s32 @p0 $0x1  }
0x13: {  	[smem:$0x3FA9] =	sst s0;
	s0 =	simm.s32 @!p1 $0x0  }
0x14: {  	s2 =	sld [smem:$0x3F8D];
	s0 =	simm.s32 @p1 $0x1  }
0x15: {  	[smem:$0x3FAA] =	sst s0;
	s0 =	simm.s32 @!p2 $0x0  }
0x16: {  	s3 =	sld [smem:$0x3FDB];
	s0 =	simm.s32 @p2 $0x1  }
0x17: {  	s4 =	simm.s32 $0x1BF5;
	[smem:$0x3FAC] =	sst s0  }
0x18: {  	s0 =	sld [smem:$0x3F8F];
	_ =	swait.ge [sflag:s4], $0x0  }
0x19: {  	s7 =	sld [smem:$0x3F90]  }
0x1a: {  	s8 =	sadd.s32 $0xFFFFE003, lr  }
0x1b: {  	s9 =	sadd.s32 $0xFFFFFEF7, lr;
	s5 =	simm.s32 $0xFFFFFFFF;
	p2 =	slt.u32 s8, $0xFFFFF086  }
0x1c: {  	p1 =	slt.u32 s9, $0xF7A;
	s5 =	simm.s32 @!p2 $0x0  }
0x1d: {  	s5 =	simm.s32 @p1 $0x1;
	p0 =	seq.s32 s7, s2  }
0x1e: {  	s7 =	smul.u32 @!p0 $0xF7A, s2;
	p2 =	seq.s32 @!p0 s5, $0x0  }
0x1f: {  	s9 =	smul.u32 $0xF7A, s1;
	s8 =	simm.s32 @!p0 $0x1BF5;
	p2 =	por !p2, p0  }
0x20: {  	[sflag:s8] =	ssyncset.s32 @!p0 $0xFFFFF086;
	s6 =	sadd.s32 @!p0 s3, s7;
	s7 =	simm.s32 @!p0 $0x108  }
0x21: {  	s3 =	sadd.s32 s3, s9;
	s6 =	sadd.s32 @!p0 $0x88, s6;
	s7 =	simm.s32 @p2 $0x1082  }
0x22: {  	[simem:s7], [sflag:s8] =	dma.local @!p0 [hbm:s6], $0xF7A  }
0x23: {  	s9 =	sor.u32 $0xD0000000, s2;
	s6 =	simm.s32 $0x108;
	_ =	swait.ge @!p0 [sflag:s8], $0x0  }
0x24: {  	s3 =	sadd.s32 $0x88, s3;
	s6 =	simm.s32 @!p1 $0x1082;
	[sflag:s4] =	ssyncset.s32 $0xFFFFF086  }
0x25: {  	[simem:s6], [sflag:s4] =	dma.local [hbm:s3], $0xF7A  }
0x26: {  	[smem:$0x3F90] =	sst s1;
	(tag) =	ssettag s2;
	_ =	strace s9  }
0x27: {  	s1 =	sld [smem:$0x3FA0]  }
0x28: {  	s2 =	sld [smem:$0x3FA1]  }
0x29: {  	s4 =	sld [smem:$0x3FA3]  }
0x2a: {  	p0 =	seq.s32 s5, $0x0;
	s5 =	sld [smem:$0x3FA4]  }
0x2b: {  	s6 =	sld [smem:$0x3FA5]  }
0x2c: {  	s7 =	sld [smem:$0x3FA6]  }
0x2d: {  	s3 =	simm.s32 $0x108;
	s8 =	sld [smem:$0x3FA7]  }
0x2e: {  	s3 =	simm.s32 @!p0 $0x1082;
	s9 =	sld [smem:$0x3FA8]  }
0x2f: {  	lr =	sadd.s32 s0, s3;
	s0 =	sld [smem:$0x3F9F]  }
0x30: {  	s3 =	sld [smem:$0x3FA2]  }
0x31: {  	[smem:$0x3FAB] =	sst s10  }
0x32: {  	s10 =	sld [smem:$0x3FA9];
	_ =	sdelay $0x3  }
0x33: {  	p0 =	seq.s32 s10, $0x1;
	s10 =	sld [smem:$0x3FAB];
	_ =	sdelay $0x3  }
0x34: {  	[smem:$0x3FAB] =	sst s10  }
0x35: {  	s10 =	sld [smem:$0x3FAA];
	_ =	sdelay $0x3  }
0x36: {  	p1 =	seq.s32 s10, $0x1;
	s10 =	sld [smem:$0x3FAB];
	_ =	sdelay $0x3  }
0x37: {  	[smem:$0x3FAB] =	sst s10  }
0x38: {  	s10 =	sld [smem:$0x3FAC]  }
0x39: {  	_ = 	snop;
	(pc) =	sbr.ind lr, $3  }
0x3a: {  	_ = 	snop  }
0x3b: {  	_ = 	snop  }
0x3c: {  	p2 =	seq.s32 s10, $0x1;
	s10 =	sld [smem:$0x3FAB]  }
0x3d: {  	_ =	shalt  }
0x3e: {  	_ =	shalt  }
0x3f: {  	_ =	shalt  }
0x40: {  	_ =	shalt  }
0x41: {  	_ =	shalt  }
0x42: {  	_ =	shalt  }
0x43: {  	_ =	shalt  }
0x44: {  	_ =	shalt  }
0x45: {  	_ =	shalt  }
0x46: {  	_ =	shalt  }
0x47: {  	_ =	shalt  }
0x48: {  	_ =	shalt  }
0x49: {  	_ =	shalt  }
0x4a: {  	_ =	shalt  }
0x4b: {  	_ =	shalt  }
0x4c: {  	_ =	shalt  }
0x4d: {  	_ =	shalt  }
0x4e: {  	_ =	shalt  }
0x4f: {  	_ =	shalt  }
0x50: {  	_ =	shalt  }
0x51: {  	_ =	shalt  }
0x52: {  	_ =	shalt  }
0x53: {  	_ =	shalt  }
0x54: {  	_ =	shalt  }
0x55: {  	_ =	shalt  }
0x56: {  	_ =	shalt  }
0x57: {  	_ =	shalt  }
0x58: {  	_ =	shalt  }
0x59: {  	_ =	shalt  }
0x5a: {  	_ =	shalt  }
0x5b: {  	_ =	shalt  }
0x5c: {  	_ =	shalt  }
0x5d: {  	_ =	shalt  }
0x5e: {  	_ =	shalt  }
0x5f: {  	_ =	shalt  }
0x60: {  	_ =	shalt  }
0x61: {  	_ =	shalt  }
0x62: {  	_ =	shalt  }
0x63: {  	_ =	shalt  }
0x64: {  	_ =	shalt  }
0x65: {  	_ =	shalt  }
0x66: {  	_ =	shalt  }
0x67: {  	_ =	shalt  }
0x68: {  	_ =	shalt  }
0x69: {  	_ =	shalt  }
0x6a: {  	_ =	shalt  }
0x6b: {  	_ =	shalt  }
0x6c: {  	_ =	shalt  }
0x6d: {  	_ =	shalt  }
0x6e: {  	_ =	shalt  }
0x6f: {  	_ =	shalt  }
0x70: {  	_ =	shalt  }
0x71: {  	_ =	shalt  }
0x72: {  	_ =	shalt  }
0x73: {  	_ =	shalt  }
0x74: {  	_ =	shalt  }
0x75: {  	_ =	shalt  }
0x76: {  	_ =	shalt  }
0x77: {  	_ =	shalt  }
0x78: {  	_ =	shalt  }
0x79: {  	_ =	shalt  }
0x7a: {  	_ =	shalt  }
0x7b: {  	_ =	shalt  }
0x7c: {  	_ =	shalt  }
0x7d: {  	_ =	shalt  }
0x7e: {  	_ =	shalt  }
0x7f: {  	_ =	shalt  }
0x80: {  	_ =	shalt  }
0x81: {  	_ =	shalt  }
0x82: {  	_ =	shalt  }
0x83: {  	_ =	shalt  }
0x84: {  	_ =	shalt  }
0x85: {  	_ =	shalt  }
0x86: {  	_ =	shalt  }
0x87: {  	_ =	shalt  }
.Lfunc_end0:
.L_simem_size_0:
called_computation.2_lowered:
.L_overlay_start_0:
0x88: {  	s2 =	sld [smem:$0x3FD9]  }
0x89: {  	s3 =	sld [smem:$0x3FFE];
	_ =	sdelay $0x1  }
0x8a: {  	s1 =	srdreg.scid  }
0x8b: {  	s0 =	sand.u32 $0x1, s1  }
0x8c: {  	s16 =	sshll.u32 s0, $0xA;
	s2 =	sadd.s32 s3, s2  }
0x8d: {  	s2 =	sadd.s32 s2, s16  }
0x8e: {  	[smem:$0x3FB7] =	sst s2  }
0x8f: {  	_ = 	snop  }
0x90: {  	(tm) =	ssettm $0x1  }
0x91: {  	s17 =	sld [smem:$0x3FFB];
	_ =	sdelay $0x3  }
0x92: {  	_ =	strace s17  }
0x93: {  	s2 =	sld [smem:$0x3FFC];
	_ =	sdelay $0x3  }
0x94: {  	_ =	strace s2  }
0x95: {  	s2 =	sld [smem:$0x3FFD];
	_ =	sdelay $0x3  }
0x96: {  	_ =	strace s2  }
0x97: {  	_ =	strace $0x8FFFFFFF  }
0x98: {  	s18 =	sld [smem:$0x3FDB];
	_ =	sdelay $0x1  }
0x99: {  	s19 =	simm.s32 $_scs_section_size  }
0x9a: {  	s4 =	simm.s32 $_size__tile_overlayer_lowered;
	s5 =	simm.s32 $_tile_overlayer_lowered  }
0x9b: {  	s22 =	simm.s32 $0x1BFF;
	s21 =	sshll.u32 s5, $0x1;
	s2 =	sadd.s32 s19, s18  }
0x9c: {  	s6 =	simm.s32 $0x0;
	s20 =	sshll.u32 s4, $0x1;
	s4 =	sadd.s32 s21, s2  }
0x9d: {  	[timem:s6], [sflag:s22] =	dma.local [hbm:s4], s20  }
0x9e: {  	_ =	swait.ge [sflag:s22], s20  }
0x9f: {  	s3 =	ssub.s32 $0x0, s20;
	[sflag:s22] =	ssyncset.done $0x0  }
0xa0: {  	[sflag:s22] =	ssyncadd.s32 s3;
	_ =	sdelay $0x1  }
0xa1: {  	s23 =	simm.s32 $0x1B8B  }
0xa2: {  	_ =	swait.ge [sflag:s23], $0x1  }
0xa3: {  	[sflag:s23] =	ssyncset.done $0x0  }
0xa4: {  	s25 =	simm.s32 $0x1B8E;
	s24 =	sld [smem:$0x3FFE];
	[sflag:s23] =	ssyncadd.s32 $0xFFFFFFFF  }
0xa5: {  	s26 =	simm.s32 $execute0_lowered;
	[smem:$0x3FD2] =	sst s25  }
0xa6: {  	s4 =	sshll.u32 s26, $0x1;
	_ =	strace $0x8000004C;
	[dreg:$0x1] =	wrdreg $0xFFFFFFFF  }
0xa7: {  	s28 =	simm.s32 $_size_execute0_lowered;
	s2 =	sadd.s32 s2, s4;
	[dreg:$0x0] =	wrdreg $0x0  }
0xa8: {  	s4 =	sshll.u32 s28, $0x1;
	[dreg:$0x2] =	wrdreg s2  }
0xa9: {  	[dreg:$0x3] =	wrdreg s4  }
0xaa: {  	[dreg:$0x4] =	wrdreg $0xC0  }
0xab: {  	_ =	task [dreg:s6], $0x5FFFF  }
0xac: {  	[dreg:$0x1] =	wrdreg $0xFFFFFFFF  }
0xad: {  	[dreg:$0x0] =	wrdreg $0x60  }
0xae: {  	[dreg:$0x2] =	wrdreg s24  }
0xaf: {  	[dreg:$0x3] =	wrdreg $0x72000  }
0xb0: {  	[dreg:$0x4] =	wrdreg $0x9  }
0xb1: {  	_ =	task.clear_ibuf [dreg:s6], $0x5FFFF;
	_ =	strace $0x9000004C  }
0xb2: {  	s29 =	simm.s32 $0x9;
	_ =	strace $0x8000004E  }
0xb3: {  	_ =	swait.ge [sflag:s29], $0x1  }
0xb4: {  	[sflag:s29] =	ssyncadd.s32 $0xFFFFFFFF  }
0xb5: {  	_ =	strace $0x9000004E  }
0xb6: {  	_ =	sfence  }
0xb7: {  	s30 =	sld [smem:$0x0];
	_ =	sdelay $0x2  }
0xb8: {  	s31 =	sshll.u32 s1, $0xD;
	s1 =	sshrl.u32 s1, $0x2  }
0xb9: {  	s3 =	sand.u32 $0x4000, s31;
	s1 =	sadd.s32 s1, s30  }
0xba: {  	s0 =	sor.u32 s3, s0;
	s1 =	sshll.u32 s1, $0x11  }
0xbb: {  	s0 =	sor.u32 s1, s0  }
0xbc: {  	s0 =	sadd.s32 $0x8F2B, s0  }
0xbd: {  	[sflag:s0] =	ssyncadd.remote.s32 $0x1  }
0xbe: {  	_ =	sfence.sel $0xFFFF  }
0xbf: {  	[dreg:$0x0] =	wrdreg $0xFFFFFFFF;
	(pc) =	sbr.abs _section_cstart, $3  }
0xc0: {  	[dreg:$0x1] =	wrdreg $0xFFFFFFFF  }
0xc1: {  	_ =	task.clear_ibuf [dreg:s6], $0x2FFFF;
	_ =	strace $0x9FFFFFFF  }
0xc2: {  	(tm) =	ssettm $0x7FFFFFFF  }
0xc3: {  	_ =	shalt  }
tec
execute0_lowered:
.L_overlay_start_1:
0x0: {  	(tag) =	ssettag $0x1  }
0x1: {  	s0 =	rddreg [dreg:$0x0]  }
0x2: {  	s2 =	rddreg [dreg:$0x1];
	s1 =	srdreg.scid  }
0x3: {  	s15 =	stileid.u32;
	s9 =	simm.s32 $0x8C;
	s3 =	simm.s32 $0x0  }
0x4: {  	s28 =	simm.s32 $0x200;
	s29 =	simm.s32 $0x100;
	s30 =	simm.s32 $0x70  }
0x5: {  	s31 =	simm.s32 $0x80;
	s1 =	sand.u32 $0x1, s1;
	s10 =	smul.u32 $0x278, s15  }
0x6: {  	[smem:$0x7FF] =	sst s3;
	s4 =	sadd.s32 $0x65600, s0;
	s21 =	smul.u32 $0x4F000, s15  }
0x7: {  	s7 =	sadd.s32 $0xD600, s0;
	p0 =	seq.s32 s1, $0x0;
	s5 =	smul.u32 $0x8C0, s1  }
0x8: {  	_ =	strace $0x8000004D;
	s8 =	ssub.s32 $0x2, s1;
	s1 =	smul.u32 $0x2780, s1  }
0x9: {  	s9 =	simm.s32 @!p0 $0x28;
	s12 =	sshrl.u32 s8, $0x1;
	s17 =	sadd.s32 $0x230, s10  }
0xa: {  	s22 =	sadd.s32 $0x70, s10;
	s16 =	sadd.s32 $0x150, s10;
	s6 =	smul.u32 s15, s9  }
0xb: {  	s12 =	ssub.s32 s8, s12;
	s13 =	sshll.u32 s17, $0x7;
	s14 =	sadd.s32 s1, s17  }
0xc: {  	s15 =	sadd.s32 $0xE0, s10;
	s17 =	sadd.s32 s1, s10;
	s10 =	sadd.s32 $0x1C0, s10  }
0xd: {  	s25 =	sadd.s32 s1, s16;
	s8 =	sadd.s32 s13, s2;
	s19 =	sshll.u32 s14, $0x4  }
0xe: {  	s17 =	sshll.u32 s17, $0x4;
	s24 =	sadd.s32 s1, s15;
	s26 =	sshll.u32 s25, $0x4  }
0xf: {  	s5 =	sadd.s32 s5, s6;
	s6 =	sadd.s32 $0x3800, s0;
	s0 =	sadd.s32 $0x1EDC00, s0  }
0x10: {  	s25 =	sshll.u32 s16, $0x7;
	s14 =	simm.s32 $0x0;
	s13 =	sadd.s32 s0, s19  }
0x11: {  	s11 =	smul.u32 $0x70, s5;
	s17 =	sadd.s32 s0, s17;
	[dreg:$0x5] =	wrdreg s13  }
0x12: {  	[dreg:$0x6] =	wrdreg s17;
	s17 =	sshll.u32 s24, $0x4;
	s24 =	sshll.u32 s15, $0x7  }
0x13: {  	s13 =	simm.s32 $0x2;
	s11 =	sshrl.u32 s11, $0x3;
	s17 =	sadd.s32 s0, s17  }
0x14: {  	s18 =	sadd.s32 s6, s11;
	s20 =	sadd.s32 s7, s11;
	[dreg:$0x8] =	wrdreg s17  }
0x15: {  	s11 =	sadd.s32 $0xE, s11;
	s17 =	sadd.s32 s0, s26;
	[dreg:$0x3] =	wrdreg s18  }
0x16: {  	s26 =	sshll.u32 s10, $0x7;
	[dreg:$0x4] =	wrdreg s20;
	s18 =	sadd.s32 s1, s22  }
0x17: {  	s1 =	sadd.s32 s1, s10;
	[dreg:$0x9] =	wrdreg s17;
	s19 =	sadd.s32 s7, s11  }
0x18: {  	s20 =	sshrl.u32 s21, $0x2;
	s21 =	sshrl.u32 s9, $0x1;
	s22 =	sshll.u32 s22, $0x7  }
0x19: {  	s10 =	simm.s32 $0x1;
	s18 =	sshll.u32 s18, $0x4;
	s1 =	sshll.u32 s1, $0x4  }
0x1a: {  	[dreg:$0xc] =	wrdreg s19;
	s19 =	sadd.s32 $0xFFFFFFFF, s9;
	s20 =	sadd.s32 s20, s2  }
0x1b: {  	s22 =	sadd.s32 s22, s2;
	s9 =	simm.s32 $0x3A00;
	s23 =	sadd.s32 s0, s18  }
0x1c: {  	s0 =	sadd.s32 s0, s1;
	s18 =	sadd.s32 s6, s11;
	[dreg:$0x7] =	wrdreg s23  }
0x1d: {  	s1 =	simm.s32 $0x4;
	s11 =	simm.s32 $0x5;
	[dreg:$0xa] =	wrdreg s0  }
0x1e: {  	[dreg:$0xb] =	wrdreg s18;
	s23 =	smax.u32 s12, $0x1;
	s0 =	simm.s32 $0x180  }
0x1f: {  	s12 =	simm.s32 $0x3;
	[dreg:$0xd] =	wrdreg s23;
	s23 =	sadd.s32 s24, s2  }
0x20: {  	v0 =	vimm.f32 $0.0e+00;
	s24 =	sadd.s32 s25, s2;
	s25 =	sadd.s32 s26, s2;
	s26 =	sadd.s32 $0xFFFFFFFE, s21  }
.LBB2_1:
0x21: {  	s15 =	sand.u32 $0xFE00, s3  }
0x22: {  	s16 =	sand.u32 $0x70, s3;
	s17 =	sshrl.u32 s15, $0x2  }
0x23: {  	s15 =	simm.s32 $0x40;
	s17 =	sor.u32 s16, s17;
	s16 =	simm.s32 $0x0  }
.LBB2_2:
0x24: {  	p0 =	sne.s32 s15, $0xDFC0  }
0x25: {  	[tilespmem:s17+$0x200] =	vst v0;
	s16 =	sadd.s32 $0x10, s16;
	s17 =	smov.u32 s15;
	s15 =	sadd.s32 $0x40, s15  }
.Ltmp0:
0x26: {  	(pc) =	sbr.rel @p0 .LBB2_2-.Ltmp0, $4  }
0x27: {  	_ = 	snop  }
0x28: {  	s17 =	sand.u32 $0xFE00, s17  }
0x29: {  	s18 =	sand.u32 $0x70, s16;
	s17 =	sshrl.u32 s17, $0x2  }
0x2a: {  	s17 =	sor.u32 s18, s17  }
0x2b: {  	[tilespmem:s17+$0x200] =	vst v0;
	s16 =	simm.s32 $0x5  }
0x2c: {  	[spmem:s20] =	stream.linear.scatter [tilespmem:s28], [sflag:$0x5], $0x3800, $0x38;
	[tilespmem:$0x1AE00] =	vst v63  }
0x2d: {  	_ =	swait.ge [sflag:s16], $0x3800  }
0x2e: {  	[sflag:s16] =	ssyncset.done $0x0  }
0x2f: {  	[sflag:s16] =	ssyncadd.s32 $0xFFFFC800  }
0x30: {  	[spmem:s22] =	stream.linear.scatter [tilespmem:s28], [sflag:$0x5], $0x3800, $0x38;
	[tilespmem:$0x1AE00] =	vst v63  }
0x31: {  	_ =	swait.ge [sflag:s16], $0x3800  }
0x32: {  	[sflag:s16] =	ssyncset.done $0x0  }
0x33: {  	[sflag:s16] =	ssyncadd.s32 $0xFFFFC800  }
0x34: {  	[spmem:s23] =	stream.linear.scatter [tilespmem:s28], [sflag:$0x5], $0x3800, $0x38;
	[tilespmem:$0x1AE00] =	vst v63  }
0x35: {  	_ =	swait.ge [sflag:s16], $0x3800  }
0x36: {  	[sflag:s16] =	ssyncset.done $0x0  }
0x37: {  	[sflag:s16] =	ssyncadd.s32 $0xFFFFC800  }
0x38: {  	[spmem:s24] =	stream.linear.scatter [tilespmem:s28], [sflag:$0x5], $0x3800, $0x38;
	[tilespmem:$0x1AE00] =	vst v63  }
0x39: {  	_ =	swait.ge [sflag:s16], $0x3800  }
0x3a: {  	[sflag:s16] =	ssyncset.done $0x0  }
0x3b: {  	[sflag:s16] =	ssyncadd.s32 $0xFFFFC800  }
0x3c: {  	[spmem:s25] =	stream.linear.scatter [tilespmem:s28], [sflag:$0x5], $0x3800, $0x38;
	[tilespmem:$0x1AE00] =	vst v63  }
0x3d: {  	_ =	swait.ge [sflag:s16], $0x3800  }
0x3e: {  	[sflag:s16] =	ssyncset.done $0x0  }
0x3f: {  	[sflag:s16] =	ssyncadd.s32 $0xFFFFC800  }
0x40: {  	[spmem:s8] =	stream.linear.scatter [tilespmem:s28], [sflag:$0x5], $0x2400, $0x38;
	[tilespmem:$0x1AE00] =	vst v63  }
0x41: {  	_ =	swait.ge [sflag:s16], $0x2400  }
0x42: {  	[sflag:s16] =	ssyncset.done $0x0  }
0x43: {  	[sflag:s16] =	ssyncadd.s32 $0xFFFFDC00  }
0x44: {  	[bflag:$0x0] =	sbarrier.arrive $0xFFFF  }
0x45: {  	s15 =	rddreg [dreg:$0x3]  }
0x46: {  	[tilespmem:s3], [sflag:$0x5] =	stream.linear.gather [hbm4b:s15+s3], $0x70, $0x38;
	[tilespmem:$0x1AE00] =	vst v63  }
0x47: {  	_ =	swait.ge [sflag:s16], $0x70  }
0x48: {  	[sflag:s16] =	ssyncset.done $0x0  }
0x49: {  	s21 =	rddreg [dreg:$0x4];
	[sflag:s16] =	ssyncadd.s32 $0xFFFFFF90  }
0x4a: {  	[tilespmem:s29], [sflag:$0x5] =	stream.linear.gather [hbm4b:s21+s3], $0x70, $0x38;
	[tilespmem:$0x1AE00] =	vst v63  }
0x4b: {  	_ =	swait.ge [sflag:s16], $0x70  }
0x4c: {  	[sflag:s16] =	ssyncset.done $0x0  }
0x4d: {  	[sflag:s16] =	ssyncadd.s32 $0xFFFFFF90  }
0x4e: {  	[tilespmem:s28], [sflag:$0x1] =	stream.indirect.gather [hbm4b:s4+s30], $0x80, s3, s30, $0xb8;
	[tilespmem:$0x1AE00] =	vst v63  }
0x4f: {  	s17 =	rddreg [dreg:$0xb]  }
0x50: {  	[tilespmem:s31], [sflag:$0x4] =	stream.linear.gather [hbm4b:s17+s3], $0x70, $0x38;
	[tilespmem:$0x1AE00] =	vst v63  }
0x51: {  	s18 =	rddreg [dreg:$0xc]  }
0x52: {  	[tilespmem:s0], [sflag:$0x4] =	stream.linear.gather [hbm4b:s18+s3], $0x70, $0x38;
	[tilespmem:$0x1AE00] =	vst v63  }
0x53: {  	_ =	swait.ge [sflag:s1], $0x70  }
0x54: {  	[sflag:s1] =	ssyncset.done $0x0  }
0x55: {  	[sflag:s1] =	ssyncadd.s32 $0xFFFFFF90  }
0x56: {  	_ =	swait.ge [sflag:s1], $0x70  }
0x57: {  	p0 =	sgt.s32 s19, $0x2;
	[sflag:s1] =	ssyncset.done $0x0  }
0x58: {  	s15 =	simm.s32 $0x2;
	s17 =	smov.u32 s19;
	[sflag:s1] =	ssyncadd.s32 $0xFFFFFF90  }
0x59: {  	[tilespmem:s9], [sflag:$0x2] =	stream.indirect.gather [hbm4b:s4+s30], $0x80, s31, s30, $0xb8;
	[tilespmem:$0x1AE00] =	vst v63  }
0x5a: {  	s17 =	smov.u32 @p0 s15;
	_ =	swait.ge [sflag:s10], $0x3800  }
0x5b: {  	s15 =	sadd.s32 s5, s17;
	[sflag:s10] =	ssyncset.done $0x0  }
0x5c: {  	s15 =	smul.u32 $0x70, s15;
	[sflag:s10] =	ssyncadd.s32 $0xFFFFC800  }
0x5d: {  	[spmem:s2] =	stream.indirect.scatter.add.f32 [tilespmem:s28], [sflag:$0x5], $0x80, s29, s30, $0xb8;
	[tilespmem:$0x1AE00] =	vst v63  }
0x5e: {  	_ =	swait.ge [sflag:s11], $0x3800  }
0x5f: {  	s15 =	sshrl.u32 s15, $0x3;
	[sflag:s11] =	ssyncset.done $0x0  }
0x60: {  	s21 =	sadd.s32 s6, s15;
	[sflag:s11] =	ssyncadd.s32 $0xFFFFC800  }
0x61: {  	[tilespmem:s3], [sflag:$0x3] =	stream.linear.gather [hbm4b:s21+s3], $0x70, $0x38;
	[tilespmem:$0x1AE00] =	vst v63  }
0x62: {  	s15 =	sadd.s32 s7, s15  }
0x63: {  	[tilespmem:s29], [sflag:$0x3] =	stream.linear.gather [hbm4b:s15+s3], $0x70, $0x38;
	[tilespmem:$0x1AE00] =	vst v63  }
0x64: {  	_ =	swait.ge [sflag:s12], $0x70  }
0x65: {  	[sflag:s12] =	ssyncset.done $0x0  }
0x66: {  	[sflag:s12] =	ssyncadd.s32 $0xFFFFFF90  }
0x67: {  	p0 =	sgt.s32 s19, $0x3;
	_ =	swait.ge [sflag:s12], $0x70  }
0x68: {  	s17 =	smov.u32 s19;
	s15 =	simm.s32 $0x3;
	[sflag:s12] =	ssyncset.done $0x0  }
0x69: {  	s17 =	smov.u32 @p0 s15;
	[sflag:s12] =	ssyncadd.s32 $0xFFFFFF90  }
0x6a: {  	[tilespmem:s28], [sflag:$0x1] =	stream.indirect.gather [hbm4b:s4+s30], $0x80, s3, s30, $0xb8;
	[tilespmem:$0x1AE00] =	vst v63  }
0x6b: {  	s15 =	sadd.s32 s5, s17;
	_ =	swait.ge [sflag:s13], $0x3800  }
0x6c: {  	p0 =	sne.s32 s26, $0x1;
	s15 =	smul.u32 $0x70, s15;
	[sflag:s13] =	ssyncset.done $0x0  }
.Ltmp1:
0x6d: {  	[sflag:s13] =	ssyncadd.s32 $0xFFFFC800;
	(pc) =	sbr.rel @!p0 .LBB2_5-.Ltmp1, $4  }
0x6e: {  	[spmem:s2] =	stream.indirect.scatter.add.f32 [tilespmem:s9], [sflag:$0x5], $0x80, s0, s30, $0xb8;
	[tilespmem:$0x1AE00] =	vst v63  }
0x6f: {  	s15 =	sshrl.u32 s15, $0x3;
	_ =	swait.ge [sflag:s11], $0x3800  }
0x70: {  	s17 =	sadd.s32 $0xFFFFFFFF, s26;
	s21 =	sadd.s32 s6, s15;
	[sflag:s11] =	ssyncset.done $0x0  }
0x71: {  	s18 =	sadd.s32 s7, s15;
	s15 =	simm.s32 $0x7;
	[sflag:s11] =	ssyncadd.s32 $0xFFFFC800  }
.LBB2_4:
0x72: {  	s16 =	smov.u32 s15  }
0x73: {  	[tilespmem:s31], [sflag:$0x4] =	stream.linear.gather [hbm4b:s21+s3], $0x70, $0x38;
	[tilespmem:$0x1AE00] =	vst v63  }
0x74: {  	p0 =	sne.s32 s17, $0x1;
	s17 =	sadd.s32 $0xFFFFFFFF, s17  }
0x75: {  	[tilespmem:s0], [sflag:$0x4] =	stream.linear.gather [hbm4b:s18+s3], $0x70, $0x38;
	[tilespmem:$0x1AE00] =	vst v63  }
0x76: {  	_ =	swait.ge [sflag:s1], $0x70  }
0x77: {  	[sflag:s1] =	ssyncset.done $0x0  }
0x78: {  	[sflag:s1] =	ssyncadd.s32 $0xFFFFFF90  }
0x79: {  	_ =	swait.ge [sflag:s1], $0x70  }
0x7a: {  	s18 =	sadd.s32 $0xFFFFFFFD, s15;
	[sflag:s1] =	ssyncset.done $0x0  }
0x7b: {  	s21 =	smov.u32 s19;
	p1 =	slt.s32 s18, s19;
	[sflag:s1] =	ssyncadd.s32 $0xFFFFFF90  }
0x7c: {  	[tilespmem:s9], [sflag:$0x2] =	stream.indirect.gather [hbm4b:s4+s30], $0x80, s31, s30, $0xb8;
	[tilespmem:$0x1AE00] =	vst v63  }
0x7d: {  	s21 =	smov.u32 @p1 s18;
	_ =	swait.ge [sflag:s10], $0x3800  }
0x7e: {  	s18 =	sadd.s32 s5, s21;
	[sflag:s10] =	ssyncset.done $0x0  }
0x7f: {  	s18 =	smul.u32 $0x70, s18;
	[sflag:s10] =	ssyncadd.s32 $0xFFFFC800  }
0x80: {  	[spmem:s2] =	stream.indirect.scatter.add.f32 [tilespmem:s28], [sflag:$0x5], $0x80, s29, s30, $0xb8;
	[tilespmem:$0x1AE00] =	vst v63  }
0x81: {  	_ =	swait.ge [sflag:s11], $0x3800  }
0x82: {  	s18 =	sshrl.u32 s18, $0x3;
	[sflag:s11] =	ssyncset.done $0x0  }
0x83: {  	s21 =	sadd.s32 s6, s18;
	s18 =	sadd.s32 s7, s18;
	[sflag:s11] =	ssyncadd.s32 $0xFFFFC800  }
0x84: {  	[tilespmem:s3], [sflag:$0x3] =	stream.linear.gather [hbm4b:s21+s3], $0x70, $0x38;
	[tilespmem:$0x1AE00] =	vst v63  }
0x85: {  	_ = 	snop  }
0x86: {  	[tilespmem:s29], [sflag:$0x3] =	stream.linear.gather [hbm4b:s18+s3], $0x70, $0x38;
	[tilespmem:$0x1AE00] =	vst v63  }
0x87: {  	_ =	swait.ge [sflag:s12], $0x70  }
0x88: {  	[sflag:s12] =	ssyncset.done $0x0  }
0x89: {  	[sflag:s12] =	ssyncadd.s32 $0xFFFFFF90  }
0x8a: {  	_ =	swait.ge [sflag:s12], $0x70  }
0x8b: {  	[sflag:s12] =	ssyncset.done $0x0  }
0x8c: {  	s18 =	sadd.s32 $0xFFFFFFFE, s15;
	[sflag:s12] =	ssyncadd.s32 $0xFFFFFF90  }
0x8d: {  	[tilespmem:s28], [sflag:$0x1] =	stream.indirect.gather [hbm4b:s4+s30], $0x80, s3, s30, $0xb8;
	[tilespmem:$0x1AE00] =	vst v63  }
0x8e: {  	s21 =	smov.u32 s19;
	p1 =	slt.s32 s18, s19;
	_ =	swait.ge [sflag:s13], $0x3800  }
0x8f: {  	s21 =	smov.u32 @p1 s18;
	[sflag:s13] =	ssyncset.done $0x0  }
0x90: {  	s18 =	sadd.s32 s5, s21;
	[sflag:s13] =	ssyncadd.s32 $0xFFFFC800  }
0x91: {  	[spmem:s2] =	stream.indirect.scatter.add.f32 [tilespmem:s9], [sflag:$0x5], $0x80, s0, s30, $0xb8;
	[tilespmem:$0x1AE00] =	vst v63  }
.Ltmp2:
0x92: {  	_ = 	snop;
	(pc) =	sbr.rel @p0 .LBB2_4-.Ltmp2, $4  }
0x93: {  	s18 =	smul.u32 $0x70, s18;
	_ =	swait.ge [sflag:s11], $0x3800  }
0x94: {  	[sflag:s11] =	ssyncset.done $0x0  }
0x95: {  	s18 =	sshrl.u32 s18, $0x3;
	[sflag:s11] =	ssyncadd.s32 $0xFFFFC800  }
0x96: {  	s15 =	sadd.s32 $0x2, s15;
	s21 =	sadd.s32 s6, s18;
	s18 =	sadd.s32 s7, s18  }
.LBB2_5:
0x97: {  	[tilespmem:s31], [sflag:$0x4] =	stream.linear.gather [hbm4b:s21+s3], $0x70, $0x38;
	[tilespmem:$0x1AE00] =	vst v63  }
0x98: {  	_ = 	snop  }
0x99: {  	[tilespmem:s0], [sflag:$0x4] =	stream.linear.gather [hbm4b:s18+s3], $0x70, $0x38;
	[tilespmem:$0x1AE00] =	vst v63  }
0x9a: {  	_ =	swait.ge [sflag:s1], $0x70  }
0x9b: {  	[sflag:s1] =	ssyncset.done $0x0  }
0x9c: {  	[sflag:s1] =	ssyncadd.s32 $0xFFFFFF90  }
0x9d: {  	_ =	swait.ge [sflag:s1], $0x70  }
0x9e: {  	s17 =	sadd.s32 $0xFFFFFFFD, s15;
	[sflag:s1] =	ssyncset.done $0x0  }
0x9f: {  	p0 =	slt.s32 s17, s19;
	s18 =	smov.u32 s19;
	[sflag:s1] =	ssyncadd.s32 $0xFFFFFF90  }
0xa0: {  	[tilespmem:s9], [sflag:$0x2] =	stream.indirect.gather [hbm4b:s4+s30], $0x80, s31, s30, $0xb8;
	[tilespmem:$0x1AE00] =	vst v63  }
0xa1: {  	s18 =	smov.u32 @p0 s17;
	_ =	swait.ge [sflag:s10], $0x3800  }
0xa2: {  	s17 =	sadd.s32 s5, s18;
	[sflag:s10] =	ssyncset.done $0x0  }
0xa3: {  	s17 =	smul.u32 $0x70, s17;
	[sflag:s10] =	ssyncadd.s32 $0xFFFFC800  }
0xa4: {  	[spmem:s2] =	stream.indirect.scatter.add.f32 [tilespmem:s28], [sflag:$0x5], $0x80, s29, s30, $0xb8;
	[tilespmem:$0x1AE00] =	vst v63  }
0xa5: {  	_ =	swait.ge [sflag:s11], $0x3800  }
0xa6: {  	s17 =	sshrl.u32 s17, $0x3;
	[sflag:s11] =	ssyncset.done $0x0  }
0xa7: {  	s21 =	sadd.s32 s6, s17;
	[sflag:s11] =	ssyncadd.s32 $0xFFFFC800  }
0xa8: {  	[tilespmem:s3], [sflag:$0x3] =	stream.linear.gather [hbm4b:s21+s3], $0x70, $0x38;
	[tilespmem:$0x1AE00] =	vst v63  }
0xa9: {  	s17 =	sadd.s32 s7, s17  }
0xaa: {  	[tilespmem:s29], [sflag:$0x3] =	stream.linear.gather [hbm4b:s17+s3], $0x70, $0x38;
	[tilespmem:$0x1AE00] =	vst v63  }
0xab: {  	_ =	swait.ge [sflag:s12], $0x70  }
0xac: {  	[sflag:s12] =	ssyncset.done $0x0  }
0xad: {  	[sflag:s12] =	ssyncadd.s32 $0xFFFFFF90  }
0xae: {  	_ =	swait.ge [sflag:s12], $0x70  }
0xaf: {  	[sflag:s12] =	ssyncset.done $0x0  }
0xb0: {  	p0 =	slt.s32 s16, s19;
	s17 =	smov.u32 s19;
	[sflag:s12] =	ssyncadd.s32 $0xFFFFFF90  }
0xb1: {  	[tilespmem:s28], [sflag:$0x1] =	stream.indirect.gather [hbm4b:s4+s30], $0x80, s3, s30, $0xb8;
	[tilespmem:$0x1AE00] =	vst v63  }
0xb2: {  	s17 =	smov.u32 @p0 s16;
	_ =	swait.ge [sflag:s13], $0x3800  }
0xb3: {  	s16 =	sadd.s32 s5, s17;
	[sflag:s13] =	ssyncset.done $0x0  }
0xb4: {  	s16 =	smul.u32 $0x70, s16;
	[sflag:s13] =	ssyncadd.s32 $0xFFFFC800  }
0xb5: {  	[spmem:s2] =	stream.indirect.scatter.add.f32 [tilespmem:s9], [sflag:$0x5], $0x80, s0, s30, $0xb8;
	[tilespmem:$0x1AE00] =	vst v63  }
0xb6: {  	_ =	swait.ge [sflag:s11], $0x3800  }
0xb7: {  	s16 =	sshrl.u32 s16, $0x3;
	[sflag:s11] =	ssyncset.done $0x0  }
0xb8: {  	s21 =	sadd.s32 s6, s16;
	[sflag:s11] =	ssyncadd.s32 $0xFFFFC800  }
0xb9: {  	[tilespmem:s31], [sflag:$0x4] =	stream.linear.gather [hbm4b:s21+s3], $0x70, $0x38;
	[tilespmem:$0x1AE00] =	vst v63  }
0xba: {  	s16 =	sadd.s32 s7, s16  }
0xbb: {  	[tilespmem:s0], [sflag:$0x4] =	stream.linear.gather [hbm4b:s16+s3], $0x70, $0x38;
	[tilespmem:$0x1AE00] =	vst v63  }
0xbc: {  	_ =	swait.ge [sflag:s1], $0x70  }
0xbd: {  	[sflag:s1] =	ssyncset.done $0x0  }
0xbe: {  	[sflag:s1] =	ssyncadd.s32 $0xFFFFFF90  }
0xbf: {  	_ =	swait.ge [sflag:s1], $0x70  }
0xc0: {  	[sflag:s1] =	ssyncset.done $0x0  }
0xc1: {  	s16 =	sadd.s32 $0xFFFFFFFF, s15;
	[sflag:s1] =	ssyncadd.s32 $0xFFFFFF90  }
0xc2: {  	[tilespmem:s9], [sflag:$0x2] =	stream.indirect.gather [hbm4b:s4+s30], $0x80, s31, s30, $0xb8;
	[tilespmem:$0x1AE00] =	vst v63  }
0xc3: {  	s17 =	smov.u32 s19;
	p0 =	slt.s32 s16, s19;
	_ =	swait.ge [sflag:s10], $0x3800  }
0xc4: {  	s17 =	smov.u32 @p0 s16;
	[sflag:s10] =	ssyncset.done $0x0  }
0xc5: {  	s16 =	sadd.s32 s5, s17;
	[sflag:s10] =	ssyncadd.s32 $0xFFFFC800  }
0xc6: {  	[spmem:s2] =	stream.indirect.scatter.add.f32 [tilespmem:s28], [sflag:$0x5], $0x80, s29, s30, $0xb8;
	[tilespmem:$0x1AE00] =	vst v63  }
0xc7: {  	s16 =	smul.u32 $0xE, s16;
	_ =	swait.ge [sflag:s11], $0x3800  }
0xc8: {  	[sflag:s11] =	ssyncset.done $0x0  }
0xc9: {  	s18 =	sadd.s32 s6, s16;
	[sflag:s11] =	ssyncadd.s32 $0xFFFFC800  }
0xca: {  	[tilespmem:s3], [sflag:$0x3] =	stream.linear.gather [hbm4b:s18+s3], $0x70, $0x38;
	[tilespmem:$0x1AE00] =	vst v63  }
0xcb: {  	s16 =	sadd.s32 s7, s16  }
0xcc: {  	[tilespmem:s29], [sflag:$0x3] =	stream.linear.gather [hbm4b:s16+s3], $0x70, $0x38;
	[tilespmem:$0x1AE00] =	vst v63  }
0xcd: {  	_ =	swait.ge [sflag:s12], $0x70  }
0xce: {  	[sflag:s12] =	ssyncset.done $0x0  }
0xcf: {  	[sflag:s12] =	ssyncadd.s32 $0xFFFFFF90  }
0xd0: {  	_ =	swait.ge [sflag:s12], $0x70  }
0xd1: {  	[sflag:s12] =	ssyncset.done $0x0  }
0xd2: {  	[sflag:s12] =	ssyncadd.s32 $0xFFFFFF90  }
0xd3: {  	[tilespmem:s28], [sflag:$0x1] =	stream.indirect.gather [hbm4b:s4+s30], $0x80, s3, s30, $0xb8;
	[tilespmem:$0x1AE00] =	vst v63  }
0xd4: {  	p0 =	slt.s32 s15, s19;
	s16 =	smov.u32 s19;
	_ =	swait.ge [sflag:s13], $0x3800  }
0xd5: {  	s16 =	smov.u32 @p0 s15;
	[sflag:s13] =	ssyncset.done $0x0  }
0xd6: {  	s15 =	sadd.s32 s5, s16;
	[sflag:s13] =	ssyncadd.s32 $0xFFFFC800  }
0xd7: {  	[spmem:s2] =	stream.indirect.scatter.add.f32 [tilespmem:s9], [sflag:$0x5], $0x80, s0, s30, $0xb8;
	[tilespmem:$0x1AE00] =	vst v63  }
0xd8: {  	s15 =	smul.u32 $0xE, s15;
	_ =	swait.ge [sflag:s11], $0x3800  }
0xd9: {  	[sflag:s11] =	ssyncset.done $0x0  }
0xda: {  	s21 =	sadd.s32 s6, s15;
	[sflag:s11] =	ssyncadd.s32 $0xFFFFC800  }
0xdb: {  	[tilespmem:s31], [sflag:$0x4] =	stream.linear.gather [hbm4b:s21+s3], $0x70, $0x38;
	[tilespmem:$0x1AE00] =	vst v63  }
0xdc: {  	s15 =	sadd.s32 s7, s15  }
0xdd: {  	[tilespmem:s0], [sflag:$0x4] =	stream.linear.gather [hbm4b:s15+s3], $0x70, $0x38;
	[tilespmem:$0x1AE00] =	vst v63  }
0xde: {  	_ =	swait.ge [sflag:s10], $0x3800  }
0xdf: {  	[sflag:s10] =	ssyncset.done $0x0  }
0xe0: {  	[sflag:s10] =	ssyncadd.s32 $0xFFFFC800  }
0xe1: {  	_ =	swait.ge [sflag:s1], $0x70  }
0xe2: {  	[sflag:s1] =	ssyncset.done $0x0  }
0xe3: {  	[sflag:s1] =	ssyncadd.s32 $0xFFFFFF90  }
0xe4: {  	_ =	swait.ge [sflag:s1], $0x70  }
0xe5: {  	[sflag:s1] =	ssyncset.done $0x0  }
0xe6: {  	[sflag:s1] =	ssyncadd.s32 $0xFFFFFF90  }
0xe7: {  	[bflag:$0x0] =	sbarrier.arrive $0xFFFF  }
0xe8: {  	[tilespmem:s28], [sflag:$0x5] =	stream.linear.gather [spmem:s20], $0x3800, $0x38;
	[tilespmem:$0x1AE00] =	vst v63  }
0xe9: {  	_ =	swait.ge [sflag:s11], $0x3800  }
0xea: {  	[sflag:s11] =	ssyncset.done $0x0  }
0xeb: {  	s17 =	rddreg [dreg:$0x6];
	[sflag:s11] =	ssyncadd.s32 $0xFFFFC800  }
0xec: {  	[hbm4b:s17+s3] =	stream.linear.scatter [tilespmem:s28], [sflag:$0x5], $0x3800, $0x38;
	[tilespmem:$0x1AE00] =	vst v63  }
0xed: {  	_ =	swait.ge [sflag:s11], $0x3800  }
0xee: {  	[sflag:s11] =	ssyncset.done $0x0  }
0xef: {  	[sflag:s11] =	ssyncadd.s32 $0xFFFFC800  }
0xf0: {  	[tilespmem:s28], [sflag:$0x5] =	stream.linear.gather [spmem:s22], $0x3800, $0x38;
	[tilespmem:$0x1AE00] =	vst v63  }
0xf1: {  	_ =	swait.ge [sflag:s11], $0x3800  }
0xf2: {  	[sflag:s11] =	ssyncset.done $0x0  }
0xf3: {  	s18 =	rddreg [dreg:$0x7];
	[sflag:s11] =	ssyncadd.s32 $0xFFFFC800  }
0xf4: {  	[hbm4b:s18+s3] =	stream.linear.scatter [tilespmem:s28], [sflag:$0x5], $0x3800, $0x38;
	[tilespmem:$0x1AE00] =	vst v63  }
0xf5: {  	_ =	swait.ge [sflag:s11], $0x3800  }
0xf6: {  	[sflag:s11] =	ssyncset.done $0x0  }
0xf7: {  	[sflag:s11] =	ssyncadd.s32 $0xFFFFC800  }
0xf8: {  	[tilespmem:s28], [sflag:$0x5] =	stream.linear.gather [spmem:s23], $0x3800, $0x38;
	[tilespmem:$0x1AE00] =	vst v63  }
0xf9: {  	_ =	swait.ge [sflag:s11], $0x3800  }
0xfa: {  	[sflag:s11] =	ssyncset.done $0x0  }
0xfb: {  	s21 =	rddreg [dreg:$0x8];
	[sflag:s11] =	ssyncadd.s32 $0xFFFFC800  }
0xfc: {  	[hbm4b:s21+s3] =	stream.linear.scatter [tilespmem:s28], [sflag:$0x5], $0x3800, $0x38;
	[tilespmem:$0x1AE00] =	vst v63  }
0xfd: {  	_ =	swait.ge [sflag:s11], $0x3800  }
0xfe: {  	[sflag:s11] =	ssyncset.done $0x0  }
0xff: {  	[sflag:s11] =	ssyncadd.s32 $0xFFFFC800  }
0x100: {  	[tilespmem:s28], [sflag:$0x5] =	stream.linear.gather [spmem:s24], $0x3800, $0x38;
	[tilespmem:$0x1AE00] =	vst v63  }
0x101: {  	_ =	swait.ge [sflag:s11], $0x3800  }
0x102: {  	[sflag:s11] =	ssyncset.done $0x0  }
0x103: {  	s16 =	rddreg [dreg:$0x9];
	[sflag:s11] =	ssyncadd.s32 $0xFFFFC800  }
0x104: {  	[hbm4b:s16+s3] =	stream.linear.scatter [tilespmem:s28], [sflag:$0x5], $0x3800, $0x38;
	[tilespmem:$0x1AE00] =	vst v63  }
0x105: {  	_ =	swait.ge [sflag:s11], $0x3800  }
0x106: {  	[sflag:s11] =	ssyncset.done $0x0  }
0x107: {  	[sflag:s11] =	ssyncadd.s32 $0xFFFFC800  }
0x108: {  	[tilespmem:s28], [sflag:$0x5] =	stream.linear.gather [spmem:s25], $0x3800, $0x38;
	[tilespmem:$0x1AE00] =	vst v63  }
0x109: {  	_ =	swait.ge [sflag:s11], $0x3800  }
0x10a: {  	[sflag:s11] =	ssyncset.done $0x0  }
0x10b: {  	s17 =	rddreg [dreg:$0xa];
	[sflag:s11] =	ssyncadd.s32 $0xFFFFC800  }
0x10c: {  	[hbm4b:s17+s3] =	stream.linear.scatter [tilespmem:s28], [sflag:$0x5], $0x3800, $0x38;
	[tilespmem:$0x1AE00] =	vst v63  }
0x10d: {  	_ =	swait.ge [sflag:s11], $0x3800  }
0x10e: {  	[sflag:s11] =	ssyncset.done $0x0  }
0x10f: {  	[sflag:s11] =	ssyncadd.s32 $0xFFFFC800  }
0x110: {  	[tilespmem:s28], [sflag:$0x5] =	stream.linear.gather [spmem:s8], $0x2400, $0x38;
	[tilespmem:$0x1AE00] =	vst v63  }
0x111: {  	_ =	swait.ge [sflag:s11], $0x2400  }
0x112: {  	[sflag:s11] =	ssyncset.done $0x0  }
0x113: {  	s18 =	rddreg [dreg:$0x5];
	[sflag:s11] =	ssyncadd.s32 $0xFFFFDC00  }
0x114: {  	[hbm4b:s18+s3] =	stream.linear.scatter [tilespmem:s28], [sflag:$0x5], $0x2400, $0x38;
	[tilespmem:$0x1AE00] =	vst v63  }
0x115: {  	_ =	swait.ge [sflag:s11], $0x2400  }
0x116: {  	s14 =	sadd.s32 $0x1, s14;
	s21 =	rddreg [dreg:$0xd]  }
0x117: {  	p0 =	sne.s32 s14, s21  }
.Ltmp3:
0x118: {  	_ = 	snop;
	(pc) =	sbr.rel @p0 .LBB2_1-.Ltmp3, $3  }
0x119: {  	_ =	sdelay $0x1  }
0x11a: {  	[sflag:s11] =	ssyncset.done $0x0  }
0x11b: {  	[sflag:s11] =	ssyncadd.s32 $0xFFFFDC00  }
0x11c: {  	_ =	sfence.sel $0x180000  }
0x11d: {  	[bflag:$0x0] =	sbarrier.arrive $0xFFFF  }
0x11e: {  	_ =	strace $0x9000004D  }
0x11f: {  	s0 =	stileid.u32;
	[bflag:$0x2] =	sbarrier.arrive $0xFFFF  }
0x120: {  	p0 =	sne.s32 s0, $0x0;
	s0 =	rddreg [dreg:$0x2]  }
0x121: {  	s0 =	sadd.s32 @!p0 $0x100000, s0  }
0x122: {  	[sflag:s0] =	ssyncadd.tile.s32 @!p0 $0x1;
	_ =	shalt  }
.Lfunc_end2:
_tile_overlayer_lowered:
.L_overlay_start_2:
0x123: {  	(tag) =	ssettag $0x2  }
0x124: {  	s0 =	rddreg [dreg:$0x0];
	s2 =	stileid.u32  }
0x125: {  	s1 =	rddreg [dreg:$0x1];
	p0 =	sne.s32 s2, $0x0  }
0x126: {  	s3 =	rddreg [dreg:$0x2];
	[bflag:$0x3] =	sbarrier.arrive $0xFFFF;
	s2 =	simm.s32 @!p0 $0x1C05  }
0x127: {  	[timem:s3], [sflag:s2] =	dma.local @!p0 [hbm:s0], s1  }
0x128: {  	s0 =	simm.s32 @!p0 $0x5  }
0x129: {  	_ =	swait.ge @!p0 [sflag:s0], s1  }
0x12a: {  	s1 =	ssub.s32 @!p0 $0x0, s1;
	[sflag:s0] =	ssyncset.done @!p0 $0x0  }
0x12b: {  	[sflag:s0] =	ssyncadd.s32 @!p0 s1  }
0x12c: {  	[bflag:$0x3] =	sbarrier.arrive $0xFFFF  }
0x12d: {  	_ =	shalt  }

// kernel: kernel.20.cloned.1.call-start
scs
__scs_entry_jumppad:
0x0: {  	(pc) =	sbr.rel $0x88, $3  }
0x1: {  	(tag) =	ssettag $0x0;
	lr =	simm.s32 $0x1  }
0x2: {  	[smem:$0x3F90] =	sst lr;
	_ =	strace $0xD0000000  }
0x3: {  	_ = 	snop  }
0x4: {  	_ = 	snop  }
0x5: {  	_ = 	snop  }
0x6: {  	_ = 	snop  }
0x7: {  	_ = 	snop  }
__scs_overlays_trampoline_lowered:
0x8: {  	[smem:$0x3F9F] =	sst s0  }
0x9: {  	[smem:$0x3FA0] =	sst s1  }
0xa: {  	[smem:$0x3FA1] =	sst s2  }
0xb: {  	[smem:$0x3FA2] =	sst s3  }
0xc: {  	[smem:$0x3FA3] =	sst s4  }
0xd: {  	[smem:$0x3FA4] =	sst s5  }
0xe: {  	[smem:$0x3FA5] =	sst s6  }
0xf: {  	[smem:$0x3FA6] =	sst s7  }
0x10: {  	[smem:$0x3FA7] =	sst s8  }
0x11: {  	[smem:$0x3FA8] =	sst s9;
	s0 =	simm.s32 @!p0 $0x0  }
0x12: {  	s1 =	sld [smem:$0x3F8E];
	s0 =	simm.s32 @p0 $0x1  }
0x13: {  	[smem:$0x3FA9] =	sst s0;
	s0 =	simm.s32 @!p1 $0x0  }
0x14: {  	s2 =	sld [smem:$0x3F8D];
	s0 =	simm.s32 @p1 $0x1  }
0x15: {  	[smem:$0x3FAA] =	sst s0;
	s0 =	simm.s32 @!p2 $0x0  }
0x16: {  	s3 =	sld [smem:$0x3FDB];
	s0 =	simm.s32 @p2 $0x1  }
0x17: {  	s4 =	simm.s32 $0x1BF5;
	[smem:$0x3FAC] =	sst s0  }
0x18: {  	s0 =	sld [smem:$0x3F8F];
	_ =	swait.ge [sflag:s4], $0x0  }
0x19: {  	s7 =	sld [smem:$0x3F90]  }
0x1a: {  	s8 =	sadd.s32 $0xFFFFE003, lr  }
0x1b: {  	s9 =	sadd.s32 $0xFFFFFEF7, lr;
	s5 =	simm.s32 $0xFFFFFFFF;
	p2 =	slt.u32 s8, $0xFFFFF086  }
0x1c: {  	p1 =	slt.u32 s9, $0xF7A;
	s5 =	simm.s32 @!p2 $0x0  }
0x1d: {  	s5 =	simm.s32 @p1 $0x1;
	p0 =	seq.s32 s7, s2  }
0x1e: {  	s7 =	smul.u32 @!p0 $0xF7A, s2;
	p2 =	seq.s32 @!p0 s5, $0x0  }
0x1f: {  	s9 =	smul.u32 $0xF7A, s1;
	s8 =	simm.s32 @!p0 $0x1BF5;
	p2 =	por !p2, p0  }
0x20: {  	[sflag:s8] =	ssyncset.s32 @!p0 $0xFFFFF086;
	s6 =	sadd.s32 @!p0 s3, s7;
	s7 =	simm.s32 @!p0 $0x108  }
0x21: {  	s3 =	sadd.s32 s3, s9;
	s6 =	sadd.s32 @!p0 $0x88, s6;
	s7 =	simm.s32 @p2 $0x1082  }
0x22: {  	[simem:s7], [sflag:s8] =	dma.local @!p0 [hbm:s6], $0xF7A  }
0x23: {  	s9 =	sor.u32 $0xD0000000, s2;
	s6 =	simm.s32 $0x108;
	_ =	swait.ge @!p0 [sflag:s8], $0x0  }
0x24: {  	s3 =	sadd.s32 $0x88, s3;
	s6 =	simm.s32 @!p1 $0x1082;
	[sflag:s4] =	ssyncset.s32 $0xFFFFF086  }
0x25: {  	[simem:s6], [sflag:s4] =	dma.local [hbm:s3], $0xF7A  }
0x26: {  	[smem:$0x3F90] =	sst s1;
	(tag) =	ssettag s2;
	_ =	strace s9  }
0x27: {  	s1 =	sld [smem:$0x3FA0]  }
0x28: {  	s2 =	sld [smem:$0x3FA1]  }
0x29: {  	s4 =	sld [smem:$0x3FA3]  }
0x2a: {  	p0 =	seq.s32 s5, $0x0;
	s5 =	sld [smem:$0x3FA4]  }
0x2b: {  	s6 =	sld [smem:$0x3FA5]  }
0x2c: {  	s7 =	sld [smem:$0x3FA6]  }
0x2d: {  	s3 =	simm.s32 $0x108;
	s8 =	sld [smem:$0x3FA7]  }
0x2e: {  	s3 =	simm.s32 @!p0 $0x1082;
	s9 =	sld [smem:$0x3FA8]  }
0x2f: {  	lr =	sadd.s32 s0, s3;
	s0 =	sld [smem:$0x3F9F]  }
0x30: {  	s3 =	sld [smem:$0x3FA2]  }
0x31: {  	[smem:$0x3FAB] =	sst s10  }
0x32: {  	s10 =	sld [smem:$0x3FA9];
	_ =	sdelay $0x3  }
0x33: {  	p0 =	seq.s32 s10, $0x1;
	s10 =	sld [smem:$0x3FAB];
	_ =	sdelay $0x3  }
0x34: {  	[smem:$0x3FAB] =	sst s10  }
0x35: {  	s10 =	sld [smem:$0x3FAA];
	_ =	sdelay $0x3  }
0x36: {  	p1 =	seq.s32 s10, $0x1;
	s10 =	sld [smem:$0x3FAB];
	_ =	sdelay $0x3  }
0x37: {  	[smem:$0x3FAB] =	sst s10  }
0x38: {  	s10 =	sld [smem:$0x3FAC]  }
0x39: {  	_ = 	snop;
	(pc) =	sbr.ind lr, $3  }
0x3a: {  	_ = 	snop  }
0x3b: {  	_ = 	snop  }
0x3c: {  	p2 =	seq.s32 s10, $0x1;
	s10 =	sld [smem:$0x3FAB]  }
0x3d: {  	_ =	shalt  }
0x3e: {  	_ =	shalt  }
0x3f: {  	_ =	shalt  }
0x40: {  	_ =	shalt  }
0x41: {  	_ =	shalt  }
0x42: {  	_ =	shalt  }
0x43: {  	_ =	shalt  }
0x44: {  	_ =	shalt  }
0x45: {  	_ =	shalt  }
0x46: {  	_ =	shalt  }
0x47: {  	_ =	shalt  }
0x48: {  	_ =	shalt  }
0x49: {  	_ =	shalt  }
0x4a: {  	_ =	shalt  }
0x4b: {  	_ =	shalt  }
0x4c: {  	_ =	shalt  }
0x4d: {  	_ =	shalt  }
0x4e: {  	_ =	shalt  }
0x4f: {  	_ =	shalt  }
0x50: {  	_ =	shalt  }
0x51: {  	_ =	shalt  }
0x52: {  	_ =	shalt  }
0x53: {  	_ =	shalt  }
0x54: {  	_ =	shalt  }
0x55: {  	_ =	shalt  }
0x56: {  	_ =	shalt  }
0x57: {  	_ =	shalt  }
0x58: {  	_ =	shalt  }
0x59: {  	_ =	shalt  }
0x5a: {  	_ =	shalt  }
0x5b: {  	_ =	shalt  }
0x5c: {  	_ =	shalt  }
0x5d: {  	_ =	shalt  }
0x5e: {  	_ =	shalt  }
0x5f: {  	_ =	shalt  }
0x60: {  	_ =	shalt  }
0x61: {  	_ =	shalt  }
0x62: {  	_ =	shalt  }
0x63: {  	_ =	shalt  }
0x64: {  	_ =	shalt  }
0x65: {  	_ =	shalt  }
0x66: {  	_ =	shalt  }
0x67: {  	_ =	shalt  }
0x68: {  	_ =	shalt  }
0x69: {  	_ =	shalt  }
0x6a: {  	_ =	shalt  }
0x6b: {  	_ =	shalt  }
0x6c: {  	_ =	shalt  }
0x6d: {  	_ =	shalt  }
0x6e: {  	_ =	shalt  }
0x6f: {  	_ =	shalt  }
0x70: {  	_ =	shalt  }
0x71: {  	_ =	shalt  }
0x72: {  	_ =	shalt  }
0x73: {  	_ =	shalt  }
0x74: {  	_ =	shalt  }
0x75: {  	_ =	shalt  }
0x76: {  	_ =	shalt  }
0x77: {  	_ =	shalt  }
0x78: {  	_ =	shalt  }
0x79: {  	_ =	shalt  }
0x7a: {  	_ =	shalt  }
0x7b: {  	_ =	shalt  }
0x7c: {  	_ =	shalt  }
0x7d: {  	_ =	shalt  }
0x7e: {  	_ =	shalt  }
0x7f: {  	_ =	shalt  }
0x80: {  	_ =	shalt  }
0x81: {  	_ =	shalt  }
0x82: {  	_ =	shalt  }
0x83: {  	_ =	shalt  }
0x84: {  	_ =	shalt  }
0x85: {  	_ =	shalt  }
0x86: {  	_ =	shalt  }
0x87: {  	_ =	shalt  }
.Lfunc_end0:
.L_simem_size_0:
called_computation.3_lowered:
.L_overlay_start_0:
0x88: {  	s2 =	sld [smem:$0x3FD9]  }
0x89: {  	s3 =	sld [smem:$0x3FFE];
	_ =	sdelay $0x1  }
0x8a: {  	s1 =	srdreg.scid  }
0x8b: {  	s0 =	sand.u32 $0x1, s1  }
0x8c: {  	s17 =	sshll.u32 s0, $0xA;
	s2 =	sadd.s32 s3, s2  }
0x8d: {  	s2 =	sadd.s32 s2, s17  }
0x8e: {  	[smem:$0x3FB7] =	sst s2  }
0x8f: {  	_ = 	snop  }
0x90: {  	s2 =	sld [smem:$0x3FC5]  }
0x91: {  	s18 =	sld [smem:$0x3FC4]  }
0x92: {  	s4 =	sld [smem:$0x3FC3]  }
0x93: {  	s5 =	sld [smem:$0x3FC2];
	(tm) =	ssettm $0x1  }
0x94: {  	s6 =	sld [smem:$0x3FFB];
	_ =	sdelay $0x3  }
0x95: {  	_ =	strace s6  }
0x96: {  	s6 =	sld [smem:$0x3FFC];
	_ =	sdelay $0x3  }
0x97: {  	_ =	strace s6  }
0x98: {  	s6 =	sld [smem:$0x3FFD];
	_ =	sdelay $0x3  }
0x99: {  	_ =	strace s6  }
0x9a: {  	_ =	strace $0x8FFFFFFF  }
0x9b: {  	s19 =	sld [smem:$0x3FDB];
	_ =	sdelay $0x1  }
0x9c: {  	s7 =	simm.s32 $_scs_section_size  }
0x9d: {  	s8 =	simm.s32 $_size__tile_overlayer_lowered;
	s9 =	simm.s32 $_tile_overlayer_lowered  }
0x9e: {  	s22 =	simm.s32 $0x1BFF;
	s21 =	sshll.u32 s9, $0x1;
	s6 =	sadd.s32 s7, s19  }
0x9f: {  	s10 =	simm.s32 $0x0;
	s20 =	sshll.u32 s8, $0x1;
	s8 =	sadd.s32 s21, s6  }
0xa0: {  	[timem:s10], [sflag:s22] =	dma.local [hbm:s8], s20  }
0xa1: {  	_ =	swait.ge [sflag:s22], s20  }
0xa2: {  	s7 =	ssub.s32 $0x0, s20;
	[sflag:s22] =	ssyncset.done $0x0  }
0xa3: {  	[sflag:s22] =	ssyncadd.s32 s7;
	_ =	sdelay $0x1  }
0xa4: {  	s23 =	simm.s32 $0x1B8B  }
0xa5: {  	_ =	swait.ge [sflag:s23], $0x1  }
0xa6: {  	[sflag:s23] =	ssyncset.done $0x0  }
0xa7: {  	s25 =	simm.s32 $0x1B8E;
	s24 =	sld [smem:$0x3FFE];
	[sflag:s23] =	ssyncadd.s32 $0xFFFFFFFF  }
0xa8: {  	s26 =	simm.s32 $execute0_lowered;
	[smem:$0x3FD2] =	sst s25  }
0xa9: {  	s8 =	sshll.u32 s26, $0x1;
	_ =	strace $0x8000004F;
	[dreg:$0x1] =	wrdreg $0xFFFFFFFF  }
0xaa: {  	s28 =	simm.s32 $_size_execute0_lowered;
	s6 =	sadd.s32 s6, s8;
	[dreg:$0x0] =	wrdreg $0x0  }
0xab: {  	s8 =	sshll.u32 s28, $0x1;
	[dreg:$0x2] =	wrdreg s6  }
0xac: {  	[dreg:$0x3] =	wrdreg s8  }
0xad: {  	[dreg:$0x4] =	wrdreg $0xC0  }
0xae: {  	_ =	task [dreg:s10], $0x5FFFF  }
0xaf: {  	[dreg:$0x1] =	wrdreg $0xFFFFFFFF  }
0xb0: {  	[dreg:$0x0] =	wrdreg $0x60  }
0xb1: {  	[dreg:$0x2] =	wrdreg s24  }
0xb2: {  	[dreg:$0x3] =	wrdreg s5  }
0xb3: {  	[dreg:$0x4] =	wrdreg s2  }
0xb4: {  	[dreg:$0x5] =	wrdreg s18  }
0xb5: {  	[dreg:$0x6] =	wrdreg s4  }
0xb6: {  	[dreg:$0x7] =	wrdreg $0x9  }
0xb7: {  	_ =	task.clear_ibuf [dreg:s10], $0x8FFFF;
	_ =	strace $0x9000004F  }
0xb8: {  	s29 =	simm.s32 $0x9;
	_ =	strace $0x80000051  }
0xb9: {  	_ =	swait.ge [sflag:s29], $0x1  }
0xba: {  	[sflag:s29] =	ssyncadd.s32 $0xFFFFFFFF  }
0xbb: {  	_ =	strace $0x90000051  }
0xbc: {  	_ =	sfence  }
0xbd: {  	s30 =	sld [smem:$0x0];
	_ =	sdelay $0x2  }
0xbe: {  	s31 =	sshll.u32 s1, $0xD;
	s1 =	sshrl.u32 s1, $0x2  }
0xbf: {  	s3 =	sand.u32 $0x4000, s31;
	s1 =	sadd.s32 s1, s30  }
0xc0: {  	s0 =	sor.u32 s3, s0;
	s1 =	sshll.u32 s1, $0x11  }
0xc1: {  	s0 =	sor.u32 s1, s0  }
0xc2: {  	s0 =	sadd.s32 $0x8F2B, s0  }
0xc3: {  	[sflag:s0] =	ssyncadd.remote.s32 $0x1  }
0xc4: {  	_ =	sfence.sel $0xFFFF  }
0xc5: {  	[dreg:$0x0] =	wrdreg $0xFFFFFFFF;
	(pc) =	sbr.abs _section_cstart, $3  }
0xc6: {  	[dreg:$0x1] =	wrdreg $0xFFFFFFFF  }
0xc7: {  	_ =	task.clear_ibuf [dreg:s10], $0x2FFFF;
	_ =	strace $0x9FFFFFFF  }
0xc8: {  	(tm) =	ssettm $0x7FFFFFFF  }
0xc9: {  	_ =	shalt  }
tec
execute0_lowered:
.L_overlay_start_1:
0x0: {  	(tag) =	ssettag $0x1  }
0x1: {  	s10 =	rddreg [dreg:$0x0]  }
0x2: {  	s1 =	rddreg [dreg:$0x1]  }
0x3: {  	s4 =	rddreg [dreg:$0x2];
	s2 =	srdreg.scid  }
0x4: {  	s13 =	rddreg [dreg:$0x3];
	s0 =	stileid.u32;
	s14 =	sand.u32 $0x1, s2  }
0x5: {  	s11 =	rddreg [dreg:$0x4];
	s5 =	sshll.u32 s0, $0x6;
	s6 =	sshll.u32 s14, $0x5  }
0x6: {  	s3 =	simm.s32 $0x0;
	s2 =	rddreg [dreg:$0x5];
	s12 =	sor.u32 s6, s5  }
0x7: {  	[smem:$0x7FF] =	sst s3;
	s15 =	sshrl.u32 s12, $0x3  }
0x8: {  	_ =	strace $0x80000050;
	s5 =	sadd.s32 s4, s15;
	s4 =	simm.s32 $0x2  }
0x9: {  	[tilespmem:s3], [sflag:$0x2] =	stream.linear.gather [hbm4b:s5+s3], $0x20, $0x38;
	[tilespmem:$0x1080] =	vst v63  }
0xa: {  	_ =	swait.ge [sflag:s4], $0x20  }
0xb: {  	s7 =	simm.s32 $0x20;
	s8 =	simm.s32 $0x80;
	[sflag:s4] =	ssyncset.done $0x0  }
0xc: {  	s9 =	simm.s32 $0x1;
	s6 =	sadd.s32 $0x3800, s10;
	[sflag:s4] =	ssyncadd.s32 $0xFFFFFFE0  }
0xd: {  	[tilespmem:s8], [sflag:$0x1] =	stream.indirect.gather [hbm4b:s6+s7], $0x80, s3, s7, $0xb8;
	[tilespmem:$0x1080] =	vst v63  }
0xe: {  	s12 =	sshll.u32 s12, $0x4;
	_ =	swait.ge [sflag:s9], $0x1000  }
0xf: {  	s16 =	sadd.s32 s12, s10;
	[sflag:s9] =	ssyncset.done $0x0  }
0x10: {  	s10 =	sadd.s32 $0x2AA00, s16;
	[sflag:s9] =	ssyncadd.s32 $0xFFFFF000  }
0x11: {  	[hbm4b:s10+s3] =	stream.linear.scatter [tilespmem:s8], [sflag:$0x2], $0x1000, $0x38;
	[tilespmem:$0x1080] =	vst v63  }
0x12: {  	_ =	swait.ge [sflag:s4], $0x1000  }
0x13: {  	[sflag:s4] =	ssyncset.done $0x0  }
0x14: {  	s11 =	sadd.s32 s11, s15;
	[sflag:s4] =	ssyncadd.s32 $0xFFFFF000  }
0x15: {  	[tilespmem:s3], [sflag:$0x2] =	stream.linear.gather [hbm4b:s11+s3], $0x20, $0x38;
	[tilespmem:$0x1080] =	vst v63  }
0x16: {  	_ =	swait.ge [sflag:s4], $0x20  }
0x17: {  	[sflag:s4] =	ssyncset.done $0x0  }
0x18: {  	[sflag:s4] =	ssyncadd.s32 $0xFFFFFFE0  }
0x19: {  	[tilespmem:s8], [sflag:$0x1] =	stream.indirect.gather [hbm4b:s6+s7], $0x80, s3, s7, $0xb8;
	[tilespmem:$0x1080] =	vst v63  }
0x1a: {  	_ =	swait.ge [sflag:s9], $0x1000  }
0x1b: {  	[sflag:s9] =	ssyncset.done $0x0  }
0x1c: {  	s12 =	sadd.s32 $0x32A00, s16;
	[sflag:s9] =	ssyncadd.s32 $0xFFFFF000  }
0x1d: {  	[hbm4b:s12+s3] =	stream.linear.scatter [tilespmem:s8], [sflag:$0x2], $0x1000, $0x38;
	[tilespmem:$0x1080] =	vst v63  }
0x1e: {  	_ =	swait.ge [sflag:s4], $0x1000  }
0x1f: {  	[sflag:s4] =	ssyncset.done $0x0  }
0x20: {  	s14 =	ssub.s32 $0x2, s14;
	s13 =	sadd.s32 s13, s15;
	[sflag:s4] =	ssyncadd.s32 $0xFFFFF000  }
0x21: {  	[tilespmem:s3], [sflag:$0x2] =	stream.linear.gather [hbm4b:s13+s3], $0x20, $0x38;
	[tilespmem:$0x1080] =	vst v63  }
0x22: {  	s31 =	sshrl.u32 s14, $0x1;
	_ =	swait.ge [sflag:s4], $0x20  }
0x23: {  	s15 =	ssub.s32 s14, s31;
	[sflag:s4] =	ssyncset.done $0x0  }
0x24: {  	s15 =	smax.u32 s15, $0x1;
	[sflag:s4] =	ssyncadd.s32 $0xFFFFFFE0  }
0x25: {  	[tilespmem:s8], [sflag:$0x1] =	stream.indirect.gather [hbm4b:s1+s7], $0x80, s3, s7, $0xb8;
	[tilespmem:$0x1080] =	vst v63  }
0x26: {  	p0 =	sne.s32 s15, $0x1;
	_ =	swait.ge [sflag:s9], $0x1000  }
.Ltmp0:
0x27: {  	[sflag:s9] =	ssyncset.done $0x0;
	(pc) =	sbr.rel @!p0 .LBB2_2-.Ltmp0, $4  }
0x28: {  	s14 =	sadd.s32 $0x2EA00, s16;
	[sflag:s9] =	ssyncadd.s32 $0xFFFFF000  }
0x29: {  	[hbm4b:s14+s3] =	stream.linear.scatter [tilespmem:s8], [sflag:$0x2], $0x1000, $0x38;
	[tilespmem:$0x1080] =	vst v63  }
0x2a: {  	_ =	swait.ge [sflag:s4], $0x1000  }
0x2b: {  	s15 =	sadd.s32 $0xFFFFFFFF, s15;
	[sflag:s4] =	ssyncset.done $0x0  }
.LBB2_1:
0x2c: {  	p0 =	sne.s32 s15, $0x1;
	s15 =	sadd.s32 $0xFFFFFFFF, s15;
	[sflag:s4] =	ssyncadd.s32 $0xFFFFF000  }
0x2d: {  	[tilespmem:s3], [sflag:$0x2] =	stream.linear.gather [hbm4b:s5+s3], $0x20, $0x38;
	[tilespmem:$0x1080] =	vst v63  }
0x2e: {  	_ =	swait.ge [sflag:s4], $0x20  }
0x2f: {  	[sflag:s4] =	ssyncset.done $0x0  }
0x30: {  	[sflag:s4] =	ssyncadd.s32 $0xFFFFFFE0  }
0x31: {  	[tilespmem:s8], [sflag:$0x1] =	stream.indirect.gather [hbm4b:s6+s7], $0x80, s3, s7, $0xb8;
	[tilespmem:$0x1080] =	vst v63  }
0x32: {  	_ =	swait.ge [sflag:s9], $0x1000  }
0x33: {  	[sflag:s9] =	ssyncset.done $0x0  }
0x34: {  	[sflag:s9] =	ssyncadd.s32 $0xFFFFF000  }
0x35: {  	[hbm4b:s10+s3] =	stream.linear.scatter [tilespmem:s8], [sflag:$0x2], $0x1000, $0x38;
	[tilespmem:$0x1080] =	vst v63  }
0x36: {  	_ =	swait.ge [sflag:s4], $0x1000  }
0x37: {  	[sflag:s4] =	ssyncset.done $0x0  }
0x38: {  	[sflag:s4] =	ssyncadd.s32 $0xFFFFF000  }
0x39: {  	[tilespmem:s3], [sflag:$0x2] =	stream.linear.gather [hbm4b:s11+s3], $0x20, $0x38;
	[tilespmem:$0x1080] =	vst v63  }
0x3a: {  	_ =	swait.ge [sflag:s4], $0x20  }
0x3b: {  	[sflag:s4] =	ssyncset.done $0x0  }
0x3c: {  	[sflag:s4] =	ssyncadd.s32 $0xFFFFFFE0  }
0x3d: {  	[tilespmem:s8], [sflag:$0x1] =	stream.indirect.gather [hbm4b:s6+s7], $0x80, s3, s7, $0xb8;
	[tilespmem:$0x1080] =	vst v63  }
0x3e: {  	_ =	swait.ge [sflag:s9], $0x1000  }
0x3f: {  	[sflag:s9] =	ssyncset.done $0x0  }
0x40: {  	[sflag:s9] =	ssyncadd.s32 $0xFFFFF000  }
0x41: {  	[hbm4b:s12+s3] =	stream.linear.scatter [tilespmem:s8], [sflag:$0x2], $0x1000, $0x38;
	[tilespmem:$0x1080] =	vst v63  }
0x42: {  	_ =	swait.ge [sflag:s4], $0x1000  }
0x43: {  	[sflag:s4] =	ssyncset.done $0x0  }
0x44: {  	[sflag:s4] =	ssyncadd.s32 $0xFFFFF000  }
0x45: {  	[tilespmem:s3], [sflag:$0x2] =	stream.linear.gather [hbm4b:s13+s3], $0x20, $0x38;
	[tilespmem:$0x1080] =	vst v63  }
0x46: {  	_ =	swait.ge [sflag:s4], $0x20  }
0x47: {  	[sflag:s4] =	ssyncset.done $0x0  }
0x48: {  	[sflag:s4] =	ssyncadd.s32 $0xFFFFFFE0  }
0x49: {  	[tilespmem:s8], [sflag:$0x1] =	stream.indirect.gather [hbm4b:s1+s7], $0x80, s3, s7, $0xb8;
	[tilespmem:$0x1080] =	vst v63  }
0x4a: {  	_ =	swait.ge [sflag:s9], $0x1000  }
.Ltmp1:
0x4b: {  	[sflag:s9] =	ssyncset.done $0x0;
	(pc) =	sbr.rel @p0 .LBB2_1-.Ltmp1, $4  }
0x4c: {  	[sflag:s9] =	ssyncadd.s32 $0xFFFFF000  }
0x4d: {  	[hbm4b:s14+s3] =	stream.linear.scatter [tilespmem:s8], [sflag:$0x2], $0x1000, $0x38;
	[tilespmem:$0x1080] =	vst v63  }
0x4e: {  	_ =	swait.ge [sflag:s4], $0x1000  }
0x4f: {  	[sflag:s4] =	ssyncset.done $0x0  }
.LBB2_2:
0x50: {  	[sflag:s4] =	ssyncadd.s32 $0xFFFFF000  }
0x51: {  	_ =	sfence.sel $0x180000  }
0x52: {  	[bflag:$0x0] =	sbarrier.arrive $0xFFFF  }
0x53: {  	p0 =	sne.s32 s0, $0x0;
	_ =	strace $0x90000050  }
0x54: {  	s0 =	sadd.s32 @!p0 $0x100000, s2;
	[bflag:$0x2] =	sbarrier.arrive $0xFFFF  }
0x55: {  	[sflag:s0] =	ssyncadd.tile.s32 @!p0 $0x1;
	_ =	shalt  }
.Lfunc_end2:
_tile_overlayer_lowered:
.L_overlay_start_2:
0x56: {  	(tag) =	ssettag $0x2  }
0x57: {  	s0 =	rddreg [dreg:$0x0];
	s2 =	stileid.u32  }
0x58: {  	s1 =	rddreg [dreg:$0x1];
	p0 =	sne.s32 s2, $0x0  }
0x59: {  	s3 =	rddreg [dreg:$0x2];
	[bflag:$0x3] =	sbarrier.arrive $0xFFFF;
	s2 =	simm.s32 @!p0 $0x1C02  }
0x5a: {  	[timem:s3], [sflag:s2] =	dma.local @!p0 [hbm:s0], s1  }
0x5b: {  	s0 =	simm.s32 @!p0 $0x2  }
0x5c: {  	_ =	swait.ge @!p0 [sflag:s0], s1  }
0x5d: {  	s1 =	ssub.s32 @!p0 $0x0, s1;
	[sflag:s0] =	ssyncset.done @!p0 $0x0  }
0x5e: {  	[sflag:s0] =	ssyncadd.s32 @!p0 s1  }
0x5f: {  	[bflag:$0x3] =	sbarrier.arrive $0xFFFF  }
0x60: {  	_ =	shalt  }

</sc_bundles>
